<compile_context>
chip_gen: v7x
topology: tpu7x:2x2x1
jax: 0.10.2.dev20260603
libtpu: 0.0.44.dev20260713+nightly
codegen_flags: <defaults>
</compile_context>

<pallas_src>
import functools

import jax
import jax.numpy as jnp
from jax import lax
from jax.experimental import pallas as pl
from jax.experimental.pallas import tpu as pltpu
from jax.experimental.pallas import tpu_sc as plsc

VOCAB = 1000000
EMBED = 64
NUM_CLASSES = 128
B = 4096
T = 819200
AVG_DOC_LEN = 200.0
NUM_DOCS = 1000000
K1 = 1.2
BB = 0.75

NC = 2
NS = 16
NW = NC * NS
CHUNK = 128
BLK = 640
NCH = BLK // CHUNK
TOK_PER_W = T // NW
NBLK = TOK_PER_W // BLK
ROWS2D = T // CHUNK
ROWS_PER_W = ROWS2D // NW
DOCS_PER_S = B // NS

VPAD = 1048576


def _idf_body(df_ref, out_ref):
  x = df_ref[...]
  out_ref[...] = jnp.log((NUM_DOCS - x + 0.5) / (x + 0.5) + 1.0)


TCHUNK = 8192


def _tr_body(in_ref, out_ref):
  x = in_ref[...]
  out_ref[:, 0:EMBED] = x[:, 0:TCHUNK // 2].T
  out_ref[:, EMBED:2 * EMBED] = x[:, TCHUNK // 2:TCHUNK].T


_GATHER_DNUMS = lax.GatherDimensionNumbers(
    offset_dims=(), collapsed_slice_dims=(0,), start_index_map=(0,))


def _bcast_lane(v, j):
  idx = jnp.full((16, 1), j, dtype=jnp.int32)
  return lax.gather(v, idx, _GATHER_DNUMS, (1,),
                    mode=lax.GatherScatterMode.PROMISE_IN_BOUNDS)


def _sc_kernel_body(idx_hbm, bmap_hbm, tf_hbm, dl_hbm, df_hbm, emb_hbm,
                    out_hbm, idx_v, bmap_v, tf_v, dl_v, df_v, w_v, gidx_v,
                    rows_v, stage_v, acc_sh, sem_meta, sem_gather, sem_scat):
  c = lax.axis_index("c")
  s = lax.axis_index("s")
  wid = s * NC + c
  row_base = wid * ROWS_PER_W

  def meta_descs(g):
    m = g % 3
    row0 = row_base + g * NCH
    sl = pl.ds(row0, NCH)
    return [
        (idx_hbm.at[sl], idx_v.at[m]),
        (bmap_hbm.at[sl], bmap_v.at[m]),
        (tf_hbm.at[sl], tf_v.at[m]),
        (dl_hbm.at[sl], dl_v.at[m]),
    ]

  def issue_meta(g):
    for src, dst in meta_descs(g):
      pltpu.async_copy(src, dst, sem_meta)

  def wait_meta(g):
    for src, dst in meta_descs(g):
      pltpu.make_async_copy(src, dst, sem_meta).wait()

  def fill_gidx(g):
    m = g % 3

    def dbody(i, _):
      r = i >> 3
      sl = pl.ds((i & 7) * 16, 16)
      v = idx_v[m, r, sl]
      gidx_v[r, sl] = ((v & -8192) + ((v & 4095) << 1) + ((v & 8191) >> 12))
      return 0
    lax.fori_loop(0, NCH * 8, dbody, 0)

  def gather_descs(g):
    m = g % 3
    p = g % 2
    out = []
    for k in range(NCH):
      out.append((emb_hbm.at[gidx_v.at[k]],
                  rows_v.at[p].at[pl.ds(k * CHUNK, CHUNK)]))
      out.append((df_hbm.at[idx_v.at[m].at[k]], df_v.at[p].at[k]))
    return out

  def issue_gather(g):
    for src, dst in gather_descs(g):
      pltpu.async_copy(src, dst, sem_gather)

  def wait_gather(g):
    for src, dst in gather_descs(g):
      pltpu.make_async_copy(src, dst, sem_gather).wait()

  def scat_descs(g):
    m = g % 3
    p = g % 2
    sem = sem_scat.at[p]
    out = []
    for k in range(NCH):
      out.append((rows_v.at[p].at[pl.ds(k * CHUNK, CHUNK)],
                  acc_sh.at[bmap_v.at[m].at[k]], sem))
    return out

  def issue_scat(g):
    for src, dst, sem in scat_descs(g):
      pltpu.async_copy(src, dst, sem, add=True)

  def wait_scat(g):
    for src, dst, sem in scat_descs(g):
      pltpu.make_async_copy(src, dst, sem).wait()

  def zbody(i, _):
    for cc in range(EMBED // 16):
      stage_v[i, pl.ds(cc * 16, 16)] = jnp.zeros((16,), jnp.float32)
    return 0
  lax.fori_loop(0, DOCS_PER_S, zbody, 0)
  pltpu.sync_copy(stage_v, acc_sh.at[pl.ds(s * DOCS_PER_S, DOCS_PER_S)])
  plsc.subcore_barrier()

  issue_meta(0)
  issue_meta(1)
  wait_meta(0)
  fill_gidx(0)
  issue_gather(0)

  def block(g, _):
    p = g % 2
    m = g % 3
    wait_gather(g)

    @pl.when(g + 1 < NBLK)
    def _():
      wait_meta(g + 1)

    @pl.when(g >= 1)
    def _():
      wait_scat(g - 1)

    @pl.when(g + 1 < NBLK)
    def _():
      fill_gidx(g + 1)
      issue_gather(g + 1)

    def cbody(gi, _):
      r = gi >> 3
      cc = (gi & 7) * 16
      sl = pl.ds(cc, 16)
      tf16 = tf_v[m, r, sl]
      dl16 = dl_v[m, r, sl]
      idf = df_v[p, r, sl]
      denom = tf16 + K1 * (1.0 - BB + BB * dl16 * (1.0 / AVG_DOC_LEN))
      w16 = idf * tf16 * (K1 + 1.0) / denom
      row0 = gi * 16
      for j in range(16):
        wj = _bcast_lane(w16, j)
        for e4 in range(EMBED // 16):
          sl2 = pl.ds(e4 * 16, 16)
          rows_v[p, row0 + j, sl2] = rows_v[p, row0 + j, sl2] * wj
      return 0
    lax.fori_loop(0, BLK // 16, cbody, 0)

    issue_scat(g)

    @pl.when(g + 2 < NBLK)
    def _():
      issue_meta(g + 2)
    return 0

  lax.fori_loop(0, NBLK, block, 0)

  wait_scat(NBLK - 1)
  plsc.subcore_barrier()
  pltpu.sync_copy(acc_sh.at[pl.ds(s * DOCS_PER_S, DOCS_PER_S)], stage_v)
  pltpu.sync_copy(stage_v,
                  out_hbm.at[pl.ds(c * B + s * DOCS_PER_S, DOCS_PER_S)])


_sc_kernel = functools.partial(
    pl.kernel,
    out_type=jax.ShapeDtypeStruct((NC * B, EMBED), jnp.float32),
    mesh=plsc.VectorSubcoreMesh(core_axis_name="c", subcore_axis_name="s"),
    compiler_params=pltpu.CompilerParams(use_tc_tiling_on_sc=False),
    scratch_types=[
        pltpu.VMEM((3, NCH, CHUNK), jnp.int32),
        pltpu.VMEM((3, NCH, CHUNK), jnp.int32),
        pltpu.VMEM((3, NCH, CHUNK), jnp.float32),
        pltpu.VMEM((3, NCH, CHUNK), jnp.float32),
        pltpu.VMEM((2, NCH, CHUNK), jnp.float32),
        pltpu.VMEM((NCH, CHUNK), jnp.float32),
        pltpu.VMEM((NCH, CHUNK), jnp.int32),
        pltpu.VMEM((2, BLK, EMBED), jnp.float32),
        pltpu.VMEM((DOCS_PER_S, EMBED), jnp.float32),
        pltpu.VMEM_SHARED((B, EMBED), jnp.float32),
        pltpu.SemaphoreType.DMA,
        pltpu.SemaphoreType.DMA,
        pltpu.SemaphoreType.DMA((2,)),
    ],
)(_sc_kernel_body)


def _mm_body(acc_ref, w_ref, b_ref, out_ref):
  a = acc_ref[0:B, :] + acc_ref[B:2 * B, :]
  out_ref[...] = (
      jnp.dot(a, w_ref[...], preferred_element_type=jnp.float32) + b_ref[...])


def kernel(all_indices, all_tf, all_doc_len, batch_map, df, emb_table, W, b):
  idx2 = all_indices.astype(jnp.int32).reshape(ROWS2D, CHUNK)
  bm2 = batch_map.astype(jnp.int32).reshape(ROWS2D, CHUNK)
  tf2 = all_tf.reshape(ROWS2D, CHUNK)
  dl2 = all_doc_len.reshape(ROWS2D, CHUNK)
  df_pad = jnp.pad(df, (0, VPAD - VOCAB)).reshape(VPAD // 128, 128)
  idf = pl.pallas_call(
      _idf_body,
      out_shape=jax.ShapeDtypeStruct((VPAD // 128, 128), jnp.float32),
  )(df_pad).reshape(VPAD)
  ngrid = (VOCAB + TCHUNK - 1) // TCHUNK
  emb_lin = pl.pallas_call(
      _tr_body,
      grid=(ngrid,),
      in_specs=[pl.BlockSpec((EMBED, TCHUNK), lambda i: (0, i))],
      out_specs=pl.BlockSpec((TCHUNK // 2, 2 * EMBED), lambda i: (i, 0)),
      out_shape=jax.ShapeDtypeStruct((ngrid * TCHUNK // 2, 2 * EMBED),
                                     jnp.float32),
  )(emb_table.T).reshape(ngrid * TCHUNK, EMBED)
  acc = _sc_kernel(idx2, bm2, tf2, dl2, idf, emb_lin)
  logits = pl.pallas_call(
      _mm_body,
      out_shape=jax.ShapeDtypeStruct((B, NUM_CLASSES), jnp.float32),
  )(acc, W, b.reshape(1, NUM_CLASSES))
  return logits

# --- scband reference (transcript-rebuilt; emitter-appended) ---
"""Pipeline reference for scband-bowclassifier-58239756534045 (READ-ONLY COPY).

The authoritative reference and input builder live on the scoring server;
editing this copy changes nothing except your own understanding.
"""

import jax, jax.numpy as jnp
import numpy as np

VOCAB = 1000000
EMBED = 64
NUM_CLASSES = 128
B = 4096
T = 819200
AVG_DOC_LEN = 200.0
NUM_DOCS = 1000000


def bm25(tf, df_i, doc_len, avg_doc_len, num_docs):
    k1 = 1.2
    b = 0.75
    idf = jnp.log((num_docs - df_i + 0.5) / (df_i + 0.5) + 1.0)
    return idf * tf * (k1 + 1.0) / (tf + k1 * (1.0 - b + b * doc_len / avg_doc_len))


def setup_inputs(seed: int = 0) -> dict:
    key = jax.random.key(seed)
    k1, k2, k3, k4, k5, k6, k7 = jax.random.split(key, 7)
    all_indices = jax.random.randint(k1, (T,), 0, VOCAB, dtype=jnp.int64 if jax.config.read('jax_enable_x64') else jnp.int32)
    all_tf = jax.random.uniform(k2, (T,), dtype=jnp.float32) * 10.0 + 1.0
    all_doc_len = jax.random.uniform(k3, (T,), dtype=jnp.float32) * 100.0 + 150.0
    batch_map = jnp.sort(jax.random.randint(k4, (T,), 0, B, dtype=jnp.int32))
    df = jax.random.uniform(k5, (VOCAB,), dtype=jnp.float32) * 10000.0 + 1.0
    emb_table = jax.random.normal(k6, (VOCAB, EMBED), dtype=jnp.float32) * 0.02
    W = jax.random.normal(k7, (EMBED, NUM_CLASSES), dtype=jnp.float32) * 0.02
    b = jnp.zeros((NUM_CLASSES,), dtype=jnp.float32)
    return {
        'all_indices': all_indices,
        'all_tf': all_tf,
        'all_doc_len': all_doc_len,
        'batch_map': batch_map,
        'df': df,
        'emb_table': emb_table,
        'W': W,
        'b': b,
    }


def reference(all_indices, all_tf, all_doc_len, batch_map, df, emb_table, W, b):
    # df lookup (gather)
    df_i = jnp.take(df, all_indices, axis=0)
    # BM25 term weighting
    weights = bm25(all_tf, df_i, all_doc_len, AVG_DOC_LEN, NUM_DOCS)
    # embedding lookup (gather)
    e_i = jnp.take(emb_table, all_indices, axis=0)
    weighted_embeddings = weights[:, None] * e_i
    # scatter_add over documents (segment sum by batch_map)
    doc_vectors = jax.ops.segment_sum(weighted_embeddings, batch_map, num_segments=B)
    # linear classifier
    logits = doc_vectors @ W + b
    return logits

if __name__ == "__main__":
    import jax
    _d = setup_inputs()
    print(jax.jit(kernel)(*tuple(_d.values())))

</pallas_src>

<mosaic_0001>
#map = affine_map<(d0, d1) -> (0, 0)>
#map1 = affine_map<(d0, d1) -> (0)>
module attributes {stable_mosaic.version = 14 : i64} {
  func.func @_sc_kernel_body(%arg0: i32, %arg1: i32, %arg2: memref<6400x128xi32, #tpu.memory_space<hbm>>, %arg3: memref<6400x128xi32, #tpu.memory_space<hbm>>, %arg4: memref<6400x128xf32, #tpu.memory_space<hbm>>, %arg5: memref<6400x128xf32, #tpu.memory_space<hbm>>, %arg6: memref<1048576xf32, #tpu.memory_space<hbm>>, %arg7: memref<1007616x64xf32, #tpu.memory_space<hbm>>, %arg8: memref<8192x64xf32, #tpu.memory_space<hbm>>, %arg9: memref<3x5x128xi32, #tpu.memory_space<vmem>>, %arg10: memref<3x5x128xi32, #tpu.memory_space<vmem>>, %arg11: memref<3x5x128xf32, #tpu.memory_space<vmem>>, %arg12: memref<3x5x128xf32, #tpu.memory_space<vmem>>, %arg13: memref<2x5x128xf32, #tpu.memory_space<vmem>>, %arg14: memref<5x128xf32, #tpu.memory_space<vmem>>, %arg15: memref<5x128xi32, #tpu.memory_space<vmem>>, %arg16: memref<2x640x64xf32, #tpu.memory_space<vmem>>, %arg17: memref<256x64xf32, #tpu.memory_space<vmem>>, %arg18: memref<4096x64xf32, #tpu.memory_space<vmem_shared>>, %arg19: memref<!tpu.dma_semaphore, #tpu.memory_space<semaphore_mem>>, %arg20: memref<!tpu.dma_semaphore, #tpu.memory_space<semaphore_mem>>, %arg21: memref<2x!tpu.dma_semaphore, #tpu.memory_space<semaphore_mem>>) attributes {dimension_semantics = [#tpu.dimension_semantics<core_parallel>, #tpu.dimension_semantics<subcore_parallel>], iteration_bounds = array<i64: 2, 16>, scalar_prefetch = 0 : i64, scratch_operands = 13 : i64, tpu.core_type = #tpu.core_type<sc_vector_subcore>, window_params = [{transform_indices = #map}, {transform_indices = #map}, {transform_indices = #map}, {transform_indices = #map}, {transform_indices = #map1}, {transform_indices = #map}, {transform_indices = #map}]} {
    %mul3A = arith.constant 2 : i32
    %mul3A_0 = arith.muli %arg1, %mul3A : i32
    %add3A = arith.addi %mul3A_0, %arg0 : i32
    %mul3A_1 = arith.constant 200 : i32
    %mul3A_2 = arith.muli %add3A, %mul3A_1 : i32
    %scan3A = arith.constant 0 : i32
    %scan3A_3 = arith.constant 0 : i32
    %scan3A_4 = arith.constant 256 : i32
    %scan3A_5 = arith.addi %scan3A_3, %scan3A_4 : i32
    %scan3A_6 = arith.constant 1 : i32
    %scan3A_7 = scf.for %scan3A_483 = %scan3A_3 to %scan3A_5 step %scan3A_6 iter_args(%scan3A_484 = %scan3A) -> (i32)  : i32 {
      %broadcast_in_dim3A = arith.constant 0.000000e+00 : f32
      %broadcast_in_dim3A_485 = vector.broadcast %broadcast_in_dim3A : f32 to vector<16xf32>
      %swap3A = arith.index_cast %scan3A_483 : i32 to index
      %swap3A_486 = arith.constant 0 : index
      %swap3A_487 = tpu.vector_load %arg17[%swap3A, %swap3A_486] {strides = array<i32>} : memref<256x64xf32, #tpu.memory_space<vmem>>, vector<1x16xf32>,
      %swap3A_488 = vector.shape_cast %swap3A_487 : vector<1x16xf32> to vector<16xf32>
      %swap3A_489 = vector.shape_cast %broadcast_in_dim3A_485 : vector<16xf32> to vector<1x16xf32>
      tpu.vector_store %arg17[%swap3A, %swap3A_486], %swap3A_489 {strides = array<i32>} : memref<256x64xf32, #tpu.memory_space<vmem>>, vector<1x16xf32>,
      %broadcast_in_dim3A_490 = arith.constant 0.000000e+00 : f32
      %broadcast_in_dim3A_491 = vector.broadcast %broadcast_in_dim3A_490 : f32 to vector<16xf32>
      %swap3A_492 = arith.index_cast %scan3A_483 : i32 to index
      %swap3A_493 = arith.constant 16 : index
      %swap3A_494 = tpu.vector_load %arg17[%swap3A_492, %swap3A_493] {strides = array<i32>} : memref<256x64xf32, #tpu.memory_space<vmem>>, vector<1x16xf32>,
      %swap3A_495 = vector.shape_cast %swap3A_494 : vector<1x16xf32> to vector<16xf32>
      %swap3A_496 = vector.shape_cast %broadcast_in_dim3A_491 : vector<16xf32> to vector<1x16xf32>
      tpu.vector_store %arg17[%swap3A_492, %swap3A_493], %swap3A_496 {strides = array<i32>} : memref<256x64xf32, #tpu.memory_space<vmem>>, vector<1x16xf32>,
      %broadcast_in_dim3A_497 = arith.constant 0.000000e+00 : f32
      %broadcast_in_dim3A_498 = vector.broadcast %broadcast_in_dim3A_497 : f32 to vector<16xf32>
      %swap3A_499 = arith.index_cast %scan3A_483 : i32 to index
      %swap3A_500 = arith.constant 32 : index
      %swap3A_501 = tpu.vector_load %arg17[%swap3A_499, %swap3A_500] {strides = array<i32>} : memref<256x64xf32, #tpu.memory_space<vmem>>, vector<1x16xf32>,
      %swap3A_502 = vector.shape_cast %swap3A_501 : vector<1x16xf32> to vector<16xf32>
      %swap3A_503 = vector.shape_cast %broadcast_in_dim3A_498 : vector<16xf32> to vector<1x16xf32>
      tpu.vector_store %arg17[%swap3A_499, %swap3A_500], %swap3A_503 {strides = array<i32>} : memref<256x64xf32, #tpu.memory_space<vmem>>, vector<1x16xf32>,
      %broadcast_in_dim3A_504 = arith.constant 0.000000e+00 : f32
      %broadcast_in_dim3A_505 = vector.broadcast %broadcast_in_dim3A_504 : f32 to vector<16xf32>
      %swap3A_506 = arith.index_cast %scan3A_483 : i32 to index
      %swap3A_507 = arith.constant 48 : index
      %swap3A_508 = tpu.vector_load %arg17[%swap3A_506, %swap3A_507] {strides = array<i32>} : memref<256x64xf32, #tpu.memory_space<vmem>>, vector<1x16xf32>,
      %swap3A_509 = vector.shape_cast %swap3A_508 : vector<1x16xf32> to vector<16xf32>
      %swap3A_510 = vector.shape_cast %broadcast_in_dim3A_505 : vector<16xf32> to vector<1x16xf32>
      tpu.vector_store %arg17[%swap3A_506, %swap3A_507], %swap3A_510 {strides = array<i32>} : memref<256x64xf32, #tpu.memory_space<vmem>>, vector<1x16xf32>,
      %scan3A_511 = arith.constant 0 : i32
      scf.yield %scan3A_511 : i32
    }
    %scan3A_8 = arith.constant 256 : i32
    %mul3A_9 = arith.constant 256 : i32
    %mul3A_10 = arith.muli %arg1, %mul3A_9 : i32
    "tpu.region"() ({
      %run_scoped3A = tpu.sem_alloc : memref<!tpu.dma_semaphore, #tpu.memory_space<semaphore_mem>>
      %dma_start3A_483 = arith.constant 0 : i32
      %dma_start3A_484 = tpu.memref_slice %arg18[%mul3A_10, %dma_start3A_483] : memref<4096x64xf32, #tpu.memory_space<vmem_shared>> -> memref<256x64xf32, #tpu.memory_space<vmem_shared>>
      %dma_start3A_485 = arith.constant 0 : i32
      %dma_start3A_486 = tpu.memref_slice %arg18[%mul3A_10, %dma_start3A_485] : memref<4096x64xf32, #tpu.memory_space<vmem_shared>> -> memref<256x64xf32, #tpu.memory_space<vmem_shared>>
      tpu.enqueue_dma source(%arg17 : memref<256x64xf32, #tpu.memory_space<vmem>>) target(%dma_start3A_486 : memref<256x64xf32, #tpu.memory_space<vmem_shared>>) target_semaphore(%run_scoped3A : memref<!tpu.dma_semaphore, #tpu.memory_space<semaphore_mem>>)
      %dma_wait3A_487 = arith.constant 0 : i32
      %dma_wait3A_488 = tpu.memref_slice %arg18[%mul3A_10, %dma_wait3A_487] : memref<4096x64xf32, #tpu.memory_space<vmem_shared>> -> memref<256x64xf32, #tpu.memory_space<vmem_shared>>
      %dma_wait3A_489 = arith.constant 0 : i32
      %dma_wait3A_490 = tpu.memref_slice %arg18[%mul3A_10, %dma_wait3A_489] : memref<4096x64xf32, #tpu.memory_space<vmem_shared>> -> memref<256x64xf32, #tpu.memory_space<vmem_shared>>
      tpu.wait_dma2 semaphore(%run_scoped3A : memref<!tpu.dma_semaphore, #tpu.memory_space<semaphore_mem>>) src(%arg17 : memref<256x64xf32, #tpu.memory_space<vmem>>) dst(%dma_wait3A_490 : memref<256x64xf32, #tpu.memory_space<vmem_shared>>)
      tpu.yield
    }) : () -> ()
    %barrier3A = arith.constant 0 : index
    tpu.barrier barrier_id(%barrier3A)
    %add3A_11 = arith.constant 0 : i32
    %add3A_12 = arith.addi %mul3A_2, %add3A_11 : i32
    %dma_start3A = arith.constant 0 : i32
    %dma_start3A_13 = arith.constant 0 : i32
    %dma_start3A_14 = arith.constant 0 : i32
    %dma_start3A_15 = tpu.memref_slice %arg9[%dma_start3A, %dma_start3A_13, %dma_start3A_14] : memref<3x5x128xi32, #tpu.memory_space<vmem>> -> memref<1x5x128xi32, #tpu.memory_space<vmem>>
    %dma_start3A_16 = tpu.memref_squeeze %dma_start3A_15 : memref<1x5x128xi32, #tpu.memory_space<vmem>> -> memref<5x128xi32, #tpu.memory_space<vmem>>
    %dma_start3A_17 = arith.constant 0 : i32
    %dma_start3A_18 = tpu.memref_slice %arg2[%add3A_12, %dma_start3A_17] : memref<6400x128xi32, #tpu.memory_space<hbm>> -> memref<5x128xi32, #tpu.memory_space<hbm>>
    %dma_start3A_19 = arith.constant 0 : i32
    %dma_start3A_20 = arith.constant 0 : i32
    %dma_start3A_21 = tpu.memref_slice %arg9[%dma_start3A, %dma_start3A_19, %dma_start3A_20] : memref<3x5x128xi32, #tpu.memory_space<vmem>> -> memref<1x5x128xi32, #tpu.memory_space<vmem>>
    %dma_start3A_22 = tpu.memref_squeeze %dma_start3A_21 : memref<1x5x128xi32, #tpu.memory_space<vmem>> -> memref<5x128xi32, #tpu.memory_space<vmem>>
    %dma_start3A_23 = arith.constant 0 : i32
    %dma_start3A_24 = tpu.memref_slice %arg2[%add3A_12, %dma_start3A_23] : memref<6400x128xi32, #tpu.memory_space<hbm>> -> memref<5x128xi32, #tpu.memory_space<hbm>>
    tpu.enqueue_dma source(%dma_start3A_24 : memref<5x128xi32, #tpu.memory_space<hbm>>) target(%dma_start3A_22 : memref<5x128xi32, #tpu.memory_space<vmem>>) target_semaphore(%arg19 : memref<!tpu.dma_semaphore, #tpu.memory_space<semaphore_mem>>)
    %dma_start3A_25 = arith.constant 0 : i32
    %dma_start3A_26 = arith.constant 0 : i32
    %dma_start3A_27 = arith.constant 0 : i32
    %dma_start3A_28 = tpu.memref_slice %arg10[%dma_start3A_25, %dma_start3A_26, %dma_start3A_27] : memref<3x5x128xi32, #tpu.memory_space<vmem>> -> memref<1x5x128xi32, #tpu.memory_space<vmem>>
    %dma_start3A_29 = tpu.memref_squeeze %dma_start3A_28 : memref<1x5x128xi32, #tpu.memory_space<vmem>> -> memref<5x128xi32, #tpu.memory_space<vmem>>
    %dma_start3A_30 = arith.constant 0 : i32
    %dma_start3A_31 = tpu.memref_slice %arg3[%add3A_12, %dma_start3A_30] : memref<6400x128xi32, #tpu.memory_space<hbm>> -> memref<5x128xi32, #tpu.memory_space<hbm>>
    %dma_start3A_32 = arith.constant 0 : i32
    %dma_start3A_33 = arith.constant 0 : i32
    %dma_start3A_34 = tpu.memref_slice %arg10[%dma_start3A_25, %dma_start3A_32, %dma_start3A_33] : memref<3x5x128xi32, #tpu.memory_space<vmem>> -> memref<1x5x128xi32, #tpu.memory_space<vmem>>
    %dma_start3A_35 = tpu.memref_squeeze %dma_start3A_34 : memref<1x5x128xi32, #tpu.memory_space<vmem>> -> memref<5x128xi32, #tpu.memory_space<vmem>>
    %dma_start3A_36 = arith.constant 0 : i32
    %dma_start3A_37 = tpu.memref_slice %arg3[%add3A_12, %dma_start3A_36] : memref<6400x128xi32, #tpu.memory_space<hbm>> -> memref<5x128xi32, #tpu.memory_space<hbm>>
    tpu.enqueue_dma source(%dma_start3A_37 : memref<5x128xi32, #tpu.memory_space<hbm>>) target(%dma_start3A_35 : memref<5x128xi32, #tpu.memory_space<vmem>>) target_semaphore(%arg19 : memref<!tpu.dma_semaphore, #tpu.memory_space<semaphore_mem>>)
    %dma_start3A_38 = arith.constant 0 : i32
    %dma_start3A_39 = arith.constant 0 : i32
    %dma_start3A_40 = arith.constant 0 : i32
    %dma_start3A_41 = tpu.memref_slice %arg11[%dma_start3A_38, %dma_start3A_39, %dma_start3A_40] : memref<3x5x128xf32, #tpu.memory_space<vmem>> -> memref<1x5x128xf32, #tpu.memory_space<vmem>>
    %dma_start3A_42 = tpu.memref_squeeze %dma_start3A_41 : memref<1x5x128xf32, #tpu.memory_space<vmem>> -> memref<5x128xf32, #tpu.memory_space<vmem>>
    %dma_start3A_43 = arith.constant 0 : i32
    %dma_start3A_44 = tpu.memref_slice %arg4[%add3A_12, %dma_start3A_43] : memref<6400x128xf32, #tpu.memory_space<hbm>> -> memref<5x128xf32, #tpu.memory_space<hbm>>
    %dma_start3A_45 = arith.constant 0 : i32
    %dma_start3A_46 = arith.constant 0 : i32
    %dma_start3A_47 = tpu.memref_slice %arg11[%dma_start3A_38, %dma_start3A_45, %dma_start3A_46] : memref<3x5x128xf32, #tpu.memory_space<vmem>> -> memref<1x5x128xf32, #tpu.memory_space<vmem>>
    %dma_start3A_48 = tpu.memref_squeeze %dma_start3A_47 : memref<1x5x128xf32, #tpu.memory_space<vmem>> -> memref<5x128xf32, #tpu.memory_space<vmem>>
    %dma_start3A_49 = arith.constant 0 : i32
    %dma_start3A_50 = tpu.memref_slice %arg4[%add3A_12, %dma_start3A_49] : memref<6400x128xf32, #tpu.memory_space<hbm>> -> memref<5x128xf32, #tpu.memory_space<hbm>>
    tpu.enqueue_dma source(%dma_start3A_50 : memref<5x128xf32, #tpu.memory_space<hbm>>) target(%dma_start3A_48 : memref<5x128xf32, #tpu.memory_space<vmem>>) target_semaphore(%arg19 : memref<!tpu.dma_semaphore, #tpu.memory_space<semaphore_mem>>)
    %dma_start3A_51 = arith.constant 0 : i32
    %dma_start3A_52 = arith.constant 0 : i32
    %dma_start3A_53 = arith.constant 0 : i32
    %dma_start3A_54 = tpu.memref_slice %arg12[%dma_start3A_51, %dma_start3A_52, %dma_start3A_53] : memref<3x5x128xf32, #tpu.memory_space<vmem>> -> memref<1x5x128xf32, #tpu.memory_space<vmem>>
    %dma_start3A_55 = tpu.memref_squeeze %dma_start3A_54 : memref<1x5x128xf32, #tpu.memory_space<vmem>> -> memref<5x128xf32, #tpu.memory_space<vmem>>
    %dma_start3A_56 = arith.constant 0 : i32
    %dma_start3A_57 = tpu.memref_slice %arg5[%add3A_12, %dma_start3A_56] : memref<6400x128xf32, #tpu.memory_space<hbm>> -> memref<5x128xf32, #tpu.memory_space<hbm>>
    %dma_start3A_58 = arith.constant 0 : i32
    %dma_start3A_59 = arith.constant 0 : i32
    %dma_start3A_60 = tpu.memref_slice %arg12[%dma_start3A_51, %dma_start3A_58, %dma_start3A_59] : memref<3x5x128xf32, #tpu.memory_space<vmem>> -> memref<1x5x128xf32, #tpu.memory_space<vmem>>
    %dma_start3A_61 = tpu.memref_squeeze %dma_start3A_60 : memref<1x5x128xf32, #tpu.memory_space<vmem>> -> memref<5x128xf32, #tpu.memory_space<vmem>>
    %dma_start3A_62 = arith.constant 0 : i32
    %dma_start3A_63 = tpu.memref_slice %arg5[%add3A_12, %dma_start3A_62] : memref<6400x128xf32, #tpu.memory_space<hbm>> -> memref<5x128xf32, #tpu.memory_space<hbm>>
    tpu.enqueue_dma source(%dma_start3A_63 : memref<5x128xf32, #tpu.memory_space<hbm>>) target(%dma_start3A_61 : memref<5x128xf32, #tpu.memory_space<vmem>>) target_semaphore(%arg19 : memref<!tpu.dma_semaphore, #tpu.memory_space<semaphore_mem>>)
    %add3A_64 = arith.constant 5 : i32
    %add3A_65 = arith.addi %mul3A_2, %add3A_64 : i32
    %dma_start3A_66 = arith.constant 1 : i32
    %dma_start3A_67 = arith.constant 0 : i32
    %dma_start3A_68 = arith.constant 0 : i32
    %dma_start3A_69 = tpu.memref_slice %arg9[%dma_start3A_66, %dma_start3A_67, %dma_start3A_68] : memref<3x5x128xi32, #tpu.memory_space<vmem>> -> memref<1x5x128xi32, #tpu.memory_space<vmem>>
    %dma_start3A_70 = tpu.memref_squeeze %dma_start3A_69 : memref<1x5x128xi32, #tpu.memory_space<vmem>> -> memref<5x128xi32, #tpu.memory_space<vmem>>
    %dma_start3A_71 = arith.constant 0 : i32
    %dma_start3A_72 = tpu.memref_slice %arg2[%add3A_65, %dma_start3A_71] : memref<6400x128xi32, #tpu.memory_space<hbm>> -> memref<5x128xi32, #tpu.memory_space<hbm>>
    %dma_start3A_73 = arith.constant 0 : i32
    %dma_start3A_74 = arith.constant 0 : i32
    %dma_start3A_75 = tpu.memref_slice %arg9[%dma_start3A_66, %dma_start3A_73, %dma_start3A_74] : memref<3x5x128xi32, #tpu.memory_space<vmem>> -> memref<1x5x128xi32, #tpu.memory_space<vmem>>
    %dma_start3A_76 = tpu.memref_squeeze %dma_start3A_75 : memref<1x5x128xi32, #tpu.memory_space<vmem>> -> memref<5x128xi32, #tpu.memory_space<vmem>>
    %dma_start3A_77 = arith.constant 0 : i32
    %dma_start3A_78 = tpu.memref_slice %arg2[%add3A_65, %dma_start3A_77] : memref<6400x128xi32, #tpu.memory_space<hbm>> -> memref<5x128xi32, #tpu.memory_space<hbm>>
    tpu.enqueue_dma source(%dma_start3A_78 : memref<5x128xi32, #tpu.memory_space<hbm>>) target(%dma_start3A_76 : memref<5x128xi32, #tpu.memory_space<vmem>>) target_semaphore(%arg19 : memref<!tpu.dma_semaphore, #tpu.memory_space<semaphore_mem>>)
    %dma_start3A_79 = arith.constant 1 : i32
    %dma_start3A_80 = arith.constant 0 : i32
    %dma_start3A_81 = arith.constant 0 : i32
    %dma_start3A_82 = tpu.memref_slice %arg10[%dma_start3A_79, %dma_start3A_80, %dma_start3A_81] : memref<3x5x128xi32, #tpu.memory_space<vmem>> -> memref<1x5x128xi32, #tpu.memory_space<vmem>>
    %dma_start3A_83 = tpu.memref_squeeze %dma_start3A_82 : memref<1x5x128xi32, #tpu.memory_space<vmem>> -> memref<5x128xi32, #tpu.memory_space<vmem>>
    %dma_start3A_84 = arith.constant 0 : i32
    %dma_start3A_85 = tpu.memref_slice %arg3[%add3A_65, %dma_start3A_84] : memref<6400x128xi32, #tpu.memory_space<hbm>> -> memref<5x128xi32, #tpu.memory_space<hbm>>
    %dma_start3A_86 = arith.constant 0 : i32
    %dma_start3A_87 = arith.constant 0 : i32
    %dma_start3A_88 = tpu.memref_slice %arg10[%dma_start3A_79, %dma_start3A_86, %dma_start3A_87] : memref<3x5x128xi32, #tpu.memory_space<vmem>> -> memref<1x5x128xi32, #tpu.memory_space<vmem>>
    %dma_start3A_89 = tpu.memref_squeeze %dma_start3A_88 : memref<1x5x128xi32, #tpu.memory_space<vmem>> -> memref<5x128xi32, #tpu.memory_space<vmem>>
    %dma_start3A_90 = arith.constant 0 : i32
    %dma_start3A_91 = tpu.memref_slice %arg3[%add3A_65, %dma_start3A_90] : memref<6400x128xi32, #tpu.memory_space<hbm>> -> memref<5x128xi32, #tpu.memory_space<hbm>>
    tpu.enqueue_dma source(%dma_start3A_91 : memref<5x128xi32, #tpu.memory_space<hbm>>) target(%dma_start3A_89 : memref<5x128xi32, #tpu.memory_space<vmem>>) target_semaphore(%arg19 : memref<!tpu.dma_semaphore, #tpu.memory_space<semaphore_mem>>)
    %dma_start3A_92 = arith.constant 1 : i32
    %dma_start3A_93 = arith.constant 0 : i32
    %dma_start3A_94 = arith.constant 0 : i32
    %dma_start3A_95 = tpu.memref_slice %arg11[%dma_start3A_92, %dma_start3A_93, %dma_start3A_94] : memref<3x5x128xf32, #tpu.memory_space<vmem>> -> memref<1x5x128xf32, #tpu.memory_space<vmem>>
    %dma_start3A_96 = tpu.memref_squeeze %dma_start3A_95 : memref<1x5x128xf32, #tpu.memory_space<vmem>> -> memref<5x128xf32, #tpu.memory_space<vmem>>
    %dma_start3A_97 = arith.constant 0 : i32
    %dma_start3A_98 = tpu.memref_slice %arg4[%add3A_65, %dma_start3A_97] : memref<6400x128xf32, #tpu.memory_space<hbm>> -> memref<5x128xf32, #tpu.memory_space<hbm>>
    %dma_start3A_99 = arith.constant 0 : i32
    %dma_start3A_100 = arith.constant 0 : i32
    %dma_start3A_101 = tpu.memref_slice %arg11[%dma_start3A_92, %dma_start3A_99, %dma_start3A_100] : memref<3x5x128xf32, #tpu.memory_space<vmem>> -> memref<1x5x128xf32, #tpu.memory_space<vmem>>
    %dma_start3A_102 = tpu.memref_squeeze %dma_start3A_101 : memref<1x5x128xf32, #tpu.memory_space<vmem>> -> memref<5x128xf32, #tpu.memory_space<vmem>>
    %dma_start3A_103 = arith.constant 0 : i32
    %dma_start3A_104 = tpu.memref_slice %arg4[%add3A_65, %dma_start3A_103] : memref<6400x128xf32, #tpu.memory_space<hbm>> -> memref<5x128xf32, #tpu.memory_space<hbm>>
    tpu.enqueue_dma source(%dma_start3A_104 : memref<5x128xf32, #tpu.memory_space<hbm>>) target(%dma_start3A_102 : memref<5x128xf32, #tpu.memory_space<vmem>>) target_semaphore(%arg19 : memref<!tpu.dma_semaphore, #tpu.memory_space<semaphore_mem>>)
    %dma_start3A_105 = arith.constant 1 : i32
    %dma_start3A_106 = arith.constant 0 : i32
    %dma_start3A_107 = arith.constant 0 : i32
    %dma_start3A_108 = tpu.memref_slice %arg12[%dma_start3A_105, %dma_start3A_106, %dma_start3A_107] : memref<3x5x128xf32, #tpu.memory_space<vmem>> -> memref<1x5x128xf32, #tpu.memory_space<vmem>>
    %dma_start3A_109 = tpu.memref_squeeze %dma_start3A_108 : memref<1x5x128xf32, #tpu.memory_space<vmem>> -> memref<5x128xf32, #tpu.memory_space<vmem>>
    %dma_start3A_110 = arith.constant 0 : i32
    %dma_start3A_111 = tpu.memref_slice %arg5[%add3A_65, %dma_start3A_110] : memref<6400x128xf32, #tpu.memory_space<hbm>> -> memref<5x128xf32, #tpu.memory_space<hbm>>
    %dma_start3A_112 = arith.constant 0 : i32
    %dma_start3A_113 = arith.constant 0 : i32
    %dma_start3A_114 = tpu.memref_slice %arg12[%dma_start3A_105, %dma_start3A_112, %dma_start3A_113] : memref<3x5x128xf32, #tpu.memory_space<vmem>> -> memref<1x5x128xf32, #tpu.memory_space<vmem>>
    %dma_start3A_115 = tpu.memref_squeeze %dma_start3A_114 : memref<1x5x128xf32, #tpu.memory_space<vmem>> -> memref<5x128xf32, #tpu.memory_space<vmem>>
    %dma_start3A_116 = arith.constant 0 : i32
    %dma_start3A_117 = tpu.memref_slice %arg5[%add3A_65, %dma_start3A_116] : memref<6400x128xf32, #tpu.memory_space<hbm>> -> memref<5x128xf32, #tpu.memory_space<hbm>>
    tpu.enqueue_dma source(%dma_start3A_117 : memref<5x128xf32, #tpu.memory_space<hbm>>) target(%dma_start3A_115 : memref<5x128xf32, #tpu.memory_space<vmem>>) target_semaphore(%arg19 : memref<!tpu.dma_semaphore, #tpu.memory_space<semaphore_mem>>)
    %add3A_118 = arith.constant 0 : i32
    %add3A_119 = arith.addi %mul3A_2, %add3A_118 : i32
    %dma_wait3A = arith.constant 0 : i32
    %dma_wait3A_120 = arith.constant 0 : i32
    %dma_wait3A_121 = arith.constant 0 : i32
    %dma_wait3A_122 = tpu.memref_slice %arg9[%dma_wait3A, %dma_wait3A_120, %dma_wait3A_121] : memref<3x5x128xi32, #tpu.memory_space<vmem>> -> memref<1x5x128xi32, #tpu.memory_space<vmem>>
    %dma_wait3A_123 = tpu.memref_squeeze %dma_wait3A_122 : memref<1x5x128xi32, #tpu.memory_space<vmem>> -> memref<5x128xi32, #tpu.memory_space<vmem>>
    %dma_wait3A_124 = arith.constant 0 : i32
    %dma_wait3A_125 = tpu.memref_slice %arg2[%add3A_119, %dma_wait3A_124] : memref<6400x128xi32, #tpu.memory_space<hbm>> -> memref<5x128xi32, #tpu.memory_space<hbm>>
    %dma_wait3A_126 = arith.constant 0 : i32
    %dma_wait3A_127 = arith.constant 0 : i32
    %dma_wait3A_128 = tpu.memref_slice %arg9[%dma_wait3A, %dma_wait3A_126, %dma_wait3A_127] : memref<3x5x128xi32, #tpu.memory_space<vmem>> -> memref<1x5x128xi32, #tpu.memory_space<vmem>>
    %dma_wait3A_129 = tpu.memref_squeeze %dma_wait3A_128 : memref<1x5x128xi32, #tpu.memory_space<vmem>> -> memref<5x128xi32, #tpu.memory_space<vmem>>
    %dma_wait3A_130 = arith.constant 0 : i32
    %dma_wait3A_131 = tpu.memref_slice %arg2[%add3A_119, %dma_wait3A_130] : memref<6400x128xi32, #tpu.memory_space<hbm>> -> memref<5x128xi32, #tpu.memory_space<hbm>>
    tpu.wait_dma2 semaphore(%arg19 : memref<!tpu.dma_semaphore, #tpu.memory_space<semaphore_mem>>) src(%dma_wait3A_131 : memref<5x128xi32, #tpu.memory_space<hbm>>) dst(%dma_wait3A_129 : memref<5x128xi32, #tpu.memory_space<vmem>>)
    %dma_wait3A_132 = arith.constant 0 : i32
    %dma_wait3A_133 = arith.constant 0 : i32
    %dma_wait3A_134 = arith.constant 0 : i32
    %dma_wait3A_135 = tpu.memref_slice %arg10[%dma_wait3A_132, %dma_wait3A_133, %dma_wait3A_134] : memref<3x5x128xi32, #tpu.memory_space<vmem>> -> memref<1x5x128xi32, #tpu.memory_space<vmem>>
    %dma_wait3A_136 = tpu.memref_squeeze %dma_wait3A_135 : memref<1x5x128xi32, #tpu.memory_space<vmem>> -> memref<5x128xi32, #tpu.memory_space<vmem>>
    %dma_wait3A_137 = arith.constant 0 : i32
    %dma_wait3A_138 = tpu.memref_slice %arg3[%add3A_119, %dma_wait3A_137] : memref<6400x128xi32, #tpu.memory_space<hbm>> -> memref<5x128xi32, #tpu.memory_space<hbm>>
    %dma_wait3A_139 = arith.constant 0 : i32
    %dma_wait3A_140 = arith.constant 0 : i32
    %dma_wait3A_141 = tpu.memref_slice %arg10[%dma_wait3A_132, %dma_wait3A_139, %dma_wait3A_140] : memref<3x5x128xi32, #tpu.memory_space<vmem>> -> memref<1x5x128xi32, #tpu.memory_space<vmem>>
    %dma_wait3A_142 = tpu.memref_squeeze %dma_wait3A_141 : memref<1x5x128xi32, #tpu.memory_space<vmem>> -> memref<5x128xi32, #tpu.memory_space<vmem>>
    %dma_wait3A_143 = arith.constant 0 : i32
    %dma_wait3A_144 = tpu.memref_slice %arg3[%add3A_119, %dma_wait3A_143] : memref<6400x128xi32, #tpu.memory_space<hbm>> -> memref<5x128xi32, #tpu.memory_space<hbm>>
    tpu.wait_dma2 semaphore(%arg19 : memref<!tpu.dma_semaphore, #tpu.memory_space<semaphore_mem>>) src(%dma_wait3A_144 : memref<5x128xi32, #tpu.memory_space<hbm>>) dst(%dma_wait3A_142 : memref<5x128xi32, #tpu.memory_space<vmem>>)
    %dma_wait3A_145 = arith.constant 0 : i32
    %dma_wait3A_146 = arith.constant 0 : i32
    %dma_wait3A_147 = arith.constant 0 : i32
    %dma_wait3A_148 = tpu.memref_slice %arg11[%dma_wait3A_145, %dma_wait3A_146, %dma_wait3A_147] : memref<3x5x128xf32, #tpu.memory_space<vmem>> -> memref<1x5x128xf32, #tpu.memory_space<vmem>>
    %dma_wait3A_149 = tpu.memref_squeeze %dma_wait3A_148 : memref<1x5x128xf32, #tpu.memory_space<vmem>> -> memref<5x128xf32, #tpu.memory_space<vmem>>
    %dma_wait3A_150 = arith.constant 0 : i32
    %dma_wait3A_151 = tpu.memref_slice %arg4[%add3A_119, %dma_wait3A_150] : memref<6400x128xf32, #tpu.memory_space<hbm>> -> memref<5x128xf32, #tpu.memory_space<hbm>>
    %dma_wait3A_152 = arith.constant 0 : i32
    %dma_wait3A_153 = arith.constant 0 : i32
    %dma_wait3A_154 = tpu.memref_slice %arg11[%dma_wait3A_145, %dma_wait3A_152, %dma_wait3A_153] : memref<3x5x128xf32, #tpu.memory_space<vmem>> -> memref<1x5x128xf32, #tpu.memory_space<vmem>>
    %dma_wait3A_155 = tpu.memref_squeeze %dma_wait3A_154 : memref<1x5x128xf32, #tpu.memory_space<vmem>> -> memref<5x128xf32, #tpu.memory_space<vmem>>
    %dma_wait3A_156 = arith.constant 0 : i32
    %dma_wait3A_157 = tpu.memref_slice %arg4[%add3A_119, %dma_wait3A_156] : memref<6400x128xf32, #tpu.memory_space<hbm>> -> memref<5x128xf32, #tpu.memory_space<hbm>>
    tpu.wait_dma2 semaphore(%arg19 : memref<!tpu.dma_semaphore, #tpu.memory_space<semaphore_mem>>) src(%dma_wait3A_157 : memref<5x128xf32, #tpu.memory_space<hbm>>) dst(%dma_wait3A_155 : memref<5x128xf32, #tpu.memory_space<vmem>>)
    %dma_wait3A_158 = arith.constant 0 : i32
    %dma_wait3A_159 = arith.constant 0 : i32
    %dma_wait3A_160 = arith.constant 0 : i32
    %dma_wait3A_161 = tpu.memref_slice %arg12[%dma_wait3A_158, %dma_wait3A_159, %dma_wait3A_160] : memref<3x5x128xf32, #tpu.memory_space<vmem>> -> memref<1x5x128xf32, #tpu.memory_space<vmem>>
    %dma_wait3A_162 = tpu.memref_squeeze %dma_wait3A_161 : memref<1x5x128xf32, #tpu.memory_space<vmem>> -> memref<5x128xf32, #tpu.memory_space<vmem>>
    %dma_wait3A_163 = arith.constant 0 : i32
    %dma_wait3A_164 = tpu.memref_slice %arg5[%add3A_119, %dma_wait3A_163] : memref<6400x128xf32, #tpu.memory_space<hbm>> -> memref<5x128xf32, #tpu.memory_space<hbm>>
    %dma_wait3A_165 = arith.constant 0 : i32
    %dma_wait3A_166 = arith.constant 0 : i32
    %dma_wait3A_167 = tpu.memref_slice %arg12[%dma_wait3A_158, %dma_wait3A_165, %dma_wait3A_166] : memref<3x5x128xf32, #tpu.memory_space<vmem>> -> memref<1x5x128xf32, #tpu.memory_space<vmem>>
    %dma_wait3A_168 = tpu.memref_squeeze %dma_wait3A_167 : memref<1x5x128xf32, #tpu.memory_space<vmem>> -> memref<5x128xf32, #tpu.memory_space<vmem>>
    %dma_wait3A_169 = arith.constant 0 : i32
    %dma_wait3A_170 = tpu.memref_slice %arg5[%add3A_119, %dma_wait3A_169] : memref<6400x128xf32, #tpu.memory_space<hbm>> -> memref<5x128xf32, #tpu.memory_space<hbm>>
    tpu.wait_dma2 semaphore(%arg19 : memref<!tpu.dma_semaphore, #tpu.memory_space<semaphore_mem>>) src(%dma_wait3A_170 : memref<5x128xf32, #tpu.memory_space<hbm>>) dst(%dma_wait3A_168 : memref<5x128xf32, #tpu.memory_space<vmem>>)
    %scan3A_171 = arith.constant 0 : i32
    %scan3A_172 = arith.constant 0 : i32
    %scan3A_173 = arith.constant 40 : i32
    %scan3A_174 = arith.addi %scan3A_172, %scan3A_173 : i32
    %scan3A_175 = arith.constant 1 : i32
    %scan3A_176 = scf.for %scan3A_483 = %scan3A_172 to %scan3A_174 step %scan3A_175 iter_args(%scan3A_484 = %scan3A_171) -> (i32)  : i32 {
      %shift_right_arithmetic3A = arith.constant 3 : i32
      %shift_right_arithmetic3A_485 = arith.shrsi %scan3A_483, %shift_right_arithmetic3A : i32
      %and3A = arith.constant 7 : i32
      %and3A_486 = arith.andi %scan3A_483, %and3A : i32
      %mul3A_487 = arith.constant 16 : i32
      %mul3A_488 = arith.muli %and3A_486, %mul3A_487 : i32
      %get3A = arith.constant 0 : i32
      %get3A_489 = arith.index_cast %get3A : i32 to index
      %get3A_490 = arith.index_cast %shift_right_arithmetic3A_485 : i32 to index
      %get3A_491 = arith.index_cast %mul3A_488 : i32 to index
      %get3A_492 = tpu.vector_load %arg9[%get3A_489, %get3A_490, %get3A_491] {strides = array<i32>} : memref<3x5x128xi32, #tpu.memory_space<vmem>>, vector<1x1x16xi32>,
      %get3A_493 = vector.shape_cast %get3A_492 : vector<1x1x16xi32> to vector<16xi32>
      %and3A_494 = arith.constant -8192 : i32
      %and3A_495 = vector.broadcast %and3A_494 : i32 to vector<16xi32>
      %and3A_496 = arith.andi %get3A_493, %and3A_495 : vector<16xi32>
      %and3A_497 = arith.constant 4095 : i32
      %and3A_498 = vector.broadcast %and3A_497 : i32 to vector<16xi32>
      %and3A_499 = arith.andi %get3A_493, %and3A_498 : vector<16xi32>
      %shift_left3A = arith.constant 1 : i32
      %shift_left3A_500 = vector.broadcast %shift_left3A : i32 to vector<16xi32>
      %shift_left3A_501 = arith.shli %and3A_499, %shift_left3A_500 : vector<16xi32>
      %add3A_502 = arith.addi %and3A_496, %shift_left3A_501 : vector<16xi32>
      %and3A_503 = arith.constant 8191 : i32
      %and3A_504 = vector.broadcast %and3A_503 : i32 to vector<16xi32>
      %and3A_505 = arith.andi %get3A_493, %and3A_504 : vector<16xi32>
      %shift_right_arithmetic3A_506 = arith.constant 12 : i32
      %shift_right_arithmetic3A_507 = vector.broadcast %shift_right_arithmetic3A_506 : i32 to vector<16xi32>
      %shift_right_arithmetic3A_508 = arith.shrsi %and3A_505, %shift_right_arithmetic3A_507 : vector<16xi32>
      %add3A_509 = arith.addi %add3A_502, %shift_right_arithmetic3A_508 : vector<16xi32>
      %swap3A = arith.index_cast %shift_right_arithmetic3A_485 : i32 to index
      %swap3A_510 = arith.index_cast %mul3A_488 : i32 to index
      %swap3A_511 = tpu.vector_load %arg15[%swap3A, %swap3A_510] {strides = array<i32>} : memref<5x128xi32, #tpu.memory_space<vmem>>, vector<1x16xi32>,
      %swap3A_512 = vector.shape_cast %swap3A_511 : vector<1x16xi32> to vector<16xi32>
      %swap3A_513 = vector.shape_cast %add3A_509 : vector<16xi32> to vector<1x16xi32>
      tpu.vector_store %arg15[%swap3A, %swap3A_510], %swap3A_513 {strides = array<i32>} : memref<5x128xi32, #tpu.memory_space<vmem>>, vector<1x16xi32>,
      %scan3A_514 = arith.constant 0 : i32
      scf.yield %scan3A_514 : i32
    }
    %scan3A_177 = arith.constant 40 : i32
    %dma_start3A_178 = arith.constant 0 : i32
    %dma_start3A_179 = arith.constant 0 : i32
    %dma_start3A_180 = arith.constant 0 : i32
    %dma_start3A_181 = arith.constant 0 : i32
    %dma_start3A_182 = tpu.memref_slice %arg16[%dma_start3A_179, %dma_start3A_180, %dma_start3A_181] : memref<2x640x64xf32, #tpu.memory_space<vmem>> -> memref<1x640x64xf32, #tpu.memory_space<vmem>>
    %dma_start3A_183 = tpu.memref_squeeze %dma_start3A_182 : memref<1x640x64xf32, #tpu.memory_space<vmem>> -> memref<640x64xf32, #tpu.memory_space<vmem>>
    %dma_start3A_184 = arith.constant 0 : i32
    %dma_start3A_185 = arith.constant 0 : i32
    %dma_start3A_186 = tpu.memref_slice %dma_start3A_183[%dma_start3A_184, %dma_start3A_185] : memref<640x64xf32, #tpu.memory_space<vmem>> -> memref<128x64xf32, #tpu.memory_space<vmem>>
    %dma_start3A_187 = arith.constant 0 : i32
    %dma_start3A_188 = tpu.memref_slice %arg15[%dma_start3A_178, %dma_start3A_187] : memref<5x128xi32, #tpu.memory_space<vmem>> -> memref<1x128xi32, #tpu.memory_space<vmem>>
    %dma_start3A_189 = tpu.memref_squeeze %dma_start3A_188 : memref<1x128xi32, #tpu.memory_space<vmem>> -> memref<128xi32, #tpu.memory_space<vmem>>
    %dma_start3A_190 = arith.constant 0 : i32
    %dma_start3A_191 = arith.constant 0 : i32
    %dma_start3A_192 = tpu.memref_slice %arg7[%dma_start3A_190, %dma_start3A_191] : memref<1007616x64xf32, #tpu.memory_space<hbm>> -> memref<1007616x64xf32, #tpu.memory_space<hbm>>
    tpu.enqueue_indirect_dma source(%dma_start3A_192 : memref<1007616x64xf32, #tpu.memory_space<hbm>>) target(%dma_start3A_186 : memref<128x64xf32, #tpu.memory_space<vmem>>) offsets(%dma_start3A_189 : memref<128xi32, #tpu.memory_space<vmem>>) semaphore(%arg20 : memref<!tpu.dma_semaphore, #tpu.memory_space<semaphore_mem>>)
    %dma_start3A_193 = arith.constant 0 : i32
    %dma_start3A_194 = arith.constant 0 : i32
    %dma_start3A_195 = arith.constant 0 : i32
    %dma_start3A_196 = arith.constant 0 : i32
    %dma_start3A_197 = arith.constant 0 : i32
    %dma_start3A_198 = arith.constant 0 : i32
    %dma_start3A_199 = tpu.memref_slice %arg13[%dma_start3A_195, %dma_start3A_197, %dma_start3A_198] : memref<2x5x128xf32, #tpu.memory_space<vmem>> -> memref<1x5x128xf32, #tpu.memory_space<vmem>>
    %dma_start3A_200 = tpu.memref_squeeze %dma_start3A_199 : memref<1x5x128xf32, #tpu.memory_space<vmem>> -> memref<5x128xf32, #tpu.memory_space<vmem>>
    %dma_start3A_201 = arith.constant 0 : i32
    %dma_start3A_202 = tpu.memref_slice %dma_start3A_200[%dma_start3A_196, %dma_start3A_201] : memref<5x128xf32, #tpu.memory_space<vmem>> -> memref<1x128xf32, #tpu.memory_space<vmem>>
    %dma_start3A_203 = tpu.memref_squeeze %dma_start3A_202 : memref<1x128xf32, #tpu.memory_space<vmem>> -> memref<128xf32, #tpu.memory_space<vmem>>
    %dma_start3A_204 = arith.constant 0 : i32
    %dma_start3A_205 = arith.constant 0 : i32
    %dma_start3A_206 = tpu.memref_slice %arg9[%dma_start3A_193, %dma_start3A_204, %dma_start3A_205] : memref<3x5x128xi32, #tpu.memory_space<vmem>> -> memref<1x5x128xi32, #tpu.memory_space<vmem>>
    %dma_start3A_207 = tpu.memref_squeeze %dma_start3A_206 : memref<1x5x128xi32, #tpu.memory_space<vmem>> -> memref<5x128xi32, #tpu.memory_space<vmem>>
    %dma_start3A_208 = arith.constant 0 : i32
    %dma_start3A_209 = tpu.memref_slice %dma_start3A_207[%dma_start3A_194, %dma_start3A_208] : memref<5x128xi32, #tpu.memory_space<vmem>> -> memref<1x128xi32, #tpu.memory_space<vmem>>
    %dma_start3A_210 = tpu.memref_squeeze %dma_start3A_209 : memref<1x128xi32, #tpu.memory_space<vmem>> -> memref<128xi32, #tpu.memory_space<vmem>>
    %dma_start3A_211 = arith.constant 0 : i32
    %dma_start3A_212 = tpu.memref_slice %arg6[%dma_start3A_211] : memref<1048576xf32, #tpu.memory_space<hbm>> -> memref<1048576xf32, #tpu.memory_space<hbm>>
    tpu.enqueue_indirect_dma source(%dma_start3A_212 : memref<1048576xf32, #tpu.memory_space<hbm>>) target(%dma_start3A_203 : memref<128xf32, #tpu.memory_space<vmem>>) offsets(%dma_start3A_210 : memref<128xi32, #tpu.memory_space<vmem>>) semaphore(%arg20 : memref<!tpu.dma_semaphore, #tpu.memory_space<semaphore_mem>>)
    %dma_start3A_213 = arith.constant 1 : i32
    %dma_start3A_214 = arith.constant 0 : i32
    %dma_start3A_215 = arith.constant 0 : i32
    %dma_start3A_216 = arith.constant 0 : i32
    %dma_start3A_217 = tpu.memref_slice %arg16[%dma_start3A_214, %dma_start3A_215, %dma_start3A_216] : memref<2x640x64xf32, #tpu.memory_space<vmem>> -> memref<1x640x64xf32, #tpu.memory_space<vmem>>
    %dma_start3A_218 = tpu.memref_squeeze %dma_start3A_217 : memref<1x640x64xf32, #tpu.memory_space<vmem>> -> memref<640x64xf32, #tpu.memory_space<vmem>>
    %dma_start3A_219 = arith.constant 128 : i32
    %dma_start3A_220 = arith.constant 0 : i32
    %dma_start3A_221 = tpu.memref_slice %dma_start3A_218[%dma_start3A_219, %dma_start3A_220] : memref<640x64xf32, #tpu.memory_space<vmem>> -> memref<128x64xf32, #tpu.memory_space<vmem>>
    %dma_start3A_222 = arith.constant 0 : i32
    %dma_start3A_223 = tpu.memref_slice %arg15[%dma_start3A_213, %dma_start3A_222] : memref<5x128xi32, #tpu.memory_space<vmem>> -> memref<1x128xi32, #tpu.memory_space<vmem>>
    %dma_start3A_224 = tpu.memref_squeeze %dma_start3A_223 : memref<1x128xi32, #tpu.memory_space<vmem>> -> memref<128xi32, #tpu.memory_space<vmem>>
    %dma_start3A_225 = arith.constant 0 : i32
    %dma_start3A_226 = arith.constant 0 : i32
    %dma_start3A_227 = tpu.memref_slice %arg7[%dma_start3A_225, %dma_start3A_226] : memref<1007616x64xf32, #tpu.memory_space<hbm>> -> memref<1007616x64xf32, #tpu.memory_space<hbm>>
    tpu.enqueue_indirect_dma source(%dma_start3A_227 : memref<1007616x64xf32, #tpu.memory_space<hbm>>) target(%dma_start3A_221 : memref<128x64xf32, #tpu.memory_space<vmem>>) offsets(%dma_start3A_224 : memref<128xi32, #tpu.memory_space<vmem>>) semaphore(%arg20 : memref<!tpu.dma_semaphore, #tpu.memory_space<semaphore_mem>>)
    %dma_start3A_228 = arith.constant 0 : i32
    %dma_start3A_229 = arith.constant 1 : i32
    %dma_start3A_230 = arith.constant 0 : i32
    %dma_start3A_231 = arith.constant 1 : i32
    %dma_start3A_232 = arith.constant 0 : i32
    %dma_start3A_233 = arith.constant 0 : i32
    %dma_start3A_234 = tpu.memref_slice %arg13[%dma_start3A_230, %dma_start3A_232, %dma_start3A_233] : memref<2x5x128xf32, #tpu.memory_space<vmem>> -> memref<1x5x128xf32, #tpu.memory_space<vmem>>
    %dma_start3A_235 = tpu.memref_squeeze %dma_start3A_234 : memref<1x5x128xf32, #tpu.memory_space<vmem>> -> memref<5x128xf32, #tpu.memory_space<vmem>>
    %dma_start3A_236 = arith.constant 0 : i32
    %dma_start3A_237 = tpu.memref_slice %dma_start3A_235[%dma_start3A_231, %dma_start3A_236] : memref<5x128xf32, #tpu.memory_space<vmem>> -> memref<1x128xf32, #tpu.memory_space<vmem>>
    %dma_start3A_238 = tpu.memref_squeeze %dma_start3A_237 : memref<1x128xf32, #tpu.memory_space<vmem>> -> memref<128xf32, #tpu.memory_space<vmem>>
    %dma_start3A_239 = arith.constant 0 : i32
    %dma_start3A_240 = arith.constant 0 : i32
    %dma_start3A_241 = tpu.memref_slice %arg9[%dma_start3A_228, %dma_start3A_239, %dma_start3A_240] : memref<3x5x128xi32, #tpu.memory_space<vmem>> -> memref<1x5x128xi32, #tpu.memory_space<vmem>>
    %dma_start3A_242 = tpu.memref_squeeze %dma_start3A_241 : memref<1x5x128xi32, #tpu.memory_space<vmem>> -> memref<5x128xi32, #tpu.memory_space<vmem>>
    %dma_start3A_243 = arith.constant 0 : i32
    %dma_start3A_244 = tpu.memref_slice %dma_start3A_242[%dma_start3A_229, %dma_start3A_243] : memref<5x128xi32, #tpu.memory_space<vmem>> -> memref<1x128xi32, #tpu.memory_space<vmem>>
    %dma_start3A_245 = tpu.memref_squeeze %dma_start3A_244 : memref<1x128xi32, #tpu.memory_space<vmem>> -> memref<128xi32, #tpu.memory_space<vmem>>
    %dma_start3A_246 = arith.constant 0 : i32
    %dma_start3A_247 = tpu.memref_slice %arg6[%dma_start3A_246] : memref<1048576xf32, #tpu.memory_space<hbm>> -> memref<1048576xf32, #tpu.memory_space<hbm>>
    tpu.enqueue_indirect_dma source(%dma_start3A_247 : memref<1048576xf32, #tpu.memory_space<hbm>>) target(%dma_start3A_238 : memref<128xf32, #tpu.memory_space<vmem>>) offsets(%dma_start3A_245 : memref<128xi32, #tpu.memory_space<vmem>>) semaphore(%arg20 : memref<!tpu.dma_semaphore, #tpu.memory_space<semaphore_mem>>)
    %dma_start3A_248 = arith.constant 2 : i32
    %dma_start3A_249 = arith.constant 0 : i32
    %dma_start3A_250 = arith.constant 0 : i32
    %dma_start3A_251 = arith.constant 0 : i32
    %dma_start3A_252 = tpu.memref_slice %arg16[%dma_start3A_249, %dma_start3A_250, %dma_start3A_251] : memref<2x640x64xf32, #tpu.memory_space<vmem>> -> memref<1x640x64xf32, #tpu.memory_space<vmem>>
    %dma_start3A_253 = tpu.memref_squeeze %dma_start3A_252 : memref<1x640x64xf32, #tpu.memory_space<vmem>> -> memref<640x64xf32, #tpu.memory_space<vmem>>
    %dma_start3A_254 = arith.constant 256 : i32
    %dma_start3A_255 = arith.constant 0 : i32
    %dma_start3A_256 = tpu.memref_slice %dma_start3A_253[%dma_start3A_254, %dma_start3A_255] : memref<640x64xf32, #tpu.memory_space<vmem>> -> memref<128x64xf32, #tpu.memory_space<vmem>>
    %dma_start3A_257 = arith.constant 0 : i32
    %dma_start3A_258 = tpu.memref_slice %arg15[%dma_start3A_248, %dma_start3A_257] : memref<5x128xi32, #tpu.memory_space<vmem>> -> memref<1x128xi32, #tpu.memory_space<vmem>>
    %dma_start3A_259 = tpu.memref_squeeze %dma_start3A_258 : memref<1x128xi32, #tpu.memory_space<vmem>> -> memref<128xi32, #tpu.memory_space<vmem>>
    %dma_start3A_260 = arith.constant 0 : i32
    %dma_start3A_261 = arith.constant 0 : i32
    %dma_start3A_262 = tpu.memref_slice %arg7[%dma_start3A_260, %dma_start3A_261] : memref<1007616x64xf32, #tpu.memory_space<hbm>> -> memref<1007616x64xf32, #tpu.memory_space<hbm>>
    tpu.enqueue_indirect_dma source(%dma_start3A_262 : memref<1007616x64xf32, #tpu.memory_space<hbm>>) target(%dma_start3A_256 : memref<128x64xf32, #tpu.memory_space<vmem>>) offsets(%dma_start3A_259 : memref<128xi32, #tpu.memory_space<vmem>>) semaphore(%arg20 : memref<!tpu.dma_semaphore, #tpu.memory_space<semaphore_mem>>)
    %dma_start3A_263 = arith.constant 0 : i32
    %dma_start3A_264 = arith.constant 2 : i32
    %dma_start3A_265 = arith.constant 0 : i32
    %dma_start3A_266 = arith.constant 2 : i32
    %dma_start3A_267 = arith.constant 0 : i32
    %dma_start3A_268 = arith.constant 0 : i32
    %dma_start3A_269 = tpu.memref_slice %arg13[%dma_start3A_265, %dma_start3A_267, %dma_start3A_268] : memref<2x5x128xf32, #tpu.memory_space<vmem>> -> memref<1x5x128xf32, #tpu.memory_space<vmem>>
    %dma_start3A_270 = tpu.memref_squeeze %dma_start3A_269 : memref<1x5x128xf32, #tpu.memory_space<vmem>> -> memref<5x128xf32, #tpu.memory_space<vmem>>
    %dma_start3A_271 = arith.constant 0 : i32
    %dma_start3A_272 = tpu.memref_slice %dma_start3A_270[%dma_start3A_266, %dma_start3A_271] : memref<5x128xf32, #tpu.memory_space<vmem>> -> memref<1x128xf32, #tpu.memory_space<vmem>>
    %dma_start3A_273 = tpu.memref_squeeze %dma_start3A_272 : memref<1x128xf32, #tpu.memory_space<vmem>> -> memref<128xf32, #tpu.memory_space<vmem>>
    %dma_start3A_274 = arith.constant 0 : i32
    %dma_start3A_275 = arith.constant 0 : i32
    %dma_start3A_276 = tpu.memref_slice %arg9[%dma_start3A_263, %dma_start3A_274, %dma_start3A_275] : memref<3x5x128xi32, #tpu.memory_space<vmem>> -> memref<1x5x128xi32, #tpu.memory_space<vmem>>
    %dma_start3A_277 = tpu.memref_squeeze %dma_start3A_276 : memref<1x5x128xi32, #tpu.memory_space<vmem>> -> memref<5x128xi32, #tpu.memory_space<vmem>>
    %dma_start3A_278 = arith.constant 0 : i32
    %dma_start3A_279 = tpu.memref_slice %dma_start3A_277[%dma_start3A_264, %dma_start3A_278] : memref<5x128xi32, #tpu.memory_space<vmem>> -> memref<1x128xi32, #tpu.memory_space<vmem>>
    %dma_start3A_280 = tpu.memref_squeeze %dma_start3A_279 : memref<1x128xi32, #tpu.memory_space<vmem>> -> memref<128xi32, #tpu.memory_space<vmem>>
    %dma_start3A_281 = arith.constant 0 : i32
    %dma_start3A_282 = tpu.memref_slice %arg6[%dma_start3A_281] : memref<1048576xf32, #tpu.memory_space<hbm>> -> memref<1048576xf32, #tpu.memory_space<hbm>>
    tpu.enqueue_indirect_dma source(%dma_start3A_282 : memref<1048576xf32, #tpu.memory_space<hbm>>) target(%dma_start3A_273 : memref<128xf32, #tpu.memory_space<vmem>>) offsets(%dma_start3A_280 : memref<128xi32, #tpu.memory_space<vmem>>) semaphore(%arg20 : memref<!tpu.dma_semaphore, #tpu.memory_space<semaphore_mem>>)
    %dma_start3A_283 = arith.constant 3 : i32
    %dma_start3A_284 = arith.constant 0 : i32
    %dma_start3A_285 = arith.constant 0 : i32
    %dma_start3A_286 = arith.constant 0 : i32
    %dma_start3A_287 = tpu.memref_slice %arg16[%dma_start3A_284, %dma_start3A_285, %dma_start3A_286] : memref<2x640x64xf32, #tpu.memory_space<vmem>> -> memref<1x640x64xf32, #tpu.memory_space<vmem>>
    %dma_start3A_288 = tpu.memref_squeeze %dma_start3A_287 : memref<1x640x64xf32, #tpu.memory_space<vmem>> -> memref<640x64xf32, #tpu.memory_space<vmem>>
    %dma_start3A_289 = arith.constant 384 : i32
    %dma_start3A_290 = arith.constant 0 : i32
    %dma_start3A_291 = tpu.memref_slice %dma_start3A_288[%dma_start3A_289, %dma_start3A_290] : memref<640x64xf32, #tpu.memory_space<vmem>> -> memref<128x64xf32, #tpu.memory_space<vmem>>
    %dma_start3A_292 = arith.constant 0 : i32
    %dma_start3A_293 = tpu.memref_slice %arg15[%dma_start3A_283, %dma_start3A_292] : memref<5x128xi32, #tpu.memory_space<vmem>> -> memref<1x128xi32, #tpu.memory_space<vmem>>
    %dma_start3A_294 = tpu.memref_squeeze %dma_start3A_293 : memref<1x128xi32, #tpu.memory_space<vmem>> -> memref<128xi32, #tpu.memory_space<vmem>>
    %dma_start3A_295 = arith.constant 0 : i32
    %dma_start3A_296 = arith.constant 0 : i32
    %dma_start3A_297 = tpu.memref_slice %arg7[%dma_start3A_295, %dma_start3A_296] : memref<1007616x64xf32, #tpu.memory_space<hbm>> -> memref<1007616x64xf32, #tpu.memory_space<hbm>>
    tpu.enqueue_indirect_dma source(%dma_start3A_297 : memref<1007616x64xf32, #tpu.memory_space<hbm>>) target(%dma_start3A_291 : memref<128x64xf32, #tpu.memory_space<vmem>>) offsets(%dma_start3A_294 : memref<128xi32, #tpu.memory_space<vmem>>) semaphore(%arg20 : memref<!tpu.dma_semaphore, #tpu.memory_space<semaphore_mem>>)
    %dma_start3A_298 = arith.constant 0 : i32
    %dma_start3A_299 = arith.constant 3 : i32
    %dma_start3A_300 = arith.constant 0 : i32
    %dma_start3A_301 = arith.constant 3 : i32
    %dma_start3A_302 = arith.constant 0 : i32
    %dma_start3A_303 = arith.constant 0 : i32
    %dma_start3A_304 = tpu.memref_slice %arg13[%dma_start3A_300, %dma_start3A_302, %dma_start3A_303] : memref<2x5x128xf32, #tpu.memory_space<vmem>> -> memref<1x5x128xf32, #tpu.memory_space<vmem>>
    %dma_start3A_305 = tpu.memref_squeeze %dma_start3A_304 : memref<1x5x128xf32, #tpu.memory_space<vmem>> -> memref<5x128xf32, #tpu.memory_space<vmem>>
    %dma_start3A_306 = arith.constant 0 : i32
    %dma_start3A_307 = tpu.memref_slice %dma_start3A_305[%dma_start3A_301, %dma_start3A_306] : memref<5x128xf32, #tpu.memory_space<vmem>> -> memref<1x128xf32, #tpu.memory_space<vmem>>
    %dma_start3A_308 = tpu.memref_squeeze %dma_start3A_307 : memref<1x128xf32, #tpu.memory_space<vmem>> -> memref<128xf32, #tpu.memory_space<vmem>>
    %dma_start3A_309 = arith.constant 0 : i32
    %dma_start3A_310 = arith.constant 0 : i32
    %dma_start3A_311 = tpu.memref_slice %arg9[%dma_start3A_298, %dma_start3A_309, %dma_start3A_310] : memref<3x5x128xi32, #tpu.memory_space<vmem>> -> memref<1x5x128xi32, #tpu.memory_space<vmem>>
    %dma_start3A_312 = tpu.memref_squeeze %dma_start3A_311 : memref<1x5x128xi32, #tpu.memory_space<vmem>> -> memref<5x128xi32, #tpu.memory_space<vmem>>
    %dma_start3A_313 = arith.constant 0 : i32
    %dma_start3A_314 = tpu.memref_slice %dma_start3A_312[%dma_start3A_299, %dma_start3A_313] : memref<5x128xi32, #tpu.memory_space<vmem>> -> memref<1x128xi32, #tpu.memory_space<vmem>>
    %dma_start3A_315 = tpu.memref_squeeze %dma_start3A_314 : memref<1x128xi32, #tpu.memory_space<vmem>> -> memref<128xi32, #tpu.memory_space<vmem>>
    %dma_start3A_316 = arith.constant 0 : i32
    %dma_start3A_317 = tpu.memref_slice %arg6[%dma_start3A_316] : memref<1048576xf32, #tpu.memory_space<hbm>> -> memref<1048576xf32, #tpu.memory_space<hbm>>
    tpu.enqueue_indirect_dma source(%dma_start3A_317 : memref<1048576xf32, #tpu.memory_space<hbm>>) target(%dma_start3A_308 : memref<128xf32, #tpu.memory_space<vmem>>) offsets(%dma_start3A_315 : memref<128xi32, #tpu.memory_space<vmem>>) semaphore(%arg20 : memref<!tpu.dma_semaphore, #tpu.memory_space<semaphore_mem>>)
    %dma_start3A_318 = arith.constant 4 : i32
    %dma_start3A_319 = arith.constant 0 : i32
    %dma_start3A_320 = arith.constant 0 : i32
    %dma_start3A_321 = arith.constant 0 : i32
    %dma_start3A_322 = tpu.memref_slice %arg16[%dma_start3A_319, %dma_start3A_320, %dma_start3A_321] : memref<2x640x64xf32, #tpu.memory_space<vmem>> -> memref<1x640x64xf32, #tpu.memory_space<vmem>>
    %dma_start3A_323 = tpu.memref_squeeze %dma_start3A_322 : memref<1x640x64xf32, #tpu.memory_space<vmem>> -> memref<640x64xf32, #tpu.memory_space<vmem>>
    %dma_start3A_324 = arith.constant 512 : i32
    %dma_start3A_325 = arith.constant 0 : i32
    %dma_start3A_326 = tpu.memref_slice %dma_start3A_323[%dma_start3A_324, %dma_start3A_325] : memref<640x64xf32, #tpu.memory_space<vmem>> -> memref<128x64xf32, #tpu.memory_space<vmem>>
    %dma_start3A_327 = arith.constant 0 : i32
    %dma_start3A_328 = tpu.memref_slice %arg15[%dma_start3A_318, %dma_start3A_327] : memref<5x128xi32, #tpu.memory_space<vmem>> -> memref<1x128xi32, #tpu.memory_space<vmem>>
    %dma_start3A_329 = tpu.memref_squeeze %dma_start3A_328 : memref<1x128xi32, #tpu.memory_space<vmem>> -> memref<128xi32, #tpu.memory_space<vmem>>
    %dma_start3A_330 = arith.constant 0 : i32
    %dma_start3A_331 = arith.constant 0 : i32
    %dma_start3A_332 = tpu.memref_slice %arg7[%dma_start3A_330, %dma_start3A_331] : memref<1007616x64xf32, #tpu.memory_space<hbm>> -> memref<1007616x64xf32, #tpu.memory_space<hbm>>
    tpu.enqueue_indirect_dma source(%dma_start3A_332 : memref<1007616x64xf32, #tpu.memory_space<hbm>>) target(%dma_start3A_326 : memref<128x64xf32, #tpu.memory_space<vmem>>) offsets(%dma_start3A_329 : memref<128xi32, #tpu.memory_space<vmem>>) semaphore(%arg20 : memref<!tpu.dma_semaphore, #tpu.memory_space<semaphore_mem>>)
    %dma_start3A_333 = arith.constant 0 : i32
    %dma_start3A_334 = arith.constant 4 : i32
    %dma_start3A_335 = arith.constant 0 : i32
    %dma_start3A_336 = arith.constant 4 : i32
    %dma_start3A_337 = arith.constant 0 : i32
    %dma_start3A_338 = arith.constant 0 : i32
    %dma_start3A_339 = tpu.memref_slice %arg13[%dma_start3A_335, %dma_start3A_337, %dma_start3A_338] : memref<2x5x128xf32, #tpu.memory_space<vmem>> -> memref<1x5x128xf32, #tpu.memory_space<vmem>>
    %dma_start3A_340 = tpu.memref_squeeze %dma_start3A_339 : memref<1x5x128xf32, #tpu.memory_space<vmem>> -> memref<5x128xf32, #tpu.memory_space<vmem>>
    %dma_start3A_341 = arith.constant 0 : i32
    %dma_start3A_342 = tpu.memref_slice %dma_start3A_340[%dma_start3A_336, %dma_start3A_341] : memref<5x128xf32, #tpu.memory_space<vmem>> -> memref<1x128xf32, #tpu.memory_space<vmem>>
    %dma_start3A_343 = tpu.memref_squeeze %dma_start3A_342 : memref<1x128xf32, #tpu.memory_space<vmem>> -> memref<128xf32, #tpu.memory_space<vmem>>
    %dma_start3A_344 = arith.constant 0 : i32
    %dma_start3A_345 = arith.constant 0 : i32
    %dma_start3A_346 = tpu.memref_slice %arg9[%dma_start3A_333, %dma_start3A_344, %dma_start3A_345] : memref<3x5x128xi32, #tpu.memory_space<vmem>> -> memref<1x5x128xi32, #tpu.memory_space<vmem>>
    %dma_start3A_347 = tpu.memref_squeeze %dma_start3A_346 : memref<1x5x128xi32, #tpu.memory_space<vmem>> -> memref<5x128xi32, #tpu.memory_space<vmem>>
    %dma_start3A_348 = arith.constant 0 : i32
    %dma_start3A_349 = tpu.memref_slice %dma_start3A_347[%dma_start3A_334, %dma_start3A_348] : memref<5x128xi32, #tpu.memory_space<vmem>> -> memref<1x128xi32, #tpu.memory_space<vmem>>
    %dma_start3A_350 = tpu.memref_squeeze %dma_start3A_349 : memref<1x128xi32, #tpu.memory_space<vmem>> -> memref<128xi32, #tpu.memory_space<vmem>>
    %dma_start3A_351 = arith.constant 0 : i32
    %dma_start3A_352 = tpu.memref_slice %arg6[%dma_start3A_351] : memref<1048576xf32, #tpu.memory_space<hbm>> -> memref<1048576xf32, #tpu.memory_space<hbm>>
    tpu.enqueue_indirect_dma source(%dma_start3A_352 : memref<1048576xf32, #tpu.memory_space<hbm>>) target(%dma_start3A_343 : memref<128xf32, #tpu.memory_space<vmem>>) offsets(%dma_start3A_350 : memref<128xi32, #tpu.memory_space<vmem>>) semaphore(%arg20 : memref<!tpu.dma_semaphore, #tpu.memory_space<semaphore_mem>>)
    %scan3A_353 = arith.constant 0 : i32
    %scan3A_354 = arith.constant 0 : i32
    %scan3A_355 = arith.constant 40 : i32
    %scan3A_356 = arith.addi %scan3A_354, %scan3A_355 : i32
    %scan3A_357 = arith.constant 1 : i32
    %scan3A_358 = scf.for %scan3A_483 = %scan3A_354 to %scan3A_356 step %scan3A_357 iter_args(%scan3A_484 = %scan3A_353) -> (i32)  : i32 {
      %jit3A = arith.constant 2 : i32
      %eq3A = arith.constant 0 : i32
      %eq3A_485 = arith.cmpi eq, %jit3A, %eq3A : i32
      %jit3A_486 = arith.constant 1 : i32
      %select_n3A = arith.select %eq3A_485, %jit3A_486, %jit3A : i32
      %rem3A = arith.remsi %scan3A_483, %select_n3A : i32
      %ne3A = arith.constant 0 : i32
      %ne3A_487 = arith.cmpi ne, %rem3A, %ne3A : i32
      %lt3A = arith.constant 0 : i32
      %lt3A_488 = arith.cmpi slt, %rem3A, %lt3A : i32
      %lt3A_489 = arith.constant 0 : i32
      %lt3A_490 = arith.cmpi slt, %select_n3A, %lt3A_489 : i32
      %ne3A_491 = arith.xori %lt3A_488, %lt3A_490 : i1
      %and3A = arith.andi %ne3A_491, %ne3A_487 : i1
      %add3A_492 = arith.addi %rem3A, %select_n3A : i32
      %select_n3A_493 = arith.select %and3A, %add3A_492, %rem3A : i32
      %jit3A_494 = arith.constant 3 : i32
      %eq3A_495 = arith.constant 0 : i32
      %eq3A_496 = arith.cmpi eq, %jit3A_494, %eq3A_495 : i32
      %jit3A_497 = arith.constant 1 : i32
      %select_n3A_498 = arith.select %eq3A_496, %jit3A_497, %jit3A_494 : i32
      %rem3A_499 = arith.remsi %scan3A_483, %select_n3A_498 : i32
      %ne3A_500 = arith.constant 0 : i32
      %ne3A_501 = arith.cmpi ne, %rem3A_499, %ne3A_500 : i32
      %lt3A_502 = arith.constant 0 : i32
      %lt3A_503 = arith.cmpi slt, %rem3A_499, %lt3A_502 : i32
      %lt3A_504 = arith.constant 0 : i32
      %lt3A_505 = arith.cmpi slt, %select_n3A_498, %lt3A_504 : i32
      %ne3A_506 = arith.xori %lt3A_503, %lt3A_505 : i1
      %and3A_507 = arith.andi %ne3A_506, %ne3A_501 : i1
      %add3A_508 = arith.addi %rem3A_499, %select_n3A_498 : i32
      %select_n3A_509 = arith.select %and3A_507, %add3A_508, %rem3A_499 : i32
      %jit3A_510 = arith.constant 3 : i32
      %eq3A_511 = arith.constant 0 : i32
      %eq3A_512 = arith.cmpi eq, %jit3A_510, %eq3A_511 : i32
      %jit3A_513 = arith.constant 1 : i32
      %select_n3A_514 = arith.select %eq3A_512, %jit3A_513, %jit3A_510 : i32
      %rem3A_515 = arith.remsi %scan3A_483, %select_n3A_514 : i32
      %ne3A_516 = arith.constant 0 : i32
      %ne3A_517 = arith.cmpi ne, %rem3A_515, %ne3A_516 : i32
      %lt3A_518 = arith.constant 0 : i32
      %lt3A_519 = arith.cmpi slt, %rem3A_515, %lt3A_518 : i32
      %lt3A_520 = arith.constant 0 : i32
      %lt3A_521 = arith.cmpi slt, %select_n3A_514, %lt3A_520 : i32
      %ne3A_522 = arith.xori %lt3A_519, %lt3A_521 : i1
      %and3A_523 = arith.andi %ne3A_522, %ne3A_517 : i1
      %add3A_524 = arith.addi %rem3A_515, %select_n3A_514 : i32
      %select_n3A_525 = arith.select %and3A_523, %add3A_524, %rem3A_515 : i32
      %jit3A_526 = arith.constant 2 : i32
      %eq3A_527 = arith.constant 0 : i32
      %eq3A_528 = arith.cmpi eq, %jit3A_526, %eq3A_527 : i32
      %jit3A_529 = arith.constant 1 : i32
      %select_n3A_530 = arith.select %eq3A_528, %jit3A_529, %jit3A_526 : i32
      %rem3A_531 = arith.remsi %scan3A_483, %select_n3A_530 : i32
      %ne3A_532 = arith.constant 0 : i32
      %ne3A_533 = arith.cmpi ne, %rem3A_531, %ne3A_532 : i32
      %lt3A_534 = arith.constant 0 : i32
      %lt3A_535 = arith.cmpi slt, %rem3A_531, %lt3A_534 : i32
      %lt3A_536 = arith.constant 0 : i32
      %lt3A_537 = arith.cmpi slt, %select_n3A_530, %lt3A_536 : i32
      %ne3A_538 = arith.xori %lt3A_535, %lt3A_537 : i1
      %and3A_539 = arith.andi %ne3A_538, %ne3A_533 : i1
      %add3A_540 = arith.addi %rem3A_531, %select_n3A_530 : i32
      %select_n3A_541 = arith.select %and3A_539, %add3A_540, %rem3A_531 : i32
      %dma_wait3A_542 = arith.constant 0 : i32
      %dma_wait3A_543 = arith.constant 0 : i32
      %dma_wait3A_544 = arith.constant 0 : i32
      %dma_wait3A_545 = tpu.memref_slice %arg16[%select_n3A_541, %dma_wait3A_543, %dma_wait3A_544] : memref<2x640x64xf32, #tpu.memory_space<vmem>> -> memref<1x640x64xf32, #tpu.memory_space<vmem>>
      %dma_wait3A_546 = tpu.memref_squeeze %dma_wait3A_545 : memref<1x640x64xf32, #tpu.memory_space<vmem>> -> memref<640x64xf32, #tpu.memory_space<vmem>>
      %dma_wait3A_547 = arith.constant 0 : i32
      %dma_wait3A_548 = arith.constant 0 : i32
      %dma_wait3A_549 = tpu.memref_slice %dma_wait3A_546[%dma_wait3A_547, %dma_wait3A_548] : memref<640x64xf32, #tpu.memory_space<vmem>> -> memref<128x64xf32, #tpu.memory_space<vmem>>
      %dma_wait3A_550 = arith.constant 0 : i32
      %dma_wait3A_551 = tpu.memref_slice %arg15[%dma_wait3A_542, %dma_wait3A_550] : memref<5x128xi32, #tpu.memory_space<vmem>> -> memref<1x128xi32, #tpu.memory_space<vmem>>
      %dma_wait3A_552 = tpu.memref_squeeze %dma_wait3A_551 : memref<1x128xi32, #tpu.memory_space<vmem>> -> memref<128xi32, #tpu.memory_space<vmem>>
      %dma_wait3A_553 = arith.constant 0 : i32
      %dma_wait3A_554 = arith.constant 0 : i32
      %dma_wait3A_555 = tpu.memref_slice %arg7[%dma_wait3A_553, %dma_wait3A_554] : memref<1007616x64xf32, #tpu.memory_space<hbm>> -> memref<1007616x64xf32, #tpu.memory_space<hbm>>
      tpu.wait_indirect_dma semaphore(%arg20 : memref<!tpu.dma_semaphore, #tpu.memory_space<semaphore_mem>>) src(%dma_wait3A_555 : memref<1007616x64xf32, #tpu.memory_space<hbm>>) dst(%dma_wait3A_549 : memref<128x64xf32, #tpu.memory_space<vmem>>)
      %dma_wait3A_556 = arith.constant 0 : i32
      %dma_wait3A_557 = arith.constant 0 : i32
      %dma_wait3A_558 = arith.constant 0 : i32
      %dma_wait3A_559 = arith.constant 0 : i32
      %dma_wait3A_560 = tpu.memref_slice %arg13[%select_n3A_541, %dma_wait3A_558, %dma_wait3A_559] : memref<2x5x128xf32, #tpu.memory_space<vmem>> -> memref<1x5x128xf32, #tpu.memory_space<vmem>>
      %dma_wait3A_561 = tpu.memref_squeeze %dma_wait3A_560 : memref<1x5x128xf32, #tpu.memory_space<vmem>> -> memref<5x128xf32, #tpu.memory_space<vmem>>
      %dma_wait3A_562 = arith.constant 0 : i32
      %dma_wait3A_563 = tpu.memref_slice %dma_wait3A_561[%dma_wait3A_557, %dma_wait3A_562] : memref<5x128xf32, #tpu.memory_space<vmem>> -> memref<1x128xf32, #tpu.memory_space<vmem>>
      %dma_wait3A_564 = tpu.memref_squeeze %dma_wait3A_563 : memref<1x128xf32, #tpu.memory_space<vmem>> -> memref<128xf32, #tpu.memory_space<vmem>>
      %dma_wait3A_565 = arith.constant 0 : i32
      %dma_wait3A_566 = arith.constant 0 : i32
      %dma_wait3A_567 = tpu.memref_slice %arg9[%select_n3A_525, %dma_wait3A_565, %dma_wait3A_566] : memref<3x5x128xi32, #tpu.memory_space<vmem>> -> memref<1x5x128xi32, #tpu.memory_space<vmem>>
      %dma_wait3A_568 = tpu.memref_squeeze %dma_wait3A_567 : memref<1x5x128xi32, #tpu.memory_space<vmem>> -> memref<5x128xi32, #tpu.memory_space<vmem>>
      %dma_wait3A_569 = arith.constant 0 : i32
      %dma_wait3A_570 = tpu.memref_slice %dma_wait3A_568[%dma_wait3A_556, %dma_wait3A_569] : memref<5x128xi32, #tpu.memory_space<vmem>> -> memref<1x128xi32, #tpu.memory_space<vmem>>
      %dma_wait3A_571 = tpu.memref_squeeze %dma_wait3A_570 : memref<1x128xi32, #tpu.memory_space<vmem>> -> memref<128xi32, #tpu.memory_space<vmem>>
      %dma_wait3A_572 = arith.constant 0 : i32
      %dma_wait3A_573 = tpu.memref_slice %arg6[%dma_wait3A_572] : memref<1048576xf32, #tpu.memory_space<hbm>> -> memref<1048576xf32, #tpu.memory_space<hbm>>
      tpu.wait_indirect_dma semaphore(%arg20 : memref<!tpu.dma_semaphore, #tpu.memory_space<semaphore_mem>>) src(%dma_wait3A_573 : memref<1048576xf32, #tpu.memory_space<hbm>>) dst(%dma_wait3A_564 : memref<128xf32, #tpu.memory_space<vmem>>)
      %dma_wait3A_574 = arith.constant 1 : i32
      %dma_wait3A_575 = arith.constant 0 : i32
      %dma_wait3A_576 = arith.constant 0 : i32
      %dma_wait3A_577 = tpu.memref_slice %arg16[%select_n3A_541, %dma_wait3A_575, %dma_wait3A_576] : memref<2x640x64xf32, #tpu.memory_space<vmem>> -> memref<1x640x64xf32, #tpu.memory_space<vmem>>
      %dma_wait3A_578 = tpu.memref_squeeze %dma_wait3A_577 : memref<1x640x64xf32, #tpu.memory_space<vmem>> -> memref<640x64xf32, #tpu.memory_space<vmem>>
      %dma_wait3A_579 = arith.constant 128 : i32
      %dma_wait3A_580 = arith.constant 0 : i32
      %dma_wait3A_581 = tpu.memref_slice %dma_wait3A_578[%dma_wait3A_579, %dma_wait3A_580] : memref<640x64xf32, #tpu.memory_space<vmem>> -> memref<128x64xf32, #tpu.memory_space<vmem>>
      %dma_wait3A_582 = arith.constant 0 : i32
      %dma_wait3A_583 = tpu.memref_slice %arg15[%dma_wait3A_574, %dma_wait3A_582] : memref<5x128xi32, #tpu.memory_space<vmem>> -> memref<1x128xi32, #tpu.memory_space<vmem>>
      %dma_wait3A_584 = tpu.memref_squeeze %dma_wait3A_583 : memref<1x128xi32, #tpu.memory_space<vmem>> -> memref<128xi32, #tpu.memory_space<vmem>>
      %dma_wait3A_585 = arith.constant 0 : i32
      %dma_wait3A_586 = arith.constant 0 : i32
      %dma_wait3A_587 = tpu.memref_slice %arg7[%dma_wait3A_585, %dma_wait3A_586] : memref<1007616x64xf32, #tpu.memory_space<hbm>> -> memref<1007616x64xf32, #tpu.memory_space<hbm>>
      tpu.wait_indirect_dma semaphore(%arg20 : memref<!tpu.dma_semaphore, #tpu.memory_space<semaphore_mem>>) src(%dma_wait3A_587 : memref<1007616x64xf32, #tpu.memory_space<hbm>>) dst(%dma_wait3A_581 : memref<128x64xf32, #tpu.memory_space<vmem>>)
      %dma_wait3A_588 = arith.constant 1 : i32
      %dma_wait3A_589 = arith.constant 1 : i32
      %dma_wait3A_590 = arith.constant 0 : i32
      %dma_wait3A_591 = arith.constant 0 : i32
      %dma_wait3A_592 = tpu.memref_slice %arg13[%select_n3A_541, %dma_wait3A_590, %dma_wait3A_591] : memref<2x5x128xf32, #tpu.memory_space<vmem>> -> memref<1x5x128xf32, #tpu.memory_space<vmem>>
      %dma_wait3A_593 = tpu.memref_squeeze %dma_wait3A_592 : memref<1x5x128xf32, #tpu.memory_space<vmem>> -> memref<5x128xf32, #tpu.memory_space<vmem>>
      %dma_wait3A_594 = arith.constant 0 : i32
      %dma_wait3A_595 = tpu.memref_slice %dma_wait3A_593[%dma_wait3A_589, %dma_wait3A_594] : memref<5x128xf32, #tpu.memory_space<vmem>> -> memref<1x128xf32, #tpu.memory_space<vmem>>
      %dma_wait3A_596 = tpu.memref_squeeze %dma_wait3A_595 : memref<1x128xf32, #tpu.memory_space<vmem>> -> memref<128xf32, #tpu.memory_space<vmem>>
      %dma_wait3A_597 = arith.constant 0 : i32
      %dma_wait3A_598 = arith.constant 0 : i32
      %dma_wait3A_599 = tpu.memref_slice %arg9[%select_n3A_525, %dma_wait3A_597, %dma_wait3A_598] : memref<3x5x128xi32, #tpu.memory_space<vmem>> -> memref<1x5x128xi32, #tpu.memory_space<vmem>>
      %dma_wait3A_600 = tpu.memref_squeeze %dma_wait3A_599 : memref<1x5x128xi32, #tpu.memory_space<vmem>> -> memref<5x128xi32, #tpu.memory_space<vmem>>
      %dma_wait3A_601 = arith.constant 0 : i32
      %dma_wait3A_602 = tpu.memref_slice %dma_wait3A_600[%dma_wait3A_588, %dma_wait3A_601] : memref<5x128xi32, #tpu.memory_space<vmem>> -> memref<1x128xi32, #tpu.memory_space<vmem>>
      %dma_wait3A_603 = tpu.memref_squeeze %dma_wait3A_602 : memref<1x128xi32, #tpu.memory_space<vmem>> -> memref<128xi32, #tpu.memory_space<vmem>>
      %dma_wait3A_604 = arith.constant 0 : i32
      %dma_wait3A_605 = tpu.memref_slice %arg6[%dma_wait3A_604] : memref<1048576xf32, #tpu.memory_space<hbm>> -> memref<1048576xf32, #tpu.memory_space<hbm>>
      tpu.wait_indirect_dma semaphore(%arg20 : memref<!tpu.dma_semaphore, #tpu.memory_space<semaphore_mem>>) src(%dma_wait3A_605 : memref<1048576xf32, #tpu.memory_space<hbm>>) dst(%dma_wait3A_596 : memref<128xf32, #tpu.memory_space<vmem>>)
      %dma_wait3A_606 = arith.constant 2 : i32
      %dma_wait3A_607 = arith.constant 0 : i32
      %dma_wait3A_608 = arith.constant 0 : i32
      %dma_wait3A_609 = tpu.memref_slice %arg16[%select_n3A_541, %dma_wait3A_607, %dma_wait3A_608] : memref<2x640x64xf32, #tpu.memory_space<vmem>> -> memref<1x640x64xf32, #tpu.memory_space<vmem>>
      %dma_wait3A_610 = tpu.memref_squeeze %dma_wait3A_609 : memref<1x640x64xf32, #tpu.memory_space<vmem>> -> memref<640x64xf32, #tpu.memory_space<vmem>>
      %dma_wait3A_611 = arith.constant 256 : i32
      %dma_wait3A_612 = arith.constant 0 : i32
      %dma_wait3A_613 = tpu.memref_slice %dma_wait3A_610[%dma_wait3A_611, %dma_wait3A_612] : memref<640x64xf32, #tpu.memory_space<vmem>> -> memref<128x64xf32, #tpu.memory_space<vmem>>
      %dma_wait3A_614 = arith.constant 0 : i32
      %dma_wait3A_615 = tpu.memref_slice %arg15[%dma_wait3A_606, %dma_wait3A_614] : memref<5x128xi32, #tpu.memory_space<vmem>> -> memref<1x128xi32, #tpu.memory_space<vmem>>
      %dma_wait3A_616 = tpu.memref_squeeze %dma_wait3A_615 : memref<1x128xi32, #tpu.memory_space<vmem>> -> memref<128xi32, #tpu.memory_space<vmem>>
      %dma_wait3A_617 = arith.constant 0 : i32
      %dma_wait3A_618 = arith.constant 0 : i32
      %dma_wait3A_619 = tpu.memref_slice %arg7[%dma_wait3A_617, %dma_wait3A_618] : memref<1007616x64xf32, #tpu.memory_space<hbm>> -> memref<1007616x64xf32, #tpu.memory_space<hbm>>
      tpu.wait_indirect_dma semaphore(%arg20 : memref<!tpu.dma_semaphore, #tpu.memory_space<semaphore_mem>>) src(%dma_wait3A_619 : memref<1007616x64xf32, #tpu.memory_space<hbm>>) dst(%dma_wait3A_613 : memref<128x64xf32, #tpu.memory_space<vmem>>)
      %dma_wait3A_620 = arith.constant 2 : i32
      %dma_wait3A_621 = arith.constant 2 : i32
      %dma_wait3A_622 = arith.constant 0 : i32
      %dma_wait3A_623 = arith.constant 0 : i32
      %dma_wait3A_624 = tpu.memref_slice %arg13[%select_n3A_541, %dma_wait3A_622, %dma_wait3A_623] : memref<2x5x128xf32, #tpu.memory_space<vmem>> -> memref<1x5x128xf32, #tpu.memory_space<vmem>>
      %dma_wait3A_625 = tpu.memref_squeeze %dma_wait3A_624 : memref<1x5x128xf32, #tpu.memory_space<vmem>> -> memref<5x128xf32, #tpu.memory_space<vmem>>
      %dma_wait3A_626 = arith.constant 0 : i32
      %dma_wait3A_627 = tpu.memref_slice %dma_wait3A_625[%dma_wait3A_621, %dma_wait3A_626] : memref<5x128xf32, #tpu.memory_space<vmem>> -> memref<1x128xf32, #tpu.memory_space<vmem>>
      %dma_wait3A_628 = tpu.memref_squeeze %dma_wait3A_627 : memref<1x128xf32, #tpu.memory_space<vmem>> -> memref<128xf32, #tpu.memory_space<vmem>>
      %dma_wait3A_629 = arith.constant 0 : i32
      %dma_wait3A_630 = arith.constant 0 : i32
      %dma_wait3A_631 = tpu.memref_slice %arg9[%select_n3A_525, %dma_wait3A_629, %dma_wait3A_630] : memref<3x5x128xi32, #tpu.memory_space<vmem>> -> memref<1x5x128xi32, #tpu.memory_space<vmem>>
      %dma_wait3A_632 = tpu.memref_squeeze %dma_wait3A_631 : memref<1x5x128xi32, #tpu.memory_space<vmem>> -> memref<5x128xi32, #tpu.memory_space<vmem>>
      %dma_wait3A_633 = arith.constant 0 : i32
      %dma_wait3A_634 = tpu.memref_slice %dma_wait3A_632[%dma_wait3A_620, %dma_wait3A_633] : memref<5x128xi32, #tpu.memory_space<vmem>> -> memref<1x128xi32, #tpu.memory_space<vmem>>
      %dma_wait3A_635 = tpu.memref_squeeze %dma_wait3A_634 : memref<1x128xi32, #tpu.memory_space<vmem>> -> memref<128xi32, #tpu.memory_space<vmem>>
      %dma_wait3A_636 = arith.constant 0 : i32
      %dma_wait3A_637 = tpu.memref_slice %arg6[%dma_wait3A_636] : memref<1048576xf32, #tpu.memory_space<hbm>> -> memref<1048576xf32, #tpu.memory_space<hbm>>
      tpu.wait_indirect_dma semaphore(%arg20 : memref<!tpu.dma_semaphore, #tpu.memory_space<semaphore_mem>>) src(%dma_wait3A_637 : memref<1048576xf32, #tpu.memory_space<hbm>>) dst(%dma_wait3A_628 : memref<128xf32, #tpu.memory_space<vmem>>)
      %dma_wait3A_638 = arith.constant 3 : i32
      %dma_wait3A_639 = arith.constant 0 : i32
      %dma_wait3A_640 = arith.constant 0 : i32
      %dma_wait3A_641 = tpu.memref_slice %arg16[%select_n3A_541, %dma_wait3A_639, %dma_wait3A_640] : memref<2x640x64xf32, #tpu.memory_space<vmem>> -> memref<1x640x64xf32, #tpu.memory_space<vmem>>
      %dma_wait3A_642 = tpu.memref_squeeze %dma_wait3A_641 : memref<1x640x64xf32, #tpu.memory_space<vmem>> -> memref<640x64xf32, #tpu.memory_space<vmem>>
      %dma_wait3A_643 = arith.constant 384 : i32
      %dma_wait3A_644 = arith.constant 0 : i32
      %dma_wait3A_645 = tpu.memref_slice %dma_wait3A_642[%dma_wait3A_643, %dma_wait3A_644] : memref<640x64xf32, #tpu.memory_space<vmem>> -> memref<128x64xf32, #tpu.memory_space<vmem>>
      %dma_wait3A_646 = arith.constant 0 : i32
      %dma_wait3A_647 = tpu.memref_slice %arg15[%dma_wait3A_638, %dma_wait3A_646] : memref<5x128xi32, #tpu.memory_space<vmem>> -> memref<1x128xi32, #tpu.memory_space<vmem>>
      %dma_wait3A_648 = tpu.memref_squeeze %dma_wait3A_647 : memref<1x128xi32, #tpu.memory_space<vmem>> -> memref<128xi32, #tpu.memory_space<vmem>>
      %dma_wait3A_649 = arith.constant 0 : i32
      %dma_wait3A_650 = arith.constant 0 : i32
      %dma_wait3A_651 = tpu.memref_slice %arg7[%dma_wait3A_649, %dma_wait3A_650] : memref<1007616x64xf32, #tpu.memory_space<hbm>> -> memref<1007616x64xf32, #tpu.memory_space<hbm>>
      tpu.wait_indirect_dma semaphore(%arg20 : memref<!tpu.dma_semaphore, #tpu.memory_space<semaphore_mem>>) src(%dma_wait3A_651 : memref<1007616x64xf32, #tpu.memory_space<hbm>>) dst(%dma_wait3A_645 : memref<128x64xf32, #tpu.memory_space<vmem>>)
      %dma_wait3A_652 = arith.constant 3 : i32
      %dma_wait3A_653 = arith.constant 3 : i32
      %dma_wait3A_654 = arith.constant 0 : i32
      %dma_wait3A_655 = arith.constant 0 : i32
      %dma_wait3A_656 = tpu.memref_slice %arg13[%select_n3A_541, %dma_wait3A_654, %dma_wait3A_655] : memref<2x5x128xf32, #tpu.memory_space<vmem>> -> memref<1x5x128xf32, #tpu.memory_space<vmem>>
      %dma_wait3A_657 = tpu.memref_squeeze %dma_wait3A_656 : memref<1x5x128xf32, #tpu.memory_space<vmem>> -> memref<5x128xf32, #tpu.memory_space<vmem>>
      %dma_wait3A_658 = arith.constant 0 : i32
      %dma_wait3A_659 = tpu.memref_slice %dma_wait3A_657[%dma_wait3A_653, %dma_wait3A_658] : memref<5x128xf32, #tpu.memory_space<vmem>> -> memref<1x128xf32, #tpu.memory_space<vmem>>
      %dma_wait3A_660 = tpu.memref_squeeze %dma_wait3A_659 : memref<1x128xf32, #tpu.memory_space<vmem>> -> memref<128xf32, #tpu.memory_space<vmem>>
      %dma_wait3A_661 = arith.constant 0 : i32
      %dma_wait3A_662 = arith.constant 0 : i32
      %dma_wait3A_663 = tpu.memref_slice %arg9[%select_n3A_525, %dma_wait3A_661, %dma_wait3A_662] : memref<3x5x128xi32, #tpu.memory_space<vmem>> -> memref<1x5x128xi32, #tpu.memory_space<vmem>>
      %dma_wait3A_664 = tpu.memref_squeeze %dma_wait3A_663 : memref<1x5x128xi32, #tpu.memory_space<vmem>> -> memref<5x128xi32, #tpu.memory_space<vmem>>
      %dma_wait3A_665 = arith.constant 0 : i32
      %dma_wait3A_666 = tpu.memref_slice %dma_wait3A_664[%dma_wait3A_652, %dma_wait3A_665] : memref<5x128xi32, #tpu.memory_space<vmem>> -> memref<1x128xi32, #tpu.memory_space<vmem>>
      %dma_wait3A_667 = tpu.memref_squeeze %dma_wait3A_666 : memref<1x128xi32, #tpu.memory_space<vmem>> -> memref<128xi32, #tpu.memory_space<vmem>>
      %dma_wait3A_668 = arith.constant 0 : i32
      %dma_wait3A_669 = tpu.memref_slice %arg6[%dma_wait3A_668] : memref<1048576xf32, #tpu.memory_space<hbm>> -> memref<1048576xf32, #tpu.memory_space<hbm>>
      tpu.wait_indirect_dma semaphore(%arg20 : memref<!tpu.dma_semaphore, #tpu.memory_space<semaphore_mem>>) src(%dma_wait3A_669 : memref<1048576xf32, #tpu.memory_space<hbm>>) dst(%dma_wait3A_660 : memref<128xf32, #tpu.memory_space<vmem>>)
      %dma_wait3A_670 = arith.constant 4 : i32
      %dma_wait3A_671 = arith.constant 0 : i32
      %dma_wait3A_672 = arith.constant 0 : i32
      %dma_wait3A_673 = tpu.memref_slice %arg16[%select_n3A_541, %dma_wait3A_671, %dma_wait3A_672] : memref<2x640x64xf32, #tpu.memory_space<vmem>> -> memref<1x640x64xf32, #tpu.memory_space<vmem>>
      %dma_wait3A_674 = tpu.memref_squeeze %dma_wait3A_673 : memref<1x640x64xf32, #tpu.memory_space<vmem>> -> memref<640x64xf32, #tpu.memory_space<vmem>>
      %dma_wait3A_675 = arith.constant 512 : i32
      %dma_wait3A_676 = arith.constant 0 : i32
      %dma_wait3A_677 = tpu.memref_slice %dma_wait3A_674[%dma_wait3A_675, %dma_wait3A_676] : memref<640x64xf32, #tpu.memory_space<vmem>> -> memref<128x64xf32, #tpu.memory_space<vmem>>
      %dma_wait3A_678 = arith.constant 0 : i32
      %dma_wait3A_679 = tpu.memref_slice %arg15[%dma_wait3A_670, %dma_wait3A_678] : memref<5x128xi32, #tpu.memory_space<vmem>> -> memref<1x128xi32, #tpu.memory_space<vmem>>
      %dma_wait3A_680 = tpu.memref_squeeze %dma_wait3A_679 : memref<1x128xi32, #tpu.memory_space<vmem>> -> memref<128xi32, #tpu.memory_space<vmem>>
      %dma_wait3A_681 = arith.constant 0 : i32
      %dma_wait3A_682 = arith.constant 0 : i32
      %dma_wait3A_683 = tpu.memref_slice %arg7[%dma_wait3A_681, %dma_wait3A_682] : memref<1007616x64xf32, #tpu.memory_space<hbm>> -> memref<1007616x64xf32, #tpu.memory_space<hbm>>
      tpu.wait_indirect_dma semaphore(%arg20 : memref<!tpu.dma_semaphore, #tpu.memory_space<semaphore_mem>>) src(%dma_wait3A_683 : memref<1007616x64xf32, #tpu.memory_space<hbm>>) dst(%dma_wait3A_677 : memref<128x64xf32, #tpu.memory_space<vmem>>)
      %dma_wait3A_684 = arith.constant 4 : i32
      %dma_wait3A_685 = arith.constant 4 : i32
      %dma_wait3A_686 = arith.constant 0 : i32
      %dma_wait3A_687 = arith.constant 0 : i32
      %dma_wait3A_688 = tpu.memref_slice %arg13[%select_n3A_541, %dma_wait3A_686, %dma_wait3A_687] : memref<2x5x128xf32, #tpu.memory_space<vmem>> -> memref<1x5x128xf32, #tpu.memory_space<vmem>>
      %dma_wait3A_689 = tpu.memref_squeeze %dma_wait3A_688 : memref<1x5x128xf32, #tpu.memory_space<vmem>> -> memref<5x128xf32, #tpu.memory_space<vmem>>
      %dma_wait3A_690 = arith.constant 0 : i32
      %dma_wait3A_691 = tpu.memref_slice %dma_wait3A_689[%dma_wait3A_685, %dma_wait3A_690] : memref<5x128xf32, #tpu.memory_space<vmem>> -> memref<1x128xf32, #tpu.memory_space<vmem>>
      %dma_wait3A_692 = tpu.memref_squeeze %dma_wait3A_691 : memref<1x128xf32, #tpu.memory_space<vmem>> -> memref<128xf32, #tpu.memory_space<vmem>>
      %dma_wait3A_693 = arith.constant 0 : i32
      %dma_wait3A_694 = arith.constant 0 : i32
      %dma_wait3A_695 = tpu.memref_slice %arg9[%select_n3A_525, %dma_wait3A_693, %dma_wait3A_694] : memref<3x5x128xi32, #tpu.memory_space<vmem>> -> memref<1x5x128xi32, #tpu.memory_space<vmem>>
      %dma_wait3A_696 = tpu.memref_squeeze %dma_wait3A_695 : memref<1x5x128xi32, #tpu.memory_space<vmem>> -> memref<5x128xi32, #tpu.memory_space<vmem>>
      %dma_wait3A_697 = arith.constant 0 : i32
      %dma_wait3A_698 = tpu.memref_slice %dma_wait3A_696[%dma_wait3A_684, %dma_wait3A_697] : memref<5x128xi32, #tpu.memory_space<vmem>> -> memref<1x128xi32, #tpu.memory_space<vmem>>
      %dma_wait3A_699 = tpu.memref_squeeze %dma_wait3A_698 : memref<1x128xi32, #tpu.memory_space<vmem>> -> memref<128xi32, #tpu.memory_space<vmem>>
      %dma_wait3A_700 = arith.constant 0 : i32
      %dma_wait3A_701 = tpu.memref_slice %arg6[%dma_wait3A_700] : memref<1048576xf32, #tpu.memory_space<hbm>> -> memref<1048576xf32, #tpu.memory_space<hbm>>
      tpu.wait_indirect_dma semaphore(%arg20 : memref<!tpu.dma_semaphore, #tpu.memory_space<semaphore_mem>>) src(%dma_wait3A_701 : memref<1048576xf32, #tpu.memory_space<hbm>>) dst(%dma_wait3A_692 : memref<128xf32, #tpu.memory_space<vmem>>)
      %add3A_702 = arith.constant 1 : i32
      %add3A_703 = arith.addi %scan3A_483, %add3A_702 : i32
      %lt3A_704 = arith.constant 40 : i32
      %lt3A_705 = arith.cmpi slt, %add3A_703, %lt3A_704 : i32
      %convert_element_type3A = arith.extui %lt3A_705 : i1 to i32
      %cond3A = arith.constant 0 : i32
      %cond3A_706 = arith.cmpi ne, %convert_element_type3A, %cond3A : i32
      scf.if %cond3A_706 {
        %add3A_865 = arith.constant 1 : i32
        %add3A_866 = arith.addi %scan3A_483, %add3A_865 : i32
        %jit3A_867 = arith.constant 3 : i32
        %eq3A_868 = arith.constant 0 : i32
        %eq3A_869 = arith.cmpi eq, %jit3A_867, %eq3A_868 : i32
        %jit3A_870 = arith.constant 1 : i32
        %select_n3A_871 = arith.select %eq3A_869, %jit3A_870, %jit3A_867 : i32
        %rem3A_872 = arith.remsi %add3A_866, %select_n3A_871 : i32
        %ne3A_873 = arith.constant 0 : i32
        %ne3A_874 = arith.cmpi ne, %rem3A_872, %ne3A_873 : i32
        %lt3A_875 = arith.constant 0 : i32
        %lt3A_876 = arith.cmpi slt, %rem3A_872, %lt3A_875 : i32
        %lt3A_877 = arith.constant 0 : i32
        %lt3A_878 = arith.cmpi slt, %select_n3A_871, %lt3A_877 : i32
        %ne3A_879 = arith.xori %lt3A_876, %lt3A_878 : i1
        %and3A_880 = arith.andi %ne3A_879, %ne3A_874 : i1
        %add3A_881 = arith.addi %rem3A_872, %select_n3A_871 : i32
        %select_n3A_882 = arith.select %and3A_880, %add3A_881, %rem3A_872 : i32
        %mul3A_883 = arith.constant 5 : i32
        %mul3A_884 = arith.muli %add3A_866, %mul3A_883 : i32
        %add3A_885 = arith.addi %mul3A_2, %mul3A_884 : i32
        %dma_wait3A_886 = arith.constant 0 : i32
        %dma_wait3A_887 = arith.constant 0 : i32
        %dma_wait3A_888 = tpu.memref_slice %arg9[%select_n3A_882, %dma_wait3A_886, %dma_wait3A_887] : memref<3x5x128xi32, #tpu.memory_space<vmem>> -> memref<1x5x128xi32, #tpu.memory_space<vmem>>
        %dma_wait3A_889 = tpu.memref_squeeze %dma_wait3A_888 : memref<1x5x128xi32, #tpu.memory_space<vmem>> -> memref<5x128xi32, #tpu.memory_space<vmem>>
        %dma_wait3A_890 = arith.constant 0 : i32
        %dma_wait3A_891 = tpu.memref_slice %arg2[%add3A_885, %dma_wait3A_890] : memref<6400x128xi32, #tpu.memory_space<hbm>> -> memref<5x128xi32, #tpu.memory_space<hbm>>
        %dma_wait3A_892 = arith.constant 0 : i32
        %dma_wait3A_893 = arith.constant 0 : i32
        %dma_wait3A_894 = tpu.memref_slice %arg9[%select_n3A_882, %dma_wait3A_892, %dma_wait3A_893] : memref<3x5x128xi32, #tpu.memory_space<vmem>> -> memref<1x5x128xi32, #tpu.memory_space<vmem>>
        %dma_wait3A_895 = tpu.memref_squeeze %dma_wait3A_894 : memref<1x5x128xi32, #tpu.memory_space<vmem>> -> memref<5x128xi32, #tpu.memory_space<vmem>>
        %dma_wait3A_896 = arith.constant 0 : i32
        %dma_wait3A_897 = tpu.memref_slice %arg2[%add3A_885, %dma_wait3A_896] : memref<6400x128xi32, #tpu.memory_space<hbm>> -> memref<5x128xi32, #tpu.memory_space<hbm>>
        tpu.wait_dma2 semaphore(%arg19 : memref<!tpu.dma_semaphore, #tpu.memory_space<semaphore_mem>>) src(%dma_wait3A_897 : memref<5x128xi32, #tpu.memory_space<hbm>>) dst(%dma_wait3A_895 : memref<5x128xi32, #tpu.memory_space<vmem>>)
        %dma_wait3A_898 = arith.constant 0 : i32
        %dma_wait3A_899 = arith.constant 0 : i32
        %dma_wait3A_900 = tpu.memref_slice %arg10[%select_n3A_882, %dma_wait3A_898, %dma_wait3A_899] : memref<3x5x128xi32, #tpu.memory_space<vmem>> -> memref<1x5x128xi32, #tpu.memory_space<vmem>>
        %dma_wait3A_901 = tpu.memref_squeeze %dma_wait3A_900 : memref<1x5x128xi32, #tpu.memory_space<vmem>> -> memref<5x128xi32, #tpu.memory_space<vmem>>
        %dma_wait3A_902 = arith.constant 0 : i32
        %dma_wait3A_903 = tpu.memref_slice %arg3[%add3A_885, %dma_wait3A_902] : memref<6400x128xi32, #tpu.memory_space<hbm>> -> memref<5x128xi32, #tpu.memory_space<hbm>>
        %dma_wait3A_904 = arith.constant 0 : i32
        %dma_wait3A_905 = arith.constant 0 : i32
        %dma_wait3A_906 = tpu.memref_slice %arg10[%select_n3A_882, %dma_wait3A_904, %dma_wait3A_905] : memref<3x5x128xi32, #tpu.memory_space<vmem>> -> memref<1x5x128xi32, #tpu.memory_space<vmem>>
        %dma_wait3A_907 = tpu.memref_squeeze %dma_wait3A_906 : memref<1x5x128xi32, #tpu.memory_space<vmem>> -> memref<5x128xi32, #tpu.memory_space<vmem>>
        %dma_wait3A_908 = arith.constant 0 : i32
        %dma_wait3A_909 = tpu.memref_slice %arg3[%add3A_885, %dma_wait3A_908] : memref<6400x128xi32, #tpu.memory_space<hbm>> -> memref<5x128xi32, #tpu.memory_space<hbm>>
        tpu.wait_dma2 semaphore(%arg19 : memref<!tpu.dma_semaphore, #tpu.memory_space<semaphore_mem>>) src(%dma_wait3A_909 : memref<5x128xi32, #tpu.memory_space<hbm>>) dst(%dma_wait3A_907 : memref<5x128xi32, #tpu.memory_space<vmem>>)
        %dma_wait3A_910 = arith.constant 0 : i32
        %dma_wait3A_911 = arith.constant 0 : i32
        %dma_wait3A_912 = tpu.memref_slice %arg11[%select_n3A_882, %dma_wait3A_910, %dma_wait3A_911] : memref<3x5x128xf32, #tpu.memory_space<vmem>> -> memref<1x5x128xf32, #tpu.memory_space<vmem>>
        %dma_wait3A_913 = tpu.memref_squeeze %dma_wait3A_912 : memref<1x5x128xf32, #tpu.memory_space<vmem>> -> memref<5x128xf32, #tpu.memory_space<vmem>>
        %dma_wait3A_914 = arith.constant 0 : i32
        %dma_wait3A_915 = tpu.memref_slice %arg4[%add3A_885, %dma_wait3A_914] : memref<6400x128xf32, #tpu.memory_space<hbm>> -> memref<5x128xf32, #tpu.memory_space<hbm>>
        %dma_wait3A_916 = arith.constant 0 : i32
        %dma_wait3A_917 = arith.constant 0 : i32
        %dma_wait3A_918 = tpu.memref_slice %arg11[%select_n3A_882, %dma_wait3A_916, %dma_wait3A_917] : memref<3x5x128xf32, #tpu.memory_space<vmem>> -> memref<1x5x128xf32, #tpu.memory_space<vmem>>
        %dma_wait3A_919 = tpu.memref_squeeze %dma_wait3A_918 : memref<1x5x128xf32, #tpu.memory_space<vmem>> -> memref<5x128xf32, #tpu.memory_space<vmem>>
        %dma_wait3A_920 = arith.constant 0 : i32
        %dma_wait3A_921 = tpu.memref_slice %arg4[%add3A_885, %dma_wait3A_920] : memref<6400x128xf32, #tpu.memory_space<hbm>> -> memref<5x128xf32, #tpu.memory_space<hbm>>
        tpu.wait_dma2 semaphore(%arg19 : memref<!tpu.dma_semaphore, #tpu.memory_space<semaphore_mem>>) src(%dma_wait3A_921 : memref<5x128xf32, #tpu.memory_space<hbm>>) dst(%dma_wait3A_919 : memref<5x128xf32, #tpu.memory_space<vmem>>)
        %dma_wait3A_922 = arith.constant 0 : i32
        %dma_wait3A_923 = arith.constant 0 : i32
        %dma_wait3A_924 = tpu.memref_slice %arg12[%select_n3A_882, %dma_wait3A_922, %dma_wait3A_923] : memref<3x5x128xf32, #tpu.memory_space<vmem>> -> memref<1x5x128xf32, #tpu.memory_space<vmem>>
        %dma_wait3A_925 = tpu.memref_squeeze %dma_wait3A_924 : memref<1x5x128xf32, #tpu.memory_space<vmem>> -> memref<5x128xf32, #tpu.memory_space<vmem>>
        %dma_wait3A_926 = arith.constant 0 : i32
        %dma_wait3A_927 = tpu.memref_slice %arg5[%add3A_885, %dma_wait3A_926] : memref<6400x128xf32, #tpu.memory_space<hbm>> -> memref<5x128xf32, #tpu.memory_space<hbm>>
        %dma_wait3A_928 = arith.constant 0 : i32
        %dma_wait3A_929 = arith.constant 0 : i32
        %dma_wait3A_930 = tpu.memref_slice %arg12[%select_n3A_882, %dma_wait3A_928, %dma_wait3A_929] : memref<3x5x128xf32, #tpu.memory_space<vmem>> -> memref<1x5x128xf32, #tpu.memory_space<vmem>>
        %dma_wait3A_931 = tpu.memref_squeeze %dma_wait3A_930 : memref<1x5x128xf32, #tpu.memory_space<vmem>> -> memref<5x128xf32, #tpu.memory_space<vmem>>
        %dma_wait3A_932 = arith.constant 0 : i32
        %dma_wait3A_933 = tpu.memref_slice %arg5[%add3A_885, %dma_wait3A_932] : memref<6400x128xf32, #tpu.memory_space<hbm>> -> memref<5x128xf32, #tpu.memory_space<hbm>>
        tpu.wait_dma2 semaphore(%arg19 : memref<!tpu.dma_semaphore, #tpu.memory_space<semaphore_mem>>) src(%dma_wait3A_933 : memref<5x128xf32, #tpu.memory_space<hbm>>) dst(%dma_wait3A_931 : memref<5x128xf32, #tpu.memory_space<vmem>>)
      } else {
      }
      %ge3A = arith.constant 1 : i32
      %ge3A_707 = arith.cmpi sge, %scan3A_483, %ge3A : i32
      %convert_element_type3A_708 = arith.extui %ge3A_707 : i1 to i32
      %cond3A_709 = arith.constant 0 : i32
      %cond3A_710 = arith.cmpi ne, %convert_element_type3A_708, %cond3A_709 : i32
      scf.if %cond3A_710 {
        %sub3A = arith.constant 1 : i32
        %sub3A_865 = arith.subi %scan3A_483, %sub3A : i32
        %jit3A_866 = arith.constant 3 : i32
        %eq3A_867 = arith.constant 0 : i32
        %eq3A_868 = arith.cmpi eq, %jit3A_866, %eq3A_867 : i32
        %jit3A_869 = arith.constant 1 : i32
        %select_n3A_870 = arith.select %eq3A_868, %jit3A_869, %jit3A_866 : i32
        %rem3A_871 = arith.remsi %sub3A_865, %select_n3A_870 : i32
        %ne3A_872 = arith.constant 0 : i32
        %ne3A_873 = arith.cmpi ne, %rem3A_871, %ne3A_872 : i32
        %lt3A_874 = arith.constant 0 : i32
        %lt3A_875 = arith.cmpi slt, %rem3A_871, %lt3A_874 : i32
        %lt3A_876 = arith.constant 0 : i32
        %lt3A_877 = arith.cmpi slt, %select_n3A_870, %lt3A_876 : i32
        %ne3A_878 = arith.xori %lt3A_875, %lt3A_877 : i1
        %and3A_879 = arith.andi %ne3A_878, %ne3A_873 : i1
        %add3A_880 = arith.addi %rem3A_871, %select_n3A_870 : i32
        %select_n3A_881 = arith.select %and3A_879, %add3A_880, %rem3A_871 : i32
        %jit3A_882 = arith.constant 2 : i32
        %eq3A_883 = arith.constant 0 : i32
        %eq3A_884 = arith.cmpi eq, %jit3A_882, %eq3A_883 : i32
        %jit3A_885 = arith.constant 1 : i32
        %select_n3A_886 = arith.select %eq3A_884, %jit3A_885, %jit3A_882 : i32
        %rem3A_887 = arith.remsi %sub3A_865, %select_n3A_886 : i32
        %ne3A_888 = arith.constant 0 : i32
        %ne3A_889 = arith.cmpi ne, %rem3A_887, %ne3A_888 : i32
        %lt3A_890 = arith.constant 0 : i32
        %lt3A_891 = arith.cmpi slt, %rem3A_887, %lt3A_890 : i32
        %lt3A_892 = arith.constant 0 : i32
        %lt3A_893 = arith.cmpi slt, %select_n3A_886, %lt3A_892 : i32
        %ne3A_894 = arith.xori %lt3A_891, %lt3A_893 : i1
        %and3A_895 = arith.andi %ne3A_894, %ne3A_889 : i1
        %add3A_896 = arith.addi %rem3A_887, %select_n3A_886 : i32
        %select_n3A_897 = arith.select %and3A_895, %add3A_896, %rem3A_887 : i32
        %dma_wait3A_898 = arith.constant 0 : i32
        %dma_wait3A_899 = arith.constant 0 : i32
        %dma_wait3A_900 = arith.constant 0 : i32
        %dma_wait3A_901 = tpu.memref_slice %arg16[%select_n3A_897, %dma_wait3A_899, %dma_wait3A_900] : memref<2x640x64xf32, #tpu.memory_space<vmem>> -> memref<1x640x64xf32, #tpu.memory_space<vmem>>
        %dma_wait3A_902 = tpu.memref_squeeze %dma_wait3A_901 : memref<1x640x64xf32, #tpu.memory_space<vmem>> -> memref<640x64xf32, #tpu.memory_space<vmem>>
        %dma_wait3A_903 = arith.constant 0 : i32
        %dma_wait3A_904 = arith.constant 0 : i32
        %dma_wait3A_905 = tpu.memref_slice %dma_wait3A_902[%dma_wait3A_903, %dma_wait3A_904] : memref<640x64xf32, #tpu.memory_space<vmem>> -> memref<128x64xf32, #tpu.memory_space<vmem>>
        %dma_wait3A_906 = arith.constant 0 : i32
        %dma_wait3A_907 = arith.constant 0 : i32
        %dma_wait3A_908 = tpu.memref_slice %arg10[%select_n3A_881, %dma_wait3A_906, %dma_wait3A_907] : memref<3x5x128xi32, #tpu.memory_space<vmem>> -> memref<1x5x128xi32, #tpu.memory_space<vmem>>
        %dma_wait3A_909 = tpu.memref_squeeze %dma_wait3A_908 : memref<1x5x128xi32, #tpu.memory_space<vmem>> -> memref<5x128xi32, #tpu.memory_space<vmem>>
        %dma_wait3A_910 = arith.constant 0 : i32
        %dma_wait3A_911 = tpu.memref_slice %dma_wait3A_909[%dma_wait3A_898, %dma_wait3A_910] : memref<5x128xi32, #tpu.memory_space<vmem>> -> memref<1x128xi32, #tpu.memory_space<vmem>>
        %dma_wait3A_912 = tpu.memref_squeeze %dma_wait3A_911 : memref<1x128xi32, #tpu.memory_space<vmem>> -> memref<128xi32, #tpu.memory_space<vmem>>
        %dma_wait3A_913 = arith.constant 0 : i32
        %dma_wait3A_914 = arith.constant 0 : i32
        %dma_wait3A_915 = tpu.memref_slice %arg18[%dma_wait3A_913, %dma_wait3A_914] : memref<4096x64xf32, #tpu.memory_space<vmem_shared>> -> memref<4096x64xf32, #tpu.memory_space<vmem_shared>>
        %dma_wait3A_916 = tpu.memref_slice %arg21[%select_n3A_897] : memref<2x!tpu.dma_semaphore, #tpu.memory_space<semaphore_mem>> -> memref<1x!tpu.dma_semaphore, #tpu.memory_space<semaphore_mem>>
        %dma_wait3A_917 = tpu.memref_squeeze %dma_wait3A_916 : memref<1x!tpu.dma_semaphore, #tpu.memory_space<semaphore_mem>> -> memref<!tpu.dma_semaphore, #tpu.memory_space<semaphore_mem>>
        tpu.wait_indirect_dma semaphore(%dma_wait3A_917 : memref<!tpu.dma_semaphore, #tpu.memory_space<semaphore_mem>>) src(%dma_wait3A_905 : memref<128x64xf32, #tpu.memory_space<vmem>>) dst(%dma_wait3A_915 : memref<4096x64xf32, #tpu.memory_space<vmem_shared>>)
        %dma_wait3A_918 = arith.constant 1 : i32
        %dma_wait3A_919 = arith.constant 0 : i32
        %dma_wait3A_920 = arith.constant 0 : i32
        %dma_wait3A_921 = tpu.memref_slice %arg16[%select_n3A_897, %dma_wait3A_919, %dma_wait3A_920] : memref<2x640x64xf32, #tpu.memory_space<vmem>> -> memref<1x640x64xf32, #tpu.memory_space<vmem>>
        %dma_wait3A_922 = tpu.memref_squeeze %dma_wait3A_921 : memref<1x640x64xf32, #tpu.memory_space<vmem>> -> memref<640x64xf32, #tpu.memory_space<vmem>>
        %dma_wait3A_923 = arith.constant 128 : i32
        %dma_wait3A_924 = arith.constant 0 : i32
        %dma_wait3A_925 = tpu.memref_slice %dma_wait3A_922[%dma_wait3A_923, %dma_wait3A_924] : memref<640x64xf32, #tpu.memory_space<vmem>> -> memref<128x64xf32, #tpu.memory_space<vmem>>
        %dma_wait3A_926 = arith.constant 0 : i32
        %dma_wait3A_927 = arith.constant 0 : i32
        %dma_wait3A_928 = tpu.memref_slice %arg10[%select_n3A_881, %dma_wait3A_926, %dma_wait3A_927] : memref<3x5x128xi32, #tpu.memory_space<vmem>> -> memref<1x5x128xi32, #tpu.memory_space<vmem>>
        %dma_wait3A_929 = tpu.memref_squeeze %dma_wait3A_928 : memref<1x5x128xi32, #tpu.memory_space<vmem>> -> memref<5x128xi32, #tpu.memory_space<vmem>>
        %dma_wait3A_930 = arith.constant 0 : i32
        %dma_wait3A_931 = tpu.memref_slice %dma_wait3A_929[%dma_wait3A_918, %dma_wait3A_930] : memref<5x128xi32, #tpu.memory_space<vmem>> -> memref<1x128xi32, #tpu.memory_space<vmem>>
        %dma_wait3A_932 = tpu.memref_squeeze %dma_wait3A_931 : memref<1x128xi32, #tpu.memory_space<vmem>> -> memref<128xi32, #tpu.memory_space<vmem>>
        %dma_wait3A_933 = arith.constant 0 : i32
        %dma_wait3A_934 = arith.constant 0 : i32
        %dma_wait3A_935 = tpu.memref_slice %arg18[%dma_wait3A_933, %dma_wait3A_934] : memref<4096x64xf32, #tpu.memory_space<vmem_shared>> -> memref<4096x64xf32, #tpu.memory_space<vmem_shared>>
        %dma_wait3A_936 = tpu.memref_slice %arg21[%select_n3A_897] : memref<2x!tpu.dma_semaphore, #tpu.memory_space<semaphore_mem>> -> memref<1x!tpu.dma_semaphore, #tpu.memory_space<semaphore_mem>>
        %dma_wait3A_937 = tpu.memref_squeeze %dma_wait3A_936 : memref<1x!tpu.dma_semaphore, #tpu.memory_space<semaphore_mem>> -> memref<!tpu.dma_semaphore, #tpu.memory_space<semaphore_mem>>
        tpu.wait_indirect_dma semaphore(%dma_wait3A_937 : memref<!tpu.dma_semaphore, #tpu.memory_space<semaphore_mem>>) src(%dma_wait3A_925 : memref<128x64xf32, #tpu.memory_space<vmem>>) dst(%dma_wait3A_935 : memref<4096x64xf32, #tpu.memory_space<vmem_shared>>)
        %dma_wait3A_938 = arith.constant 2 : i32
        %dma_wait3A_939 = arith.constant 0 : i32
        %dma_wait3A_940 = arith.constant 0 : i32
        %dma_wait3A_941 = tpu.memref_slice %arg16[%select_n3A_897, %dma_wait3A_939, %dma_wait3A_940] : memref<2x640x64xf32, #tpu.memory_space<vmem>> -> memref<1x640x64xf32, #tpu.memory_space<vmem>>
        %dma_wait3A_942 = tpu.memref_squeeze %dma_wait3A_941 : memref<1x640x64xf32, #tpu.memory_space<vmem>> -> memref<640x64xf32, #tpu.memory_space<vmem>>
        %dma_wait3A_943 = arith.constant 256 : i32
        %dma_wait3A_944 = arith.constant 0 : i32
        %dma_wait3A_945 = tpu.memref_slice %dma_wait3A_942[%dma_wait3A_943, %dma_wait3A_944] : memref<640x64xf32, #tpu.memory_space<vmem>> -> memref<128x64xf32, #tpu.memory_space<vmem>>
        %dma_wait3A_946 = arith.constant 0 : i32
        %dma_wait3A_947 = arith.constant 0 : i32
        %dma_wait3A_948 = tpu.memref_slice %arg10[%select_n3A_881, %dma_wait3A_946, %dma_wait3A_947] : memref<3x5x128xi32, #tpu.memory_space<vmem>> -> memref<1x5x128xi32, #tpu.memory_space<vmem>>
        %dma_wait3A_949 = tpu.memref_squeeze %dma_wait3A_948 : memref<1x5x128xi32, #tpu.memory_space<vmem>> -> memref<5x128xi32, #tpu.memory_space<vmem>>
        %dma_wait3A_950 = arith.constant 0 : i32
        %dma_wait3A_951 = tpu.memref_slice %dma_wait3A_949[%dma_wait3A_938, %dma_wait3A_950] : memref<5x128xi32, #tpu.memory_space<vmem>> -> memref<1x128xi32, #tpu.memory_space<vmem>>
        %dma_wait3A_952 = tpu.memref_squeeze %dma_wait3A_951 : memref<1x128xi32, #tpu.memory_space<vmem>> -> memref<128xi32, #tpu.memory_space<vmem>>
        %dma_wait3A_953 = arith.constant 0 : i32
        %dma_wait3A_954 = arith.constant 0 : i32
        %dma_wait3A_955 = tpu.memref_slice %arg18[%dma_wait3A_953, %dma_wait3A_954] : memref<4096x64xf32, #tpu.memory_space<vmem_shared>> -> memref<4096x64xf32, #tpu.memory_space<vmem_shared>>
        %dma_wait3A_956 = tpu.memref_slice %arg21[%select_n3A_897] : memref<2x!tpu.dma_semaphore, #tpu.memory_space<semaphore_mem>> -> memref<1x!tpu.dma_semaphore, #tpu.memory_space<semaphore_mem>>
        %dma_wait3A_957 = tpu.memref_squeeze %dma_wait3A_956 : memref<1x!tpu.dma_semaphore, #tpu.memory_space<semaphore_mem>> -> memref<!tpu.dma_semaphore, #tpu.memory_space<semaphore_mem>>
        tpu.wait_indirect_dma semaphore(%dma_wait3A_957 : memref<!tpu.dma_semaphore, #tpu.memory_space<semaphore_mem>>) src(%dma_wait3A_945 : memref<128x64xf32, #tpu.memory_space<vmem>>) dst(%dma_wait3A_955 : memref<4096x64xf32, #tpu.memory_space<vmem_shared>>)
        %dma_wait3A_958 = arith.constant 3 : i32
        %dma_wait3A_959 = arith.constant 0 : i32
        %dma_wait3A_960 = arith.constant 0 : i32
        %dma_wait3A_961 = tpu.memref_slice %arg16[%select_n3A_897, %dma_wait3A_959, %dma_wait3A_960] : memref<2x640x64xf32, #tpu.memory_space<vmem>> -> memref<1x640x64xf32, #tpu.memory_space<vmem>>
        %dma_wait3A_962 = tpu.memref_squeeze %dma_wait3A_961 : memref<1x640x64xf32, #tpu.memory_space<vmem>> -> memref<640x64xf32, #tpu.memory_space<vmem>>
        %dma_wait3A_963 = arith.constant 384 : i32
        %dma_wait3A_964 = arith.constant 0 : i32
        %dma_wait3A_965 = tpu.memref_slice %dma_wait3A_962[%dma_wait3A_963, %dma_wait3A_964] : memref<640x64xf32, #tpu.memory_space<vmem>> -> memref<128x64xf32, #tpu.memory_space<vmem>>
        %dma_wait3A_966 = arith.constant 0 : i32
        %dma_wait3A_967 = arith.constant 0 : i32
        %dma_wait3A_968 = tpu.memref_slice %arg10[%select_n3A_881, %dma_wait3A_966, %dma_wait3A_967] : memref<3x5x128xi32, #tpu.memory_space<vmem>> -> memref<1x5x128xi32, #tpu.memory_space<vmem>>
        %dma_wait3A_969 = tpu.memref_squeeze %dma_wait3A_968 : memref<1x5x128xi32, #tpu.memory_space<vmem>> -> memref<5x128xi32, #tpu.memory_space<vmem>>
        %dma_wait3A_970 = arith.constant 0 : i32
        %dma_wait3A_971 = tpu.memref_slice %dma_wait3A_969[%dma_wait3A_958, %dma_wait3A_970] : memref<5x128xi32, #tpu.memory_space<vmem>> -> memref<1x128xi32, #tpu.memory_space<vmem>>
        %dma_wait3A_972 = tpu.memref_squeeze %dma_wait3A_971 : memref<1x128xi32, #tpu.memory_space<vmem>> -> memref<128xi32, #tpu.memory_space<vmem>>
        %dma_wait3A_973 = arith.constant 0 : i32
        %dma_wait3A_974 = arith.constant 0 : i32
        %dma_wait3A_975 = tpu.memref_slice %arg18[%dma_wait3A_973, %dma_wait3A_974] : memref<4096x64xf32, #tpu.memory_space<vmem_shared>> -> memref<4096x64xf32, #tpu.memory_space<vmem_shared>>
        %dma_wait3A_976 = tpu.memref_slice %arg21[%select_n3A_897] : memref<2x!tpu.dma_semaphore, #tpu.memory_space<semaphore_mem>> -> memref<1x!tpu.dma_semaphore, #tpu.memory_space<semaphore_mem>>
        %dma_wait3A_977 = tpu.memref_squeeze %dma_wait3A_976 : memref<1x!tpu.dma_semaphore, #tpu.memory_space<semaphore_mem>> -> memref<!tpu.dma_semaphore, #tpu.memory_space<semaphore_mem>>
        tpu.wait_indirect_dma semaphore(%dma_wait3A_977 : memref<!tpu.dma_semaphore, #tpu.memory_space<semaphore_mem>>) src(%dma_wait3A_965 : memref<128x64xf32, #tpu.memory_space<vmem>>) dst(%dma_wait3A_975 : memref<4096x64xf32, #tpu.memory_space<vmem_shared>>)
        %dma_wait3A_978 = arith.constant 4 : i32
        %dma_wait3A_979 = arith.constant 0 : i32
        %dma_wait3A_980 = arith.constant 0 : i32
        %dma_wait3A_981 = tpu.memref_slice %arg16[%select_n3A_897, %dma_wait3A_979, %dma_wait3A_980] : memref<2x640x64xf32, #tpu.memory_space<vmem>> -> memref<1x640x64xf32, #tpu.memory_space<vmem>>
        %dma_wait3A_982 = tpu.memref_squeeze %dma_wait3A_981 : memref<1x640x64xf32, #tpu.memory_space<vmem>> -> memref<640x64xf32, #tpu.memory_space<vmem>>
        %dma_wait3A_983 = arith.constant 512 : i32
        %dma_wait3A_984 = arith.constant 0 : i32
        %dma_wait3A_985 = tpu.memref_slice %dma_wait3A_982[%dma_wait3A_983, %dma_wait3A_984] : memref<640x64xf32, #tpu.memory_space<vmem>> -> memref<128x64xf32, #tpu.memory_space<vmem>>
        %dma_wait3A_986 = arith.constant 0 : i32
        %dma_wait3A_987 = arith.constant 0 : i32
        %dma_wait3A_988 = tpu.memref_slice %arg10[%select_n3A_881, %dma_wait3A_986, %dma_wait3A_987] : memref<3x5x128xi32, #tpu.memory_space<vmem>> -> memref<1x5x128xi32, #tpu.memory_space<vmem>>
        %dma_wait3A_989 = tpu.memref_squeeze %dma_wait3A_988 : memref<1x5x128xi32, #tpu.memory_space<vmem>> -> memref<5x128xi32, #tpu.memory_space<vmem>>
        %dma_wait3A_990 = arith.constant 0 : i32
        %dma_wait3A_991 = tpu.memref_slice %dma_wait3A_989[%dma_wait3A_978, %dma_wait3A_990] : memref<5x128xi32, #tpu.memory_space<vmem>> -> memref<1x128xi32, #tpu.memory_space<vmem>>
        %dma_wait3A_992 = tpu.memref_squeeze %dma_wait3A_991 : memref<1x128xi32, #tpu.memory_space<vmem>> -> memref<128xi32, #tpu.memory_space<vmem>>
        %dma_wait3A_993 = arith.constant 0 : i32
        %dma_wait3A_994 = arith.constant 0 : i32
        %dma_wait3A_995 = tpu.memref_slice %arg18[%dma_wait3A_993, %dma_wait3A_994] : memref<4096x64xf32, #tpu.memory_space<vmem_shared>> -> memref<4096x64xf32, #tpu.memory_space<vmem_shared>>
        %dma_wait3A_996 = tpu.memref_slice %arg21[%select_n3A_897] : memref<2x!tpu.dma_semaphore, #tpu.memory_space<semaphore_mem>> -> memref<1x!tpu.dma_semaphore, #tpu.memory_space<semaphore_mem>>
        %dma_wait3A_997 = tpu.memref_squeeze %dma_wait3A_996 : memref<1x!tpu.dma_semaphore, #tpu.memory_space<semaphore_mem>> -> memref<!tpu.dma_semaphore, #tpu.memory_space<semaphore_mem>>
        tpu.wait_indirect_dma semaphore(%dma_wait3A_997 : memref<!tpu.dma_semaphore, #tpu.memory_space<semaphore_mem>>) src(%dma_wait3A_985 : memref<128x64xf32, #tpu.memory_space<vmem>>) dst(%dma_wait3A_995 : memref<4096x64xf32, #tpu.memory_space<vmem_shared>>)
      } else {
      }
      %add3A_711 = arith.constant 1 : i32
      %add3A_712 = arith.addi %scan3A_483, %add3A_711 : i32
      %lt3A_713 = arith.constant 40 : i32
      %lt3A_714 = arith.cmpi slt, %add3A_712, %lt3A_713 : i32
      %convert_element_type3A_715 = arith.extui %lt3A_714 : i1 to i32
      %cond3A_716 = arith.constant 0 : i32
      %cond3A_717 = arith.cmpi ne, %convert_element_type3A_715, %cond3A_716 : i32
      scf.if %cond3A_717 {
        %add3A_865 = arith.constant 1 : i32
        %add3A_866 = arith.addi %scan3A_483, %add3A_865 : i32
        %jit3A_867 = arith.constant 3 : i32
        %eq3A_868 = arith.constant 0 : i32
        %eq3A_869 = arith.cmpi eq, %jit3A_867, %eq3A_868 : i32
        %jit3A_870 = arith.constant 1 : i32
        %select_n3A_871 = arith.select %eq3A_869, %jit3A_870, %jit3A_867 : i32
        %rem3A_872 = arith.remsi %add3A_866, %select_n3A_871 : i32
        %ne3A_873 = arith.constant 0 : i32
        %ne3A_874 = arith.cmpi ne, %rem3A_872, %ne3A_873 : i32
        %lt3A_875 = arith.constant 0 : i32
        %lt3A_876 = arith.cmpi slt, %rem3A_872, %lt3A_875 : i32
        %lt3A_877 = arith.constant 0 : i32
        %lt3A_878 = arith.cmpi slt, %select_n3A_871, %lt3A_877 : i32
        %ne3A_879 = arith.xori %lt3A_876, %lt3A_878 : i1
        %and3A_880 = arith.andi %ne3A_879, %ne3A_874 : i1
        %add3A_881 = arith.addi %rem3A_872, %select_n3A_871 : i32
        %select_n3A_882 = arith.select %and3A_880, %add3A_881, %rem3A_872 : i32
        %scan3A_883 = arith.constant 0 : i32
        %scan3A_884 = arith.constant 0 : i32
        %scan3A_885 = arith.constant 40 : i32
        %scan3A_886 = arith.addi %scan3A_884, %scan3A_885 : i32
        %scan3A_887 = arith.constant 1 : i32
        %scan3A_888 = scf.for %scan3A_1084 = %scan3A_884 to %scan3A_886 step %scan3A_887 iter_args(%scan3A_1085 = %scan3A_883) -> (i32)  : i32 {
          %shift_right_arithmetic3A = arith.constant 3 : i32
          %shift_right_arithmetic3A_1086 = arith.shrsi %scan3A_1084, %shift_right_arithmetic3A : i32
          %and3A_1087 = arith.constant 7 : i32
          %and3A_1088 = arith.andi %scan3A_1084, %and3A_1087 : i32
          %mul3A_1089 = arith.constant 16 : i32
          %mul3A_1090 = arith.muli %and3A_1088, %mul3A_1089 : i32
          %get3A = arith.index_cast %select_n3A_882 : i32 to index
          %get3A_1091 = arith.index_cast %shift_right_arithmetic3A_1086 : i32 to index
          %get3A_1092 = arith.index_cast %mul3A_1090 : i32 to index
          %get3A_1093 = tpu.vector_load %arg9[%get3A, %get3A_1091, %get3A_1092] {strides = array<i32>} : memref<3x5x128xi32, #tpu.memory_space<vmem>>, vector<1x1x16xi32>,
          %get3A_1094 = vector.shape_cast %get3A_1093 : vector<1x1x16xi32> to vector<16xi32>
          %and3A_1095 = arith.constant -8192 : i32
          %and3A_1096 = vector.broadcast %and3A_1095 : i32 to vector<16xi32>
          %and3A_1097 = arith.andi %get3A_1094, %and3A_1096 : vector<16xi32>
          %and3A_1098 = arith.constant 4095 : i32
          %and3A_1099 = vector.broadcast %and3A_1098 : i32 to vector<16xi32>
          %and3A_1100 = arith.andi %get3A_1094, %and3A_1099 : vector<16xi32>
          %shift_left3A = arith.constant 1 : i32
          %shift_left3A_1101 = vector.broadcast %shift_left3A : i32 to vector<16xi32>
          %shift_left3A_1102 = arith.shli %and3A_1100, %shift_left3A_1101 : vector<16xi32>
          %add3A_1103 = arith.addi %and3A_1097, %shift_left3A_1102 : vector<16xi32>
          %and3A_1104 = arith.constant 8191 : i32
          %and3A_1105 = vector.broadcast %and3A_1104 : i32 to vector<16xi32>
          %and3A_1106 = arith.andi %get3A_1094, %and3A_1105 : vector<16xi32>
          %shift_right_arithmetic3A_1107 = arith.constant 12 : i32
          %shift_right_arithmetic3A_1108 = vector.broadcast %shift_right_arithmetic3A_1107 : i32 to vector<16xi32>
          %shift_right_arithmetic3A_1109 = arith.shrsi %and3A_1106, %shift_right_arithmetic3A_1108 : vector<16xi32>
          %add3A_1110 = arith.addi %add3A_1103, %shift_right_arithmetic3A_1109 : vector<16xi32>
          %swap3A = arith.index_cast %shift_right_arithmetic3A_1086 : i32 to index
          %swap3A_1111 = arith.index_cast %mul3A_1090 : i32 to index
          %swap3A_1112 = tpu.vector_load %arg15[%swap3A, %swap3A_1111] {strides = array<i32>} : memref<5x128xi32, #tpu.memory_space<vmem>>, vector<1x16xi32>,
          %swap3A_1113 = vector.shape_cast %swap3A_1112 : vector<1x16xi32> to vector<16xi32>
          %swap3A_1114 = vector.shape_cast %add3A_1110 : vector<16xi32> to vector<1x16xi32>
          tpu.vector_store %arg15[%swap3A, %swap3A_1111], %swap3A_1114 {strides = array<i32>} : memref<5x128xi32, #tpu.memory_space<vmem>>, vector<1x16xi32>,
          %scan3A_1115 = arith.constant 0 : i32
          scf.yield %scan3A_1115 : i32
        }
        %scan3A_889 = arith.constant 40 : i32
        %add3A_890 = arith.constant 1 : i32
        %add3A_891 = arith.addi %scan3A_483, %add3A_890 : i32
        %jit3A_892 = arith.constant 3 : i32
        %eq3A_893 = arith.constant 0 : i32
        %eq3A_894 = arith.cmpi eq, %jit3A_892, %eq3A_893 : i32
        %jit3A_895 = arith.constant 1 : i32
        %select_n3A_896 = arith.select %eq3A_894, %jit3A_895, %jit3A_892 : i32
        %rem3A_897 = arith.remsi %add3A_891, %select_n3A_896 : i32
        %ne3A_898 = arith.constant 0 : i32
        %ne3A_899 = arith.cmpi ne, %rem3A_897, %ne3A_898 : i32
        %lt3A_900 = arith.constant 0 : i32
        %lt3A_901 = arith.cmpi slt, %rem3A_897, %lt3A_900 : i32
        %lt3A_902 = arith.constant 0 : i32
        %lt3A_903 = arith.cmpi slt, %select_n3A_896, %lt3A_902 : i32
        %ne3A_904 = arith.xori %lt3A_901, %lt3A_903 : i1
        %and3A_905 = arith.andi %ne3A_904, %ne3A_899 : i1
        %add3A_906 = arith.addi %rem3A_897, %select_n3A_896 : i32
        %select_n3A_907 = arith.select %and3A_905, %add3A_906, %rem3A_897 : i32
        %jit3A_908 = arith.constant 2 : i32
        %eq3A_909 = arith.constant 0 : i32
        %eq3A_910 = arith.cmpi eq, %jit3A_908, %eq3A_909 : i32
        %jit3A_911 = arith.constant 1 : i32
        %select_n3A_912 = arith.select %eq3A_910, %jit3A_911, %jit3A_908 : i32
        %rem3A_913 = arith.remsi %add3A_891, %select_n3A_912 : i32
        %ne3A_914 = arith.constant 0 : i32
        %ne3A_915 = arith.cmpi ne, %rem3A_913, %ne3A_914 : i32
        %lt3A_916 = arith.constant 0 : i32
        %lt3A_917 = arith.cmpi slt, %rem3A_913, %lt3A_916 : i32
        %lt3A_918 = arith.constant 0 : i32
        %lt3A_919 = arith.cmpi slt, %select_n3A_912, %lt3A_918 : i32
        %ne3A_920 = arith.xori %lt3A_917, %lt3A_919 : i1
        %and3A_921 = arith.andi %ne3A_920, %ne3A_915 : i1
        %add3A_922 = arith.addi %rem3A_913, %select_n3A_912 : i32
        %select_n3A_923 = arith.select %and3A_921, %add3A_922, %rem3A_913 : i32
        %dma_start3A_924 = arith.constant 0 : i32
        %dma_start3A_925 = arith.constant 0 : i32
        %dma_start3A_926 = arith.constant 0 : i32
        %dma_start3A_927 = tpu.memref_slice %arg16[%select_n3A_923, %dma_start3A_925, %dma_start3A_926] : memref<2x640x64xf32, #tpu.memory_space<vmem>> -> memref<1x640x64xf32, #tpu.memory_space<vmem>>
        %dma_start3A_928 = tpu.memref_squeeze %dma_start3A_927 : memref<1x640x64xf32, #tpu.memory_space<vmem>> -> memref<640x64xf32, #tpu.memory_space<vmem>>
        %dma_start3A_929 = arith.constant 0 : i32
        %dma_start3A_930 = arith.constant 0 : i32
        %dma_start3A_931 = tpu.memref_slice %dma_start3A_928[%dma_start3A_929, %dma_start3A_930] : memref<640x64xf32, #tpu.memory_space<vmem>> -> memref<128x64xf32, #tpu.memory_space<vmem>>
        %dma_start3A_932 = arith.constant 0 : i32
        %dma_start3A_933 = tpu.memref_slice %arg15[%dma_start3A_924, %dma_start3A_932] : memref<5x128xi32, #tpu.memory_space<vmem>> -> memref<1x128xi32, #tpu.memory_space<vmem>>
        %dma_start3A_934 = tpu.memref_squeeze %dma_start3A_933 : memref<1x128xi32, #tpu.memory_space<vmem>> -> memref<128xi32, #tpu.memory_space<vmem>>
        %dma_start3A_935 = arith.constant 0 : i32
        %dma_start3A_936 = arith.constant 0 : i32
        %dma_start3A_937 = tpu.memref_slice %arg7[%dma_start3A_935, %dma_start3A_936] : memref<1007616x64xf32, #tpu.memory_space<hbm>> -> memref<1007616x64xf32, #tpu.memory_space<hbm>>
        tpu.enqueue_indirect_dma source(%dma_start3A_937 : memref<1007616x64xf32, #tpu.memory_space<hbm>>) target(%dma_start3A_931 : memref<128x64xf32, #tpu.memory_space<vmem>>) offsets(%dma_start3A_934 : memref<128xi32, #tpu.memory_space<vmem>>) semaphore(%arg20 : memref<!tpu.dma_semaphore, #tpu.memory_space<semaphore_mem>>)
        %dma_start3A_938 = arith.constant 0 : i32
        %dma_start3A_939 = arith.constant 0 : i32
        %dma_start3A_940 = arith.constant 0 : i32
        %dma_start3A_941 = arith.constant 0 : i32
        %dma_start3A_942 = tpu.memref_slice %arg13[%select_n3A_923, %dma_start3A_940, %dma_start3A_941] : memref<2x5x128xf32, #tpu.memory_space<vmem>> -> memref<1x5x128xf32, #tpu.memory_space<vmem>>
        %dma_start3A_943 = tpu.memref_squeeze %dma_start3A_942 : memref<1x5x128xf32, #tpu.memory_space<vmem>> -> memref<5x128xf32, #tpu.memory_space<vmem>>
        %dma_start3A_944 = arith.constant 0 : i32
        %dma_start3A_945 = tpu.memref_slice %dma_start3A_943[%dma_start3A_939, %dma_start3A_944] : memref<5x128xf32, #tpu.memory_space<vmem>> -> memref<1x128xf32, #tpu.memory_space<vmem>>
        %dma_start3A_946 = tpu.memref_squeeze %dma_start3A_945 : memref<1x128xf32, #tpu.memory_space<vmem>> -> memref<128xf32, #tpu.memory_space<vmem>>
        %dma_start3A_947 = arith.constant 0 : i32
        %dma_start3A_948 = arith.constant 0 : i32
        %dma_start3A_949 = tpu.memref_slice %arg9[%select_n3A_907, %dma_start3A_947, %dma_start3A_948] : memref<3x5x128xi32, #tpu.memory_space<vmem>> -> memref<1x5x128xi32, #tpu.memory_space<vmem>>
        %dma_start3A_950 = tpu.memref_squeeze %dma_start3A_949 : memref<1x5x128xi32, #tpu.memory_space<vmem>> -> memref<5x128xi32, #tpu.memory_space<vmem>>
        %dma_start3A_951 = arith.constant 0 : i32
        %dma_start3A_952 = tpu.memref_slice %dma_start3A_950[%dma_start3A_938, %dma_start3A_951] : memref<5x128xi32, #tpu.memory_space<vmem>> -> memref<1x128xi32, #tpu.memory_space<vmem>>
        %dma_start3A_953 = tpu.memref_squeeze %dma_start3A_952 : memref<1x128xi32, #tpu.memory_space<vmem>> -> memref<128xi32, #tpu.memory_space<vmem>>
        %dma_start3A_954 = arith.constant 0 : i32
        %dma_start3A_955 = tpu.memref_slice %arg6[%dma_start3A_954] : memref<1048576xf32, #tpu.memory_space<hbm>> -> memref<1048576xf32, #tpu.memory_space<hbm>>
        tpu.enqueue_indirect_dma source(%dma_start3A_955 : memref<1048576xf32, #tpu.memory_space<hbm>>) target(%dma_start3A_946 : memref<128xf32, #tpu.memory_space<vmem>>) offsets(%dma_start3A_953 : memref<128xi32, #tpu.memory_space<vmem>>) semaphore(%arg20 : memref<!tpu.dma_semaphore, #tpu.memory_space<semaphore_mem>>)
        %dma_start3A_956 = arith.constant 1 : i32
        %dma_start3A_957 = arith.constant 0 : i32
        %dma_start3A_958 = arith.constant 0 : i32
        %dma_start3A_959 = tpu.memref_slice %arg16[%select_n3A_923, %dma_start3A_957, %dma_start3A_958] : memref<2x640x64xf32, #tpu.memory_space<vmem>> -> memref<1x640x64xf32, #tpu.memory_space<vmem>>
        %dma_start3A_960 = tpu.memref_squeeze %dma_start3A_959 : memref<1x640x64xf32, #tpu.memory_space<vmem>> -> memref<640x64xf32, #tpu.memory_space<vmem>>
        %dma_start3A_961 = arith.constant 128 : i32
        %dma_start3A_962 = arith.constant 0 : i32
        %dma_start3A_963 = tpu.memref_slice %dma_start3A_960[%dma_start3A_961, %dma_start3A_962] : memref<640x64xf32, #tpu.memory_space<vmem>> -> memref<128x64xf32, #tpu.memory_space<vmem>>
        %dma_start3A_964 = arith.constant 0 : i32
        %dma_start3A_965 = tpu.memref_slice %arg15[%dma_start3A_956, %dma_start3A_964] : memref<5x128xi32, #tpu.memory_space<vmem>> -> memref<1x128xi32, #tpu.memory_space<vmem>>
        %dma_start3A_966 = tpu.memref_squeeze %dma_start3A_965 : memref<1x128xi32, #tpu.memory_space<vmem>> -> memref<128xi32, #tpu.memory_space<vmem>>
        %dma_start3A_967 = arith.constant 0 : i32
        %dma_start3A_968 = arith.constant 0 : i32
        %dma_start3A_969 = tpu.memref_slice %arg7[%dma_start3A_967, %dma_start3A_968] : memref<1007616x64xf32, #tpu.memory_space<hbm>> -> memref<1007616x64xf32, #tpu.memory_space<hbm>>
        tpu.enqueue_indirect_dma source(%dma_start3A_969 : memref<1007616x64xf32, #tpu.memory_space<hbm>>) target(%dma_start3A_963 : memref<128x64xf32, #tpu.memory_space<vmem>>) offsets(%dma_start3A_966 : memref<128xi32, #tpu.memory_space<vmem>>) semaphore(%arg20 : memref<!tpu.dma_semaphore, #tpu.memory_space<semaphore_mem>>)
        %dma_start3A_970 = arith.constant 1 : i32
        %dma_start3A_971 = arith.constant 1 : i32
        %dma_start3A_972 = arith.constant 0 : i32
        %dma_start3A_973 = arith.constant 0 : i32
        %dma_start3A_974 = tpu.memref_slice %arg13[%select_n3A_923, %dma_start3A_972, %dma_start3A_973] : memref<2x5x128xf32, #tpu.memory_space<vmem>> -> memref<1x5x128xf32, #tpu.memory_space<vmem>>
        %dma_start3A_975 = tpu.memref_squeeze %dma_start3A_974 : memref<1x5x128xf32, #tpu.memory_space<vmem>> -> memref<5x128xf32, #tpu.memory_space<vmem>>
        %dma_start3A_976 = arith.constant 0 : i32
        %dma_start3A_977 = tpu.memref_slice %dma_start3A_975[%dma_start3A_971, %dma_start3A_976] : memref<5x128xf32, #tpu.memory_space<vmem>> -> memref<1x128xf32, #tpu.memory_space<vmem>>
        %dma_start3A_978 = tpu.memref_squeeze %dma_start3A_977 : memref<1x128xf32, #tpu.memory_space<vmem>> -> memref<128xf32, #tpu.memory_space<vmem>>
        %dma_start3A_979 = arith.constant 0 : i32
        %dma_start3A_980 = arith.constant 0 : i32
        %dma_start3A_981 = tpu.memref_slice %arg9[%select_n3A_907, %dma_start3A_979, %dma_start3A_980] : memref<3x5x128xi32, #tpu.memory_space<vmem>> -> memref<1x5x128xi32, #tpu.memory_space<vmem>>
        %dma_start3A_982 = tpu.memref_squeeze %dma_start3A_981 : memref<1x5x128xi32, #tpu.memory_space<vmem>> -> memref<5x128xi32, #tpu.memory_space<vmem>>
        %dma_start3A_983 = arith.constant 0 : i32
        %dma_start3A_984 = tpu.memref_slice %dma_start3A_982[%dma_start3A_970, %dma_start3A_983] : memref<5x128xi32, #tpu.memory_space<vmem>> -> memref<1x128xi32, #tpu.memory_space<vmem>>
        %dma_start3A_985 = tpu.memref_squeeze %dma_start3A_984 : memref<1x128xi32, #tpu.memory_space<vmem>> -> memref<128xi32, #tpu.memory_space<vmem>>
        %dma_start3A_986 = arith.constant 0 : i32
        %dma_start3A_987 = tpu.memref_slice %arg6[%dma_start3A_986] : memref<1048576xf32, #tpu.memory_space<hbm>> -> memref<1048576xf32, #tpu.memory_space<hbm>>
        tpu.enqueue_indirect_dma source(%dma_start3A_987 : memref<1048576xf32, #tpu.memory_space<hbm>>) target(%dma_start3A_978 : memref<128xf32, #tpu.memory_space<vmem>>) offsets(%dma_start3A_985 : memref<128xi32, #tpu.memory_space<vmem>>) semaphore(%arg20 : memref<!tpu.dma_semaphore, #tpu.memory_space<semaphore_mem>>)
        %dma_start3A_988 = arith.constant 2 : i32
        %dma_start3A_989 = arith.constant 0 : i32
        %dma_start3A_990 = arith.constant 0 : i32
        %dma_start3A_991 = tpu.memref_slice %arg16[%select_n3A_923, %dma_start3A_989, %dma_start3A_990] : memref<2x640x64xf32, #tpu.memory_space<vmem>> -> memref<1x640x64xf32, #tpu.memory_space<vmem>>
        %dma_start3A_992 = tpu.memref_squeeze %dma_start3A_991 : memref<1x640x64xf32, #tpu.memory_space<vmem>> -> memref<640x64xf32, #tpu.memory_space<vmem>>
        %dma_start3A_993 = arith.constant 256 : i32
        %dma_start3A_994 = arith.constant 0 : i32
        %dma_start3A_995 = tpu.memref_slice %dma_start3A_992[%dma_start3A_993, %dma_start3A_994] : memref<640x64xf32, #tpu.memory_space<vmem>> -> memref<128x64xf32, #tpu.memory_space<vmem>>
        %dma_start3A_996 = arith.constant 0 : i32
        %dma_start3A_997 = tpu.memref_slice %arg15[%dma_start3A_988, %dma_start3A_996] : memref<5x128xi32, #tpu.memory_space<vmem>> -> memref<1x128xi32, #tpu.memory_space<vmem>>
        %dma_start3A_998 = tpu.memref_squeeze %dma_start3A_997 : memref<1x128xi32, #tpu.memory_space<vmem>> -> memref<128xi32, #tpu.memory_space<vmem>>
        %dma_start3A_999 = arith.constant 0 : i32
        %dma_start3A_1000 = arith.constant 0 : i32
        %dma_start3A_1001 = tpu.memref_slice %arg7[%dma_start3A_999, %dma_start3A_1000] : memref<1007616x64xf32, #tpu.memory_space<hbm>> -> memref<1007616x64xf32, #tpu.memory_space<hbm>>
        tpu.enqueue_indirect_dma source(%dma_start3A_1001 : memref<1007616x64xf32, #tpu.memory_space<hbm>>) target(%dma_start3A_995 : memref<128x64xf32, #tpu.memory_space<vmem>>) offsets(%dma_start3A_998 : memref<128xi32, #tpu.memory_space<vmem>>) semaphore(%arg20 : memref<!tpu.dma_semaphore, #tpu.memory_space<semaphore_mem>>)
        %dma_start3A_1002 = arith.constant 2 : i32
        %dma_start3A_1003 = arith.constant 2 : i32
        %dma_start3A_1004 = arith.constant 0 : i32
        %dma_start3A_1005 = arith.constant 0 : i32
        %dma_start3A_1006 = tpu.memref_slice %arg13[%select_n3A_923, %dma_start3A_1004, %dma_start3A_1005] : memref<2x5x128xf32, #tpu.memory_space<vmem>> -> memref<1x5x128xf32, #tpu.memory_space<vmem>>
        %dma_start3A_1007 = tpu.memref_squeeze %dma_start3A_1006 : memref<1x5x128xf32, #tpu.memory_space<vmem>> -> memref<5x128xf32, #tpu.memory_space<vmem>>
        %dma_start3A_1008 = arith.constant 0 : i32
        %dma_start3A_1009 = tpu.memref_slice %dma_start3A_1007[%dma_start3A_1003, %dma_start3A_1008] : memref<5x128xf32, #tpu.memory_space<vmem>> -> memref<1x128xf32, #tpu.memory_space<vmem>>
        %dma_start3A_1010 = tpu.memref_squeeze %dma_start3A_1009 : memref<1x128xf32, #tpu.memory_space<vmem>> -> memref<128xf32, #tpu.memory_space<vmem>>
        %dma_start3A_1011 = arith.constant 0 : i32
        %dma_start3A_1012 = arith.constant 0 : i32
        %dma_start3A_1013 = tpu.memref_slice %arg9[%select_n3A_907, %dma_start3A_1011, %dma_start3A_1012] : memref<3x5x128xi32, #tpu.memory_space<vmem>> -> memref<1x5x128xi32, #tpu.memory_space<vmem>>
        %dma_start3A_1014 = tpu.memref_squeeze %dma_start3A_1013 : memref<1x5x128xi32, #tpu.memory_space<vmem>> -> memref<5x128xi32, #tpu.memory_space<vmem>>
        %dma_start3A_1015 = arith.constant 0 : i32
        %dma_start3A_1016 = tpu.memref_slice %dma_start3A_1014[%dma_start3A_1002, %dma_start3A_1015] : memref<5x128xi32, #tpu.memory_space<vmem>> -> memref<1x128xi32, #tpu.memory_space<vmem>>
        %dma_start3A_1017 = tpu.memref_squeeze %dma_start3A_1016 : memref<1x128xi32, #tpu.memory_space<vmem>> -> memref<128xi32, #tpu.memory_space<vmem>>
        %dma_start3A_1018 = arith.constant 0 : i32
        %dma_start3A_1019 = tpu.memref_slice %arg6[%dma_start3A_1018] : memref<1048576xf32, #tpu.memory_space<hbm>> -> memref<1048576xf32, #tpu.memory_space<hbm>>
        tpu.enqueue_indirect_dma source(%dma_start3A_1019 : memref<1048576xf32, #tpu.memory_space<hbm>>) target(%dma_start3A_1010 : memref<128xf32, #tpu.memory_space<vmem>>) offsets(%dma_start3A_1017 : memref<128xi32, #tpu.memory_space<vmem>>) semaphore(%arg20 : memref<!tpu.dma_semaphore, #tpu.memory_space<semaphore_mem>>)
        %dma_start3A_1020 = arith.constant 3 : i32
        %dma_start3A_1021 = arith.constant 0 : i32
        %dma_start3A_1022 = arith.constant 0 : i32
        %dma_start3A_1023 = tpu.memref_slice %arg16[%select_n3A_923, %dma_start3A_1021, %dma_start3A_1022] : memref<2x640x64xf32, #tpu.memory_space<vmem>> -> memref<1x640x64xf32, #tpu.memory_space<vmem>>
        %dma_start3A_1024 = tpu.memref_squeeze %dma_start3A_1023 : memref<1x640x64xf32, #tpu.memory_space<vmem>> -> memref<640x64xf32, #tpu.memory_space<vmem>>
        %dma_start3A_1025 = arith.constant 384 : i32
        %dma_start3A_1026 = arith.constant 0 : i32
        %dma_start3A_1027 = tpu.memref_slice %dma_start3A_1024[%dma_start3A_1025, %dma_start3A_1026] : memref<640x64xf32, #tpu.memory_space<vmem>> -> memref<128x64xf32, #tpu.memory_space<vmem>>
        %dma_start3A_1028 = arith.constant 0 : i32
        %dma_start3A_1029 = tpu.memref_slice %arg15[%dma_start3A_1020, %dma_start3A_1028] : memref<5x128xi32, #tpu.memory_space<vmem>> -> memref<1x128xi32, #tpu.memory_space<vmem>>
        %dma_start3A_1030 = tpu.memref_squeeze %dma_start3A_1029 : memref<1x128xi32, #tpu.memory_space<vmem>> -> memref<128xi32, #tpu.memory_space<vmem>>
        %dma_start3A_1031 = arith.constant 0 : i32
        %dma_start3A_1032 = arith.constant 0 : i32
        %dma_start3A_1033 = tpu.memref_slice %arg7[%dma_start3A_1031, %dma_start3A_1032] : memref<1007616x64xf32, #tpu.memory_space<hbm>> -> memref<1007616x64xf32, #tpu.memory_space<hbm>>
        tpu.enqueue_indirect_dma source(%dma_start3A_1033 : memref<1007616x64xf32, #tpu.memory_space<hbm>>) target(%dma_start3A_1027 : memref<128x64xf32, #tpu.memory_space<vmem>>) offsets(%dma_start3A_1030 : memref<128xi32, #tpu.memory_space<vmem>>) semaphore(%arg20 : memref<!tpu.dma_semaphore, #tpu.memory_space<semaphore_mem>>)
        %dma_start3A_1034 = arith.constant 3 : i32
        %dma_start3A_1035 = arith.constant 3 : i32
        %dma_start3A_1036 = arith.constant 0 : i32
        %dma_start3A_1037 = arith.constant 0 : i32
        %dma_start3A_1038 = tpu.memref_slice %arg13[%select_n3A_923, %dma_start3A_1036, %dma_start3A_1037] : memref<2x5x128xf32, #tpu.memory_space<vmem>> -> memref<1x5x128xf32, #tpu.memory_space<vmem>>
        %dma_start3A_1039 = tpu.memref_squeeze %dma_start3A_1038 : memref<1x5x128xf32, #tpu.memory_space<vmem>> -> memref<5x128xf32, #tpu.memory_space<vmem>>
        %dma_start3A_1040 = arith.constant 0 : i32
        %dma_start3A_1041 = tpu.memref_slice %dma_start3A_1039[%dma_start3A_1035, %dma_start3A_1040] : memref<5x128xf32, #tpu.memory_space<vmem>> -> memref<1x128xf32, #tpu.memory_space<vmem>>
        %dma_start3A_1042 = tpu.memref_squeeze %dma_start3A_1041 : memref<1x128xf32, #tpu.memory_space<vmem>> -> memref<128xf32, #tpu.memory_space<vmem>>
        %dma_start3A_1043 = arith.constant 0 : i32
        %dma_start3A_1044 = arith.constant 0 : i32
        %dma_start3A_1045 = tpu.memref_slice %arg9[%select_n3A_907, %dma_start3A_1043, %dma_start3A_1044] : memref<3x5x128xi32, #tpu.memory_space<vmem>> -> memref<1x5x128xi32, #tpu.memory_space<vmem>>
        %dma_start3A_1046 = tpu.memref_squeeze %dma_start3A_1045 : memref<1x5x128xi32, #tpu.memory_space<vmem>> -> memref<5x128xi32, #tpu.memory_space<vmem>>
        %dma_start3A_1047 = arith.constant 0 : i32
        %dma_start3A_1048 = tpu.memref_slice %dma_start3A_1046[%dma_start3A_1034, %dma_start3A_1047] : memref<5x128xi32, #tpu.memory_space<vmem>> -> memref<1x128xi32, #tpu.memory_space<vmem>>
        %dma_start3A_1049 = tpu.memref_squeeze %dma_start3A_1048 : memref<1x128xi32, #tpu.memory_space<vmem>> -> memref<128xi32, #tpu.memory_space<vmem>>
        %dma_start3A_1050 = arith.constant 0 : i32
        %dma_start3A_1051 = tpu.memref_slice %arg6[%dma_start3A_1050] : memref<1048576xf32, #tpu.memory_space<hbm>> -> memref<1048576xf32, #tpu.memory_space<hbm>>
        tpu.enqueue_indirect_dma source(%dma_start3A_1051 : memref<1048576xf32, #tpu.memory_space<hbm>>) target(%dma_start3A_1042 : memref<128xf32, #tpu.memory_space<vmem>>) offsets(%dma_start3A_1049 : memref<128xi32, #tpu.memory_space<vmem>>) semaphore(%arg20 : memref<!tpu.dma_semaphore, #tpu.memory_space<semaphore_mem>>)
        %dma_start3A_1052 = arith.constant 4 : i32
        %dma_start3A_1053 = arith.constant 0 : i32
        %dma_start3A_1054 = arith.constant 0 : i32
        %dma_start3A_1055 = tpu.memref_slice %arg16[%select_n3A_923, %dma_start3A_1053, %dma_start3A_1054] : memref<2x640x64xf32, #tpu.memory_space<vmem>> -> memref<1x640x64xf32, #tpu.memory_space<vmem>>
        %dma_start3A_1056 = tpu.memref_squeeze %dma_start3A_1055 : memref<1x640x64xf32, #tpu.memory_space<vmem>> -> memref<640x64xf32, #tpu.memory_space<vmem>>
        %dma_start3A_1057 = arith.constant 512 : i32
        %dma_start3A_1058 = arith.constant 0 : i32
        %dma_start3A_1059 = tpu.memref_slice %dma_start3A_1056[%dma_start3A_1057, %dma_start3A_1058] : memref<640x64xf32, #tpu.memory_space<vmem>> -> memref<128x64xf32, #tpu.memory_space<vmem>>
        %dma_start3A_1060 = arith.constant 0 : i32
        %dma_start3A_1061 = tpu.memref_slice %arg15[%dma_start3A_1052, %dma_start3A_1060] : memref<5x128xi32, #tpu.memory_space<vmem>> -> memref<1x128xi32, #tpu.memory_space<vmem>>
        %dma_start3A_1062 = tpu.memref_squeeze %dma_start3A_1061 : memref<1x128xi32, #tpu.memory_space<vmem>> -> memref<128xi32, #tpu.memory_space<vmem>>
        %dma_start3A_1063 = arith.constant 0 : i32
        %dma_start3A_1064 = arith.constant 0 : i32
        %dma_start3A_1065 = tpu.memref_slice %arg7[%dma_start3A_1063, %dma_start3A_1064] : memref<1007616x64xf32, #tpu.memory_space<hbm>> -> memref<1007616x64xf32, #tpu.memory_space<hbm>>
        tpu.enqueue_indirect_dma source(%dma_start3A_1065 : memref<1007616x64xf32, #tpu.memory_space<hbm>>) target(%dma_start3A_1059 : memref<128x64xf32, #tpu.memory_space<vmem>>) offsets(%dma_start3A_1062 : memref<128xi32, #tpu.memory_space<vmem>>) semaphore(%arg20 : memref<!tpu.dma_semaphore, #tpu.memory_space<semaphore_mem>>)
        %dma_start3A_1066 = arith.constant 4 : i32
        %dma_start3A_1067 = arith.constant 4 : i32
        %dma_start3A_1068 = arith.constant 0 : i32
        %dma_start3A_1069 = arith.constant 0 : i32
        %dma_start3A_1070 = tpu.memref_slice %arg13[%select_n3A_923, %dma_start3A_1068, %dma_start3A_1069] : memref<2x5x128xf32, #tpu.memory_space<vmem>> -> memref<1x5x128xf32, #tpu.memory_space<vmem>>
        %dma_start3A_1071 = tpu.memref_squeeze %dma_start3A_1070 : memref<1x5x128xf32, #tpu.memory_space<vmem>> -> memref<5x128xf32, #tpu.memory_space<vmem>>
        %dma_start3A_1072 = arith.constant 0 : i32
        %dma_start3A_1073 = tpu.memref_slice %dma_start3A_1071[%dma_start3A_1067, %dma_start3A_1072] : memref<5x128xf32, #tpu.memory_space<vmem>> -> memref<1x128xf32, #tpu.memory_space<vmem>>
        %dma_start3A_1074 = tpu.memref_squeeze %dma_start3A_1073 : memref<1x128xf32, #tpu.memory_space<vmem>> -> memref<128xf32, #tpu.memory_space<vmem>>
        %dma_start3A_1075 = arith.constant 0 : i32
        %dma_start3A_1076 = arith.constant 0 : i32
        %dma_start3A_1077 = tpu.memref_slice %arg9[%select_n3A_907, %dma_start3A_1075, %dma_start3A_1076] : memref<3x5x128xi32, #tpu.memory_space<vmem>> -> memref<1x5x128xi32, #tpu.memory_space<vmem>>
        %dma_start3A_1078 = tpu.memref_squeeze %dma_start3A_1077 : memref<1x5x128xi32, #tpu.memory_space<vmem>> -> memref<5x128xi32, #tpu.memory_space<vmem>>
        %dma_start3A_1079 = arith.constant 0 : i32
        %dma_start3A_1080 = tpu.memref_slice %dma_start3A_1078[%dma_start3A_1066, %dma_start3A_1079] : memref<5x128xi32, #tpu.memory_space<vmem>> -> memref<1x128xi32, #tpu.memory_space<vmem>>
        %dma_start3A_1081 = tpu.memref_squeeze %dma_start3A_1080 : memref<1x128xi32, #tpu.memory_space<vmem>> -> memref<128xi32, #tpu.memory_space<vmem>>
        %dma_start3A_1082 = arith.constant 0 : i32
        %dma_start3A_1083 = tpu.memref_slice %arg6[%dma_start3A_1082] : memref<1048576xf32, #tpu.memory_space<hbm>> -> memref<1048576xf32, #tpu.memory_space<hbm>>
        tpu.enqueue_indirect_dma source(%dma_start3A_1083 : memref<1048576xf32, #tpu.memory_space<hbm>>) target(%dma_start3A_1074 : memref<128xf32, #tpu.memory_space<vmem>>) offsets(%dma_start3A_1081 : memref<128xi32, #tpu.memory_space<vmem>>) semaphore(%arg20 : memref<!tpu.dma_semaphore, #tpu.memory_space<semaphore_mem>>)
      } else {
      }
      %scan3A_718 = arith.constant 0 : i32
      %scan3A_719 = arith.constant 0 : i32
      %scan3A_720 = arith.constant 40 : i32
      %scan3A_721 = arith.addi %scan3A_719, %scan3A_720 : i32
      %scan3A_722 = arith.constant 1 : i32
      %scan3A_723 = scf.for %scan3A_865 = %scan3A_719 to %scan3A_721 step %scan3A_722 iter_args(%scan3A_866 = %scan3A_718) -> (i32)  : i32 {
        %shift_right_arithmetic3A = arith.constant 3 : i32
        %shift_right_arithmetic3A_867 = arith.shrsi %scan3A_865, %shift_right_arithmetic3A : i32
        %and3A_868 = arith.constant 7 : i32
        %and3A_869 = arith.andi %scan3A_865, %and3A_868 : i32
        %mul3A_870 = arith.constant 16 : i32
        %mul3A_871 = arith.muli %and3A_869, %mul3A_870 : i32
        %get3A = arith.index_cast %select_n3A_509 : i32 to index
        %get3A_872 = arith.index_cast %shift_right_arithmetic3A_867 : i32 to index
        %get3A_873 = arith.index_cast %mul3A_871 : i32 to index
        %get3A_874 = tpu.vector_load %arg11[%get3A, %get3A_872, %get3A_873] {strides = array<i32>} : memref<3x5x128xf32, #tpu.memory_space<vmem>>, vector<1x1x16xf32>,
        %get3A_875 = vector.shape_cast %get3A_874 : vector<1x1x16xf32> to vector<16xf32>
        %get3A_876 = arith.index_cast %select_n3A_509 : i32 to index
        %get3A_877 = arith.index_cast %shift_right_arithmetic3A_867 : i32 to index
        %get3A_878 = arith.index_cast %mul3A_871 : i32 to index
        %get3A_879 = tpu.vector_load %arg12[%get3A_876, %get3A_877, %get3A_878] {strides = array<i32>} : memref<3x5x128xf32, #tpu.memory_space<vmem>>, vector<1x1x16xf32>,
        %get3A_880 = vector.shape_cast %get3A_879 : vector<1x1x16xf32> to vector<16xf32>
        %get3A_881 = arith.index_cast %select_n3A_493 : i32 to index
        %get3A_882 = arith.index_cast %shift_right_arithmetic3A_867 : i32 to index
        %get3A_883 = arith.index_cast %mul3A_871 : i32 to index
        %get3A_884 = tpu.vector_load %arg13[%get3A_881, %get3A_882, %get3A_883] {strides = array<i32>} : memref<2x5x128xf32, #tpu.memory_space<vmem>>, vector<1x1x16xf32>,
        %get3A_885 = vector.shape_cast %get3A_884 : vector<1x1x16xf32> to vector<16xf32>
        %mul3A_886 = arith.constant 7.500000e-01 : f32
        %mul3A_887 = vector.broadcast %mul3A_886 : f32 to vector<16xf32>
        %mul3A_888 = arith.mulf %mul3A_887, %get3A_880 : vector<16xf32>
        %mul3A_889 = arith.constant 5.000000e-03 : f32
        %mul3A_890 = vector.broadcast %mul3A_889 : f32 to vector<16xf32>
        %mul3A_891 = arith.mulf %mul3A_888, %mul3A_890 : vector<16xf32>
        %add3A_892 = arith.constant 2.500000e-01 : f32
        %add3A_893 = vector.broadcast %add3A_892 : f32 to vector<16xf32>
        %add3A_894 = arith.addf %add3A_893, %mul3A_891 : vector<16xf32>
        %mul3A_895 = arith.constant 1.200000e+00 : f32
        %mul3A_896 = vector.broadcast %mul3A_895 : f32 to vector<16xf32>
        %mul3A_897 = arith.mulf %mul3A_896, %add3A_894 : vector<16xf32>
        %add3A_898 = arith.addf %get3A_875, %mul3A_897 : vector<16xf32>
        %mul3A_899 = arith.mulf %get3A_885, %get3A_875 : vector<16xf32>
        %mul3A_900 = arith.constant 2.200000e+00 : f32
        %mul3A_901 = vector.broadcast %mul3A_900 : f32 to vector<16xf32>
        %mul3A_902 = arith.mulf %mul3A_899, %mul3A_901 : vector<16xf32>
        %div3A = arith.divf %mul3A_902, %add3A_898 : vector<16xf32>
        %mul3A_903 = arith.constant 16 : i32
        %mul3A_904 = arith.muli %scan3A_865, %mul3A_903 : i32
        %broadcast_in_dim3A = arith.constant 0 : i32
        %broadcast_in_dim3A_905 = vector.broadcast %broadcast_in_dim3A : i32 to vector<16x1xi32>
        %gather3A = vector.shape_cast %broadcast_in_dim3A_905 : vector<16x1xi32> to vector<16xi32>
        %gather3A_906 = tpu.dynamic_gather %div3A[%gather3A] in [0] : vector<16xf32>, vector<16xi32> -> vector<16xf32>
        %add3A_907 = arith.constant 0 : i32
        %add3A_908 = arith.addi %mul3A_904, %add3A_907 : i32
        %get3A_909 = arith.index_cast %select_n3A_493 : i32 to index
        %get3A_910 = arith.index_cast %add3A_908 : i32 to index
        %get3A_911 = arith.constant 0 : index
        %get3A_912 = tpu.vector_load %arg16[%get3A_909, %get3A_910, %get3A_911] {strides = array<i32>} : memref<2x640x64xf32, #tpu.memory_space<vmem>>, vector<1x1x16xf32>,
        %get3A_913 = vector.shape_cast %get3A_912 : vector<1x1x16xf32> to vector<16xf32>
        %mul3A_914 = arith.mulf %get3A_913, %gather3A_906 : vector<16xf32>
        %add3A_915 = arith.constant 0 : i32
        %add3A_916 = arith.addi %mul3A_904, %add3A_915 : i32
        %swap3A = arith.index_cast %select_n3A_493 : i32 to index
        %swap3A_917 = arith.index_cast %add3A_916 : i32 to index
        %swap3A_918 = arith.constant 0 : index
        %swap3A_919 = tpu.vector_load %arg16[%swap3A, %swap3A_917, %swap3A_918] {strides = array<i32>} : memref<2x640x64xf32, #tpu.memory_space<vmem>>, vector<1x1x16xf32>,
        %swap3A_920 = vector.shape_cast %swap3A_919 : vector<1x1x16xf32> to vector<16xf32>
        %swap3A_921 = vector.shape_cast %mul3A_914 : vector<16xf32> to vector<1x1x16xf32>
        tpu.vector_store %arg16[%swap3A, %swap3A_917, %swap3A_918], %swap3A_921 {strides = array<i32>} : memref<2x640x64xf32, #tpu.memory_space<vmem>>, vector<1x1x16xf32>,
        %add3A_922 = arith.constant 0 : i32
        %add3A_923 = arith.addi %mul3A_904, %add3A_922 : i32
        %get3A_924 = arith.index_cast %select_n3A_493 : i32 to index
        %get3A_925 = arith.index_cast %add3A_923 : i32 to index
        %get3A_926 = arith.constant 16 : index
        %get3A_927 = tpu.vector_load %arg16[%get3A_924, %get3A_925, %get3A_926] {strides = array<i32>} : memref<2x640x64xf32, #tpu.memory_space<vmem>>, vector<1x1x16xf32>,
        %get3A_928 = vector.shape_cast %get3A_927 : vector<1x1x16xf32> to vector<16xf32>
        %mul3A_929 = arith.mulf %get3A_928, %gather3A_906 : vector<16xf32>
        %add3A_930 = arith.constant 0 : i32
        %add3A_931 = arith.addi %mul3A_904, %add3A_930 : i32
        %swap3A_932 = arith.index_cast %select_n3A_493 : i32 to index
        %swap3A_933 = arith.index_cast %add3A_931 : i32 to index
        %swap3A_934 = arith.constant 16 : index
        %swap3A_935 = tpu.vector_load %arg16[%swap3A_932, %swap3A_933, %swap3A_934] {strides = array<i32>} : memref<2x640x64xf32, #tpu.memory_space<vmem>>, vector<1x1x16xf32>,
        %swap3A_936 = vector.shape_cast %swap3A_935 : vector<1x1x16xf32> to vector<16xf32>
        %swap3A_937 = vector.shape_cast %mul3A_929 : vector<16xf32> to vector<1x1x16xf32>
        tpu.vector_store %arg16[%swap3A_932, %swap3A_933, %swap3A_934], %swap3A_937 {strides = array<i32>} : memref<2x640x64xf32, #tpu.memory_space<vmem>>, vector<1x1x16xf32>,
        %add3A_938 = arith.constant 0 : i32
        %add3A_939 = arith.addi %mul3A_904, %add3A_938 : i32
        %get3A_940 = arith.index_cast %select_n3A_493 : i32 to index
        %get3A_941 = arith.index_cast %add3A_939 : i32 to index
        %get3A_942 = arith.constant 32 : index
        %get3A_943 = tpu.vector_load %arg16[%get3A_940, %get3A_941, %get3A_942] {strides = array<i32>} : memref<2x640x64xf32, #tpu.memory_space<vmem>>, vector<1x1x16xf32>,
        %get3A_944 = vector.shape_cast %get3A_943 : vector<1x1x16xf32> to vector<16xf32>
        %mul3A_945 = arith.mulf %get3A_944, %gather3A_906 : vector<16xf32>
        %add3A_946 = arith.constant 0 : i32
        %add3A_947 = arith.addi %mul3A_904, %add3A_946 : i32
        %swap3A_948 = arith.index_cast %select_n3A_493 : i32 to index
        %swap3A_949 = arith.index_cast %add3A_947 : i32 to index
        %swap3A_950 = arith.constant 32 : index
        %swap3A_951 = tpu.vector_load %arg16[%swap3A_948, %swap3A_949, %swap3A_950] {strides = array<i32>} : memref<2x640x64xf32, #tpu.memory_space<vmem>>, vector<1x1x16xf32>,
        %swap3A_952 = vector.shape_cast %swap3A_951 : vector<1x1x16xf32> to vector<16xf32>
        %swap3A_953 = vector.shape_cast %mul3A_945 : vector<16xf32> to vector<1x1x16xf32>
        tpu.vector_store %arg16[%swap3A_948, %swap3A_949, %swap3A_950], %swap3A_953 {strides = array<i32>} : memref<2x640x64xf32, #tpu.memory_space<vmem>>, vector<1x1x16xf32>,
        %add3A_954 = arith.constant 0 : i32
        %add3A_955 = arith.addi %mul3A_904, %add3A_954 : i32
        %get3A_956 = arith.index_cast %select_n3A_493 : i32 to index
        %get3A_957 = arith.index_cast %add3A_955 : i32 to index
        %get3A_958 = arith.constant 48 : index
        %get3A_959 = tpu.vector_load %arg16[%get3A_956, %get3A_957, %get3A_958] {strides = array<i32>} : memref<2x640x64xf32, #tpu.memory_space<vmem>>, vector<1x1x16xf32>,
        %get3A_960 = vector.shape_cast %get3A_959 : vector<1x1x16xf32> to vector<16xf32>
        %mul3A_961 = arith.mulf %get3A_960, %gather3A_906 : vector<16xf32>
        %add3A_962 = arith.constant 0 : i32
        %add3A_963 = arith.addi %mul3A_904, %add3A_962 : i32
        %swap3A_964 = arith.index_cast %select_n3A_493 : i32 to index
        %swap3A_965 = arith.index_cast %add3A_963 : i32 to index
        %swap3A_966 = arith.constant 48 : index
        %swap3A_967 = tpu.vector_load %arg16[%swap3A_964, %swap3A_965, %swap3A_966] {strides = array<i32>} : memref<2x640x64xf32, #tpu.memory_space<vmem>>, vector<1x1x16xf32>,
        %swap3A_968 = vector.shape_cast %swap3A_967 : vector<1x1x16xf32> to vector<16xf32>
        %swap3A_969 = vector.shape_cast %mul3A_961 : vector<16xf32> to vector<1x1x16xf32>
        tpu.vector_store %arg16[%swap3A_964, %swap3A_965, %swap3A_966], %swap3A_969 {strides = array<i32>} : memref<2x640x64xf32, #tpu.memory_space<vmem>>, vector<1x1x16xf32>,
        %broadcast_in_dim3A_970 = arith.constant 1 : i32
        %broadcast_in_dim3A_971 = vector.broadcast %broadcast_in_dim3A_970 : i32 to vector<16x1xi32>
        %gather3A_972 = vector.shape_cast %broadcast_in_dim3A_971 : vector<16x1xi32> to vector<16xi32>
        %gather3A_973 = tpu.dynamic_gather %div3A[%gather3A_972] in [0] : vector<16xf32>, vector<16xi32> -> vector<16xf32>
        %add3A_974 = arith.constant 1 : i32
        %add3A_975 = arith.addi %mul3A_904, %add3A_974 : i32
        %get3A_976 = arith.index_cast %select_n3A_493 : i32 to index
        %get3A_977 = arith.index_cast %add3A_975 : i32 to index
        %get3A_978 = arith.constant 0 : index
        %get3A_979 = tpu.vector_load %arg16[%get3A_976, %get3A_977, %get3A_978] {strides = array<i32>} : memref<2x640x64xf32, #tpu.memory_space<vmem>>, vector<1x1x16xf32>,
        %get3A_980 = vector.shape_cast %get3A_979 : vector<1x1x16xf32> to vector<16xf32>
        %mul3A_981 = arith.mulf %get3A_980, %gather3A_973 : vector<16xf32>
        %add3A_982 = arith.constant 1 : i32
        %add3A_983 = arith.addi %mul3A_904, %add3A_982 : i32
        %swap3A_984 = arith.index_cast %select_n3A_493 : i32 to index
        %swap3A_985 = arith.index_cast %add3A_983 : i32 to index
        %swap3A_986 = arith.constant 0 : index
        %swap3A_987 = tpu.vector_load %arg16[%swap3A_984, %swap3A_985, %swap3A_986] {strides = array<i32>} : memref<2x640x64xf32, #tpu.memory_space<vmem>>, vector<1x1x16xf32>,
        %swap3A_988 = vector.shape_cast %swap3A_987 : vector<1x1x16xf32> to vector<16xf32>
        %swap3A_989 = vector.shape_cast %mul3A_981 : vector<16xf32> to vector<1x1x16xf32>
        tpu.vector_store %arg16[%swap3A_984, %swap3A_985, %swap3A_986], %swap3A_989 {strides = array<i32>} : memref<2x640x64xf32, #tpu.memory_space<vmem>>, vector<1x1x16xf32>,
        %add3A_990 = arith.constant 1 : i32
        %add3A_991 = arith.addi %mul3A_904, %add3A_990 : i32
        %get3A_992 = arith.index_cast %select_n3A_493 : i32 to index
        %get3A_993 = arith.index_cast %add3A_991 : i32 to index
        %get3A_994 = arith.constant 16 : index
        %get3A_995 = tpu.vector_load %arg16[%get3A_992, %get3A_993, %get3A_994] {strides = array<i32>} : memref<2x640x64xf32, #tpu.memory_space<vmem>>, vector<1x1x16xf32>,
        %get3A_996 = vector.shape_cast %get3A_995 : vector<1x1x16xf32> to vector<16xf32>
        %mul3A_997 = arith.mulf %get3A_996, %gather3A_973 : vector<16xf32>
        %add3A_998 = arith.constant 1 : i32
        %add3A_999 = arith.addi %mul3A_904, %add3A_998 : i32
        %swap3A_1000 = arith.index_cast %select_n3A_493 : i32 to index
        %swap3A_1001 = arith.index_cast %add3A_999 : i32 to index
        %swap3A_1002 = arith.constant 16 : index
        %swap3A_1003 = tpu.vector_load %arg16[%swap3A_1000, %swap3A_1001, %swap3A_1002] {strides = array<i32>} : memref<2x640x64xf32, #tpu.memory_space<vmem>>, vector<1x1x16xf32>,
        %swap3A_1004 = vector.shape_cast %swap3A_1003 : vector<1x1x16xf32> to vector<16xf32>
        %swap3A_1005 = vector.shape_cast %mul3A_997 : vector<16xf32> to vector<1x1x16xf32>
        tpu.vector_store %arg16[%swap3A_1000, %swap3A_1001, %swap3A_1002], %swap3A_1005 {strides = array<i32>} : memref<2x640x64xf32, #tpu.memory_space<vmem>>, vector<1x1x16xf32>,
        %add3A_1006 = arith.constant 1 : i32
        %add3A_1007 = arith.addi %mul3A_904, %add3A_1006 : i32
        %get3A_1008 = arith.index_cast %select_n3A_493 : i32 to index
        %get3A_1009 = arith.index_cast %add3A_1007 : i32 to index
        %get3A_1010 = arith.constant 32 : index
        %get3A_1011 = tpu.vector_load %arg16[%get3A_1008, %get3A_1009, %get3A_1010] {strides = array<i32>} : memref<2x640x64xf32, #tpu.memory_space<vmem>>, vector<1x1x16xf32>,
        %get3A_1012 = vector.shape_cast %get3A_1011 : vector<1x1x16xf32> to vector<16xf32>
        %mul3A_1013 = arith.mulf %get3A_1012, %gather3A_973 : vector<16xf32>
        %add3A_1014 = arith.constant 1 : i32
        %add3A_1015 = arith.addi %mul3A_904, %add3A_1014 : i32
        %swap3A_1016 = arith.index_cast %select_n3A_493 : i32 to index
        %swap3A_1017 = arith.index_cast %add3A_1015 : i32 to index
        %swap3A_1018 = arith.constant 32 : index
        %swap3A_1019 = tpu.vector_load %arg16[%swap3A_1016, %swap3A_1017, %swap3A_1018] {strides = array<i32>} : memref<2x640x64xf32, #tpu.memory_space<vmem>>, vector<1x1x16xf32>,
        %swap3A_1020 = vector.shape_cast %swap3A_1019 : vector<1x1x16xf32> to vector<16xf32>
        %swap3A_1021 = vector.shape_cast %mul3A_1013 : vector<16xf32> to vector<1x1x16xf32>
        tpu.vector_store %arg16[%swap3A_1016, %swap3A_1017, %swap3A_1018], %swap3A_1021 {strides = array<i32>} : memref<2x640x64xf32, #tpu.memory_space<vmem>>, vector<1x1x16xf32>,
        %add3A_1022 = arith.constant 1 : i32
        %add3A_1023 = arith.addi %mul3A_904, %add3A_1022 : i32
        %get3A_1024 = arith.index_cast %select_n3A_493 : i32 to index
        %get3A_1025 = arith.index_cast %add3A_1023 : i32 to index
        %get3A_1026 = arith.constant 48 : index
        %get3A_1027 = tpu.vector_load %arg16[%get3A_1024, %get3A_1025, %get3A_1026] {strides = array<i32>} : memref<2x640x64xf32, #tpu.memory_space<vmem>>, vector<1x1x16xf32>,
        %get3A_1028 = vector.shape_cast %get3A_1027 : vector<1x1x16xf32> to vector<16xf32>
        %mul3A_1029 = arith.mulf %get3A_1028, %gather3A_973 : vector<16xf32>
        %add3A_1030 = arith.constant 1 : i32
        %add3A_1031 = arith.addi %mul3A_904, %add3A_1030 : i32
        %swap3A_1032 = arith.index_cast %select_n3A_493 : i32 to index
        %swap3A_1033 = arith.index_cast %add3A_1031 : i32 to index
        %swap3A_1034 = arith.constant 48 : index
        %swap3A_1035 = tpu.vector_load %arg16[%swap3A_1032, %swap3A_1033, %swap3A_1034] {strides = array<i32>} : memref<2x640x64xf32, #tpu.memory_space<vmem>>, vector<1x1x16xf32>,
        %swap3A_1036 = vector.shape_cast %swap3A_1035 : vector<1x1x16xf32> to vector<16xf32>
        %swap3A_1037 = vector.shape_cast %mul3A_1029 : vector<16xf32> to vector<1x1x16xf32>
        tpu.vector_store %arg16[%swap3A_1032, %swap3A_1033, %swap3A_1034], %swap3A_1037 {strides = array<i32>} : memref<2x640x64xf32, #tpu.memory_space<vmem>>, vector<1x1x16xf32>,
        %broadcast_in_dim3A_1038 = arith.constant 2 : i32
        %broadcast_in_dim3A_1039 = vector.broadcast %broadcast_in_dim3A_1038 : i32 to vector<16x1xi32>
        %gather3A_1040 = vector.shape_cast %broadcast_in_dim3A_1039 : vector<16x1xi32> to vector<16xi32>
        %gather3A_1041 = tpu.dynamic_gather %div3A[%gather3A_1040] in [0] : vector<16xf32>, vector<16xi32> -> vector<16xf32>
        %add3A_1042 = arith.constant 2 : i32
        %add3A_1043 = arith.addi %mul3A_904, %add3A_1042 : i32
        %get3A_1044 = arith.index_cast %select_n3A_493 : i32 to index
        %get3A_1045 = arith.index_cast %add3A_1043 : i32 to index
        %get3A_1046 = arith.constant 0 : index
        %get3A_1047 = tpu.vector_load %arg16[%get3A_1044, %get3A_1045, %get3A_1046] {strides = array<i32>} : memref<2x640x64xf32, #tpu.memory_space<vmem>>, vector<1x1x16xf32>,
        %get3A_1048 = vector.shape_cast %get3A_1047 : vector<1x1x16xf32> to vector<16xf32>
        %mul3A_1049 = arith.mulf %get3A_1048, %gather3A_1041 : vector<16xf32>
        %add3A_1050 = arith.constant 2 : i32
        %add3A_1051 = arith.addi %mul3A_904, %add3A_1050 : i32
        %swap3A_1052 = arith.index_cast %select_n3A_493 : i32 to index
        %swap3A_1053 = arith.index_cast %add3A_1051 : i32 to index
        %swap3A_1054 = arith.constant 0 : index
        %swap3A_1055 = tpu.vector_load %arg16[%swap3A_1052, %swap3A_1053, %swap3A_1054] {strides = array<i32>} : memref<2x640x64xf32, #tpu.memory_space<vmem>>, vector<1x1x16xf32>,
        %swap3A_1056 = vector.shape_cast %swap3A_1055 : vector<1x1x16xf32> to vector<16xf32>
        %swap3A_1057 = vector.shape_cast %mul3A_1049 : vector<16xf32> to vector<1x1x16xf32>
        tpu.vector_store %arg16[%swap3A_1052, %swap3A_1053, %swap3A_1054], %swap3A_1057 {strides = array<i32>} : memref<2x640x64xf32, #tpu.memory_space<vmem>>, vector<1x1x16xf32>,
        %add3A_1058 = arith.constant 2 : i32
        %add3A_1059 = arith.addi %mul3A_904, %add3A_1058 : i32
        %get3A_1060 = arith.index_cast %select_n3A_493 : i32 to index
        %get3A_1061 = arith.index_cast %add3A_1059 : i32 to index
        %get3A_1062 = arith.constant 16 : index
        %get3A_1063 = tpu.vector_load %arg16[%get3A_1060, %get3A_1061, %get3A_1062] {strides = array<i32>} : memref<2x640x64xf32, #tpu.memory_space<vmem>>, vector<1x1x16xf32>,
        %get3A_1064 = vector.shape_cast %get3A_1063 : vector<1x1x16xf32> to vector<16xf32>
        %mul3A_1065 = arith.mulf %get3A_1064, %gather3A_1041 : vector<16xf32>
        %add3A_1066 = arith.constant 2 : i32
        %add3A_1067 = arith.addi %mul3A_904, %add3A_1066 : i32
        %swap3A_1068 = arith.index_cast %select_n3A_493 : i32 to index
        %swap3A_1069 = arith.index_cast %add3A_1067 : i32 to index
        %swap3A_1070 = arith.constant 16 : index
        %swap3A_1071 = tpu.vector_load %arg16[%swap3A_1068, %swap3A_1069, %swap3A_1070] {strides = array<i32>} : memref<2x640x64xf32, #tpu.memory_space<vmem>>, vector<1x1x16xf32>,
        %swap3A_1072 = vector.shape_cast %swap3A_1071 : vector<1x1x16xf32> to vector<16xf32>
        %swap3A_1073 = vector.shape_cast %mul3A_1065 : vector<16xf32> to vector<1x1x16xf32>
        tpu.vector_store %arg16[%swap3A_1068, %swap3A_1069, %swap3A_1070], %swap3A_1073 {strides = array<i32>} : memref<2x640x64xf32, #tpu.memory_space<vmem>>, vector<1x1x16xf32>,
        %add3A_1074 = arith.constant 2 : i32
        %add3A_1075 = arith.addi %mul3A_904, %add3A_1074 : i32
        %get3A_1076 = arith.index_cast %select_n3A_493 : i32 to index
        %get3A_1077 = arith.index_cast %add3A_1075 : i32 to index
        %get3A_1078 = arith.constant 32 : index
        %get3A_1079 = tpu.vector_load %arg16[%get3A_1076, %get3A_1077, %get3A_1078] {strides = array<i32>} : memref<2x640x64xf32, #tpu.memory_space<vmem>>, vector<1x1x16xf32>,
        %get3A_1080 = vector.shape_cast %get3A_1079 : vector<1x1x16xf32> to vector<16xf32>
        %mul3A_1081 = arith.mulf %get3A_1080, %gather3A_1041 : vector<16xf32>
        %add3A_1082 = arith.constant 2 : i32
        %add3A_1083 = arith.addi %mul3A_904, %add3A_1082 : i32
        %swap3A_1084 = arith.index_cast %select_n3A_493 : i32 to index
        %swap3A_1085 = arith.index_cast %add3A_1083 : i32 to index
        %swap3A_1086 = arith.constant 32 : index
        %swap3A_1087 = tpu.vector_load %arg16[%swap3A_1084, %swap3A_1085, %swap3A_1086] {strides = array<i32>} : memref<2x640x64xf32, #tpu.memory_space<vmem>>, vector<1x1x16xf32>,
        %swap3A_1088 = vector.shape_cast %swap3A_1087 : vector<1x1x16xf32> to vector<16xf32>
        %swap3A_1089 = vector.shape_cast %mul3A_1081 : vector<16xf32> to vector<1x1x16xf32>
        tpu.vector_store %arg16[%swap3A_1084, %swap3A_1085, %swap3A_1086], %swap3A_1089 {strides = array<i32>} : memref<2x640x64xf32, #tpu.memory_space<vmem>>, vector<1x1x16xf32>,
        %add3A_1090 = arith.constant 2 : i32
        %add3A_1091 = arith.addi %mul3A_904, %add3A_1090 : i32
        %get3A_1092 = arith.index_cast %select_n3A_493 : i32 to index
        %get3A_1093 = arith.index_cast %add3A_1091 : i32 to index
        %get3A_1094 = arith.constant 48 : index
        %get3A_1095 = tpu.vector_load %arg16[%get3A_1092, %get3A_1093, %get3A_1094] {strides = array<i32>} : memref<2x640x64xf32, #tpu.memory_space<vmem>>, vector<1x1x16xf32>,
        %get3A_1096 = vector.shape_cast %get3A_1095 : vector<1x1x16xf32> to vector<16xf32>
        %mul3A_1097 = arith.mulf %get3A_1096, %gather3A_1041 : vector<16xf32>
        %add3A_1098 = arith.constant 2 : i32
        %add3A_1099 = arith.addi %mul3A_904, %add3A_1098 : i32
        %swap3A_1100 = arith.index_cast %select_n3A_493 : i32 to index
        %swap3A_1101 = arith.index_cast %add3A_1099 : i32 to index
        %swap3A_1102 = arith.constant 48 : index
        %swap3A_1103 = tpu.vector_load %arg16[%swap3A_1100, %swap3A_1101, %swap3A_1102] {strides = array<i32>} : memref<2x640x64xf32, #tpu.memory_space<vmem>>, vector<1x1x16xf32>,
        %swap3A_1104 = vector.shape_cast %swap3A_1103 : vector<1x1x16xf32> to vector<16xf32>
        %swap3A_1105 = vector.shape_cast %mul3A_1097 : vector<16xf32> to vector<1x1x16xf32>
        tpu.vector_store %arg16[%swap3A_1100, %swap3A_1101, %swap3A_1102], %swap3A_1105 {strides = array<i32>} : memref<2x640x64xf32, #tpu.memory_space<vmem>>, vector<1x1x16xf32>,
        %broadcast_in_dim3A_1106 = arith.constant 3 : i32
        %broadcast_in_dim3A_1107 = vector.broadcast %broadcast_in_dim3A_1106 : i32 to vector<16x1xi32>
        %gather3A_1108 = vector.shape_cast %broadcast_in_dim3A_1107 : vector<16x1xi32> to vector<16xi32>
        %gather3A_1109 = tpu.dynamic_gather %div3A[%gather3A_1108] in [0] : vector<16xf32>, vector<16xi32> -> vector<16xf32>
        %add3A_1110 = arith.constant 3 : i32
        %add3A_1111 = arith.addi %mul3A_904, %add3A_1110 : i32
        %get3A_1112 = arith.index_cast %select_n3A_493 : i32 to index
        %get3A_1113 = arith.index_cast %add3A_1111 : i32 to index
        %get3A_1114 = arith.constant 0 : index
        %get3A_1115 = tpu.vector_load %arg16[%get3A_1112, %get3A_1113, %get3A_1114] {strides = array<i32>} : memref<2x640x64xf32, #tpu.memory_space<vmem>>, vector<1x1x16xf32>,
        %get3A_1116 = vector.shape_cast %get3A_1115 : vector<1x1x16xf32> to vector<16xf32>
        %mul3A_1117 = arith.mulf %get3A_1116, %gather3A_1109 : vector<16xf32>
        %add3A_1118 = arith.constant 3 : i32
        %add3A_1119 = arith.addi %mul3A_904, %add3A_1118 : i32
        %swap3A_1120 = arith.index_cast %select_n3A_493 : i32 to index
        %swap3A_1121 = arith.index_cast %add3A_1119 : i32 to index
        %swap3A_1122 = arith.constant 0 : index
        %swap3A_1123 = tpu.vector_load %arg16[%swap3A_1120, %swap3A_1121, %swap3A_1122] {strides = array<i32>} : memref<2x640x64xf32, #tpu.memory_space<vmem>>, vector<1x1x16xf32>,
        %swap3A_1124 = vector.shape_cast %swap3A_1123 : vector<1x1x16xf32> to vector<16xf32>
        %swap3A_1125 = vector.shape_cast %mul3A_1117 : vector<16xf32> to vector<1x1x16xf32>
        tpu.vector_store %arg16[%swap3A_1120, %swap3A_1121, %swap3A_1122], %swap3A_1125 {strides = array<i32>} : memref<2x640x64xf32, #tpu.memory_space<vmem>>, vector<1x1x16xf32>,
        %add3A_1126 = arith.constant 3 : i32
        %add3A_1127 = arith.addi %mul3A_904, %add3A_1126 : i32
        %get3A_1128 = arith.index_cast %select_n3A_493 : i32 to index
        %get3A_1129 = arith.index_cast %add3A_1127 : i32 to index
        %get3A_1130 = arith.constant 16 : index
        %get3A_1131 = tpu.vector_load %arg16[%get3A_1128, %get3A_1129, %get3A_1130] {strides = array<i32>} : memref<2x640x64xf32, #tpu.memory_space<vmem>>, vector<1x1x16xf32>,
        %get3A_1132 = vector.shape_cast %get3A_1131 : vector<1x1x16xf32> to vector<16xf32>
        %mul3A_1133 = arith.mulf %get3A_1132, %gather3A_1109 : vector<16xf32>
        %add3A_1134 = arith.constant 3 : i32
        %add3A_1135 = arith.addi %mul3A_904, %add3A_1134 : i32
        %swap3A_1136 = arith.index_cast %select_n3A_493 : i32 to index
        %swap3A_1137 = arith.index_cast %add3A_1135 : i32 to index
        %swap3A_1138 = arith.constant 16 : index
        %swap3A_1139 = tpu.vector_load %arg16[%swap3A_1136, %swap3A_1137, %swap3A_1138] {strides = array<i32>} : memref<2x640x64xf32, #tpu.memory_space<vmem>>, vector<1x1x16xf32>,
        %swap3A_1140 = vector.shape_cast %swap3A_1139 : vector<1x1x16xf32> to vector<16xf32>
        %swap3A_1141 = vector.shape_cast %mul3A_1133 : vector<16xf32> to vector<1x1x16xf32>
        tpu.vector_store %arg16[%swap3A_1136, %swap3A_1137, %swap3A_1138], %swap3A_1141 {strides = array<i32>} : memref<2x640x64xf32, #tpu.memory_space<vmem>>, vector<1x1x16xf32>,
        %add3A_1142 = arith.constant 3 : i32
        %add3A_1143 = arith.addi %mul3A_904, %add3A_1142 : i32
        %get3A_1144 = arith.index_cast %select_n3A_493 : i32 to index
        %get3A_1145 = arith.index_cast %add3A_1143 : i32 to index
        %get3A_1146 = arith.constant 32 : index
        %get3A_1147 = tpu.vector_load %arg16[%get3A_1144, %get3A_1145, %get3A_1146] {strides = array<i32>} : memref<2x640x64xf32, #tpu.memory_space<vmem>>, vector<1x1x16xf32>,
        %get3A_1148 = vector.shape_cast %get3A_1147 : vector<1x1x16xf32> to vector<16xf32>
        %mul3A_1149 = arith.mulf %get3A_1148, %gather3A_1109 : vector<16xf32>
        %add3A_1150 = arith.constant 3 : i32
        %add3A_1151 = arith.addi %mul3A_904, %add3A_1150 : i32
        %swap3A_1152 = arith.index_cast %select_n3A_493 : i32 to index
        %swap3A_1153 = arith.index_cast %add3A_1151 : i32 to index
        %swap3A_1154 = arith.constant 32 : index
        %swap3A_1155 = tpu.vector_load %arg16[%swap3A_1152, %swap3A_1153, %swap3A_1154] {strides = array<i32>} : memref<2x640x64xf32, #tpu.memory_space<vmem>>, vector<1x1x16xf32>,
        %swap3A_1156 = vector.shape_cast %swap3A_1155 : vector<1x1x16xf32> to vector<16xf32>
        %swap3A_1157 = vector.shape_cast %mul3A_1149 : vector<16xf32> to vector<1x1x16xf32>
        tpu.vector_store %arg16[%swap3A_1152, %swap3A_1153, %swap3A_1154], %swap3A_1157 {strides = array<i32>} : memref<2x640x64xf32, #tpu.memory_space<vmem>>, vector<1x1x16xf32>,
        %add3A_1158 = arith.constant 3 : i32
        %add3A_1159 = arith.addi %mul3A_904, %add3A_1158 : i32
        %get3A_1160 = arith.index_cast %select_n3A_493 : i32 to index
        %get3A_1161 = arith.index_cast %add3A_1159 : i32 to index
        %get3A_1162 = arith.constant 48 : index
        %get3A_1163 = tpu.vector_load %arg16[%get3A_1160, %get3A_1161, %get3A_1162] {strides = array<i32>} : memref<2x640x64xf32, #tpu.memory_space<vmem>>, vector<1x1x16xf32>,
        %get3A_1164 = vector.shape_cast %get3A_1163 : vector<1x1x16xf32> to vector<16xf32>
        %mul3A_1165 = arith.mulf %get3A_1164, %gather3A_1109 : vector<16xf32>
        %add3A_1166 = arith.constant 3 : i32
        %add3A_1167 = arith.addi %mul3A_904, %add3A_1166 : i32
        %swap3A_1168 = arith.index_cast %select_n3A_493 : i32 to index
        %swap3A_1169 = arith.index_cast %add3A_1167 : i32 to index
        %swap3A_1170 = arith.constant 48 : index
        %swap3A_1171 = tpu.vector_load %arg16[%swap3A_1168, %swap3A_1169, %swap3A_1170] {strides = array<i32>} : memref<2x640x64xf32, #tpu.memory_space<vmem>>, vector<1x1x16xf32>,
        %swap3A_1172 = vector.shape_cast %swap3A_1171 : vector<1x1x16xf32> to vector<16xf32>
        %swap3A_1173 = vector.shape_cast %mul3A_1165 : vector<16xf32> to vector<1x1x16xf32>
        tpu.vector_store %arg16[%swap3A_1168, %swap3A_1169, %swap3A_1170], %swap3A_1173 {strides = array<i32>} : memref<2x640x64xf32, #tpu.memory_space<vmem>>, vector<1x1x16xf32>,
        %broadcast_in_dim3A_1174 = arith.constant 4 : i32
        %broadcast_in_dim3A_1175 = vector.broadcast %broadcast_in_dim3A_1174 : i32 to vector<16x1xi32>
        %gather3A_1176 = vector.shape_cast %broadcast_in_dim3A_1175 : vector<16x1xi32> to vector<16xi32>
        %gather3A_1177 = tpu.dynamic_gather %div3A[%gather3A_1176] in [0] : vector<16xf32>, vector<16xi32> -> vector<16xf32>
        %add3A_1178 = arith.constant 4 : i32
        %add3A_1179 = arith.addi %mul3A_904, %add3A_1178 : i32
        %get3A_1180 = arith.index_cast %select_n3A_493 : i32 to index
        %get3A_1181 = arith.index_cast %add3A_1179 : i32 to index
        %get3A_1182 = arith.constant 0 : index
        %get3A_1183 = tpu.vector_load %arg16[%get3A_1180, %get3A_1181, %get3A_1182] {strides = array<i32>} : memref<2x640x64xf32, #tpu.memory_space<vmem>>, vector<1x1x16xf32>,
        %get3A_1184 = vector.shape_cast %get3A_1183 : vector<1x1x16xf32> to vector<16xf32>
        %mul3A_1185 = arith.mulf %get3A_1184, %gather3A_1177 : vector<16xf32>
        %add3A_1186 = arith.constant 4 : i32
        %add3A_1187 = arith.addi %mul3A_904, %add3A_1186 : i32
        %swap3A_1188 = arith.index_cast %select_n3A_493 : i32 to index
        %swap3A_1189 = arith.index_cast %add3A_1187 : i32 to index
        %swap3A_1190 = arith.constant 0 : index
        %swap3A_1191 = tpu.vector_load %arg16[%swap3A_1188, %swap3A_1189, %swap3A_1190] {strides = array<i32>} : memref<2x640x64xf32, #tpu.memory_space<vmem>>, vector<1x1x16xf32>,
        %swap3A_1192 = vector.shape_cast %swap3A_1191 : vector<1x1x16xf32> to vector<16xf32>
        %swap3A_1193 = vector.shape_cast %mul3A_1185 : vector<16xf32> to vector<1x1x16xf32>
        tpu.vector_store %arg16[%swap3A_1188, %swap3A_1189, %swap3A_1190], %swap3A_1193 {strides = array<i32>} : memref<2x640x64xf32, #tpu.memory_space<vmem>>, vector<1x1x16xf32>,
        %add3A_1194 = arith.constant 4 : i32
        %add3A_1195 = arith.addi %mul3A_904, %add3A_1194 : i32
        %get3A_1196 = arith.index_cast %select_n3A_493 : i32 to index
        %get3A_1197 = arith.index_cast %add3A_1195 : i32 to index
        %get3A_1198 = arith.constant 16 : index
        %get3A_1199 = tpu.vector_load %arg16[%get3A_1196, %get3A_1197, %get3A_1198] {strides = array<i32>} : memref<2x640x64xf32, #tpu.memory_space<vmem>>, vector<1x1x16xf32>,
        %get3A_1200 = vector.shape_cast %get3A_1199 : vector<1x1x16xf32> to vector<16xf32>
        %mul3A_1201 = arith.mulf %get3A_1200, %gather3A_1177 : vector<16xf32>
        %add3A_1202 = arith.constant 4 : i32
        %add3A_1203 = arith.addi %mul3A_904, %add3A_1202 : i32
        %swap3A_1204 = arith.index_cast %select_n3A_493 : i32 to index
        %swap3A_1205 = arith.index_cast %add3A_1203 : i32 to index
        %swap3A_1206 = arith.constant 16 : index
        %swap3A_1207 = tpu.vector_load %arg16[%swap3A_1204, %swap3A_1205, %swap3A_1206] {strides = array<i32>} : memref<2x640x64xf32, #tpu.memory_space<vmem>>, vector<1x1x16xf32>,
        %swap3A_1208 = vector.shape_cast %swap3A_1207 : vector<1x1x16xf32> to vector<16xf32>
        %swap3A_1209 = vector.shape_cast %mul3A_1201 : vector<16xf32> to vector<1x1x16xf32>
        tpu.vector_store %arg16[%swap3A_1204, %swap3A_1205, %swap3A_1206], %swap3A_1209 {strides = array<i32>} : memref<2x640x64xf32, #tpu.memory_space<vmem>>, vector<1x1x16xf32>,
        %add3A_1210 = arith.constant 4 : i32
        %add3A_1211 = arith.addi %mul3A_904, %add3A_1210 : i32
        %get3A_1212 = arith.index_cast %select_n3A_493 : i32 to index
        %get3A_1213 = arith.index_cast %add3A_1211 : i32 to index
        %get3A_1214 = arith.constant 32 : index
        %get3A_1215 = tpu.vector_load %arg16[%get3A_1212, %get3A_1213, %get3A_1214] {strides = array<i32>} : memref<2x640x64xf32, #tpu.memory_space<vmem>>, vector<1x1x16xf32>,
        %get3A_1216 = vector.shape_cast %get3A_1215 : vector<1x1x16xf32> to vector<16xf32>
        %mul3A_1217 = arith.mulf %get3A_1216, %gather3A_1177 : vector<16xf32>
        %add3A_1218 = arith.constant 4 : i32
        %add3A_1219 = arith.addi %mul3A_904, %add3A_1218 : i32
        %swap3A_1220 = arith.index_cast %select_n3A_493 : i32 to index
        %swap3A_1221 = arith.index_cast %add3A_1219 : i32 to index
        %swap3A_1222 = arith.constant 32 : index
        %swap3A_1223 = tpu.vector_load %arg16[%swap3A_1220, %swap3A_1221, %swap3A_1222] {strides = array<i32>} : memref<2x640x64xf32, #tpu.memory_space<vmem>>, vector<1x1x16xf32>,
        %swap3A_1224 = vector.shape_cast %swap3A_1223 : vector<1x1x16xf32> to vector<16xf32>
        %swap3A_1225 = vector.shape_cast %mul3A_1217 : vector<16xf32> to vector<1x1x16xf32>
        tpu.vector_store %arg16[%swap3A_1220, %swap3A_1221, %swap3A_1222], %swap3A_1225 {strides = array<i32>} : memref<2x640x64xf32, #tpu.memory_space<vmem>>, vector<1x1x16xf32>,
        %add3A_1226 = arith.constant 4 : i32
        %add3A_1227 = arith.addi %mul3A_904, %add3A_1226 : i32
        %get3A_1228 = arith.index_cast %select_n3A_493 : i32 to index
        %get3A_1229 = arith.index_cast %add3A_1227 : i32 to index
        %get3A_1230 = arith.constant 48 : index
        %get3A_1231 = tpu.vector_load %arg16[%get3A_1228, %get3A_1229, %get3A_1230] {strides = array<i32>} : memref<2x640x64xf32, #tpu.memory_space<vmem>>, vector<1x1x16xf32>,
        %get3A_1232 = vector.shape_cast %get3A_1231 : vector<1x1x16xf32> to vector<16xf32>
        %mul3A_1233 = arith.mulf %get3A_1232, %gather3A_1177 : vector<16xf32>
        %add3A_1234 = arith.constant 4 : i32
        %add3A_1235 = arith.addi %mul3A_904, %add3A_1234 : i32
        %swap3A_1236 = arith.index_cast %select_n3A_493 : i32 to index
        %swap3A_1237 = arith.index_cast %add3A_1235 : i32 to index
        %swap3A_1238 = arith.constant 48 : index
        %swap3A_1239 = tpu.vector_load %arg16[%swap3A_1236, %swap3A_1237, %swap3A_1238] {strides = array<i32>} : memref<2x640x64xf32, #tpu.memory_space<vmem>>, vector<1x1x16xf32>,
        %swap3A_1240 = vector.shape_cast %swap3A_1239 : vector<1x1x16xf32> to vector<16xf32>
        %swap3A_1241 = vector.shape_cast %mul3A_1233 : vector<16xf32> to vector<1x1x16xf32>
        tpu.vector_store %arg16[%swap3A_1236, %swap3A_1237, %swap3A_1238], %swap3A_1241 {strides = array<i32>} : memref<2x640x64xf32, #tpu.memory_space<vmem>>, vector<1x1x16xf32>,
        %broadcast_in_dim3A_1242 = arith.constant 5 : i32
        %broadcast_in_dim3A_1243 = vector.broadcast %broadcast_in_dim3A_1242 : i32 to vector<16x1xi32>
        %gather3A_1244 = vector.shape_cast %broadcast_in_dim3A_1243 : vector<16x1xi32> to vector<16xi32>
        %gather3A_1245 = tpu.dynamic_gather %div3A[%gather3A_1244] in [0] : vector<16xf32>, vector<16xi32> -> vector<16xf32>
        %add3A_1246 = arith.constant 5 : i32
        %add3A_1247 = arith.addi %mul3A_904, %add3A_1246 : i32
        %get3A_1248 = arith.index_cast %select_n3A_493 : i32 to index
        %get3A_1249 = arith.index_cast %add3A_1247 : i32 to index
        %get3A_1250 = arith.constant 0 : index
        %get3A_1251 = tpu.vector_load %arg16[%get3A_1248, %get3A_1249, %get3A_1250] {strides = array<i32>} : memref<2x640x64xf32, #tpu.memory_space<vmem>>, vector<1x1x16xf32>,
        %get3A_1252 = vector.shape_cast %get3A_1251 : vector<1x1x16xf32> to vector<16xf32>
        %mul3A_1253 = arith.mulf %get3A_1252, %gather3A_1245 : vector<16xf32>
        %add3A_1254 = arith.constant 5 : i32
        %add3A_1255 = arith.addi %mul3A_904, %add3A_1254 : i32
        %swap3A_1256 = arith.index_cast %select_n3A_493 : i32 to index
        %swap3A_1257 = arith.index_cast %add3A_1255 : i32 to index
        %swap3A_1258 = arith.constant 0 : index
        %swap3A_1259 = tpu.vector_load %arg16[%swap3A_1256, %swap3A_1257, %swap3A_1258] {strides = array<i32>} : memref<2x640x64xf32, #tpu.memory_space<vmem>>, vector<1x1x16xf32>,
        %swap3A_1260 = vector.shape_cast %swap3A_1259 : vector<1x1x16xf32> to vector<16xf32>
        %swap3A_1261 = vector.shape_cast %mul3A_1253 : vector<16xf32> to vector<1x1x16xf32>
        tpu.vector_store %arg16[%swap3A_1256, %swap3A_1257, %swap3A_1258], %swap3A_1261 {strides = array<i32>} : memref<2x640x64xf32, #tpu.memory_space<vmem>>, vector<1x1x16xf32>,
        %add3A_1262 = arith.constant 5 : i32
        %add3A_1263 = arith.addi %mul3A_904, %add3A_1262 : i32
        %get3A_1264 = arith.index_cast %select_n3A_493 : i32 to index
        %get3A_1265 = arith.index_cast %add3A_1263 : i32 to index
        %get3A_1266 = arith.constant 16 : index
        %get3A_1267 = tpu.vector_load %arg16[%get3A_1264, %get3A_1265, %get3A_1266] {strides = array<i32>} : memref<2x640x64xf32, #tpu.memory_space<vmem>>, vector<1x1x16xf32>,
        %get3A_1268 = vector.shape_cast %get3A_1267 : vector<1x1x16xf32> to vector<16xf32>
        %mul3A_1269 = arith.mulf %get3A_1268, %gather3A_1245 : vector<16xf32>
        %add3A_1270 = arith.constant 5 : i32
        %add3A_1271 = arith.addi %mul3A_904, %add3A_1270 : i32
        %swap3A_1272 = arith.index_cast %select_n3A_493 : i32 to index
        %swap3A_1273 = arith.index_cast %add3A_1271 : i32 to index
        %swap3A_1274 = arith.constant 16 : index
        %swap3A_1275 = tpu.vector_load %arg16[%swap3A_1272, %swap3A_1273, %swap3A_1274] {strides = array<i32>} : memref<2x640x64xf32, #tpu.memory_space<vmem>>, vector<1x1x16xf32>,
        %swap3A_1276 = vector.shape_cast %swap3A_1275 : vector<1x1x16xf32> to vector<16xf32>
        %swap3A_1277 = vector.shape_cast %mul3A_1269 : vector<16xf32> to vector<1x1x16xf32>
        tpu.vector_store %arg16[%swap3A_1272, %swap3A_1273, %swap3A_1274], %swap3A_1277 {strides = array<i32>} : memref<2x640x64xf32, #tpu.memory_space<vmem>>, vector<1x1x16xf32>,
        %add3A_1278 = arith.constant 5 : i32
        %add3A_1279 = arith.addi %mul3A_904, %add3A_1278 : i32
        %get3A_1280 = arith.index_cast %select_n3A_493 : i32 to index
        %get3A_1281 = arith.index_cast %add3A_1279 : i32 to index
        %get3A_1282 = arith.constant 32 : index
        %get3A_1283 = tpu.vector_load %arg16[%get3A_1280, %get3A_1281, %get3A_1282] {strides = array<i32>} : memref<2x640x64xf32, #tpu.memory_space<vmem>>, vector<1x1x16xf32>,
        %get3A_1284 = vector.shape_cast %get3A_1283 : vector<1x1x16xf32> to vector<16xf32>
        %mul3A_1285 = arith.mulf %get3A_1284, %gather3A_1245 : vector<16xf32>
        %add3A_1286 = arith.constant 5 : i32
        %add3A_1287 = arith.addi %mul3A_904, %add3A_1286 : i32
        %swap3A_1288 = arith.index_cast %select_n3A_493 : i32 to index
        %swap3A_1289 = arith.index_cast %add3A_1287 : i32 to index
        %swap3A_1290 = arith.constant 32 : index
        %swap3A_1291 = tpu.vector_load %arg16[%swap3A_1288, %swap3A_1289, %swap3A_1290] {strides = array<i32>} : memref<2x640x64xf32, #tpu.memory_space<vmem>>, vector<1x1x16xf32>,
        %swap3A_1292 = vector.shape_cast %swap3A_1291 : vector<1x1x16xf32> to vector<16xf32>
        %swap3A_1293 = vector.shape_cast %mul3A_1285 : vector<16xf32> to vector<1x1x16xf32>
        tpu.vector_store %arg16[%swap3A_1288, %swap3A_1289, %swap3A_1290], %swap3A_1293 {strides = array<i32>} : memref<2x640x64xf32, #tpu.memory_space<vmem>>, vector<1x1x16xf32>,
        %add3A_1294 = arith.constant 5 : i32
        %add3A_1295 = arith.addi %mul3A_904, %add3A_1294 : i32
        %get3A_1296 = arith.index_cast %select_n3A_493 : i32 to index
        %get3A_1297 = arith.index_cast %add3A_1295 : i32 to index
        %get3A_1298 = arith.constant 48 : index
        %get3A_1299 = tpu.vector_load %arg16[%get3A_1296, %get3A_1297, %get3A_1298] {strides = array<i32>} : memref<2x640x64xf32, #tpu.memory_space<vmem>>, vector<1x1x16xf32>,
        %get3A_1300 = vector.shape_cast %get3A_1299 : vector<1x1x16xf32> to vector<16xf32>
        %mul3A_1301 = arith.mulf %get3A_1300, %gather3A_1245 : vector<16xf32>
        %add3A_1302 = arith.constant 5 : i32
        %add3A_1303 = arith.addi %mul3A_904, %add3A_1302 : i32
        %swap3A_1304 = arith.index_cast %select_n3A_493 : i32 to index
        %swap3A_1305 = arith.index_cast %add3A_1303 : i32 to index
        %swap3A_1306 = arith.constant 48 : index
        %swap3A_1307 = tpu.vector_load %arg16[%swap3A_1304, %swap3A_1305, %swap3A_1306] {strides = array<i32>} : memref<2x640x64xf32, #tpu.memory_space<vmem>>, vector<1x1x16xf32>,
        %swap3A_1308 = vector.shape_cast %swap3A_1307 : vector<1x1x16xf32> to vector<16xf32>
        %swap3A_1309 = vector.shape_cast %mul3A_1301 : vector<16xf32> to vector<1x1x16xf32>
        tpu.vector_store %arg16[%swap3A_1304, %swap3A_1305, %swap3A_1306], %swap3A_1309 {strides = array<i32>} : memref<2x640x64xf32, #tpu.memory_space<vmem>>, vector<1x1x16xf32>,
        %broadcast_in_dim3A_1310 = arith.constant 6 : i32
        %broadcast_in_dim3A_1311 = vector.broadcast %broadcast_in_dim3A_1310 : i32 to vector<16x1xi32>
        %gather3A_1312 = vector.shape_cast %broadcast_in_dim3A_1311 : vector<16x1xi32> to vector<16xi32>
        %gather3A_1313 = tpu.dynamic_gather %div3A[%gather3A_1312] in [0] : vector<16xf32>, vector<16xi32> -> vector<16xf32>
        %add3A_1314 = arith.constant 6 : i32
        %add3A_1315 = arith.addi %mul3A_904, %add3A_1314 : i32
        %get3A_1316 = arith.index_cast %select_n3A_493 : i32 to index
        %get3A_1317 = arith.index_cast %add3A_1315 : i32 to index
        %get3A_1318 = arith.constant 0 : index
        %get3A_1319 = tpu.vector_load %arg16[%get3A_1316, %get3A_1317, %get3A_1318] {strides = array<i32>} : memref<2x640x64xf32, #tpu.memory_space<vmem>>, vector<1x1x16xf32>,
        %get3A_1320 = vector.shape_cast %get3A_1319 : vector<1x1x16xf32> to vector<16xf32>
        %mul3A_1321 = arith.mulf %get3A_1320, %gather3A_1313 : vector<16xf32>
        %add3A_1322 = arith.constant 6 : i32
        %add3A_1323 = arith.addi %mul3A_904, %add3A_1322 : i32
        %swap3A_1324 = arith.index_cast %select_n3A_493 : i32 to index
        %swap3A_1325 = arith.index_cast %add3A_1323 : i32 to index
        %swap3A_1326 = arith.constant 0 : index
        %swap3A_1327 = tpu.vector_load %arg16[%swap3A_1324, %swap3A_1325, %swap3A_1326] {strides = array<i32>} : memref<2x640x64xf32, #tpu.memory_space<vmem>>, vector<1x1x16xf32>,
        %swap3A_1328 = vector.shape_cast %swap3A_1327 : vector<1x1x16xf32> to vector<16xf32>
        %swap3A_1329 = vector.shape_cast %mul3A_1321 : vector<16xf32> to vector<1x1x16xf32>
        tpu.vector_store %arg16[%swap3A_1324, %swap3A_1325, %swap3A_1326], %swap3A_1329 {strides = array<i32>} : memref<2x640x64xf32, #tpu.memory_space<vmem>>, vector<1x1x16xf32>,
        %add3A_1330 = arith.constant 6 : i32
        %add3A_1331 = arith.addi %mul3A_904, %add3A_1330 : i32
        %get3A_1332 = arith.index_cast %select_n3A_493 : i32 to index
        %get3A_1333 = arith.index_cast %add3A_1331 : i32 to index
        %get3A_1334 = arith.constant 16 : index
        %get3A_1335 = tpu.vector_load %arg16[%get3A_1332, %get3A_1333, %get3A_1334] {strides = array<i32>} : memref<2x640x64xf32, #tpu.memory_space<vmem>>, vector<1x1x16xf32>,
        %get3A_1336 = vector.shape_cast %get3A_1335 : vector<1x1x16xf32> to vector<16xf32>
        %mul3A_1337 = arith.mulf %get3A_1336, %gather3A_1313 : vector<16xf32>
        %add3A_1338 = arith.constant 6 : i32
        %add3A_1339 = arith.addi %mul3A_904, %add3A_1338 : i32
        %swap3A_1340 = arith.index_cast %select_n3A_493 : i32 to index
        %swap3A_1341 = arith.index_cast %add3A_1339 : i32 to index
        %swap3A_1342 = arith.constant 16 : index
        %swap3A_1343 = tpu.vector_load %arg16[%swap3A_1340, %swap3A_1341, %swap3A_1342] {strides = array<i32>} : memref<2x640x64xf32, #tpu.memory_space<vmem>>, vector<1x1x16xf32>,
        %swap3A_1344 = vector.shape_cast %swap3A_1343 : vector<1x1x16xf32> to vector<16xf32>
        %swap3A_1345 = vector.shape_cast %mul3A_1337 : vector<16xf32> to vector<1x1x16xf32>
        tpu.vector_store %arg16[%swap3A_1340, %swap3A_1341, %swap3A_1342], %swap3A_1345 {strides = array<i32>} : memref<2x640x64xf32, #tpu.memory_space<vmem>>, vector<1x1x16xf32>,
        %add3A_1346 = arith.constant 6 : i32
        %add3A_1347 = arith.addi %mul3A_904, %add3A_1346 : i32
        %get3A_1348 = arith.index_cast %select_n3A_493 : i32 to index
        %get3A_1349 = arith.index_cast %add3A_1347 : i32 to index
        %get3A_1350 = arith.constant 32 : index
        %get3A_1351 = tpu.vector_load %arg16[%get3A_1348, %get3A_1349, %get3A_1350] {strides = array<i32>} : memref<2x640x64xf32, #tpu.memory_space<vmem>>, vector<1x1x16xf32>,
        %get3A_1352 = vector.shape_cast %get3A_1351 : vector<1x1x16xf32> to vector<16xf32>
        %mul3A_1353 = arith.mulf %get3A_1352, %gather3A_1313 : vector<16xf32>
        %add3A_1354 = arith.constant 6 : i32
        %add3A_1355 = arith.addi %mul3A_904, %add3A_1354 : i32
        %swap3A_1356 = arith.index_cast %select_n3A_493 : i32 to index
        %swap3A_1357 = arith.index_cast %add3A_1355 : i32 to index
        %swap3A_1358 = arith.constant 32 : index
        %swap3A_1359 = tpu.vector_load %arg16[%swap3A_1356, %swap3A_1357, %swap3A_1358] {strides = array<i32>} : memref<2x640x64xf32, #tpu.memory_space<vmem>>, vector<1x1x16xf32>,
        %swap3A_1360 = vector.shape_cast %swap3A_1359 : vector<1x1x16xf32> to vector<16xf32>
        %swap3A_1361 = vector.shape_cast %mul3A_1353 : vector<16xf32> to vector<1x1x16xf32>
        tpu.vector_store %arg16[%swap3A_1356, %swap3A_1357, %swap3A_1358], %swap3A_1361 {strides = array<i32>} : memref<2x640x64xf32, #tpu.memory_space<vmem>>, vector<1x1x16xf32>,
        %add3A_1362 = arith.constant 6 : i32
        %add3A_1363 = arith.addi %mul3A_904, %add3A_1362 : i32
        %get3A_1364 = arith.index_cast %select_n3A_493 : i32 to index
        %get3A_1365 = arith.index_cast %add3A_1363 : i32 to index
        %get3A_1366 = arith.constant 48 : index
        %get3A_1367 = tpu.vector_load %arg16[%get3A_1364, %get3A_1365, %get3A_1366] {strides = array<i32>} : memref<2x640x64xf32, #tpu.memory_space<vmem>>, vector<1x1x16xf32>,
        %get3A_1368 = vector.shape_cast %get3A_1367 : vector<1x1x16xf32> to vector<16xf32>
        %mul3A_1369 = arith.mulf %get3A_1368, %gather3A_1313 : vector<16xf32>
        %add3A_1370 = arith.constant 6 : i32
        %add3A_1371 = arith.addi %mul3A_904, %add3A_1370 : i32
        %swap3A_1372 = arith.index_cast %select_n3A_493 : i32 to index
        %swap3A_1373 = arith.index_cast %add3A_1371 : i32 to index
        %swap3A_1374 = arith.constant 48 : index
        %swap3A_1375 = tpu.vector_load %arg16[%swap3A_1372, %swap3A_1373, %swap3A_1374] {strides = array<i32>} : memref<2x640x64xf32, #tpu.memory_space<vmem>>, vector<1x1x16xf32>,
        %swap3A_1376 = vector.shape_cast %swap3A_1375 : vector<1x1x16xf32> to vector<16xf32>
        %swap3A_1377 = vector.shape_cast %mul3A_1369 : vector<16xf32> to vector<1x1x16xf32>
        tpu.vector_store %arg16[%swap3A_1372, %swap3A_1373, %swap3A_1374], %swap3A_1377 {strides = array<i32>} : memref<2x640x64xf32, #tpu.memory_space<vmem>>, vector<1x1x16xf32>,
        %broadcast_in_dim3A_1378 = arith.constant 7 : i32
        %broadcast_in_dim3A_1379 = vector.broadcast %broadcast_in_dim3A_1378 : i32 to vector<16x1xi32>
        %gather3A_1380 = vector.shape_cast %broadcast_in_dim3A_1379 : vector<16x1xi32> to vector<16xi32>
        %gather3A_1381 = tpu.dynamic_gather %div3A[%gather3A_1380] in [0] : vector<16xf32>, vector<16xi32> -> vector<16xf32>
        %add3A_1382 = arith.constant 7 : i32
        %add3A_1383 = arith.addi %mul3A_904, %add3A_1382 : i32
        %get3A_1384 = arith.index_cast %select_n3A_493 : i32 to index
        %get3A_1385 = arith.index_cast %add3A_1383 : i32 to index
        %get3A_1386 = arith.constant 0 : index
        %get3A_1387 = tpu.vector_load %arg16[%get3A_1384, %get3A_1385, %get3A_1386] {strides = array<i32>} : memref<2x640x64xf32, #tpu.memory_space<vmem>>, vector<1x1x16xf32>,
        %get3A_1388 = vector.shape_cast %get3A_1387 : vector<1x1x16xf32> to vector<16xf32>
        %mul3A_1389 = arith.mulf %get3A_1388, %gather3A_1381 : vector<16xf32>
        %add3A_1390 = arith.constant 7 : i32
        %add3A_1391 = arith.addi %mul3A_904, %add3A_1390 : i32
        %swap3A_1392 = arith.index_cast %select_n3A_493 : i32 to index
        %swap3A_1393 = arith.index_cast %add3A_1391 : i32 to index
        %swap3A_1394 = arith.constant 0 : index
        %swap3A_1395 = tpu.vector_load %arg16[%swap3A_1392, %swap3A_1393, %swap3A_1394] {strides = array<i32>} : memref<2x640x64xf32, #tpu.memory_space<vmem>>, vector<1x1x16xf32>,
        %swap3A_1396 = vector.shape_cast %swap3A_1395 : vector<1x1x16xf32> to vector<16xf32>
        %swap3A_1397 = vector.shape_cast %mul3A_1389 : vector<16xf32> to vector<1x1x16xf32>
        tpu.vector_store %arg16[%swap3A_1392, %swap3A_1393, %swap3A_1394], %swap3A_1397 {strides = array<i32>} : memref<2x640x64xf32, #tpu.memory_space<vmem>>, vector<1x1x16xf32>,
        %add3A_1398 = arith.constant 7 : i32
        %add3A_1399 = arith.addi %mul3A_904, %add3A_1398 : i32
        %get3A_1400 = arith.index_cast %select_n3A_493 : i32 to index
        %get3A_1401 = arith.index_cast %add3A_1399 : i32 to index
        %get3A_1402 = arith.constant 16 : index
        %get3A_1403 = tpu.vector_load %arg16[%get3A_1400, %get3A_1401, %get3A_1402] {strides = array<i32>} : memref<2x640x64xf32, #tpu.memory_space<vmem>>, vector<1x1x16xf32>,
        %get3A_1404 = vector.shape_cast %get3A_1403 : vector<1x1x16xf32> to vector<16xf32>
        %mul3A_1405 = arith.mulf %get3A_1404, %gather3A_1381 : vector<16xf32>
        %add3A_1406 = arith.constant 7 : i32
        %add3A_1407 = arith.addi %mul3A_904, %add3A_1406 : i32
        %swap3A_1408 = arith.index_cast %select_n3A_493 : i32 to index
        %swap3A_1409 = arith.index_cast %add3A_1407 : i32 to index
        %swap3A_1410 = arith.constant 16 : index
        %swap3A_1411 = tpu.vector_load %arg16[%swap3A_1408, %swap3A_1409, %swap3A_1410] {strides = array<i32>} : memref<2x640x64xf32, #tpu.memory_space<vmem>>, vector<1x1x16xf32>,
        %swap3A_1412 = vector.shape_cast %swap3A_1411 : vector<1x1x16xf32> to vector<16xf32>
        %swap3A_1413 = vector.shape_cast %mul3A_1405 : vector<16xf32> to vector<1x1x16xf32>
        tpu.vector_store %arg16[%swap3A_1408, %swap3A_1409, %swap3A_1410], %swap3A_1413 {strides = array<i32>} : memref<2x640x64xf32, #tpu.memory_space<vmem>>, vector<1x1x16xf32>,
        %add3A_1414 = arith.constant 7 : i32
        %add3A_1415 = arith.addi %mul3A_904, %add3A_1414 : i32
        %get3A_1416 = arith.index_cast %select_n3A_493 : i32 to index
        %get3A_1417 = arith.index_cast %add3A_1415 : i32 to index
        %get3A_1418 = arith.constant 32 : index
        %get3A_1419 = tpu.vector_load %arg16[%get3A_1416, %get3A_1417, %get3A_1418] {strides = array<i32>} : memref<2x640x64xf32, #tpu.memory_space<vmem>>, vector<1x1x16xf32>,
        %get3A_1420 = vector.shape_cast %get3A_1419 : vector<1x1x16xf32> to vector<16xf32>
        %mul3A_1421 = arith.mulf %get3A_1420, %gather3A_1381 : vector<16xf32>
        %add3A_1422 = arith.constant 7 : i32
        %add3A_1423 = arith.addi %mul3A_904, %add3A_1422 : i32
        %swap3A_1424 = arith.index_cast %select_n3A_493 : i32 to index
        %swap3A_1425 = arith.index_cast %add3A_1423 : i32 to index
        %swap3A_1426 = arith.constant 32 : index
        %swap3A_1427 = tpu.vector_load %arg16[%swap3A_1424, %swap3A_1425, %swap3A_1426] {strides = array<i32>} : memref<2x640x64xf32, #tpu.memory_space<vmem>>, vector<1x1x16xf32>,
        %swap3A_1428 = vector.shape_cast %swap3A_1427 : vector<1x1x16xf32> to vector<16xf32>
        %swap3A_1429 = vector.shape_cast %mul3A_1421 : vector<16xf32> to vector<1x1x16xf32>
        tpu.vector_store %arg16[%swap3A_1424, %swap3A_1425, %swap3A_1426], %swap3A_1429 {strides = array<i32>} : memref<2x640x64xf32, #tpu.memory_space<vmem>>, vector<1x1x16xf32>,
        %add3A_1430 = arith.constant 7 : i32
        %add3A_1431 = arith.addi %mul3A_904, %add3A_1430 : i32
        %get3A_1432 = arith.index_cast %select_n3A_493 : i32 to index
        %get3A_1433 = arith.index_cast %add3A_1431 : i32 to index
        %get3A_1434 = arith.constant 48 : index
        %get3A_1435 = tpu.vector_load %arg16[%get3A_1432, %get3A_1433, %get3A_1434] {strides = array<i32>} : memref<2x640x64xf32, #tpu.memory_space<vmem>>, vector<1x1x16xf32>,
        %get3A_1436 = vector.shape_cast %get3A_1435 : vector<1x1x16xf32> to vector<16xf32>
        %mul3A_1437 = arith.mulf %get3A_1436, %gather3A_1381 : vector<16xf32>
        %add3A_1438 = arith.constant 7 : i32
        %add3A_1439 = arith.addi %mul3A_904, %add3A_1438 : i32
        %swap3A_1440 = arith.index_cast %select_n3A_493 : i32 to index
        %swap3A_1441 = arith.index_cast %add3A_1439 : i32 to index
        %swap3A_1442 = arith.constant 48 : index
        %swap3A_1443 = tpu.vector_load %arg16[%swap3A_1440, %swap3A_1441, %swap3A_1442] {strides = array<i32>} : memref<2x640x64xf32, #tpu.memory_space<vmem>>, vector<1x1x16xf32>,
        %swap3A_1444 = vector.shape_cast %swap3A_1443 : vector<1x1x16xf32> to vector<16xf32>
        %swap3A_1445 = vector.shape_cast %mul3A_1437 : vector<16xf32> to vector<1x1x16xf32>
        tpu.vector_store %arg16[%swap3A_1440, %swap3A_1441, %swap3A_1442], %swap3A_1445 {strides = array<i32>} : memref<2x640x64xf32, #tpu.memory_space<vmem>>, vector<1x1x16xf32>,
        %broadcast_in_dim3A_1446 = arith.constant 8 : i32
        %broadcast_in_dim3A_1447 = vector.broadcast %broadcast_in_dim3A_1446 : i32 to vector<16x1xi32>
        %gather3A_1448 = vector.shape_cast %broadcast_in_dim3A_1447 : vector<16x1xi32> to vector<16xi32>
        %gather3A_1449 = tpu.dynamic_gather %div3A[%gather3A_1448] in [0] : vector<16xf32>, vector<16xi32> -> vector<16xf32>
        %add3A_1450 = arith.constant 8 : i32
        %add3A_1451 = arith.addi %mul3A_904, %add3A_1450 : i32
        %get3A_1452 = arith.index_cast %select_n3A_493 : i32 to index
        %get3A_1453 = arith.index_cast %add3A_1451 : i32 to index
        %get3A_1454 = arith.constant 0 : index
        %get3A_1455 = tpu.vector_load %arg16[%get3A_1452, %get3A_1453, %get3A_1454] {strides = array<i32>} : memref<2x640x64xf32, #tpu.memory_space<vmem>>, vector<1x1x16xf32>,
        %get3A_1456 = vector.shape_cast %get3A_1455 : vector<1x1x16xf32> to vector<16xf32>
        %mul3A_1457 = arith.mulf %get3A_1456, %gather3A_1449 : vector<16xf32>
        %add3A_1458 = arith.constant 8 : i32
        %add3A_1459 = arith.addi %mul3A_904, %add3A_1458 : i32
        %swap3A_1460 = arith.index_cast %select_n3A_493 : i32 to index
        %swap3A_1461 = arith.index_cast %add3A_1459 : i32 to index
        %swap3A_1462 = arith.constant 0 : index
        %swap3A_1463 = tpu.vector_load %arg16[%swap3A_1460, %swap3A_1461, %swap3A_1462] {strides = array<i32>} : memref<2x640x64xf32, #tpu.memory_space<vmem>>, vector<1x1x16xf32>,
        %swap3A_1464 = vector.shape_cast %swap3A_1463 : vector<1x1x16xf32> to vector<16xf32>
        %swap3A_1465 = vector.shape_cast %mul3A_1457 : vector<16xf32> to vector<1x1x16xf32>
        tpu.vector_store %arg16[%swap3A_1460, %swap3A_1461, %swap3A_1462], %swap3A_1465 {strides = array<i32>} : memref<2x640x64xf32, #tpu.memory_space<vmem>>, vector<1x1x16xf32>,
        %add3A_1466 = arith.constant 8 : i32
        %add3A_1467 = arith.addi %mul3A_904, %add3A_1466 : i32
        %get3A_1468 = arith.index_cast %select_n3A_493 : i32 to index
        %get3A_1469 = arith.index_cast %add3A_1467 : i32 to index
        %get3A_1470 = arith.constant 16 : index
        %get3A_1471 = tpu.vector_load %arg16[%get3A_1468, %get3A_1469, %get3A_1470] {strides = array<i32>} : memref<2x640x64xf32, #tpu.memory_space<vmem>>, vector<1x1x16xf32>,
        %get3A_1472 = vector.shape_cast %get3A_1471 : vector<1x1x16xf32> to vector<16xf32>
        %mul3A_1473 = arith.mulf %get3A_1472, %gather3A_1449 : vector<16xf32>
        %add3A_1474 = arith.constant 8 : i32
        %add3A_1475 = arith.addi %mul3A_904, %add3A_1474 : i32
        %swap3A_1476 = arith.index_cast %select_n3A_493 : i32 to index
        %swap3A_1477 = arith.index_cast %add3A_1475 : i32 to index
        %swap3A_1478 = arith.constant 16 : index
        %swap3A_1479 = tpu.vector_load %arg16[%swap3A_1476, %swap3A_1477, %swap3A_1478] {strides = array<i32>} : memref<2x640x64xf32, #tpu.memory_space<vmem>>, vector<1x1x16xf32>,
        %swap3A_1480 = vector.shape_cast %swap3A_1479 : vector<1x1x16xf32> to vector<16xf32>
        %swap3A_1481 = vector.shape_cast %mul3A_1473 : vector<16xf32> to vector<1x1x16xf32>
        tpu.vector_store %arg16[%swap3A_1476, %swap3A_1477, %swap3A_1478], %swap3A_1481 {strides = array<i32>} : memref<2x640x64xf32, #tpu.memory_space<vmem>>, vector<1x1x16xf32>,
        %add3A_1482 = arith.constant 8 : i32
        %add3A_1483 = arith.addi %mul3A_904, %add3A_1482 : i32
        %get3A_1484 = arith.index_cast %select_n3A_493 : i32 to index
        %get3A_1485 = arith.index_cast %add3A_1483 : i32 to index
        %get3A_1486 = arith.constant 32 : index
        %get3A_1487 = tpu.vector_load %arg16[%get3A_1484, %get3A_1485, %get3A_1486] {strides = array<i32>} : memref<2x640x64xf32, #tpu.memory_space<vmem>>, vector<1x1x16xf32>,
        %get3A_1488 = vector.shape_cast %get3A_1487 : vector<1x1x16xf32> to vector<16xf32>
        %mul3A_1489 = arith.mulf %get3A_1488, %gather3A_1449 : vector<16xf32>
        %add3A_1490 = arith.constant 8 : i32
        %add3A_1491 = arith.addi %mul3A_904, %add3A_1490 : i32
        %swap3A_1492 = arith.index_cast %select_n3A_493 : i32 to index
        %swap3A_1493 = arith.index_cast %add3A_1491 : i32 to index
        %swap3A_1494 = arith.constant 32 : index
        %swap3A_1495 = tpu.vector_load %arg16[%swap3A_1492, %swap3A_1493, %swap3A_1494] {strides = array<i32>} : memref<2x640x64xf32, #tpu.memory_space<vmem>>, vector<1x1x16xf32>,
        %swap3A_1496 = vector.shape_cast %swap3A_1495 : vector<1x1x16xf32> to vector<16xf32>
        %swap3A_1497 = vector.shape_cast %mul3A_1489 : vector<16xf32> to vector<1x1x16xf32>
        tpu.vector_store %arg16[%swap3A_1492, %swap3A_1493, %swap3A_1494], %swap3A_1497 {strides = array<i32>} : memref<2x640x64xf32, #tpu.memory_space<vmem>>, vector<1x1x16xf32>,
        %add3A_1498 = arith.constant 8 : i32
        %add3A_1499 = arith.addi %mul3A_904, %add3A_1498 : i32
        %get3A_1500 = arith.index_cast %select_n3A_493 : i32 to index
        %get3A_1501 = arith.index_cast %add3A_1499 : i32 to index
        %get3A_1502 = arith.constant 48 : index
        %get3A_1503 = tpu.vector_load %arg16[%get3A_1500, %get3A_1501, %get3A_1502] {strides = array<i32>} : memref<2x640x64xf32, #tpu.memory_space<vmem>>, vector<1x1x16xf32>,
        %get3A_1504 = vector.shape_cast %get3A_1503 : vector<1x1x16xf32> to vector<16xf32>
        %mul3A_1505 = arith.mulf %get3A_1504, %gather3A_1449 : vector<16xf32>
        %add3A_1506 = arith.constant 8 : i32
        %add3A_1507 = arith.addi %mul3A_904, %add3A_1506 : i32
        %swap3A_1508 = arith.index_cast %select_n3A_493 : i32 to index
        %swap3A_1509 = arith.index_cast %add3A_1507 : i32 to index
        %swap3A_1510 = arith.constant 48 : index
        %swap3A_1511 = tpu.vector_load %arg16[%swap3A_1508, %swap3A_1509, %swap3A_1510] {strides = array<i32>} : memref<2x640x64xf32, #tpu.memory_space<vmem>>, vector<1x1x16xf32>,
        %swap3A_1512 = vector.shape_cast %swap3A_1511 : vector<1x1x16xf32> to vector<16xf32>
        %swap3A_1513 = vector.shape_cast %mul3A_1505 : vector<16xf32> to vector<1x1x16xf32>
        tpu.vector_store %arg16[%swap3A_1508, %swap3A_1509, %swap3A_1510], %swap3A_1513 {strides = array<i32>} : memref<2x640x64xf32, #tpu.memory_space<vmem>>, vector<1x1x16xf32>,
        %broadcast_in_dim3A_1514 = arith.constant 9 : i32
        %broadcast_in_dim3A_1515 = vector.broadcast %broadcast_in_dim3A_1514 : i32 to vector<16x1xi32>
        %gather3A_1516 = vector.shape_cast %broadcast_in_dim3A_1515 : vector<16x1xi32> to vector<16xi32>
        %gather3A_1517 = tpu.dynamic_gather %div3A[%gather3A_1516] in [0] : vector<16xf32>, vector<16xi32> -> vector<16xf32>
        %add3A_1518 = arith.constant 9 : i32
        %add3A_1519 = arith.addi %mul3A_904, %add3A_1518 : i32
        %get3A_1520 = arith.index_cast %select_n3A_493 : i32 to index
        %get3A_1521 = arith.index_cast %add3A_1519 : i32 to index
        %get3A_1522 = arith.constant 0 : index
        %get3A_1523 = tpu.vector_load %arg16[%get3A_1520, %get3A_1521, %get3A_1522] {strides = array<i32>} : memref<2x640x64xf32, #tpu.memory_space<vmem>>, vector<1x1x16xf32>,
        %get3A_1524 = vector.shape_cast %get3A_1523 : vector<1x1x16xf32> to vector<16xf32>
        %mul3A_1525 = arith.mulf %get3A_1524, %gather3A_1517 : vector<16xf32>
        %add3A_1526 = arith.constant 9 : i32
        %add3A_1527 = arith.addi %mul3A_904, %add3A_1526 : i32
        %swap3A_1528 = arith.index_cast %select_n3A_493 : i32 to index
        %swap3A_1529 = arith.index_cast %add3A_1527 : i32 to index
        %swap3A_1530 = arith.constant 0 : index
        %swap3A_1531 = tpu.vector_load %arg16[%swap3A_1528, %swap3A_1529, %swap3A_1530] {strides = array<i32>} : memref<2x640x64xf32, #tpu.memory_space<vmem>>, vector<1x1x16xf32>,
        %swap3A_1532 = vector.shape_cast %swap3A_1531 : vector<1x1x16xf32> to vector<16xf32>
        %swap3A_1533 = vector.shape_cast %mul3A_1525 : vector<16xf32> to vector<1x1x16xf32>
        tpu.vector_store %arg16[%swap3A_1528, %swap3A_1529, %swap3A_1530], %swap3A_1533 {strides = array<i32>} : memref<2x640x64xf32, #tpu.memory_space<vmem>>, vector<1x1x16xf32>,
        %add3A_1534 = arith.constant 9 : i32
        %add3A_1535 = arith.addi %mul3A_904, %add3A_1534 : i32
        %get3A_1536 = arith.index_cast %select_n3A_493 : i32 to index
        %get3A_1537 = arith.index_cast %add3A_1535 : i32 to index
        %get3A_1538 = arith.constant 16 : index
        %get3A_1539 = tpu.vector_load %arg16[%get3A_1536, %get3A_1537, %get3A_1538] {strides = array<i32>} : memref<2x640x64xf32, #tpu.memory_space<vmem>>, vector<1x1x16xf32>,
        %get3A_1540 = vector.shape_cast %get3A_1539 : vector<1x1x16xf32> to vector<16xf32>
        %mul3A_1541 = arith.mulf %get3A_1540, %gather3A_1517 : vector<16xf32>
        %add3A_1542 = arith.constant 9 : i32
        %add3A_1543 = arith.addi %mul3A_904, %add3A_1542 : i32
        %swap3A_1544 = arith.index_cast %select_n3A_493 : i32 to index
        %swap3A_1545 = arith.index_cast %add3A_1543 : i32 to index
        %swap3A_1546 = arith.constant 16 : index
        %swap3A_1547 = tpu.vector_load %arg16[%swap3A_1544, %swap3A_1545, %swap3A_1546] {strides = array<i32>} : memref<2x640x64xf32, #tpu.memory_space<vmem>>, vector<1x1x16xf32>,
        %swap3A_1548 = vector.shape_cast %swap3A_1547 : vector<1x1x16xf32> to vector<16xf32>
        %swap3A_1549 = vector.shape_cast %mul3A_1541 : vector<16xf32> to vector<1x1x16xf32>
        tpu.vector_store %arg16[%swap3A_1544, %swap3A_1545, %swap3A_1546], %swap3A_1549 {strides = array<i32>} : memref<2x640x64xf32, #tpu.memory_space<vmem>>, vector<1x1x16xf32>,
        %add3A_1550 = arith.constant 9 : i32
        %add3A_1551 = arith.addi %mul3A_904, %add3A_1550 : i32
        %get3A_1552 = arith.index_cast %select_n3A_493 : i32 to index
        %get3A_1553 = arith.index_cast %add3A_1551 : i32 to index
        %get3A_1554 = arith.constant 32 : index
        %get3A_1555 = tpu.vector_load %arg16[%get3A_1552, %get3A_1553, %get3A_1554] {strides = array<i32>} : memref<2x640x64xf32, #tpu.memory_space<vmem>>, vector<1x1x16xf32>,
        %get3A_1556 = vector.shape_cast %get3A_1555 : vector<1x1x16xf32> to vector<16xf32>
        %mul3A_1557 = arith.mulf %get3A_1556, %gather3A_1517 : vector<16xf32>
        %add3A_1558 = arith.constant 9 : i32
        %add3A_1559 = arith.addi %mul3A_904, %add3A_1558 : i32
        %swap3A_1560 = arith.index_cast %select_n3A_493 : i32 to index
        %swap3A_1561 = arith.index_cast %add3A_1559 : i32 to index
        %swap3A_1562 = arith.constant 32 : index
        %swap3A_1563 = tpu.vector_load %arg16[%swap3A_1560, %swap3A_1561, %swap3A_1562] {strides = array<i32>} : memref<2x640x64xf32, #tpu.memory_space<vmem>>, vector<1x1x16xf32>,
        %swap3A_1564 = vector.shape_cast %swap3A_1563 : vector<1x1x16xf32> to vector<16xf32>
        %swap3A_1565 = vector.shape_cast %mul3A_1557 : vector<16xf32> to vector<1x1x16xf32>
        tpu.vector_store %arg16[%swap3A_1560, %swap3A_1561, %swap3A_1562], %swap3A_1565 {strides = array<i32>} : memref<2x640x64xf32, #tpu.memory_space<vmem>>, vector<1x1x16xf32>,
        %add3A_1566 = arith.constant 9 : i32
        %add3A_1567 = arith.addi %mul3A_904, %add3A_1566 : i32
        %get3A_1568 = arith.index_cast %select_n3A_493 : i32 to index
        %get3A_1569 = arith.index_cast %add3A_1567 : i32 to index
        %get3A_1570 = arith.constant 48 : index
        %get3A_1571 = tpu.vector_load %arg16[%get3A_1568, %get3A_1569, %get3A_1570] {strides = array<i32>} : memref<2x640x64xf32, #tpu.memory_space<vmem>>, vector<1x1x16xf32>,
        %get3A_1572 = vector.shape_cast %get3A_1571 : vector<1x1x16xf32> to vector<16xf32>
        %mul3A_1573 = arith.mulf %get3A_1572, %gather3A_1517 : vector<16xf32>
        %add3A_1574 = arith.constant 9 : i32
        %add3A_1575 = arith.addi %mul3A_904, %add3A_1574 : i32
        %swap3A_1576 = arith.index_cast %select_n3A_493 : i32 to index
        %swap3A_1577 = arith.index_cast %add3A_1575 : i32 to index
        %swap3A_1578 = arith.constant 48 : index
        %swap3A_1579 = tpu.vector_load %arg16[%swap3A_1576, %swap3A_1577, %swap3A_1578] {strides = array<i32>} : memref<2x640x64xf32, #tpu.memory_space<vmem>>, vector<1x1x16xf32>,
        %swap3A_1580 = vector.shape_cast %swap3A_1579 : vector<1x1x16xf32> to vector<16xf32>
        %swap3A_1581 = vector.shape_cast %mul3A_1573 : vector<16xf32> to vector<1x1x16xf32>
        tpu.vector_store %arg16[%swap3A_1576, %swap3A_1577, %swap3A_1578], %swap3A_1581 {strides = array<i32>} : memref<2x640x64xf32, #tpu.memory_space<vmem>>, vector<1x1x16xf32>,
        %broadcast_in_dim3A_1582 = arith.constant 10 : i32
        %broadcast_in_dim3A_1583 = vector.broadcast %broadcast_in_dim3A_1582 : i32 to vector<16x1xi32>
        %gather3A_1584 = vector.shape_cast %broadcast_in_dim3A_1583 : vector<16x1xi32> to vector<16xi32>
        %gather3A_1585 = tpu.dynamic_gather %div3A[%gather3A_1584] in [0] : vector<16xf32>, vector<16xi32> -> vector<16xf32>
        %add3A_1586 = arith.constant 10 : i32
        %add3A_1587 = arith.addi %mul3A_904, %add3A_1586 : i32
        %get3A_1588 = arith.index_cast %select_n3A_493 : i32 to index
        %get3A_1589 = arith.index_cast %add3A_1587 : i32 to index
        %get3A_1590 = arith.constant 0 : index
        %get3A_1591 = tpu.vector_load %arg16[%get3A_1588, %get3A_1589, %get3A_1590] {strides = array<i32>} : memref<2x640x64xf32, #tpu.memory_space<vmem>>, vector<1x1x16xf32>,
        %get3A_1592 = vector.shape_cast %get3A_1591 : vector<1x1x16xf32> to vector<16xf32>
        %mul3A_1593 = arith.mulf %get3A_1592, %gather3A_1585 : vector<16xf32>
        %add3A_1594 = arith.constant 10 : i32
        %add3A_1595 = arith.addi %mul3A_904, %add3A_1594 : i32
        %swap3A_1596 = arith.index_cast %select_n3A_493 : i32 to index
        %swap3A_1597 = arith.index_cast %add3A_1595 : i32 to index
        %swap3A_1598 = arith.constant 0 : index
        %swap3A_1599 = tpu.vector_load %arg16[%swap3A_1596, %swap3A_1597, %swap3A_1598] {strides = array<i32>} : memref<2x640x64xf32, #tpu.memory_space<vmem>>, vector<1x1x16xf32>,
        %swap3A_1600 = vector.shape_cast %swap3A_1599 : vector<1x1x16xf32> to vector<16xf32>
        %swap3A_1601 = vector.shape_cast %mul3A_1593 : vector<16xf32> to vector<1x1x16xf32>
        tpu.vector_store %arg16[%swap3A_1596, %swap3A_1597, %swap3A_1598], %swap3A_1601 {strides = array<i32>} : memref<2x640x64xf32, #tpu.memory_space<vmem>>, vector<1x1x16xf32>,
        %add3A_1602 = arith.constant 10 : i32
        %add3A_1603 = arith.addi %mul3A_904, %add3A_1602 : i32
        %get3A_1604 = arith.index_cast %select_n3A_493 : i32 to index
        %get3A_1605 = arith.index_cast %add3A_1603 : i32 to index
        %get3A_1606 = arith.constant 16 : index
        %get3A_1607 = tpu.vector_load %arg16[%get3A_1604, %get3A_1605, %get3A_1606] {strides = array<i32>} : memref<2x640x64xf32, #tpu.memory_space<vmem>>, vector<1x1x16xf32>,
        %get3A_1608 = vector.shape_cast %get3A_1607 : vector<1x1x16xf32> to vector<16xf32>
        %mul3A_1609 = arith.mulf %get3A_1608, %gather3A_1585 : vector<16xf32>
        %add3A_1610 = arith.constant 10 : i32
        %add3A_1611 = arith.addi %mul3A_904, %add3A_1610 : i32
        %swap3A_1612 = arith.index_cast %select_n3A_493 : i32 to index
        %swap3A_1613 = arith.index_cast %add3A_1611 : i32 to index
        %swap3A_1614 = arith.constant 16 : index
        %swap3A_1615 = tpu.vector_load %arg16[%swap3A_1612, %swap3A_1613, %swap3A_1614] {strides = array<i32>} : memref<2x640x64xf32, #tpu.memory_space<vmem>>, vector<1x1x16xf32>,
        %swap3A_1616 = vector.shape_cast %swap3A_1615 : vector<1x1x16xf32> to vector<16xf32>
        %swap3A_1617 = vector.shape_cast %mul3A_1609 : vector<16xf32> to vector<1x1x16xf32>
        tpu.vector_store %arg16[%swap3A_1612, %swap3A_1613, %swap3A_1614], %swap3A_1617 {strides = array<i32>} : memref<2x640x64xf32, #tpu.memory_space<vmem>>, vector<1x1x16xf32>,
        %add3A_1618 = arith.constant 10 : i32
        %add3A_1619 = arith.addi %mul3A_904, %add3A_1618 : i32
        %get3A_1620 = arith.index_cast %select_n3A_493 : i32 to index
        %get3A_1621 = arith.index_cast %add3A_1619 : i32 to index
        %get3A_1622 = arith.constant 32 : index
        %get3A_1623 = tpu.vector_load %arg16[%get3A_1620, %get3A_1621, %get3A_1622] {strides = array<i32>} : memref<2x640x64xf32, #tpu.memory_space<vmem>>, vector<1x1x16xf32>,
        %get3A_1624 = vector.shape_cast %get3A_1623 : vector<1x1x16xf32> to vector<16xf32>
        %mul3A_1625 = arith.mulf %get3A_1624, %gather3A_1585 : vector<16xf32>
        %add3A_1626 = arith.constant 10 : i32
        %add3A_1627 = arith.addi %mul3A_904, %add3A_1626 : i32
        %swap3A_1628 = arith.index_cast %select_n3A_493 : i32 to index
        %swap3A_1629 = arith.index_cast %add3A_1627 : i32 to index
        %swap3A_1630 = arith.constant 32 : index
        %swap3A_1631 = tpu.vector_load %arg16[%swap3A_1628, %swap3A_1629, %swap3A_1630] {strides = array<i32>} : memref<2x640x64xf32, #tpu.memory_space<vmem>>, vector<1x1x16xf32>,
        %swap3A_1632 = vector.shape_cast %swap3A_1631 : vector<1x1x16xf32> to vector<16xf32>
        %swap3A_1633 = vector.shape_cast %mul3A_1625 : vector<16xf32> to vector<1x1x16xf32>
        tpu.vector_store %arg16[%swap3A_1628, %swap3A_1629, %swap3A_1630], %swap3A_1633 {strides = array<i32>} : memref<2x640x64xf32, #tpu.memory_space<vmem>>, vector<1x1x16xf32>,
        %add3A_1634 = arith.constant 10 : i32
        %add3A_1635 = arith.addi %mul3A_904, %add3A_1634 : i32
        %get3A_1636 = arith.index_cast %select_n3A_493 : i32 to index
        %get3A_1637 = arith.index_cast %add3A_1635 : i32 to index
        %get3A_1638 = arith.constant 48 : index
        %get3A_1639 = tpu.vector_load %arg16[%get3A_1636, %get3A_1637, %get3A_1638] {strides = array<i32>} : memref<2x640x64xf32, #tpu.memory_space<vmem>>, vector<1x1x16xf32>,
        %get3A_1640 = vector.shape_cast %get3A_1639 : vector<1x1x16xf32> to vector<16xf32>
        %mul3A_1641 = arith.mulf %get3A_1640, %gather3A_1585 : vector<16xf32>
        %add3A_1642 = arith.constant 10 : i32
        %add3A_1643 = arith.addi %mul3A_904, %add3A_1642 : i32
        %swap3A_1644 = arith.index_cast %select_n3A_493 : i32 to index
        %swap3A_1645 = arith.index_cast %add3A_1643 : i32 to index
        %swap3A_1646 = arith.constant 48 : index
        %swap3A_1647 = tpu.vector_load %arg16[%swap3A_1644, %swap3A_1645, %swap3A_1646] {strides = array<i32>} : memref<2x640x64xf32, #tpu.memory_space<vmem>>, vector<1x1x16xf32>,
        %swap3A_1648 = vector.shape_cast %swap3A_1647 : vector<1x1x16xf32> to vector<16xf32>
        %swap3A_1649 = vector.shape_cast %mul3A_1641 : vector<16xf32> to vector<1x1x16xf32>
        tpu.vector_store %arg16[%swap3A_1644, %swap3A_1645, %swap3A_1646], %swap3A_1649 {strides = array<i32>} : memref<2x640x64xf32, #tpu.memory_space<vmem>>, vector<1x1x16xf32>,
        %broadcast_in_dim3A_1650 = arith.constant 11 : i32
        %broadcast_in_dim3A_1651 = vector.broadcast %broadcast_in_dim3A_1650 : i32 to vector<16x1xi32>
        %gather3A_1652 = vector.shape_cast %broadcast_in_dim3A_1651 : vector<16x1xi32> to vector<16xi32>
        %gather3A_1653 = tpu.dynamic_gather %div3A[%gather3A_1652] in [0] : vector<16xf32>, vector<16xi32> -> vector<16xf32>
        %add3A_1654 = arith.constant 11 : i32
        %add3A_1655 = arith.addi %mul3A_904, %add3A_1654 : i32
        %get3A_1656 = arith.index_cast %select_n3A_493 : i32 to index
        %get3A_1657 = arith.index_cast %add3A_1655 : i32 to index
        %get3A_1658 = arith.constant 0 : index
        %get3A_1659 = tpu.vector_load %arg16[%get3A_1656, %get3A_1657, %get3A_1658] {strides = array<i32>} : memref<2x640x64xf32, #tpu.memory_space<vmem>>, vector<1x1x16xf32>,
        %get3A_1660 = vector.shape_cast %get3A_1659 : vector<1x1x16xf32> to vector<16xf32>
        %mul3A_1661 = arith.mulf %get3A_1660, %gather3A_1653 : vector<16xf32>
        %add3A_1662 = arith.constant 11 : i32
        %add3A_1663 = arith.addi %mul3A_904, %add3A_1662 : i32
        %swap3A_1664 = arith.index_cast %select_n3A_493 : i32 to index
        %swap3A_1665 = arith.index_cast %add3A_1663 : i32 to index
        %swap3A_1666 = arith.constant 0 : index
        %swap3A_1667 = tpu.vector_load %arg16[%swap3A_1664, %swap3A_1665, %swap3A_1666] {strides = array<i32>} : memref<2x640x64xf32, #tpu.memory_space<vmem>>, vector<1x1x16xf32>,
        %swap3A_1668 = vector.shape_cast %swap3A_1667 : vector<1x1x16xf32> to vector<16xf32>
        %swap3A_1669 = vector.shape_cast %mul3A_1661 : vector<16xf32> to vector<1x1x16xf32>
        tpu.vector_store %arg16[%swap3A_1664, %swap3A_1665, %swap3A_1666], %swap3A_1669 {strides = array<i32>} : memref<2x640x64xf32, #tpu.memory_space<vmem>>, vector<1x1x16xf32>,
        %add3A_1670 = arith.constant 11 : i32
        %add3A_1671 = arith.addi %mul3A_904, %add3A_1670 : i32
        %get3A_1672 = arith.index_cast %select_n3A_493 : i32 to index
        %get3A_1673 = arith.index_cast %add3A_1671 : i32 to index
        %get3A_1674 = arith.constant 16 : index
        %get3A_1675 = tpu.vector_load %arg16[%get3A_1672, %get3A_1673, %get3A_1674] {strides = array<i32>} : memref<2x640x64xf32, #tpu.memory_space<vmem>>, vector<1x1x16xf32>,
        %get3A_1676 = vector.shape_cast %get3A_1675 : vector<1x1x16xf32> to vector<16xf32>
        %mul3A_1677 = arith.mulf %get3A_1676, %gather3A_1653 : vector<16xf32>
        %add3A_1678 = arith.constant 11 : i32
        %add3A_1679 = arith.addi %mul3A_904, %add3A_1678 : i32
        %swap3A_1680 = arith.index_cast %select_n3A_493 : i32 to index
        %swap3A_1681 = arith.index_cast %add3A_1679 : i32 to index
        %swap3A_1682 = arith.constant 16 : index
        %swap3A_1683 = tpu.vector_load %arg16[%swap3A_1680, %swap3A_1681, %swap3A_1682] {strides = array<i32>} : memref<2x640x64xf32, #tpu.memory_space<vmem>>, vector<1x1x16xf32>,
        %swap3A_1684 = vector.shape_cast %swap3A_1683 : vector<1x1x16xf32> to vector<16xf32>
        %swap3A_1685 = vector.shape_cast %mul3A_1677 : vector<16xf32> to vector<1x1x16xf32>
        tpu.vector_store %arg16[%swap3A_1680, %swap3A_1681, %swap3A_1682], %swap3A_1685 {strides = array<i32>} : memref<2x640x64xf32, #tpu.memory_space<vmem>>, vector<1x1x16xf32>,
        %add3A_1686 = arith.constant 11 : i32
        %add3A_1687 = arith.addi %mul3A_904, %add3A_1686 : i32
        %get3A_1688 = arith.index_cast %select_n3A_493 : i32 to index
        %get3A_1689 = arith.index_cast %add3A_1687 : i32 to index
        %get3A_1690 = arith.constant 32 : index
        %get3A_1691 = tpu.vector_load %arg16[%get3A_1688, %get3A_1689, %get3A_1690] {strides = array<i32>} : memref<2x640x64xf32, #tpu.memory_space<vmem>>, vector<1x1x16xf32>,
        %get3A_1692 = vector.shape_cast %get3A_1691 : vector<1x1x16xf32> to vector<16xf32>
        %mul3A_1693 = arith.mulf %get3A_1692, %gather3A_1653 : vector<16xf32>
        %add3A_1694 = arith.constant 11 : i32
        %add3A_1695 = arith.addi %mul3A_904, %add3A_1694 : i32
        %swap3A_1696 = arith.index_cast %select_n3A_493 : i32 to index
        %swap3A_1697 = arith.index_cast %add3A_1695 : i32 to index
        %swap3A_1698 = arith.constant 32 : index
        %swap3A_1699 = tpu.vector_load %arg16[%swap3A_1696, %swap3A_1697, %swap3A_1698] {strides = array<i32>} : memref<2x640x64xf32, #tpu.memory_space<vmem>>, vector<1x1x16xf32>,
        %swap3A_1700 = vector.shape_cast %swap3A_1699 : vector<1x1x16xf32> to vector<16xf32>
        %swap3A_1701 = vector.shape_cast %mul3A_1693 : vector<16xf32> to vector<1x1x16xf32>
        tpu.vector_store %arg16[%swap3A_1696, %swap3A_1697, %swap3A_1698], %swap3A_1701 {strides = array<i32>} : memref<2x640x64xf32, #tpu.memory_space<vmem>>, vector<1x1x16xf32>,
        %add3A_1702 = arith.constant 11 : i32
        %add3A_1703 = arith.addi %mul3A_904, %add3A_1702 : i32
        %get3A_1704 = arith.index_cast %select_n3A_493 : i32 to index
        %get3A_1705 = arith.index_cast %add3A_1703 : i32 to index
        %get3A_1706 = arith.constant 48 : index
        %get3A_1707 = tpu.vector_load %arg16[%get3A_1704, %get3A_1705, %get3A_1706] {strides = array<i32>} : memref<2x640x64xf32, #tpu.memory_space<vmem>>, vector<1x1x16xf32>,
        %get3A_1708 = vector.shape_cast %get3A_1707 : vector<1x1x16xf32> to vector<16xf32>
        %mul3A_1709 = arith.mulf %get3A_1708, %gather3A_1653 : vector<16xf32>
        %add3A_1710 = arith.constant 11 : i32
        %add3A_1711 = arith.addi %mul3A_904, %add3A_1710 : i32
        %swap3A_1712 = arith.index_cast %select_n3A_493 : i32 to index
        %swap3A_1713 = arith.index_cast %add3A_1711 : i32 to index
        %swap3A_1714 = arith.constant 48 : index
        %swap3A_1715 = tpu.vector_load %arg16[%swap3A_1712, %swap3A_1713, %swap3A_1714] {strides = array<i32>} : memref<2x640x64xf32, #tpu.memory_space<vmem>>, vector<1x1x16xf32>,
        %swap3A_1716 = vector.shape_cast %swap3A_1715 : vector<1x1x16xf32> to vector<16xf32>
        %swap3A_1717 = vector.shape_cast %mul3A_1709 : vector<16xf32> to vector<1x1x16xf32>
        tpu.vector_store %arg16[%swap3A_1712, %swap3A_1713, %swap3A_1714], %swap3A_1717 {strides = array<i32>} : memref<2x640x64xf32, #tpu.memory_space<vmem>>, vector<1x1x16xf32>,
        %broadcast_in_dim3A_1718 = arith.constant 12 : i32
        %broadcast_in_dim3A_1719 = vector.broadcast %broadcast_in_dim3A_1718 : i32 to vector<16x1xi32>
        %gather3A_1720 = vector.shape_cast %broadcast_in_dim3A_1719 : vector<16x1xi32> to vector<16xi32>
        %gather3A_1721 = tpu.dynamic_gather %div3A[%gather3A_1720] in [0] : vector<16xf32>, vector<16xi32> -> vector<16xf32>
        %add3A_1722 = arith.constant 12 : i32
        %add3A_1723 = arith.addi %mul3A_904, %add3A_1722 : i32
        %get3A_1724 = arith.index_cast %select_n3A_493 : i32 to index
        %get3A_1725 = arith.index_cast %add3A_1723 : i32 to index
        %get3A_1726 = arith.constant 0 : index
        %get3A_1727 = tpu.vector_load %arg16[%get3A_1724, %get3A_1725, %get3A_1726] {strides = array<i32>} : memref<2x640x64xf32, #tpu.memory_space<vmem>>, vector<1x1x16xf32>,
        %get3A_1728 = vector.shape_cast %get3A_1727 : vector<1x1x16xf32> to vector<16xf32>
        %mul3A_1729 = arith.mulf %get3A_1728, %gather3A_1721 : vector<16xf32>
        %add3A_1730 = arith.constant 12 : i32
        %add3A_1731 = arith.addi %mul3A_904, %add3A_1730 : i32
        %swap3A_1732 = arith.index_cast %select_n3A_493 : i32 to index
        %swap3A_1733 = arith.index_cast %add3A_1731 : i32 to index
        %swap3A_1734 = arith.constant 0 : index
        %swap3A_1735 = tpu.vector_load %arg16[%swap3A_1732, %swap3A_1733, %swap3A_1734] {strides = array<i32>} : memref<2x640x64xf32, #tpu.memory_space<vmem>>, vector<1x1x16xf32>,
        %swap3A_1736 = vector.shape_cast %swap3A_1735 : vector<1x1x16xf32> to vector<16xf32>
        %swap3A_1737 = vector.shape_cast %mul3A_1729 : vector<16xf32> to vector<1x1x16xf32>
        tpu.vector_store %arg16[%swap3A_1732, %swap3A_1733, %swap3A_1734], %swap3A_1737 {strides = array<i32>} : memref<2x640x64xf32, #tpu.memory_space<vmem>>, vector<1x1x16xf32>,
        %add3A_1738 = arith.constant 12 : i32
        %add3A_1739 = arith.addi %mul3A_904, %add3A_1738 : i32
        %get3A_1740 = arith.index_cast %select_n3A_493 : i32 to index
        %get3A_1741 = arith.index_cast %add3A_1739 : i32 to index
        %get3A_1742 = arith.constant 16 : index
        %get3A_1743 = tpu.vector_load %arg16[%get3A_1740, %get3A_1741, %get3A_1742] {strides = array<i32>} : memref<2x640x64xf32, #tpu.memory_space<vmem>>, vector<1x1x16xf32>,
        %get3A_1744 = vector.shape_cast %get3A_1743 : vector<1x1x16xf32> to vector<16xf32>
        %mul3A_1745 = arith.mulf %get3A_1744, %gather3A_1721 : vector<16xf32>
        %add3A_1746 = arith.constant 12 : i32
        %add3A_1747 = arith.addi %mul3A_904, %add3A_1746 : i32
        %swap3A_1748 = arith.index_cast %select_n3A_493 : i32 to index
        %swap3A_1749 = arith.index_cast %add3A_1747 : i32 to index
        %swap3A_1750 = arith.constant 16 : index
        %swap3A_1751 = tpu.vector_load %arg16[%swap3A_1748, %swap3A_1749, %swap3A_1750] {strides = array<i32>} : memref<2x640x64xf32, #tpu.memory_space<vmem>>, vector<1x1x16xf32>,
        %swap3A_1752 = vector.shape_cast %swap3A_1751 : vector<1x1x16xf32> to vector<16xf32>
        %swap3A_1753 = vector.shape_cast %mul3A_1745 : vector<16xf32> to vector<1x1x16xf32>
        tpu.vector_store %arg16[%swap3A_1748, %swap3A_1749, %swap3A_1750], %swap3A_1753 {strides = array<i32>} : memref<2x640x64xf32, #tpu.memory_space<vmem>>, vector<1x1x16xf32>,
        %add3A_1754 = arith.constant 12 : i32
        %add3A_1755 = arith.addi %mul3A_904, %add3A_1754 : i32
        %get3A_1756 = arith.index_cast %select_n3A_493 : i32 to index
        %get3A_1757 = arith.index_cast %add3A_1755 : i32 to index
        %get3A_1758 = arith.constant 32 : index
        %get3A_1759 = tpu.vector_load %arg16[%get3A_1756, %get3A_1757, %get3A_1758] {strides = array<i32>} : memref<2x640x64xf32, #tpu.memory_space<vmem>>, vector<1x1x16xf32>,
        %get3A_1760 = vector.shape_cast %get3A_1759 : vector<1x1x16xf32> to vector<16xf32>
        %mul3A_1761 = arith.mulf %get3A_1760, %gather3A_1721 : vector<16xf32>
        %add3A_1762 = arith.constant 12 : i32
        %add3A_1763 = arith.addi %mul3A_904, %add3A_1762 : i32
        %swap3A_1764 = arith.index_cast %select_n3A_493 : i32 to index
        %swap3A_1765 = arith.index_cast %add3A_1763 : i32 to index
        %swap3A_1766 = arith.constant 32 : index
        %swap3A_1767 = tpu.vector_load %arg16[%swap3A_1764, %swap3A_1765, %swap3A_1766] {strides = array<i32>} : memref<2x640x64xf32, #tpu.memory_space<vmem>>, vector<1x1x16xf32>,
        %swap3A_1768 = vector.shape_cast %swap3A_1767 : vector<1x1x16xf32> to vector<16xf32>
        %swap3A_1769 = vector.shape_cast %mul3A_1761 : vector<16xf32> to vector<1x1x16xf32>
        tpu.vector_store %arg16[%swap3A_1764, %swap3A_1765, %swap3A_1766], %swap3A_1769 {strides = array<i32>} : memref<2x640x64xf32, #tpu.memory_space<vmem>>, vector<1x1x16xf32>,
        %add3A_1770 = arith.constant 12 : i32
        %add3A_1771 = arith.addi %mul3A_904, %add3A_1770 : i32
        %get3A_1772 = arith.index_cast %select_n3A_493 : i32 to index
        %get3A_1773 = arith.index_cast %add3A_1771 : i32 to index
        %get3A_1774 = arith.constant 48 : index
        %get3A_1775 = tpu.vector_load %arg16[%get3A_1772, %get3A_1773, %get3A_1774] {strides = array<i32>} : memref<2x640x64xf32, #tpu.memory_space<vmem>>, vector<1x1x16xf32>,
        %get3A_1776 = vector.shape_cast %get3A_1775 : vector<1x1x16xf32> to vector<16xf32>
        %mul3A_1777 = arith.mulf %get3A_1776, %gather3A_1721 : vector<16xf32>
        %add3A_1778 = arith.constant 12 : i32
        %add3A_1779 = arith.addi %mul3A_904, %add3A_1778 : i32
        %swap3A_1780 = arith.index_cast %select_n3A_493 : i32 to index
        %swap3A_1781 = arith.index_cast %add3A_1779 : i32 to index
        %swap3A_1782 = arith.constant 48 : index
        %swap3A_1783 = tpu.vector_load %arg16[%swap3A_1780, %swap3A_1781, %swap3A_1782] {strides = array<i32>} : memref<2x640x64xf32, #tpu.memory_space<vmem>>, vector<1x1x16xf32>,
        %swap3A_1784 = vector.shape_cast %swap3A_1783 : vector<1x1x16xf32> to vector<16xf32>
        %swap3A_1785 = vector.shape_cast %mul3A_1777 : vector<16xf32> to vector<1x1x16xf32>
        tpu.vector_store %arg16[%swap3A_1780, %swap3A_1781, %swap3A_1782], %swap3A_1785 {strides = array<i32>} : memref<2x640x64xf32, #tpu.memory_space<vmem>>, vector<1x1x16xf32>,
        %broadcast_in_dim3A_1786 = arith.constant 13 : i32
        %broadcast_in_dim3A_1787 = vector.broadcast %broadcast_in_dim3A_1786 : i32 to vector<16x1xi32>
        %gather3A_1788 = vector.shape_cast %broadcast_in_dim3A_1787 : vector<16x1xi32> to vector<16xi32>
        %gather3A_1789 = tpu.dynamic_gather %div3A[%gather3A_1788] in [0] : vector<16xf32>, vector<16xi32> -> vector<16xf32>
        %add3A_1790 = arith.constant 13 : i32
        %add3A_1791 = arith.addi %mul3A_904, %add3A_1790 : i32
        %get3A_1792 = arith.index_cast %select_n3A_493 : i32 to index
        %get3A_1793 = arith.index_cast %add3A_1791 : i32 to index
        %get3A_1794 = arith.constant 0 : index
        %get3A_1795 = tpu.vector_load %arg16[%get3A_1792, %get3A_1793, %get3A_1794] {strides = array<i32>} : memref<2x640x64xf32, #tpu.memory_space<vmem>>, vector<1x1x16xf32>,
        %get3A_1796 = vector.shape_cast %get3A_1795 : vector<1x1x16xf32> to vector<16xf32>
        %mul3A_1797 = arith.mulf %get3A_1796, %gather3A_1789 : vector<16xf32>
        %add3A_1798 = arith.constant 13 : i32
        %add3A_1799 = arith.addi %mul3A_904, %add3A_1798 : i32
        %swap3A_1800 = arith.index_cast %select_n3A_493 : i32 to index
        %swap3A_1801 = arith.index_cast %add3A_1799 : i32 to index
        %swap3A_1802 = arith.constant 0 : index
        %swap3A_1803 = tpu.vector_load %arg16[%swap3A_1800, %swap3A_1801, %swap3A_1802] {strides = array<i32>} : memref<2x640x64xf32, #tpu.memory_space<vmem>>, vector<1x1x16xf32>,
        %swap3A_1804 = vector.shape_cast %swap3A_1803 : vector<1x1x16xf32> to vector<16xf32>
        %swap3A_1805 = vector.shape_cast %mul3A_1797 : vector<16xf32> to vector<1x1x16xf32>
        tpu.vector_store %arg16[%swap3A_1800, %swap3A_1801, %swap3A_1802], %swap3A_1805 {strides = array<i32>} : memref<2x640x64xf32, #tpu.memory_space<vmem>>, vector<1x1x16xf32>,
        %add3A_1806 = arith.constant 13 : i32
        %add3A_1807 = arith.addi %mul3A_904, %add3A_1806 : i32
        %get3A_1808 = arith.index_cast %select_n3A_493 : i32 to index
        %get3A_1809 = arith.index_cast %add3A_1807 : i32 to index
        %get3A_1810 = arith.constant 16 : index
        %get3A_1811 = tpu.vector_load %arg16[%get3A_1808, %get3A_1809, %get3A_1810] {strides = array<i32>} : memref<2x640x64xf32, #tpu.memory_space<vmem>>, vector<1x1x16xf32>,
        %get3A_1812 = vector.shape_cast %get3A_1811 : vector<1x1x16xf32> to vector<16xf32>
        %mul3A_1813 = arith.mulf %get3A_1812, %gather3A_1789 : vector<16xf32>
        %add3A_1814 = arith.constant 13 : i32
        %add3A_1815 = arith.addi %mul3A_904, %add3A_1814 : i32
        %swap3A_1816 = arith.index_cast %select_n3A_493 : i32 to index
        %swap3A_1817 = arith.index_cast %add3A_1815 : i32 to index
        %swap3A_1818 = arith.constant 16 : index
        %swap3A_1819 = tpu.vector_load %arg16[%swap3A_1816, %swap3A_1817, %swap3A_1818] {strides = array<i32>} : memref<2x640x64xf32, #tpu.memory_space<vmem>>, vector<1x1x16xf32>,
        %swap3A_1820 = vector.shape_cast %swap3A_1819 : vector<1x1x16xf32> to vector<16xf32>
        %swap3A_1821 = vector.shape_cast %mul3A_1813 : vector<16xf32> to vector<1x1x16xf32>
        tpu.vector_store %arg16[%swap3A_1816, %swap3A_1817, %swap3A_1818], %swap3A_1821 {strides = array<i32>} : memref<2x640x64xf32, #tpu.memory_space<vmem>>, vector<1x1x16xf32>,
        %add3A_1822 = arith.constant 13 : i32
        %add3A_1823 = arith.addi %mul3A_904, %add3A_1822 : i32
        %get3A_1824 = arith.index_cast %select_n3A_493 : i32 to index
        %get3A_1825 = arith.index_cast %add3A_1823 : i32 to index
        %get3A_1826 = arith.constant 32 : index
        %get3A_1827 = tpu.vector_load %arg16[%get3A_1824, %get3A_1825, %get3A_1826] {strides = array<i32>} : memref<2x640x64xf32, #tpu.memory_space<vmem>>, vector<1x1x16xf32>,
        %get3A_1828 = vector.shape_cast %get3A_1827 : vector<1x1x16xf32> to vector<16xf32>
        %mul3A_1829 = arith.mulf %get3A_1828, %gather3A_1789 : vector<16xf32>
        %add3A_1830 = arith.constant 13 : i32
        %add3A_1831 = arith.addi %mul3A_904, %add3A_1830 : i32
        %swap3A_1832 = arith.index_cast %select_n3A_493 : i32 to index
        %swap3A_1833 = arith.index_cast %add3A_1831 : i32 to index
        %swap3A_1834 = arith.constant 32 : index
        %swap3A_1835 = tpu.vector_load %arg16[%swap3A_1832, %swap3A_1833, %swap3A_1834] {strides = array<i32>} : memref<2x640x64xf32, #tpu.memory_space<vmem>>, vector<1x1x16xf32>,
        %swap3A_1836 = vector.shape_cast %swap3A_1835 : vector<1x1x16xf32> to vector<16xf32>
        %swap3A_1837 = vector.shape_cast %mul3A_1829 : vector<16xf32> to vector<1x1x16xf32>
        tpu.vector_store %arg16[%swap3A_1832, %swap3A_1833, %swap3A_1834], %swap3A_1837 {strides = array<i32>} : memref<2x640x64xf32, #tpu.memory_space<vmem>>, vector<1x1x16xf32>,
        %add3A_1838 = arith.constant 13 : i32
        %add3A_1839 = arith.addi %mul3A_904, %add3A_1838 : i32
        %get3A_1840 = arith.index_cast %select_n3A_493 : i32 to index
        %get3A_1841 = arith.index_cast %add3A_1839 : i32 to index
        %get3A_1842 = arith.constant 48 : index
        %get3A_1843 = tpu.vector_load %arg16[%get3A_1840, %get3A_1841, %get3A_1842] {strides = array<i32>} : memref<2x640x64xf32, #tpu.memory_space<vmem>>, vector<1x1x16xf32>,
        %get3A_1844 = vector.shape_cast %get3A_1843 : vector<1x1x16xf32> to vector<16xf32>
        %mul3A_1845 = arith.mulf %get3A_1844, %gather3A_1789 : vector<16xf32>
        %add3A_1846 = arith.constant 13 : i32
        %add3A_1847 = arith.addi %mul3A_904, %add3A_1846 : i32
        %swap3A_1848 = arith.index_cast %select_n3A_493 : i32 to index
        %swap3A_1849 = arith.index_cast %add3A_1847 : i32 to index
        %swap3A_1850 = arith.constant 48 : index
        %swap3A_1851 = tpu.vector_load %arg16[%swap3A_1848, %swap3A_1849, %swap3A_1850] {strides = array<i32>} : memref<2x640x64xf32, #tpu.memory_space<vmem>>, vector<1x1x16xf32>,
        %swap3A_1852 = vector.shape_cast %swap3A_1851 : vector<1x1x16xf32> to vector<16xf32>
        %swap3A_1853 = vector.shape_cast %mul3A_1845 : vector<16xf32> to vector<1x1x16xf32>
        tpu.vector_store %arg16[%swap3A_1848, %swap3A_1849, %swap3A_1850], %swap3A_1853 {strides = array<i32>} : memref<2x640x64xf32, #tpu.memory_space<vmem>>, vector<1x1x16xf32>,
        %broadcast_in_dim3A_1854 = arith.constant 14 : i32
        %broadcast_in_dim3A_1855 = vector.broadcast %broadcast_in_dim3A_1854 : i32 to vector<16x1xi32>
        %gather3A_1856 = vector.shape_cast %broadcast_in_dim3A_1855 : vector<16x1xi32> to vector<16xi32>
        %gather3A_1857 = tpu.dynamic_gather %div3A[%gather3A_1856] in [0] : vector<16xf32>, vector<16xi32> -> vector<16xf32>
        %add3A_1858 = arith.constant 14 : i32
        %add3A_1859 = arith.addi %mul3A_904, %add3A_1858 : i32
        %get3A_1860 = arith.index_cast %select_n3A_493 : i32 to index
        %get3A_1861 = arith.index_cast %add3A_1859 : i32 to index
        %get3A_1862 = arith.constant 0 : index
        %get3A_1863 = tpu.vector_load %arg16[%get3A_1860, %get3A_1861, %get3A_1862] {strides = array<i32>} : memref<2x640x64xf32, #tpu.memory_space<vmem>>, vector<1x1x16xf32>,
        %get3A_1864 = vector.shape_cast %get3A_1863 : vector<1x1x16xf32> to vector<16xf32>
        %mul3A_1865 = arith.mulf %get3A_1864, %gather3A_1857 : vector<16xf32>
        %add3A_1866 = arith.constant 14 : i32
        %add3A_1867 = arith.addi %mul3A_904, %add3A_1866 : i32
        %swap3A_1868 = arith.index_cast %select_n3A_493 : i32 to index
        %swap3A_1869 = arith.index_cast %add3A_1867 : i32 to index
        %swap3A_1870 = arith.constant 0 : index
        %swap3A_1871 = tpu.vector_load %arg16[%swap3A_1868, %swap3A_1869, %swap3A_1870] {strides = array<i32>} : memref<2x640x64xf32, #tpu.memory_space<vmem>>, vector<1x1x16xf32>,
        %swap3A_1872 = vector.shape_cast %swap3A_1871 : vector<1x1x16xf32> to vector<16xf32>
        %swap3A_1873 = vector.shape_cast %mul3A_1865 : vector<16xf32> to vector<1x1x16xf32>
        tpu.vector_store %arg16[%swap3A_1868, %swap3A_1869, %swap3A_1870], %swap3A_1873 {strides = array<i32>} : memref<2x640x64xf32, #tpu.memory_space<vmem>>, vector<1x1x16xf32>,
        %add3A_1874 = arith.constant 14 : i32
        %add3A_1875 = arith.addi %mul3A_904, %add3A_1874 : i32
        %get3A_1876 = arith.index_cast %select_n3A_493 : i32 to index
        %get3A_1877 = arith.index_cast %add3A_1875 : i32 to index
        %get3A_1878 = arith.constant 16 : index
        %get3A_1879 = tpu.vector_load %arg16[%get3A_1876, %get3A_1877, %get3A_1878] {strides = array<i32>} : memref<2x640x64xf32, #tpu.memory_space<vmem>>, vector<1x1x16xf32>,
        %get3A_1880 = vector.shape_cast %get3A_1879 : vector<1x1x16xf32> to vector<16xf32>
        %mul3A_1881 = arith.mulf %get3A_1880, %gather3A_1857 : vector<16xf32>
        %add3A_1882 = arith.constant 14 : i32
        %add3A_1883 = arith.addi %mul3A_904, %add3A_1882 : i32
        %swap3A_1884 = arith.index_cast %select_n3A_493 : i32 to index
        %swap3A_1885 = arith.index_cast %add3A_1883 : i32 to index
        %swap3A_1886 = arith.constant 16 : index
        %swap3A_1887 = tpu.vector_load %arg16[%swap3A_1884, %swap3A_1885, %swap3A_1886] {strides = array<i32>} : memref<2x640x64xf32, #tpu.memory_space<vmem>>, vector<1x1x16xf32>,
        %swap3A_1888 = vector.shape_cast %swap3A_1887 : vector<1x1x16xf32> to vector<16xf32>
        %swap3A_1889 = vector.shape_cast %mul3A_1881 : vector<16xf32> to vector<1x1x16xf32>
        tpu.vector_store %arg16[%swap3A_1884, %swap3A_1885, %swap3A_1886], %swap3A_1889 {strides = array<i32>} : memref<2x640x64xf32, #tpu.memory_space<vmem>>, vector<1x1x16xf32>,
        %add3A_1890 = arith.constant 14 : i32
        %add3A_1891 = arith.addi %mul3A_904, %add3A_1890 : i32
        %get3A_1892 = arith.index_cast %select_n3A_493 : i32 to index
        %get3A_1893 = arith.index_cast %add3A_1891 : i32 to index
        %get3A_1894 = arith.constant 32 : index
        %get3A_1895 = tpu.vector_load %arg16[%get3A_1892, %get3A_1893, %get3A_1894] {strides = array<i32>} : memref<2x640x64xf32, #tpu.memory_space<vmem>>, vector<1x1x16xf32>,
        %get3A_1896 = vector.shape_cast %get3A_1895 : vector<1x1x16xf32> to vector<16xf32>
        %mul3A_1897 = arith.mulf %get3A_1896, %gather3A_1857 : vector<16xf32>
        %add3A_1898 = arith.constant 14 : i32
        %add3A_1899 = arith.addi %mul3A_904, %add3A_1898 : i32
        %swap3A_1900 = arith.index_cast %select_n3A_493 : i32 to index
        %swap3A_1901 = arith.index_cast %add3A_1899 : i32 to index
        %swap3A_1902 = arith.constant 32 : index
        %swap3A_1903 = tpu.vector_load %arg16[%swap3A_1900, %swap3A_1901, %swap3A_1902] {strides = array<i32>} : memref<2x640x64xf32, #tpu.memory_space<vmem>>, vector<1x1x16xf32>,
        %swap3A_1904 = vector.shape_cast %swap3A_1903 : vector<1x1x16xf32> to vector<16xf32>
        %swap3A_1905 = vector.shape_cast %mul3A_1897 : vector<16xf32> to vector<1x1x16xf32>
        tpu.vector_store %arg16[%swap3A_1900, %swap3A_1901, %swap3A_1902], %swap3A_1905 {strides = array<i32>} : memref<2x640x64xf32, #tpu.memory_space<vmem>>, vector<1x1x16xf32>,
        %add3A_1906 = arith.constant 14 : i32
        %add3A_1907 = arith.addi %mul3A_904, %add3A_1906 : i32
        %get3A_1908 = arith.index_cast %select_n3A_493 : i32 to index
        %get3A_1909 = arith.index_cast %add3A_1907 : i32 to index
        %get3A_1910 = arith.constant 48 : index
        %get3A_1911 = tpu.vector_load %arg16[%get3A_1908, %get3A_1909, %get3A_1910] {strides = array<i32>} : memref<2x640x64xf32, #tpu.memory_space<vmem>>, vector<1x1x16xf32>,
        %get3A_1912 = vector.shape_cast %get3A_1911 : vector<1x1x16xf32> to vector<16xf32>
        %mul3A_1913 = arith.mulf %get3A_1912, %gather3A_1857 : vector<16xf32>
        %add3A_1914 = arith.constant 14 : i32
        %add3A_1915 = arith.addi %mul3A_904, %add3A_1914 : i32
        %swap3A_1916 = arith.index_cast %select_n3A_493 : i32 to index
        %swap3A_1917 = arith.index_cast %add3A_1915 : i32 to index
        %swap3A_1918 = arith.constant 48 : index
        %swap3A_1919 = tpu.vector_load %arg16[%swap3A_1916, %swap3A_1917, %swap3A_1918] {strides = array<i32>} : memref<2x640x64xf32, #tpu.memory_space<vmem>>, vector<1x1x16xf32>,
        %swap3A_1920 = vector.shape_cast %swap3A_1919 : vector<1x1x16xf32> to vector<16xf32>
        %swap3A_1921 = vector.shape_cast %mul3A_1913 : vector<16xf32> to vector<1x1x16xf32>
        tpu.vector_store %arg16[%swap3A_1916, %swap3A_1917, %swap3A_1918], %swap3A_1921 {strides = array<i32>} : memref<2x640x64xf32, #tpu.memory_space<vmem>>, vector<1x1x16xf32>,
        %broadcast_in_dim3A_1922 = arith.constant 15 : i32
        %broadcast_in_dim3A_1923 = vector.broadcast %broadcast_in_dim3A_1922 : i32 to vector<16x1xi32>
        %gather3A_1924 = vector.shape_cast %broadcast_in_dim3A_1923 : vector<16x1xi32> to vector<16xi32>
        %gather3A_1925 = tpu.dynamic_gather %div3A[%gather3A_1924] in [0] : vector<16xf32>, vector<16xi32> -> vector<16xf32>
        %add3A_1926 = arith.constant 15 : i32
        %add3A_1927 = arith.addi %mul3A_904, %add3A_1926 : i32
        %get3A_1928 = arith.index_cast %select_n3A_493 : i32 to index
        %get3A_1929 = arith.index_cast %add3A_1927 : i32 to index
        %get3A_1930 = arith.constant 0 : index
        %get3A_1931 = tpu.vector_load %arg16[%get3A_1928, %get3A_1929, %get3A_1930] {strides = array<i32>} : memref<2x640x64xf32, #tpu.memory_space<vmem>>, vector<1x1x16xf32>,
        %get3A_1932 = vector.shape_cast %get3A_1931 : vector<1x1x16xf32> to vector<16xf32>
        %mul3A_1933 = arith.mulf %get3A_1932, %gather3A_1925 : vector<16xf32>
        %add3A_1934 = arith.constant 15 : i32
        %add3A_1935 = arith.addi %mul3A_904, %add3A_1934 : i32
        %swap3A_1936 = arith.index_cast %select_n3A_493 : i32 to index
        %swap3A_1937 = arith.index_cast %add3A_1935 : i32 to index
        %swap3A_1938 = arith.constant 0 : index
        %swap3A_1939 = tpu.vector_load %arg16[%swap3A_1936, %swap3A_1937, %swap3A_1938] {strides = array<i32>} : memref<2x640x64xf32, #tpu.memory_space<vmem>>, vector<1x1x16xf32>,
        %swap3A_1940 = vector.shape_cast %swap3A_1939 : vector<1x1x16xf32> to vector<16xf32>
        %swap3A_1941 = vector.shape_cast %mul3A_1933 : vector<16xf32> to vector<1x1x16xf32>
        tpu.vector_store %arg16[%swap3A_1936, %swap3A_1937, %swap3A_1938], %swap3A_1941 {strides = array<i32>} : memref<2x640x64xf32, #tpu.memory_space<vmem>>, vector<1x1x16xf32>,
        %add3A_1942 = arith.constant 15 : i32
        %add3A_1943 = arith.addi %mul3A_904, %add3A_1942 : i32
        %get3A_1944 = arith.index_cast %select_n3A_493 : i32 to index
        %get3A_1945 = arith.index_cast %add3A_1943 : i32 to index
        %get3A_1946 = arith.constant 16 : index
        %get3A_1947 = tpu.vector_load %arg16[%get3A_1944, %get3A_1945, %get3A_1946] {strides = array<i32>} : memref<2x640x64xf32, #tpu.memory_space<vmem>>, vector<1x1x16xf32>,
        %get3A_1948 = vector.shape_cast %get3A_1947 : vector<1x1x16xf32> to vector<16xf32>
        %mul3A_1949 = arith.mulf %get3A_1948, %gather3A_1925 : vector<16xf32>
        %add3A_1950 = arith.constant 15 : i32
        %add3A_1951 = arith.addi %mul3A_904, %add3A_1950 : i32
        %swap3A_1952 = arith.index_cast %select_n3A_493 : i32 to index
        %swap3A_1953 = arith.index_cast %add3A_1951 : i32 to index
        %swap3A_1954 = arith.constant 16 : index
        %swap3A_1955 = tpu.vector_load %arg16[%swap3A_1952, %swap3A_1953, %swap3A_1954] {strides = array<i32>} : memref<2x640x64xf32, #tpu.memory_space<vmem>>, vector<1x1x16xf32>,
        %swap3A_1956 = vector.shape_cast %swap3A_1955 : vector<1x1x16xf32> to vector<16xf32>
        %swap3A_1957 = vector.shape_cast %mul3A_1949 : vector<16xf32> to vector<1x1x16xf32>
        tpu.vector_store %arg16[%swap3A_1952, %swap3A_1953, %swap3A_1954], %swap3A_1957 {strides = array<i32>} : memref<2x640x64xf32, #tpu.memory_space<vmem>>, vector<1x1x16xf32>,
        %add3A_1958 = arith.constant 15 : i32
        %add3A_1959 = arith.addi %mul3A_904, %add3A_1958 : i32
        %get3A_1960 = arith.index_cast %select_n3A_493 : i32 to index
        %get3A_1961 = arith.index_cast %add3A_1959 : i32 to index
        %get3A_1962 = arith.constant 32 : index
        %get3A_1963 = tpu.vector_load %arg16[%get3A_1960, %get3A_1961, %get3A_1962] {strides = array<i32>} : memref<2x640x64xf32, #tpu.memory_space<vmem>>, vector<1x1x16xf32>,
        %get3A_1964 = vector.shape_cast %get3A_1963 : vector<1x1x16xf32> to vector<16xf32>
        %mul3A_1965 = arith.mulf %get3A_1964, %gather3A_1925 : vector<16xf32>
        %add3A_1966 = arith.constant 15 : i32
        %add3A_1967 = arith.addi %mul3A_904, %add3A_1966 : i32
        %swap3A_1968 = arith.index_cast %select_n3A_493 : i32 to index
        %swap3A_1969 = arith.index_cast %add3A_1967 : i32 to index
        %swap3A_1970 = arith.constant 32 : index
        %swap3A_1971 = tpu.vector_load %arg16[%swap3A_1968, %swap3A_1969, %swap3A_1970] {strides = array<i32>} : memref<2x640x64xf32, #tpu.memory_space<vmem>>, vector<1x1x16xf32>,
        %swap3A_1972 = vector.shape_cast %swap3A_1971 : vector<1x1x16xf32> to vector<16xf32>
        %swap3A_1973 = vector.shape_cast %mul3A_1965 : vector<16xf32> to vector<1x1x16xf32>
        tpu.vector_store %arg16[%swap3A_1968, %swap3A_1969, %swap3A_1970], %swap3A_1973 {strides = array<i32>} : memref<2x640x64xf32, #tpu.memory_space<vmem>>, vector<1x1x16xf32>,
        %add3A_1974 = arith.constant 15 : i32
        %add3A_1975 = arith.addi %mul3A_904, %add3A_1974 : i32
        %get3A_1976 = arith.index_cast %select_n3A_493 : i32 to index
        %get3A_1977 = arith.index_cast %add3A_1975 : i32 to index
        %get3A_1978 = arith.constant 48 : index
        %get3A_1979 = tpu.vector_load %arg16[%get3A_1976, %get3A_1977, %get3A_1978] {strides = array<i32>} : memref<2x640x64xf32, #tpu.memory_space<vmem>>, vector<1x1x16xf32>,
        %get3A_1980 = vector.shape_cast %get3A_1979 : vector<1x1x16xf32> to vector<16xf32>
        %mul3A_1981 = arith.mulf %get3A_1980, %gather3A_1925 : vector<16xf32>
        %add3A_1982 = arith.constant 15 : i32
        %add3A_1983 = arith.addi %mul3A_904, %add3A_1982 : i32
        %swap3A_1984 = arith.index_cast %select_n3A_493 : i32 to index
        %swap3A_1985 = arith.index_cast %add3A_1983 : i32 to index
        %swap3A_1986 = arith.constant 48 : index
        %swap3A_1987 = tpu.vector_load %arg16[%swap3A_1984, %swap3A_1985, %swap3A_1986] {strides = array<i32>} : memref<2x640x64xf32, #tpu.memory_space<vmem>>, vector<1x1x16xf32>,
        %swap3A_1988 = vector.shape_cast %swap3A_1987 : vector<1x1x16xf32> to vector<16xf32>
        %swap3A_1989 = vector.shape_cast %mul3A_1981 : vector<16xf32> to vector<1x1x16xf32>
        tpu.vector_store %arg16[%swap3A_1984, %swap3A_1985, %swap3A_1986], %swap3A_1989 {strides = array<i32>} : memref<2x640x64xf32, #tpu.memory_space<vmem>>, vector<1x1x16xf32>,
        %scan3A_1990 = arith.constant 0 : i32
        scf.yield %scan3A_1990 : i32
      }
      %scan3A_724 = arith.constant 40 : i32
      %jit3A_725 = arith.constant 3 : i32
      %eq3A_726 = arith.constant 0 : i32
      %eq3A_727 = arith.cmpi eq, %jit3A_725, %eq3A_726 : i32
      %jit3A_728 = arith.constant 1 : i32
      %select_n3A_729 = arith.select %eq3A_727, %jit3A_728, %jit3A_725 : i32
      %rem3A_730 = arith.remsi %scan3A_483, %select_n3A_729 : i32
      %ne3A_731 = arith.constant 0 : i32
      %ne3A_732 = arith.cmpi ne, %rem3A_730, %ne3A_731 : i32
      %lt3A_733 = arith.constant 0 : i32
      %lt3A_734 = arith.cmpi slt, %rem3A_730, %lt3A_733 : i32
      %lt3A_735 = arith.constant 0 : i32
      %lt3A_736 = arith.cmpi slt, %select_n3A_729, %lt3A_735 : i32
      %ne3A_737 = arith.xori %lt3A_734, %lt3A_736 : i1
      %and3A_738 = arith.andi %ne3A_737, %ne3A_732 : i1
      %add3A_739 = arith.addi %rem3A_730, %select_n3A_729 : i32
      %select_n3A_740 = arith.select %and3A_738, %add3A_739, %rem3A_730 : i32
      %jit3A_741 = arith.constant 2 : i32
      %eq3A_742 = arith.constant 0 : i32
      %eq3A_743 = arith.cmpi eq, %jit3A_741, %eq3A_742 : i32
      %jit3A_744 = arith.constant 1 : i32
      %select_n3A_745 = arith.select %eq3A_743, %jit3A_744, %jit3A_741 : i32
      %rem3A_746 = arith.remsi %scan3A_483, %select_n3A_745 : i32
      %ne3A_747 = arith.constant 0 : i32
      %ne3A_748 = arith.cmpi ne, %rem3A_746, %ne3A_747 : i32
      %lt3A_749 = arith.constant 0 : i32
      %lt3A_750 = arith.cmpi slt, %rem3A_746, %lt3A_749 : i32
      %lt3A_751 = arith.constant 0 : i32
      %lt3A_752 = arith.cmpi slt, %select_n3A_745, %lt3A_751 : i32
      %ne3A_753 = arith.xori %lt3A_750, %lt3A_752 : i1
      %and3A_754 = arith.andi %ne3A_753, %ne3A_748 : i1
      %add3A_755 = arith.addi %rem3A_746, %select_n3A_745 : i32
      %select_n3A_756 = arith.select %and3A_754, %add3A_755, %rem3A_746 : i32
      %dma_start3A_757 = arith.constant 0 : i32
      %dma_start3A_758 = arith.constant 0 : i32
      %dma_start3A_759 = arith.constant 0 : i32
      %dma_start3A_760 = tpu.memref_slice %arg16[%select_n3A_756, %dma_start3A_758, %dma_start3A_759] : memref<2x640x64xf32, #tpu.memory_space<vmem>> -> memref<1x640x64xf32, #tpu.memory_space<vmem>>
      %dma_start3A_761 = tpu.memref_squeeze %dma_start3A_760 : memref<1x640x64xf32, #tpu.memory_space<vmem>> -> memref<640x64xf32, #tpu.memory_space<vmem>>
      %dma_start3A_762 = arith.constant 0 : i32
      %dma_start3A_763 = arith.constant 0 : i32
      %dma_start3A_764 = tpu.memref_slice %dma_start3A_761[%dma_start3A_762, %dma_start3A_763] : memref<640x64xf32, #tpu.memory_space<vmem>> -> memref<128x64xf32, #tpu.memory_space<vmem>>
      %dma_start3A_765 = arith.constant 0 : i32
      %dma_start3A_766 = arith.constant 0 : i32
      %dma_start3A_767 = tpu.memref_slice %arg10[%select_n3A_740, %dma_start3A_765, %dma_start3A_766] : memref<3x5x128xi32, #tpu.memory_space<vmem>> -> memref<1x5x128xi32, #tpu.memory_space<vmem>>
      %dma_start3A_768 = tpu.memref_squeeze %dma_start3A_767 : memref<1x5x128xi32, #tpu.memory_space<vmem>> -> memref<5x128xi32, #tpu.memory_space<vmem>>
      %dma_start3A_769 = arith.constant 0 : i32
      %dma_start3A_770 = tpu.memref_slice %dma_start3A_768[%dma_start3A_757, %dma_start3A_769] : memref<5x128xi32, #tpu.memory_space<vmem>> -> memref<1x128xi32, #tpu.memory_space<vmem>>
      %dma_start3A_771 = tpu.memref_squeeze %dma_start3A_770 : memref<1x128xi32, #tpu.memory_space<vmem>> -> memref<128xi32, #tpu.memory_space<vmem>>
      %dma_start3A_772 = arith.constant 0 : i32
      %dma_start3A_773 = arith.constant 0 : i32
      %dma_start3A_774 = tpu.memref_slice %arg18[%dma_start3A_772, %dma_start3A_773] : memref<4096x64xf32, #tpu.memory_space<vmem_shared>> -> memref<4096x64xf32, #tpu.memory_space<vmem_shared>>
      %dma_start3A_775 = tpu.memref_slice %arg21[%select_n3A_756] : memref<2x!tpu.dma_semaphore, #tpu.memory_space<semaphore_mem>> -> memref<1x!tpu.dma_semaphore, #tpu.memory_space<semaphore_mem>>
      %dma_start3A_776 = tpu.memref_squeeze %dma_start3A_775 : memref<1x!tpu.dma_semaphore, #tpu.memory_space<semaphore_mem>> -> memref<!tpu.dma_semaphore, #tpu.memory_space<semaphore_mem>>
      tpu.enqueue_indirect_dma source(%dma_start3A_764 : memref<128x64xf32, #tpu.memory_space<vmem>>) target(%dma_start3A_774 : memref<4096x64xf32, #tpu.memory_space<vmem_shared>>) offsets(%dma_start3A_771 : memref<128xi32, #tpu.memory_space<vmem>>) semaphore(%dma_start3A_776 : memref<!tpu.dma_semaphore, #tpu.memory_space<semaphore_mem>>) {add = true}
      %dma_start3A_777 = arith.constant 1 : i32
      %dma_start3A_778 = arith.constant 0 : i32
      %dma_start3A_779 = arith.constant 0 : i32
      %dma_start3A_780 = tpu.memref_slice %arg16[%select_n3A_756, %dma_start3A_778, %dma_start3A_779] : memref<2x640x64xf32, #tpu.memory_space<vmem>> -> memref<1x640x64xf32, #tpu.memory_space<vmem>>
      %dma_start3A_781 = tpu.memref_squeeze %dma_start3A_780 : memref<1x640x64xf32, #tpu.memory_space<vmem>> -> memref<640x64xf32, #tpu.memory_space<vmem>>
      %dma_start3A_782 = arith.constant 128 : i32
      %dma_start3A_783 = arith.constant 0 : i32
      %dma_start3A_784 = tpu.memref_slice %dma_start3A_781[%dma_start3A_782, %dma_start3A_783] : memref<640x64xf32, #tpu.memory_space<vmem>> -> memref<128x64xf32, #tpu.memory_space<vmem>>
      %dma_start3A_785 = arith.constant 0 : i32
      %dma_start3A_786 = arith.constant 0 : i32
      %dma_start3A_787 = tpu.memref_slice %arg10[%select_n3A_740, %dma_start3A_785, %dma_start3A_786] : memref<3x5x128xi32, #tpu.memory_space<vmem>> -> memref<1x5x128xi32, #tpu.memory_space<vmem>>
      %dma_start3A_788 = tpu.memref_squeeze %dma_start3A_787 : memref<1x5x128xi32, #tpu.memory_space<vmem>> -> memref<5x128xi32, #tpu.memory_space<vmem>>
      %dma_start3A_789 = arith.constant 0 : i32
      %dma_start3A_790 = tpu.memref_slice %dma_start3A_788[%dma_start3A_777, %dma_start3A_789] : memref<5x128xi32, #tpu.memory_space<vmem>> -> memref<1x128xi32, #tpu.memory_space<vmem>>
      %dma_start3A_791 = tpu.memref_squeeze %dma_start3A_790 : memref<1x128xi32, #tpu.memory_space<vmem>> -> memref<128xi32, #tpu.memory_space<vmem>>
      %dma_start3A_792 = arith.constant 0 : i32
      %dma_start3A_793 = arith.constant 0 : i32
      %dma_start3A_794 = tpu.memref_slice %arg18[%dma_start3A_792, %dma_start3A_793] : memref<4096x64xf32, #tpu.memory_space<vmem_shared>> -> memref<4096x64xf32, #tpu.memory_space<vmem_shared>>
      %dma_start3A_795 = tpu.memref_slice %arg21[%select_n3A_756] : memref<2x!tpu.dma_semaphore, #tpu.memory_space<semaphore_mem>> -> memref<1x!tpu.dma_semaphore, #tpu.memory_space<semaphore_mem>>
      %dma_start3A_796 = tpu.memref_squeeze %dma_start3A_795 : memref<1x!tpu.dma_semaphore, #tpu.memory_space<semaphore_mem>> -> memref<!tpu.dma_semaphore, #tpu.memory_space<semaphore_mem>>
      tpu.enqueue_indirect_dma source(%dma_start3A_784 : memref<128x64xf32, #tpu.memory_space<vmem>>) target(%dma_start3A_794 : memref<4096x64xf32, #tpu.memory_space<vmem_shared>>) offsets(%dma_start3A_791 : memref<128xi32, #tpu.memory_space<vmem>>) semaphore(%dma_start3A_796 : memref<!tpu.dma_semaphore, #tpu.memory_space<semaphore_mem>>) {add = true}
      %dma_start3A_797 = arith.constant 2 : i32
      %dma_start3A_798 = arith.constant 0 : i32
      %dma_start3A_799 = arith.constant 0 : i32
      %dma_start3A_800 = tpu.memref_slice %arg16[%select_n3A_756, %dma_start3A_798, %dma_start3A_799] : memref<2x640x64xf32, #tpu.memory_space<vmem>> -> memref<1x640x64xf32, #tpu.memory_space<vmem>>
      %dma_start3A_801 = tpu.memref_squeeze %dma_start3A_800 : memref<1x640x64xf32, #tpu.memory_space<vmem>> -> memref<640x64xf32, #tpu.memory_space<vmem>>
      %dma_start3A_802 = arith.constant 256 : i32
      %dma_start3A_803 = arith.constant 0 : i32
      %dma_start3A_804 = tpu.memref_slice %dma_start3A_801[%dma_start3A_802, %dma_start3A_803] : memref<640x64xf32, #tpu.memory_space<vmem>> -> memref<128x64xf32, #tpu.memory_space<vmem>>
      %dma_start3A_805 = arith.constant 0 : i32
      %dma_start3A_806 = arith.constant 0 : i32
      %dma_start3A_807 = tpu.memref_slice %arg10[%select_n3A_740, %dma_start3A_805, %dma_start3A_806] : memref<3x5x128xi32, #tpu.memory_space<vmem>> -> memref<1x5x128xi32, #tpu.memory_space<vmem>>
      %dma_start3A_808 = tpu.memref_squeeze %dma_start3A_807 : memref<1x5x128xi32, #tpu.memory_space<vmem>> -> memref<5x128xi32, #tpu.memory_space<vmem>>
      %dma_start3A_809 = arith.constant 0 : i32
      %dma_start3A_810 = tpu.memref_slice %dma_start3A_808[%dma_start3A_797, %dma_start3A_809] : memref<5x128xi32, #tpu.memory_space<vmem>> -> memref<1x128xi32, #tpu.memory_space<vmem>>
      %dma_start3A_811 = tpu.memref_squeeze %dma_start3A_810 : memref<1x128xi32, #tpu.memory_space<vmem>> -> memref<128xi32, #tpu.memory_space<vmem>>
      %dma_start3A_812 = arith.constant 0 : i32
      %dma_start3A_813 = arith.constant 0 : i32
      %dma_start3A_814 = tpu.memref_slice %arg18[%dma_start3A_812, %dma_start3A_813] : memref<4096x64xf32, #tpu.memory_space<vmem_shared>> -> memref<4096x64xf32, #tpu.memory_space<vmem_shared>>
      %dma_start3A_815 = tpu.memref_slice %arg21[%select_n3A_756] : memref<2x!tpu.dma_semaphore, #tpu.memory_space<semaphore_mem>> -> memref<1x!tpu.dma_semaphore, #tpu.memory_space<semaphore_mem>>
      %dma_start3A_816 = tpu.memref_squeeze %dma_start3A_815 : memref<1x!tpu.dma_semaphore, #tpu.memory_space<semaphore_mem>> -> memref<!tpu.dma_semaphore, #tpu.memory_space<semaphore_mem>>
      tpu.enqueue_indirect_dma source(%dma_start3A_804 : memref<128x64xf32, #tpu.memory_space<vmem>>) target(%dma_start3A_814 : memref<4096x64xf32, #tpu.memory_space<vmem_shared>>) offsets(%dma_start3A_811 : memref<128xi32, #tpu.memory_space<vmem>>) semaphore(%dma_start3A_816 : memref<!tpu.dma_semaphore, #tpu.memory_space<semaphore_mem>>) {add = true}
      %dma_start3A_817 = arith.constant 3 : i32
      %dma_start3A_818 = arith.constant 0 : i32
      %dma_start3A_819 = arith.constant 0 : i32
      %dma_start3A_820 = tpu.memref_slice %arg16[%select_n3A_756, %dma_start3A_818, %dma_start3A_819] : memref<2x640x64xf32, #tpu.memory_space<vmem>> -> memref<1x640x64xf32, #tpu.memory_space<vmem>>
      %dma_start3A_821 = tpu.memref_squeeze %dma_start3A_820 : memref<1x640x64xf32, #tpu.memory_space<vmem>> -> memref<640x64xf32, #tpu.memory_space<vmem>>
      %dma_start3A_822 = arith.constant 384 : i32
      %dma_start3A_823 = arith.constant 0 : i32
      %dma_start3A_824 = tpu.memref_slice %dma_start3A_821[%dma_start3A_822, %dma_start3A_823] : memref<640x64xf32, #tpu.memory_space<vmem>> -> memref<128x64xf32, #tpu.memory_space<vmem>>
      %dma_start3A_825 = arith.constant 0 : i32
      %dma_start3A_826 = arith.constant 0 : i32
      %dma_start3A_827 = tpu.memref_slice %arg10[%select_n3A_740, %dma_start3A_825, %dma_start3A_826] : memref<3x5x128xi32, #tpu.memory_space<vmem>> -> memref<1x5x128xi32, #tpu.memory_space<vmem>>
      %dma_start3A_828 = tpu.memref_squeeze %dma_start3A_827 : memref<1x5x128xi32, #tpu.memory_space<vmem>> -> memref<5x128xi32, #tpu.memory_space<vmem>>
      %dma_start3A_829 = arith.constant 0 : i32
      %dma_start3A_830 = tpu.memref_slice %dma_start3A_828[%dma_start3A_817, %dma_start3A_829] : memref<5x128xi32, #tpu.memory_space<vmem>> -> memref<1x128xi32, #tpu.memory_space<vmem>>
      %dma_start3A_831 = tpu.memref_squeeze %dma_start3A_830 : memref<1x128xi32, #tpu.memory_space<vmem>> -> memref<128xi32, #tpu.memory_space<vmem>>
      %dma_start3A_832 = arith.constant 0 : i32
      %dma_start3A_833 = arith.constant 0 : i32
      %dma_start3A_834 = tpu.memref_slice %arg18[%dma_start3A_832, %dma_start3A_833] : memref<4096x64xf32, #tpu.memory_space<vmem_shared>> -> memref<4096x64xf32, #tpu.memory_space<vmem_shared>>
      %dma_start3A_835 = tpu.memref_slice %arg21[%select_n3A_756] : memref<2x!tpu.dma_semaphore, #tpu.memory_space<semaphore_mem>> -> memref<1x!tpu.dma_semaphore, #tpu.memory_space<semaphore_mem>>
      %dma_start3A_836 = tpu.memref_squeeze %dma_start3A_835 : memref<1x!tpu.dma_semaphore, #tpu.memory_space<semaphore_mem>> -> memref<!tpu.dma_semaphore, #tpu.memory_space<semaphore_mem>>
      tpu.enqueue_indirect_dma source(%dma_start3A_824 : memref<128x64xf32, #tpu.memory_space<vmem>>) target(%dma_start3A_834 : memref<4096x64xf32, #tpu.memory_space<vmem_shared>>) offsets(%dma_start3A_831 : memref<128xi32, #tpu.memory_space<vmem>>) semaphore(%dma_start3A_836 : memref<!tpu.dma_semaphore, #tpu.memory_space<semaphore_mem>>) {add = true}
      %dma_start3A_837 = arith.constant 4 : i32
      %dma_start3A_838 = arith.constant 0 : i32
      %dma_start3A_839 = arith.constant 0 : i32
      %dma_start3A_840 = tpu.memref_slice %arg16[%select_n3A_756, %dma_start3A_838, %dma_start3A_839] : memref<2x640x64xf32, #tpu.memory_space<vmem>> -> memref<1x640x64xf32, #tpu.memory_space<vmem>>
      %dma_start3A_841 = tpu.memref_squeeze %dma_start3A_840 : memref<1x640x64xf32, #tpu.memory_space<vmem>> -> memref<640x64xf32, #tpu.memory_space<vmem>>
      %dma_start3A_842 = arith.constant 512 : i32
      %dma_start3A_843 = arith.constant 0 : i32
      %dma_start3A_844 = tpu.memref_slice %dma_start3A_841[%dma_start3A_842, %dma_start3A_843] : memref<640x64xf32, #tpu.memory_space<vmem>> -> memref<128x64xf32, #tpu.memory_space<vmem>>
      %dma_start3A_845 = arith.constant 0 : i32
      %dma_start3A_846 = arith.constant 0 : i32
      %dma_start3A_847 = tpu.memref_slice %arg10[%select_n3A_740, %dma_start3A_845, %dma_start3A_846] : memref<3x5x128xi32, #tpu.memory_space<vmem>> -> memref<1x5x128xi32, #tpu.memory_space<vmem>>
      %dma_start3A_848 = tpu.memref_squeeze %dma_start3A_847 : memref<1x5x128xi32, #tpu.memory_space<vmem>> -> memref<5x128xi32, #tpu.memory_space<vmem>>
      %dma_start3A_849 = arith.constant 0 : i32
      %dma_start3A_850 = tpu.memref_slice %dma_start3A_848[%dma_start3A_837, %dma_start3A_849] : memref<5x128xi32, #tpu.memory_space<vmem>> -> memref<1x128xi32, #tpu.memory_space<vmem>>
      %dma_start3A_851 = tpu.memref_squeeze %dma_start3A_850 : memref<1x128xi32, #tpu.memory_space<vmem>> -> memref<128xi32, #tpu.memory_space<vmem>>
      %dma_start3A_852 = arith.constant 0 : i32
      %dma_start3A_853 = arith.constant 0 : i32
      %dma_start3A_854 = tpu.memref_slice %arg18[%dma_start3A_852, %dma_start3A_853] : memref<4096x64xf32, #tpu.memory_space<vmem_shared>> -> memref<4096x64xf32, #tpu.memory_space<vmem_shared>>
      %dma_start3A_855 = tpu.memref_slice %arg21[%select_n3A_756] : memref<2x!tpu.dma_semaphore, #tpu.memory_space<semaphore_mem>> -> memref<1x!tpu.dma_semaphore, #tpu.memory_space<semaphore_mem>>
      %dma_start3A_856 = tpu.memref_squeeze %dma_start3A_855 : memref<1x!tpu.dma_semaphore, #tpu.memory_space<semaphore_mem>> -> memref<!tpu.dma_semaphore, #tpu.memory_space<semaphore_mem>>
      tpu.enqueue_indirect_dma source(%dma_start3A_844 : memref<128x64xf32, #tpu.memory_space<vmem>>) target(%dma_start3A_854 : memref<4096x64xf32, #tpu.memory_space<vmem_shared>>) offsets(%dma_start3A_851 : memref<128xi32, #tpu.memory_space<vmem>>) semaphore(%dma_start3A_856 : memref<!tpu.dma_semaphore, #tpu.memory_space<semaphore_mem>>) {add = true}
      %add3A_857 = arith.constant 2 : i32
      %add3A_858 = arith.addi %scan3A_483, %add3A_857 : i32
      %lt3A_859 = arith.constant 40 : i32
      %lt3A_860 = arith.cmpi slt, %add3A_858, %lt3A_859 : i32
      %convert_element_type3A_861 = arith.extui %lt3A_860 : i1 to i32
      %cond3A_862 = arith.constant 0 : i32
      %cond3A_863 = arith.cmpi ne, %convert_element_type3A_861, %cond3A_862 : i32
      scf.if %cond3A_863 {
        %add3A_865 = arith.constant 2 : i32
        %add3A_866 = arith.addi %scan3A_483, %add3A_865 : i32
        %jit3A_867 = arith.constant 3 : i32
        %eq3A_868 = arith.constant 0 : i32
        %eq3A_869 = arith.cmpi eq, %jit3A_867, %eq3A_868 : i32
        %jit3A_870 = arith.constant 1 : i32
        %select_n3A_871 = arith.select %eq3A_869, %jit3A_870, %jit3A_867 : i32
        %rem3A_872 = arith.remsi %add3A_866, %select_n3A_871 : i32
        %ne3A_873 = arith.constant 0 : i32
        %ne3A_874 = arith.cmpi ne, %rem3A_872, %ne3A_873 : i32
        %lt3A_875 = arith.constant 0 : i32
        %lt3A_876 = arith.cmpi slt, %rem3A_872, %lt3A_875 : i32
        %lt3A_877 = arith.constant 0 : i32
        %lt3A_878 = arith.cmpi slt, %select_n3A_871, %lt3A_877 : i32
        %ne3A_879 = arith.xori %lt3A_876, %lt3A_878 : i1
        %and3A_880 = arith.andi %ne3A_879, %ne3A_874 : i1
        %add3A_881 = arith.addi %rem3A_872, %select_n3A_871 : i32
        %select_n3A_882 = arith.select %and3A_880, %add3A_881, %rem3A_872 : i32
        %mul3A_883 = arith.constant 5 : i32
        %mul3A_884 = arith.muli %add3A_866, %mul3A_883 : i32
        %add3A_885 = arith.addi %mul3A_2, %mul3A_884 : i32
        %dma_start3A_886 = arith.constant 0 : i32
        %dma_start3A_887 = arith.constant 0 : i32
        %dma_start3A_888 = tpu.memref_slice %arg9[%select_n3A_882, %dma_start3A_886, %dma_start3A_887] : memref<3x5x128xi32, #tpu.memory_space<vmem>> -> memref<1x5x128xi32, #tpu.memory_space<vmem>>
        %dma_start3A_889 = tpu.memref_squeeze %dma_start3A_888 : memref<1x5x128xi32, #tpu.memory_space<vmem>> -> memref<5x128xi32, #tpu.memory_space<vmem>>
        %dma_start3A_890 = arith.constant 0 : i32
        %dma_start3A_891 = tpu.memref_slice %arg2[%add3A_885, %dma_start3A_890] : memref<6400x128xi32, #tpu.memory_space<hbm>> -> memref<5x128xi32, #tpu.memory_space<hbm>>
        %dma_start3A_892 = arith.constant 0 : i32
        %dma_start3A_893 = arith.constant 0 : i32
        %dma_start3A_894 = tpu.memref_slice %arg9[%select_n3A_882, %dma_start3A_892, %dma_start3A_893] : memref<3x5x128xi32, #tpu.memory_space<vmem>> -> memref<1x5x128xi32, #tpu.memory_space<vmem>>
        %dma_start3A_895 = tpu.memref_squeeze %dma_start3A_894 : memref<1x5x128xi32, #tpu.memory_space<vmem>> -> memref<5x128xi32, #tpu.memory_space<vmem>>
        %dma_start3A_896 = arith.constant 0 : i32
        %dma_start3A_897 = tpu.memref_slice %arg2[%add3A_885, %dma_start3A_896] : memref<6400x128xi32, #tpu.memory_space<hbm>> -> memref<5x128xi32, #tpu.memory_space<hbm>>
        tpu.enqueue_dma source(%dma_start3A_897 : memref<5x128xi32, #tpu.memory_space<hbm>>) target(%dma_start3A_895 : memref<5x128xi32, #tpu.memory_space<vmem>>) target_semaphore(%arg19 : memref<!tpu.dma_semaphore, #tpu.memory_space<semaphore_mem>>)
        %dma_start3A_898 = arith.constant 0 : i32
        %dma_start3A_899 = arith.constant 0 : i32
        %dma_start3A_900 = tpu.memref_slice %arg10[%select_n3A_882, %dma_start3A_898, %dma_start3A_899] : memref<3x5x128xi32, #tpu.memory_space<vmem>> -> memref<1x5x128xi32, #tpu.memory_space<vmem>>
        %dma_start3A_901 = tpu.memref_squeeze %dma_start3A_900 : memref<1x5x128xi32, #tpu.memory_space<vmem>> -> memref<5x128xi32, #tpu.memory_space<vmem>>
        %dma_start3A_902 = arith.constant 0 : i32
        %dma_start3A_903 = tpu.memref_slice %arg3[%add3A_885, %dma_start3A_902] : memref<6400x128xi32, #tpu.memory_space<hbm>> -> memref<5x128xi32, #tpu.memory_space<hbm>>
        %dma_start3A_904 = arith.constant 0 : i32
        %dma_start3A_905 = arith.constant 0 : i32
        %dma_start3A_906 = tpu.memref_slice %arg10[%select_n3A_882, %dma_start3A_904, %dma_start3A_905] : memref<3x5x128xi32, #tpu.memory_space<vmem>> -> memref<1x5x128xi32, #tpu.memory_space<vmem>>
        %dma_start3A_907 = tpu.memref_squeeze %dma_start3A_906 : memref<1x5x128xi32, #tpu.memory_space<vmem>> -> memref<5x128xi32, #tpu.memory_space<vmem>>
        %dma_start3A_908 = arith.constant 0 : i32
        %dma_start3A_909 = tpu.memref_slice %arg3[%add3A_885, %dma_start3A_908] : memref<6400x128xi32, #tpu.memory_space<hbm>> -> memref<5x128xi32, #tpu.memory_space<hbm>>
        tpu.enqueue_dma source(%dma_start3A_909 : memref<5x128xi32, #tpu.memory_space<hbm>>) target(%dma_start3A_907 : memref<5x128xi32, #tpu.memory_space<vmem>>) target_semaphore(%arg19 : memref<!tpu.dma_semaphore, #tpu.memory_space<semaphore_mem>>)
        %dma_start3A_910 = arith.constant 0 : i32
        %dma_start3A_911 = arith.constant 0 : i32
        %dma_start3A_912 = tpu.memref_slice %arg11[%select_n3A_882, %dma_start3A_910, %dma_start3A_911] : memref<3x5x128xf32, #tpu.memory_space<vmem>> -> memref<1x5x128xf32, #tpu.memory_space<vmem>>
        %dma_start3A_913 = tpu.memref_squeeze %dma_start3A_912 : memref<1x5x128xf32, #tpu.memory_space<vmem>> -> memref<5x128xf32, #tpu.memory_space<vmem>>
        %dma_start3A_914 = arith.constant 0 : i32
        %dma_start3A_915 = tpu.memref_slice %arg4[%add3A_885, %dma_start3A_914] : memref<6400x128xf32, #tpu.memory_space<hbm>> -> memref<5x128xf32, #tpu.memory_space<hbm>>
        %dma_start3A_916 = arith.constant 0 : i32
        %dma_start3A_917 = arith.constant 0 : i32
        %dma_start3A_918 = tpu.memref_slice %arg11[%select_n3A_882, %dma_start3A_916, %dma_start3A_917] : memref<3x5x128xf32, #tpu.memory_space<vmem>> -> memref<1x5x128xf32, #tpu.memory_space<vmem>>
        %dma_start3A_919 = tpu.memref_squeeze %dma_start3A_918 : memref<1x5x128xf32, #tpu.memory_space<vmem>> -> memref<5x128xf32, #tpu.memory_space<vmem>>
        %dma_start3A_920 = arith.constant 0 : i32
        %dma_start3A_921 = tpu.memref_slice %arg4[%add3A_885, %dma_start3A_920] : memref<6400x128xf32, #tpu.memory_space<hbm>> -> memref<5x128xf32, #tpu.memory_space<hbm>>
        tpu.enqueue_dma source(%dma_start3A_921 : memref<5x128xf32, #tpu.memory_space<hbm>>) target(%dma_start3A_919 : memref<5x128xf32, #tpu.memory_space<vmem>>) target_semaphore(%arg19 : memref<!tpu.dma_semaphore, #tpu.memory_space<semaphore_mem>>)
        %dma_start3A_922 = arith.constant 0 : i32
        %dma_start3A_923 = arith.constant 0 : i32
        %dma_start3A_924 = tpu.memref_slice %arg12[%select_n3A_882, %dma_start3A_922, %dma_start3A_923] : memref<3x5x128xf32, #tpu.memory_space<vmem>> -> memref<1x5x128xf32, #tpu.memory_space<vmem>>
        %dma_start3A_925 = tpu.memref_squeeze %dma_start3A_924 : memref<1x5x128xf32, #tpu.memory_space<vmem>> -> memref<5x128xf32, #tpu.memory_space<vmem>>
        %dma_start3A_926 = arith.constant 0 : i32
        %dma_start3A_927 = tpu.memref_slice %arg5[%add3A_885, %dma_start3A_926] : memref<6400x128xf32, #tpu.memory_space<hbm>> -> memref<5x128xf32, #tpu.memory_space<hbm>>
        %dma_start3A_928 = arith.constant 0 : i32
        %dma_start3A_929 = arith.constant 0 : i32
        %dma_start3A_930 = tpu.memref_slice %arg12[%select_n3A_882, %dma_start3A_928, %dma_start3A_929] : memref<3x5x128xf32, #tpu.memory_space<vmem>> -> memref<1x5x128xf32, #tpu.memory_space<vmem>>
        %dma_start3A_931 = tpu.memref_squeeze %dma_start3A_930 : memref<1x5x128xf32, #tpu.memory_space<vmem>> -> memref<5x128xf32, #tpu.memory_space<vmem>>
        %dma_start3A_932 = arith.constant 0 : i32
        %dma_start3A_933 = tpu.memref_slice %arg5[%add3A_885, %dma_start3A_932] : memref<6400x128xf32, #tpu.memory_space<hbm>> -> memref<5x128xf32, #tpu.memory_space<hbm>>
        tpu.enqueue_dma source(%dma_start3A_933 : memref<5x128xf32, #tpu.memory_space<hbm>>) target(%dma_start3A_931 : memref<5x128xf32, #tpu.memory_space<vmem>>) target_semaphore(%arg19 : memref<!tpu.dma_semaphore, #tpu.memory_space<semaphore_mem>>)
      } else {
      }
      %scan3A_864 = arith.constant 0 : i32
      scf.yield %scan3A_864 : i32
    }
    %scan3A_359 = arith.constant 40 : i32
    %dma_wait3A_360 = arith.constant 1 : i32
    %dma_wait3A_361 = arith.constant 0 : i32
    %dma_wait3A_362 = arith.constant 0 : i32
    %dma_wait3A_363 = arith.constant 1 : i32
    %dma_wait3A_364 = arith.constant 0 : i32
    %dma_wait3A_365 = arith.constant 0 : i32
    %dma_wait3A_366 = tpu.memref_slice %arg16[%dma_wait3A_360, %dma_wait3A_364, %dma_wait3A_365] : memref<2x640x64xf32, #tpu.memory_space<vmem>> -> memref<1x640x64xf32, #tpu.memory_space<vmem>>
    %dma_wait3A_367 = tpu.memref_squeeze %dma_wait3A_366 : memref<1x640x64xf32, #tpu.memory_space<vmem>> -> memref<640x64xf32, #tpu.memory_space<vmem>>
    %dma_wait3A_368 = arith.constant 0 : i32
    %dma_wait3A_369 = arith.constant 0 : i32
    %dma_wait3A_370 = tpu.memref_slice %dma_wait3A_367[%dma_wait3A_368, %dma_wait3A_369] : memref<640x64xf32, #tpu.memory_space<vmem>> -> memref<128x64xf32, #tpu.memory_space<vmem>>
    %dma_wait3A_371 = arith.constant 0 : i32
    %dma_wait3A_372 = arith.constant 0 : i32
    %dma_wait3A_373 = tpu.memref_slice %arg10[%dma_wait3A_361, %dma_wait3A_371, %dma_wait3A_372] : memref<3x5x128xi32, #tpu.memory_space<vmem>> -> memref<1x5x128xi32, #tpu.memory_space<vmem>>
    %dma_wait3A_374 = tpu.memref_squeeze %dma_wait3A_373 : memref<1x5x128xi32, #tpu.memory_space<vmem>> -> memref<5x128xi32, #tpu.memory_space<vmem>>
    %dma_wait3A_375 = arith.constant 0 : i32
    %dma_wait3A_376 = tpu.memref_slice %dma_wait3A_374[%dma_wait3A_362, %dma_wait3A_375] : memref<5x128xi32, #tpu.memory_space<vmem>> -> memref<1x128xi32, #tpu.memory_space<vmem>>
    %dma_wait3A_377 = tpu.memref_squeeze %dma_wait3A_376 : memref<1x128xi32, #tpu.memory_space<vmem>> -> memref<128xi32, #tpu.memory_space<vmem>>
    %dma_wait3A_378 = arith.constant 0 : i32
    %dma_wait3A_379 = arith.constant 0 : i32
    %dma_wait3A_380 = tpu.memref_slice %arg18[%dma_wait3A_378, %dma_wait3A_379] : memref<4096x64xf32, #tpu.memory_space<vmem_shared>> -> memref<4096x64xf32, #tpu.memory_space<vmem_shared>>
    %dma_wait3A_381 = tpu.memref_slice %arg21[%dma_wait3A_363] : memref<2x!tpu.dma_semaphore, #tpu.memory_space<semaphore_mem>> -> memref<1x!tpu.dma_semaphore, #tpu.memory_space<semaphore_mem>>
    %dma_wait3A_382 = tpu.memref_squeeze %dma_wait3A_381 : memref<1x!tpu.dma_semaphore, #tpu.memory_space<semaphore_mem>> -> memref<!tpu.dma_semaphore, #tpu.memory_space<semaphore_mem>>
    tpu.wait_indirect_dma semaphore(%dma_wait3A_382 : memref<!tpu.dma_semaphore, #tpu.memory_space<semaphore_mem>>) src(%dma_wait3A_370 : memref<128x64xf32, #tpu.memory_space<vmem>>) dst(%dma_wait3A_380 : memref<4096x64xf32, #tpu.memory_space<vmem_shared>>)
    %dma_wait3A_383 = arith.constant 1 : i32
    %dma_wait3A_384 = arith.constant 0 : i32
    %dma_wait3A_385 = arith.constant 1 : i32
    %dma_wait3A_386 = arith.constant 1 : i32
    %dma_wait3A_387 = arith.constant 0 : i32
    %dma_wait3A_388 = arith.constant 0 : i32
    %dma_wait3A_389 = tpu.memref_slice %arg16[%dma_wait3A_383, %dma_wait3A_387, %dma_wait3A_388] : memref<2x640x64xf32, #tpu.memory_space<vmem>> -> memref<1x640x64xf32, #tpu.memory_space<vmem>>
    %dma_wait3A_390 = tpu.memref_squeeze %dma_wait3A_389 : memref<1x640x64xf32, #tpu.memory_space<vmem>> -> memref<640x64xf32, #tpu.memory_space<vmem>>
    %dma_wait3A_391 = arith.constant 128 : i32
    %dma_wait3A_392 = arith.constant 0 : i32
    %dma_wait3A_393 = tpu.memref_slice %dma_wait3A_390[%dma_wait3A_391, %dma_wait3A_392] : memref<640x64xf32, #tpu.memory_space<vmem>> -> memref<128x64xf32, #tpu.memory_space<vmem>>
    %dma_wait3A_394 = arith.constant 0 : i32
    %dma_wait3A_395 = arith.constant 0 : i32
    %dma_wait3A_396 = tpu.memref_slice %arg10[%dma_wait3A_384, %dma_wait3A_394, %dma_wait3A_395] : memref<3x5x128xi32, #tpu.memory_space<vmem>> -> memref<1x5x128xi32, #tpu.memory_space<vmem>>
    %dma_wait3A_397 = tpu.memref_squeeze %dma_wait3A_396 : memref<1x5x128xi32, #tpu.memory_space<vmem>> -> memref<5x128xi32, #tpu.memory_space<vmem>>
    %dma_wait3A_398 = arith.constant 0 : i32
    %dma_wait3A_399 = tpu.memref_slice %dma_wait3A_397[%dma_wait3A_385, %dma_wait3A_398] : memref<5x128xi32, #tpu.memory_space<vmem>> -> memref<1x128xi32, #tpu.memory_space<vmem>>
    %dma_wait3A_400 = tpu.memref_squeeze %dma_wait3A_399 : memref<1x128xi32, #tpu.memory_space<vmem>> -> memref<128xi32, #tpu.memory_space<vmem>>
    %dma_wait3A_401 = arith.constant 0 : i32
    %dma_wait3A_402 = arith.constant 0 : i32
    %dma_wait3A_403 = tpu.memref_slice %arg18[%dma_wait3A_401, %dma_wait3A_402] : memref<4096x64xf32, #tpu.memory_space<vmem_shared>> -> memref<4096x64xf32, #tpu.memory_space<vmem_shared>>
    %dma_wait3A_404 = tpu.memref_slice %arg21[%dma_wait3A_386] : memref<2x!tpu.dma_semaphore, #tpu.memory_space<semaphore_mem>> -> memref<1x!tpu.dma_semaphore, #tpu.memory_space<semaphore_mem>>
    %dma_wait3A_405 = tpu.memref_squeeze %dma_wait3A_404 : memref<1x!tpu.dma_semaphore, #tpu.memory_space<semaphore_mem>> -> memref<!tpu.dma_semaphore, #tpu.memory_space<semaphore_mem>>
    tpu.wait_indirect_dma semaphore(%dma_wait3A_405 : memref<!tpu.dma_semaphore, #tpu.memory_space<semaphore_mem>>) src(%dma_wait3A_393 : memref<128x64xf32, #tpu.memory_space<vmem>>) dst(%dma_wait3A_403 : memref<4096x64xf32, #tpu.memory_space<vmem_shared>>)
    %dma_wait3A_406 = arith.constant 1 : i32
    %dma_wait3A_407 = arith.constant 0 : i32
    %dma_wait3A_408 = arith.constant 2 : i32
    %dma_wait3A_409 = arith.constant 1 : i32
    %dma_wait3A_410 = arith.constant 0 : i32
    %dma_wait3A_411 = arith.constant 0 : i32
    %dma_wait3A_412 = tpu.memref_slice %arg16[%dma_wait3A_406, %dma_wait3A_410, %dma_wait3A_411] : memref<2x640x64xf32, #tpu.memory_space<vmem>> -> memref<1x640x64xf32, #tpu.memory_space<vmem>>
    %dma_wait3A_413 = tpu.memref_squeeze %dma_wait3A_412 : memref<1x640x64xf32, #tpu.memory_space<vmem>> -> memref<640x64xf32, #tpu.memory_space<vmem>>
    %dma_wait3A_414 = arith.constant 256 : i32
    %dma_wait3A_415 = arith.constant 0 : i32
    %dma_wait3A_416 = tpu.memref_slice %dma_wait3A_413[%dma_wait3A_414, %dma_wait3A_415] : memref<640x64xf32, #tpu.memory_space<vmem>> -> memref<128x64xf32, #tpu.memory_space<vmem>>
    %dma_wait3A_417 = arith.constant 0 : i32
    %dma_wait3A_418 = arith.constant 0 : i32
    %dma_wait3A_419 = tpu.memref_slice %arg10[%dma_wait3A_407, %dma_wait3A_417, %dma_wait3A_418] : memref<3x5x128xi32, #tpu.memory_space<vmem>> -> memref<1x5x128xi32, #tpu.memory_space<vmem>>
    %dma_wait3A_420 = tpu.memref_squeeze %dma_wait3A_419 : memref<1x5x128xi32, #tpu.memory_space<vmem>> -> memref<5x128xi32, #tpu.memory_space<vmem>>
    %dma_wait3A_421 = arith.constant 0 : i32
    %dma_wait3A_422 = tpu.memref_slice %dma_wait3A_420[%dma_wait3A_408, %dma_wait3A_421] : memref<5x128xi32, #tpu.memory_space<vmem>> -> memref<1x128xi32, #tpu.memory_space<vmem>>
    %dma_wait3A_423 = tpu.memref_squeeze %dma_wait3A_422 : memref<1x128xi32, #tpu.memory_space<vmem>> -> memref<128xi32, #tpu.memory_space<vmem>>
    %dma_wait3A_424 = arith.constant 0 : i32
    %dma_wait3A_425 = arith.constant 0 : i32
    %dma_wait3A_426 = tpu.memref_slice %arg18[%dma_wait3A_424, %dma_wait3A_425] : memref<4096x64xf32, #tpu.memory_space<vmem_shared>> -> memref<4096x64xf32, #tpu.memory_space<vmem_shared>>
    %dma_wait3A_427 = tpu.memref_slice %arg21[%dma_wait3A_409] : memref<2x!tpu.dma_semaphore, #tpu.memory_space<semaphore_mem>> -> memref<1x!tpu.dma_semaphore, #tpu.memory_space<semaphore_mem>>
    %dma_wait3A_428 = tpu.memref_squeeze %dma_wait3A_427 : memref<1x!tpu.dma_semaphore, #tpu.memory_space<semaphore_mem>> -> memref<!tpu.dma_semaphore, #tpu.memory_space<semaphore_mem>>
    tpu.wait_indirect_dma semaphore(%dma_wait3A_428 : memref<!tpu.dma_semaphore, #tpu.memory_space<semaphore_mem>>) src(%dma_wait3A_416 : memref<128x64xf32, #tpu.memory_space<vmem>>) dst(%dma_wait3A_426 : memref<4096x64xf32, #tpu.memory_space<vmem_shared>>)
    %dma_wait3A_429 = arith.constant 1 : i32
    %dma_wait3A_430 = arith.constant 0 : i32
    %dma_wait3A_431 = arith.constant 3 : i32
    %dma_wait3A_432 = arith.constant 1 : i32
    %dma_wait3A_433 = arith.constant 0 : i32
    %dma_wait3A_434 = arith.constant 0 : i32
    %dma_wait3A_435 = tpu.memref_slice %arg16[%dma_wait3A_429, %dma_wait3A_433, %dma_wait3A_434] : memref<2x640x64xf32, #tpu.memory_space<vmem>> -> memref<1x640x64xf32, #tpu.memory_space<vmem>>
    %dma_wait3A_436 = tpu.memref_squeeze %dma_wait3A_435 : memref<1x640x64xf32, #tpu.memory_space<vmem>> -> memref<640x64xf32, #tpu.memory_space<vmem>>
    %dma_wait3A_437 = arith.constant 384 : i32
    %dma_wait3A_438 = arith.constant 0 : i32
    %dma_wait3A_439 = tpu.memref_slice %dma_wait3A_436[%dma_wait3A_437, %dma_wait3A_438] : memref<640x64xf32, #tpu.memory_space<vmem>> -> memref<128x64xf32, #tpu.memory_space<vmem>>
    %dma_wait3A_440 = arith.constant 0 : i32
    %dma_wait3A_441 = arith.constant 0 : i32
    %dma_wait3A_442 = tpu.memref_slice %arg10[%dma_wait3A_430, %dma_wait3A_440, %dma_wait3A_441] : memref<3x5x128xi32, #tpu.memory_space<vmem>> -> memref<1x5x128xi32, #tpu.memory_space<vmem>>
    %dma_wait3A_443 = tpu.memref_squeeze %dma_wait3A_442 : memref<1x5x128xi32, #tpu.memory_space<vmem>> -> memref<5x128xi32, #tpu.memory_space<vmem>>
    %dma_wait3A_444 = arith.constant 0 : i32
    %dma_wait3A_445 = tpu.memref_slice %dma_wait3A_443[%dma_wait3A_431, %dma_wait3A_444] : memref<5x128xi32, #tpu.memory_space<vmem>> -> memref<1x128xi32, #tpu.memory_space<vmem>>
    %dma_wait3A_446 = tpu.memref_squeeze %dma_wait3A_445 : memref<1x128xi32, #tpu.memory_space<vmem>> -> memref<128xi32, #tpu.memory_space<vmem>>
    %dma_wait3A_447 = arith.constant 0 : i32
    %dma_wait3A_448 = arith.constant 0 : i32
    %dma_wait3A_449 = tpu.memref_slice %arg18[%dma_wait3A_447, %dma_wait3A_448] : memref<4096x64xf32, #tpu.memory_space<vmem_shared>> -> memref<4096x64xf32, #tpu.memory_space<vmem_shared>>
    %dma_wait3A_450 = tpu.memref_slice %arg21[%dma_wait3A_432] : memref<2x!tpu.dma_semaphore, #tpu.memory_space<semaphore_mem>> -> memref<1x!tpu.dma_semaphore, #tpu.memory_space<semaphore_mem>>
    %dma_wait3A_451 = tpu.memref_squeeze %dma_wait3A_450 : memref<1x!tpu.dma_semaphore, #tpu.memory_space<semaphore_mem>> -> memref<!tpu.dma_semaphore, #tpu.memory_space<semaphore_mem>>
    tpu.wait_indirect_dma semaphore(%dma_wait3A_451 : memref<!tpu.dma_semaphore, #tpu.memory_space<semaphore_mem>>) src(%dma_wait3A_439 : memref<128x64xf32, #tpu.memory_space<vmem>>) dst(%dma_wait3A_449 : memref<4096x64xf32, #tpu.memory_space<vmem_shared>>)
    %dma_wait3A_452 = arith.constant 1 : i32
    %dma_wait3A_453 = arith.constant 0 : i32
    %dma_wait3A_454 = arith.constant 4 : i32
    %dma_wait3A_455 = arith.constant 1 : i32
    %dma_wait3A_456 = arith.constant 0 : i32
    %dma_wait3A_457 = arith.constant 0 : i32
    %dma_wait3A_458 = tpu.memref_slice %arg16[%dma_wait3A_452, %dma_wait3A_456, %dma_wait3A_457] : memref<2x640x64xf32, #tpu.memory_space<vmem>> -> memref<1x640x64xf32, #tpu.memory_space<vmem>>
    %dma_wait3A_459 = tpu.memref_squeeze %dma_wait3A_458 : memref<1x640x64xf32, #tpu.memory_space<vmem>> -> memref<640x64xf32, #tpu.memory_space<vmem>>
    %dma_wait3A_460 = arith.constant 512 : i32
    %dma_wait3A_461 = arith.constant 0 : i32
    %dma_wait3A_462 = tpu.memref_slice %dma_wait3A_459[%dma_wait3A_460, %dma_wait3A_461] : memref<640x64xf32, #tpu.memory_space<vmem>> -> memref<128x64xf32, #tpu.memory_space<vmem>>
    %dma_wait3A_463 = arith.constant 0 : i32
    %dma_wait3A_464 = arith.constant 0 : i32
    %dma_wait3A_465 = tpu.memref_slice %arg10[%dma_wait3A_453, %dma_wait3A_463, %dma_wait3A_464] : memref<3x5x128xi32, #tpu.memory_space<vmem>> -> memref<1x5x128xi32, #tpu.memory_space<vmem>>
    %dma_wait3A_466 = tpu.memref_squeeze %dma_wait3A_465 : memref<1x5x128xi32, #tpu.memory_space<vmem>> -> memref<5x128xi32, #tpu.memory_space<vmem>>
    %dma_wait3A_467 = arith.constant 0 : i32
    %dma_wait3A_468 = tpu.memref_slice %dma_wait3A_466[%dma_wait3A_454, %dma_wait3A_467] : memref<5x128xi32, #tpu.memory_space<vmem>> -> memref<1x128xi32, #tpu.memory_space<vmem>>
    %dma_wait3A_469 = tpu.memref_squeeze %dma_wait3A_468 : memref<1x128xi32, #tpu.memory_space<vmem>> -> memref<128xi32, #tpu.memory_space<vmem>>
    %dma_wait3A_470 = arith.constant 0 : i32
    %dma_wait3A_471 = arith.constant 0 : i32
    %dma_wait3A_472 = tpu.memref_slice %arg18[%dma_wait3A_470, %dma_wait3A_471] : memref<4096x64xf32, #tpu.memory_space<vmem_shared>> -> memref<4096x64xf32, #tpu.memory_space<vmem_shared>>
    %dma_wait3A_473 = tpu.memref_slice %arg21[%dma_wait3A_455] : memref<2x!tpu.dma_semaphore, #tpu.memory_space<semaphore_mem>> -> memref<1x!tpu.dma_semaphore, #tpu.memory_space<semaphore_mem>>
    %dma_wait3A_474 = tpu.memref_squeeze %dma_wait3A_473 : memref<1x!tpu.dma_semaphore, #tpu.memory_space<semaphore_mem>> -> memref<!tpu.dma_semaphore, #tpu.memory_space<semaphore_mem>>
    tpu.wait_indirect_dma semaphore(%dma_wait3A_474 : memref<!tpu.dma_semaphore, #tpu.memory_space<semaphore_mem>>) src(%dma_wait3A_462 : memref<128x64xf32, #tpu.memory_space<vmem>>) dst(%dma_wait3A_472 : memref<4096x64xf32, #tpu.memory_space<vmem_shared>>)
    %barrier3A_475 = arith.constant 0 : index
    tpu.barrier barrier_id(%barrier3A_475)
    %mul3A_476 = arith.constant 256 : i32
    %mul3A_477 = arith.muli %arg1, %mul3A_476 : i32
    "tpu.region"() ({
      %run_scoped3A = tpu.sem_alloc : memref<!tpu.dma_semaphore, #tpu.memory_space<semaphore_mem>>
      %dma_start3A_483 = arith.constant 0 : i32
      %dma_start3A_484 = tpu.memref_slice %arg18[%mul3A_477, %dma_start3A_483] : memref<4096x64xf32, #tpu.memory_space<vmem_shared>> -> memref<256x64xf32, #tpu.memory_space<vmem_shared>>
      %dma_start3A_485 = arith.constant 0 : i32
      %dma_start3A_486 = tpu.memref_slice %arg18[%mul3A_477, %dma_start3A_485] : memref<4096x64xf32, #tpu.memory_space<vmem_shared>> -> memref<256x64xf32, #tpu.memory_space<vmem_shared>>
      tpu.enqueue_dma source(%dma_start3A_486 : memref<256x64xf32, #tpu.memory_space<vmem_shared>>) target(%arg17 : memref<256x64xf32, #tpu.memory_space<vmem>>) target_semaphore(%run_scoped3A : memref<!tpu.dma_semaphore, #tpu.memory_space<semaphore_mem>>)
      %dma_wait3A_487 = arith.constant 0 : i32
      %dma_wait3A_488 = tpu.memref_slice %arg18[%mul3A_477, %dma_wait3A_487] : memref<4096x64xf32, #tpu.memory_space<vmem_shared>> -> memref<256x64xf32, #tpu.memory_space<vmem_shared>>
      %dma_wait3A_489 = arith.constant 0 : i32
      %dma_wait3A_490 = tpu.memref_slice %arg18[%mul3A_477, %dma_wait3A_489] : memref<4096x64xf32, #tpu.memory_space<vmem_shared>> -> memref<256x64xf32, #tpu.memory_space<vmem_shared>>
      tpu.wait_dma2 semaphore(%run_scoped3A : memref<!tpu.dma_semaphore, #tpu.memory_space<semaphore_mem>>) src(%dma_wait3A_490 : memref<256x64xf32, #tpu.memory_space<vmem_shared>>) dst(%arg17 : memref<256x64xf32, #tpu.memory_space<vmem>>)
      tpu.yield
    }) : () -> ()
    %mul3A_478 = arith.constant 4096 : i32
    %mul3A_479 = arith.muli %arg0, %mul3A_478 : i32
    %mul3A_480 = arith.constant 256 : i32
    %mul3A_481 = arith.muli %arg1, %mul3A_480 : i32
    %add3A_482 = arith.addi %mul3A_479, %mul3A_481 : i32
    "tpu.region"() ({
      %run_scoped3A = tpu.sem_alloc : memref<!tpu.dma_semaphore, #tpu.memory_space<semaphore_mem>>
      %dma_start3A_483 = arith.constant 0 : i32
      %dma_start3A_484 = tpu.memref_slice %arg8[%add3A_482, %dma_start3A_483] : memref<8192x64xf32, #tpu.memory_space<hbm>> -> memref<256x64xf32, #tpu.memory_space<hbm>>
      %dma_start3A_485 = arith.constant 0 : i32
      %dma_start3A_486 = tpu.memref_slice %arg8[%add3A_482, %dma_start3A_485] : memref<8192x64xf32, #tpu.memory_space<hbm>> -> memref<256x64xf32, #tpu.memory_space<hbm>>
      tpu.enqueue_dma source(%arg17 : memref<256x64xf32, #tpu.memory_space<vmem>>) target(%dma_start3A_486 : memref<256x64xf32, #tpu.memory_space<hbm>>) target_semaphore(%run_scoped3A : memref<!tpu.dma_semaphore, #tpu.memory_space<semaphore_mem>>)
      %dma_wait3A_487 = arith.constant 0 : i32
      %dma_wait3A_488 = tpu.memref_slice %arg8[%add3A_482, %dma_wait3A_487] : memref<8192x64xf32, #tpu.memory_space<hbm>> -> memref<256x64xf32, #tpu.memory_space<hbm>>
      %dma_wait3A_489 = arith.constant 0 : i32
      %dma_wait3A_490 = tpu.memref_slice %arg8[%add3A_482, %dma_wait3A_489] : memref<8192x64xf32, #tpu.memory_space<hbm>> -> memref<256x64xf32, #tpu.memory_space<hbm>>
      tpu.wait_dma2 semaphore(%run_scoped3A : memref<!tpu.dma_semaphore, #tpu.memory_space<semaphore_mem>>) src(%arg17 : memref<256x64xf32, #tpu.memory_space<vmem>>) dst(%dma_wait3A_490 : memref<256x64xf32, #tpu.memory_space<hbm>>)
      tpu.yield
    }) : () -> ()
    return
  }
}

module attributes {stable_mosaic.version = 14 : i64} {
  func.func @_tr_body(%arg0: i32, %arg1: memref<64x8192xf32, #tpu.memory_space<vmem>>, %arg2: memref<4096x128xf32, #tpu.memory_space<vmem>>) attributes {dimension_semantics = [#tpu.dimension_semantics<arbitrary>], iteration_bounds = array<i64: 123>, scalar_prefetch = 0 : i64, scratch_operands = 0 : i64, tpu.core_type = #tpu.core_type<tc>, window_params = [{transform_indices = @transform_0, window_bounds = array<i64: 64, 8192>}, {transform_indices = @transform_1, window_bounds = array<i64: 4096, 128>}]} {
    %get3A = arith.constant 0 : index
    %get3A_0 = arith.constant 0 : index
    %get3A_1 = vector.load %arg1[%get3A, %get3A_0] : memref<64x8192xf32, #tpu.memory_space<vmem>>, vector<64x8192xf32>
    %slice3A = vector.extract_strided_slice %get3A_1 {offsets = [0, 0], sizes = [64, 4096], strides = [1, 1]} : vector<64x8192xf32> to vector<64x4096xf32>
    %transpose3A = tpu.transpose %slice3A, [1, 0] : vector<64x4096xf32> -> vector<4096x64xf32>
    %swap3A = arith.constant 0 : index
    %swap3A_2 = arith.constant 0 : index
    %swap3A_3 = vector.load %arg2[%swap3A, %swap3A_2] : memref<4096x128xf32, #tpu.memory_space<vmem>>, vector<4096x64xf32>
    tpu.vector_store %arg2[%swap3A, %swap3A_2], %transpose3A {strides = array<i32>} : memref<4096x128xf32, #tpu.memory_space<vmem>>, vector<4096x64xf32>,
    %slice3A_4 = vector.extract_strided_slice %get3A_1 {offsets = [0, 4096], sizes = [64, 4096], strides = [1, 1]} : vector<64x8192xf32> to vector<64x4096xf32>
    %transpose3A_5 = tpu.transpose %slice3A_4, [1, 0] : vector<64x4096xf32> -> vector<4096x64xf32>
    %swap3A_6 = arith.constant 0 : index
    %swap3A_7 = arith.constant 64 : index
    %swap3A_8 = vector.load %arg2[%swap3A_6, %swap3A_7] : memref<4096x128xf32, #tpu.memory_space<vmem>>, vector<4096x64xf32>
    tpu.vector_store %arg2[%swap3A_6, %swap3A_7], %transpose3A_5 {strides = array<i32>} : memref<4096x128xf32, #tpu.memory_space<vmem>>, vector<4096x64xf32>,
    return
  }
  func.func @transform_0(%arg0: i32) -> (i32, i32) {
    %c0_i32 = arith.constant 0 : i32
    %c0_i32_0 = arith.constant 0 : i32
    return %c0_i32, %arg0 : i32, i32
  }
  func.func @transform_1(%arg0: i32) -> (i32, i32) {
    %c0_i32 = arith.constant 0 : i32
    %c0_i32_0 = arith.constant 0 : i32
    return %arg0, %c0_i32 : i32, i32
  }
}

module attributes {stable_mosaic.version = 14 : i64} {
  func.func @_idf_body(%arg0: memref<8192x128xf32, #tpu.memory_space<vmem>>, %arg1: memref<8192x128xf32, #tpu.memory_space<vmem>>) attributes {dimension_semantics = [], scalar_prefetch = 0 : i64, scratch_operands = 0 : i64, tpu.core_type = #tpu.core_type<tc>} {
    %get3A = arith.constant 0 : index
    %get3A_0 = arith.constant 0 : index
    %get3A_1 = vector.load %arg0[%get3A, %get3A_0] : memref<8192x128xf32, #tpu.memory_space<vmem>>, vector<8192x128xf32>
    %sub3A = arith.constant 1.000000e+06 : f32
    %sub3A_2 = vector.broadcast %sub3A : f32 to vector<8192x128xf32>
    %sub3A_3 = arith.subf %sub3A_2, %get3A_1 : vector<8192x128xf32>
    %add3A = arith.constant 5.000000e-01 : f32
    %add3A_4 = vector.broadcast %add3A : f32 to vector<8192x128xf32>
    %add3A_5 = arith.addf %sub3A_3, %add3A_4 : vector<8192x128xf32>
    %add3A_6 = arith.constant 5.000000e-01 : f32
    %add3A_7 = vector.broadcast %add3A_6 : f32 to vector<8192x128xf32>
    %add3A_8 = arith.addf %get3A_1, %add3A_7 : vector<8192x128xf32>
    %div3A = arith.divf %add3A_5, %add3A_8 : vector<8192x128xf32>
    %add3A_9 = arith.constant 1.000000e+00 : f32
    %add3A_10 = vector.broadcast %add3A_9 : f32 to vector<8192x128xf32>
    %add3A_11 = arith.addf %div3A, %add3A_10 : vector<8192x128xf32>
    %log3A = math.log %add3A_11 : vector<8192x128xf32>
    %swap3A = arith.constant 0 : index
    %swap3A_12 = arith.constant 0 : index
    %swap3A_13 = vector.load %arg1[%swap3A, %swap3A_12] : memref<8192x128xf32, #tpu.memory_space<vmem>>, vector<8192x128xf32>
    tpu.vector_store %arg1[%swap3A, %swap3A_12], %log3A {strides = array<i32>} : memref<8192x128xf32, #tpu.memory_space<vmem>>, vector<8192x128xf32>,
    return
  }
}

module attributes {stable_mosaic.version = 14 : i64} {
  func.func @_mm_body(%arg0: memref<8192x64xf32, #tpu.memory_space<vmem>>, %arg1: memref<64x128xf32, #tpu.memory_space<vmem>>, %arg2: memref<1x128xf32, #tpu.memory_space<vmem>>, %arg3: memref<4096x128xf32, #tpu.memory_space<vmem>>) attributes {dimension_semantics = [], scalar_prefetch = 0 : i64, scratch_operands = 0 : i64, tpu.core_type = #tpu.core_type<tc>} {
    %get3A = arith.constant 0 : index
    %get3A_0 = arith.constant 0 : index
    %get3A_1 = vector.load %arg0[%get3A, %get3A_0] : memref<8192x64xf32, #tpu.memory_space<vmem>>, vector<4096x64xf32>
    %get3A_2 = arith.constant 4096 : index
    %get3A_3 = arith.constant 0 : index
    %get3A_4 = vector.load %arg0[%get3A_2, %get3A_3] : memref<8192x64xf32, #tpu.memory_space<vmem>>, vector<4096x64xf32>
    %add3A = arith.addf %get3A_1, %get3A_4 : vector<4096x64xf32>
    %get3A_5 = arith.constant 0 : index
    %get3A_6 = arith.constant 0 : index
    %get3A_7 = vector.load %arg1[%get3A_5, %get3A_6] : memref<64x128xf32, #tpu.memory_space<vmem>>, vector<64x128xf32>
    %dot_general3A = arith.constant dense<0.000000e+00> : vector<4096x128xf32>
    %dot_general3A_8 = tpu.matmul %add3A, %get3A_7, %dot_general3A {dimension_numbers = #tpu.dot_dimension_numbers<[1], [0], [0], [1], [0, 0, 1, 1], [], []>, transpose_lhs_hint = false} : vector<4096x64xf32>, vector<64x128xf32>, vector<4096x128xf32> -> vector<4096x128xf32>
    %get3A_9 = arith.constant 0 : index
    %get3A_10 = arith.constant 0 : index
    %get3A_11 = vector.load %arg2[%get3A_9, %get3A_10] : memref<1x128xf32, #tpu.memory_space<vmem>>, vector<1x128xf32>
    %add3A_12 = vector.broadcast %get3A_11 : vector<1x128xf32> to vector<4096x128xf32>
    %add3A_13 = arith.addf %dot_general3A_8, %add3A_12 : vector<4096x128xf32>
    %swap3A = arith.constant 0 : index
    %swap3A_14 = arith.constant 0 : index
    %swap3A_15 = vector.load %arg3[%swap3A, %swap3A_14] : memref<4096x128xf32, #tpu.memory_space<vmem>>, vector<4096x128xf32>
    tpu.vector_store %arg3[%swap3A, %swap3A_14], %add3A_13 {strides = array<i32>} : memref<4096x128xf32, #tpu.memory_space<vmem>>, vector<4096x128xf32>,
    return
  }
}

</mosaic_0001>

<sc_bundles>
// kernel: kernel.6.cloned.1.call-start
scs
__scs_entry_jumppad:
0x0: {  	(pc) =	sbr.rel $0x88, $3  }
0x1: {  	(tag) =	ssettag $0x0;
	lr =	simm.s32 $0x1  }
0x2: {  	[smem:$0x3F99] =	sst lr;
	_ =	strace $0xD0000000  }
0x3: {  	_ = 	snop  }
0x4: {  	_ = 	snop  }
0x5: {  	_ = 	snop  }
0x6: {  	_ = 	snop  }
0x7: {  	_ = 	snop  }
__scs_overlays_trampoline_lowered:
0x8: {  	[smem:$0x3FA8] =	sst s0  }
0x9: {  	[smem:$0x3FA9] =	sst s1  }
0xa: {  	[smem:$0x3FAA] =	sst s2  }
0xb: {  	[smem:$0x3FAB] =	sst s3  }
0xc: {  	[smem:$0x3FAC] =	sst s4  }
0xd: {  	[smem:$0x3FAD] =	sst s5  }
0xe: {  	[smem:$0x3FAE] =	sst s6  }
0xf: {  	[smem:$0x3FAF] =	sst s7  }
0x10: {  	[smem:$0x3FB0] =	sst s8  }
0x11: {  	[smem:$0x3FB1] =	sst s9;
	s0 =	simm.s32 @!p0 $0x0  }
0x12: {  	s1 =	sld [smem:$0x3F97];
	s0 =	simm.s32 @p0 $0x1  }
0x13: {  	[smem:$0x3FB2] =	sst s0;
	s0 =	simm.s32 @!p1 $0x0  }
0x14: {  	s2 =	sld [smem:$0x3F96];
	s0 =	simm.s32 @p1 $0x1  }
0x15: {  	[smem:$0x3FB3] =	sst s0;
	s0 =	simm.s32 @!p2 $0x0  }
0x16: {  	s3 =	sld [smem:$0x3FDB];
	s0 =	simm.s32 @p2 $0x1  }
0x17: {  	s4 =	simm.s32 $0x1BF5;
	[smem:$0x3FB5] =	sst s0  }
0x18: {  	s0 =	sld [smem:$0x3F98];
	_ =	swait.ge [sflag:s4], $0x0  }
0x19: {  	s7 =	sld [smem:$0x3F99]  }
0x1a: {  	s8 =	sadd.s32 $0xFFFFE003, lr  }
0x1b: {  	s9 =	sadd.s32 $0xFFFFFEF7, lr;
	s5 =	simm.s32 $0xFFFFFFFF;
	p2 =	slt.u32 s8, $0xFFFFF086  }
0x1c: {  	p1 =	slt.u32 s9, $0xF7A;
	s5 =	simm.s32 @!p2 $0x0  }
0x1d: {  	s5 =	simm.s32 @p1 $0x1;
	p0 =	seq.s32 s7, s2  }
0x1e: {  	s7 =	smul.u32 @!p0 $0xF7A, s2;
	p2 =	seq.s32 @!p0 s5, $0x0  }
0x1f: {  	s9 =	smul.u32 $0xF7A, s1;
	s8 =	simm.s32 @!p0 $0x1BF5;
	p2 =	por !p2, p0  }
0x20: {  	[sflag:s8] =	ssyncset.s32 @!p0 $0xFFFFF086;
	s6 =	sadd.s32 @!p0 s3, s7;
	s7 =	simm.s32 @!p0 $0x108  }
0x21: {  	s3 =	sadd.s32 s3, s9;
	s6 =	sadd.s32 @!p0 $0x88, s6;
	s7 =	simm.s32 @p2 $0x1082  }
0x22: {  	[simem:s7], [sflag:s8] =	dma.local @!p0 [hbm:s6], $0xF7A  }
0x23: {  	s9 =	sor.u32 $0xD0000000, s2;
	s6 =	simm.s32 $0x108;
	_ =	swait.ge @!p0 [sflag:s8], $0x0  }
0x24: {  	s3 =	sadd.s32 $0x88, s3;
	s6 =	simm.s32 @!p1 $0x1082;
	[sflag:s4] =	ssyncset.s32 $0xFFFFF086  }
0x25: {  	[simem:s6], [sflag:s4] =	dma.local [hbm:s3], $0xF7A  }
0x26: {  	[smem:$0x3F99] =	sst s1;
	(tag) =	ssettag s2;
	_ =	strace s9  }
0x27: {  	s1 =	sld [smem:$0x3FA9]  }
0x28: {  	s2 =	sld [smem:$0x3FAA]  }
0x29: {  	s4 =	sld [smem:$0x3FAC]  }
0x2a: {  	p0 =	seq.s32 s5, $0x0;
	s5 =	sld [smem:$0x3FAD]  }
0x2b: {  	s6 =	sld [smem:$0x3FAE]  }
0x2c: {  	s7 =	sld [smem:$0x3FAF]  }
0x2d: {  	s3 =	simm.s32 $0x108;
	s8 =	sld [smem:$0x3FB0]  }
0x2e: {  	s3 =	simm.s32 @!p0 $0x1082;
	s9 =	sld [smem:$0x3FB1]  }
0x2f: {  	lr =	sadd.s32 s0, s3;
	s0 =	sld [smem:$0x3FA8]  }
0x30: {  	s3 =	sld [smem:$0x3FAB]  }
0x31: {  	[smem:$0x3FB4] =	sst s10  }
0x32: {  	s10 =	sld [smem:$0x3FB2];
	_ =	sdelay $0x3  }
0x33: {  	p0 =	seq.s32 s10, $0x1;
	s10 =	sld [smem:$0x3FB4];
	_ =	sdelay $0x3  }
0x34: {  	[smem:$0x3FB4] =	sst s10  }
0x35: {  	s10 =	sld [smem:$0x3FB3];
	_ =	sdelay $0x3  }
0x36: {  	p1 =	seq.s32 s10, $0x1;
	s10 =	sld [smem:$0x3FB4];
	_ =	sdelay $0x3  }
0x37: {  	[smem:$0x3FB4] =	sst s10  }
0x38: {  	s10 =	sld [smem:$0x3FB5]  }
0x39: {  	_ = 	snop;
	(pc) =	sbr.ind lr, $3  }
0x3a: {  	_ = 	snop  }
0x3b: {  	_ = 	snop  }
0x3c: {  	p2 =	seq.s32 s10, $0x1;
	s10 =	sld [smem:$0x3FB4]  }
0x3d: {  	_ =	shalt  }
0x3e: {  	_ =	shalt  }
0x3f: {  	_ =	shalt  }
0x40: {  	_ =	shalt  }
0x41: {  	_ =	shalt  }
0x42: {  	_ =	shalt  }
0x43: {  	_ =	shalt  }
0x44: {  	_ =	shalt  }
0x45: {  	_ =	shalt  }
0x46: {  	_ =	shalt  }
0x47: {  	_ =	shalt  }
0x48: {  	_ =	shalt  }
0x49: {  	_ =	shalt  }
0x4a: {  	_ =	shalt  }
0x4b: {  	_ =	shalt  }
0x4c: {  	_ =	shalt  }
0x4d: {  	_ =	shalt  }
0x4e: {  	_ =	shalt  }
0x4f: {  	_ =	shalt  }
0x50: {  	_ =	shalt  }
0x51: {  	_ =	shalt  }
0x52: {  	_ =	shalt  }
0x53: {  	_ =	shalt  }
0x54: {  	_ =	shalt  }
0x55: {  	_ =	shalt  }
0x56: {  	_ =	shalt  }
0x57: {  	_ =	shalt  }
0x58: {  	_ =	shalt  }
0x59: {  	_ =	shalt  }
0x5a: {  	_ =	shalt  }
0x5b: {  	_ =	shalt  }
0x5c: {  	_ =	shalt  }
0x5d: {  	_ =	shalt  }
0x5e: {  	_ =	shalt  }
0x5f: {  	_ =	shalt  }
0x60: {  	_ =	shalt  }
0x61: {  	_ =	shalt  }
0x62: {  	_ =	shalt  }
0x63: {  	_ =	shalt  }
0x64: {  	_ =	shalt  }
0x65: {  	_ =	shalt  }
0x66: {  	_ =	shalt  }
0x67: {  	_ =	shalt  }
0x68: {  	_ =	shalt  }
0x69: {  	_ =	shalt  }
0x6a: {  	_ =	shalt  }
0x6b: {  	_ =	shalt  }
0x6c: {  	_ =	shalt  }
0x6d: {  	_ =	shalt  }
0x6e: {  	_ =	shalt  }
0x6f: {  	_ =	shalt  }
0x70: {  	_ =	shalt  }
0x71: {  	_ =	shalt  }
0x72: {  	_ =	shalt  }
0x73: {  	_ =	shalt  }
0x74: {  	_ =	shalt  }
0x75: {  	_ =	shalt  }
0x76: {  	_ =	shalt  }
0x77: {  	_ =	shalt  }
0x78: {  	_ =	shalt  }
0x79: {  	_ =	shalt  }
0x7a: {  	_ =	shalt  }
0x7b: {  	_ =	shalt  }
0x7c: {  	_ =	shalt  }
0x7d: {  	_ =	shalt  }
0x7e: {  	_ =	shalt  }
0x7f: {  	_ =	shalt  }
0x80: {  	_ =	shalt  }
0x81: {  	_ =	shalt  }
0x82: {  	_ =	shalt  }
0x83: {  	_ =	shalt  }
0x84: {  	_ =	shalt  }
0x85: {  	_ =	shalt  }
0x86: {  	_ =	shalt  }
0x87: {  	_ =	shalt  }
.Lfunc_end0:
.L_simem_size_0:
called_computation_lowered:
.L_overlay_start_0:
0x88: {  	s2 =	sld [smem:$0x3FD9]  }
0x89: {  	s3 =	sld [smem:$0x3FFE];
	_ =	sdelay $0x1  }
0x8a: {  	s1 =	srdreg.scid  }
0x8b: {  	s0 =	sand.u32 $0x1, s1  }
0x8c: {  	s17 =	sshll.u32 s0, $0xA;
	s2 =	sadd.s32 s3, s2  }
0x8d: {  	s2 =	sadd.s32 s2, s17  }
0x8e: {  	[smem:$0x3FC0] =	sst s2  }
0x8f: {  	_ = 	snop  }
0x90: {  	s2 =	sld [smem:$0x3FC9]  }
0x91: {  	s18 =	sld [smem:$0x3FC8]  }
0x92: {  	s4 =	sld [smem:$0x3FC7]  }
0x93: {  	s5 =	sld [smem:$0x3FC6]  }
0x94: {  	s6 =	sld [smem:$0x3FD0];
	(tm) =	ssettm $0x1  }
0x95: {  	s7 =	sld [smem:$0x3FFB];
	_ =	sdelay $0x3  }
0x96: {  	_ =	strace s7  }
0x97: {  	s7 =	sld [smem:$0x3FFC];
	_ =	sdelay $0x3  }
0x98: {  	_ =	strace s7  }
0x99: {  	s7 =	sld [smem:$0x3FFD];
	_ =	sdelay $0x3  }
0x9a: {  	_ =	strace s7  }
0x9b: {  	_ =	strace $0x8FFFFFFF  }
0x9c: {  	s19 =	sld [smem:$0x3FDB];
	_ =	sdelay $0x1  }
0x9d: {  	s8 =	simm.s32 $_scs_section_size  }
0x9e: {  	s9 =	simm.s32 $_size__tile_overlayer_lowered;
	s10 =	simm.s32 $_tile_overlayer_lowered  }
0x9f: {  	s22 =	simm.s32 $0x1BFF;
	s21 =	sshll.u32 s10, $0x1;
	s7 =	sadd.s32 s8, s19  }
0xa0: {  	s11 =	simm.s32 $0x0;
	s20 =	sshll.u32 s9, $0x1;
	s9 =	sadd.s32 s21, s7  }
0xa1: {  	[timem:s11], [sflag:s22] =	dma.local [hbm:s9], s20  }
0xa2: {  	_ =	swait.ge [sflag:s22], s20  }
0xa3: {  	s8 =	ssub.s32 $0x0, s20;
	[sflag:s22] =	ssyncset.done $0x0  }
0xa4: {  	[sflag:s22] =	ssyncadd.s32 s8;
	_ =	sdelay $0x1  }
0xa5: {  	s23 =	simm.s32 $0x1B8B  }
0xa6: {  	_ =	swait.ge [sflag:s23], $0x1  }
0xa7: {  	[sflag:s23] =	ssyncset.done $0x0  }
0xa8: {  	s25 =	simm.s32 $0x1B8E;
	s24 =	sld [smem:$0x3FFE];
	[sflag:s23] =	ssyncadd.s32 $0xFFFFFFFF  }
0xa9: {  	s26 =	simm.s32 $execute0_lowered;
	[smem:$0x3FD2] =	sst s25  }
0xaa: {  	s9 =	sshll.u32 s26, $0x1;
	_ =	strace $0x80000046;
	[dreg:$0x1] =	wrdreg $0xFFFFFFFF  }
0xab: {  	s28 =	simm.s32 $_size_execute0_lowered;
	s7 =	sadd.s32 s7, s9;
	[dreg:$0x0] =	wrdreg $0x0  }
0xac: {  	s9 =	sshll.u32 s28, $0x1;
	[dreg:$0x2] =	wrdreg s7  }
0xad: {  	[dreg:$0x3] =	wrdreg s9  }
0xae: {  	[dreg:$0x4] =	wrdreg $0xC0  }
0xaf: {  	_ =	task [dreg:s11], $0x5FFFF  }
0xb0: {  	[dreg:$0x1] =	wrdreg $0xFFFFFFFF  }
0xb1: {  	[dreg:$0x0] =	wrdreg $0x60  }
0xb2: {  	[dreg:$0x2] =	wrdreg s2  }
0xb3: {  	[dreg:$0x3] =	wrdreg s5  }
0xb4: {  	[dreg:$0x4] =	wrdreg s18  }
0xb5: {  	[dreg:$0x5] =	wrdreg s4  }
0xb6: {  	[dreg:$0x6] =	wrdreg s24  }
0xb7: {  	[dreg:$0x7] =	wrdreg s6  }
0xb8: {  	[dreg:$0x8] =	wrdreg $0x1A5800  }
0xb9: {  	[dreg:$0x9] =	wrdreg $0x9  }
0xba: {  	_ =	task.clear_ibuf [dreg:s11], $0xAFFFF;
	_ =	strace $0x90000046  }
0xbb: {  	s29 =	simm.s32 $0x9;
	_ =	strace $0x80000048  }
0xbc: {  	_ =	swait.ge [sflag:s29], $0x1  }
0xbd: {  	[sflag:s29] =	ssyncadd.s32 $0xFFFFFFFF  }
0xbe: {  	_ =	strace $0x90000048  }
0xbf: {  	_ =	sfence  }
0xc0: {  	s30 =	sld [smem:$0x0];
	_ =	sdelay $0x2  }
0xc1: {  	s31 =	sshll.u32 s1, $0xD;
	s1 =	sshrl.u32 s1, $0x2  }
0xc2: {  	s3 =	sand.u32 $0x4000, s31;
	s1 =	sadd.s32 s1, s30  }
0xc3: {  	s0 =	sor.u32 s3, s0;
	s1 =	sshll.u32 s1, $0x11  }
0xc4: {  	s0 =	sor.u32 s1, s0  }
0xc5: {  	s0 =	sadd.s32 $0x8F2B, s0  }
0xc6: {  	[sflag:s0] =	ssyncadd.remote.s32 $0x1  }
0xc7: {  	_ =	sfence.sel $0xFFFF  }
0xc8: {  	[dreg:$0x0] =	wrdreg $0xFFFFFFFF;
	(pc) =	sbr.abs _section_cstart, $3  }
0xc9: {  	[dreg:$0x1] =	wrdreg $0xFFFFFFFF  }
0xca: {  	_ =	task.clear_ibuf [dreg:s11], $0x2FFFF;
	_ =	strace $0x9FFFFFFF  }
0xcb: {  	(tm) =	ssettm $0x7FFFFFFF  }
tec
execute0_lowered:
.L_overlay_start_1:
0x0: {  	(tag) =	ssettag $0x1  }
0x1: {  	s0 =	rddreg [dreg:$0x0]  }
0x2: {  	s2 =	rddreg [dreg:$0x1]  }
0x3: {  	s3 =	rddreg [dreg:$0x2]  }
0x4: {  	s4 =	rddreg [dreg:$0x3]  }
0x5: {  	s1 =	rddreg [dreg:$0x4]  }
0x6: {  	s6 =	rddreg [dreg:$0x5]  }
0x7: {  	s5 =	rddreg [dreg:$0x6]  }
0x8: {  	s7 =	simm.s32 $0x0;
	s18 =	srdreg.scid;
	s14 =	stileid.u32  }
0x9: {  	s30 =	simm.s32 $0x2400;
	s28 =	simm.s32 $0x2480;
	s29 =	simm.s32 $0x2  }
0xa: {  	[smem:$0x7FF] =	sst s7;
	s7 =	sand.u32 $0x1, s18;
	s8 =	sadd.s32 $0xA00, s1  }
0xb: {  	s11 =	sshll.u32 s14, $0x1;
	s12 =	sshll.u32 s14, $0xE;
	s20 =	sshll.u32 s14, $0xB  }
0xc: {  	s10 =	ssub.s32 $0x2, s7;
	s11 =	sor.u32 s7, s11;
	s14 =	sadd.s32 s12, s5  }
0xd: {  	s7 =	sshll.u32 s7, $0xF;
	s6 =	sadd.s32 s6, s20;
	s13 =	smul.u32 $0xC80, s11  }
0xe: {  	_ =	strace $0x80000047;
	s6 =	sadd.s32 s7, s6;
	[dreg:$0x8] =	wrdreg s14  }
0xf: {  	s9 =	sadd.s32 $0x20A00, s1;
	[dreg:$0x11] =	wrdreg s6;
	s21 =	sadd.s32 s0, s13  }
0x10: {  	s19 =	sshrl.u32 s10, $0x1;
	s22 =	sadd.s32 s2, s13;
	[dreg:$0x9] =	wrdreg s21  }
0x11: {  	s1 =	ssub.s32 s10, s19;
	s15 =	sadd.s32 s3, s13;
	[dreg:$0xa] =	wrdreg s22  }
0x12: {  	s23 =	sor.u32 $0x50, s13;
	s13 =	sadd.s32 s4, s13;
	[dreg:$0xb] =	wrdreg s15  }
0x13: {  	v0 =	vimm.f32 $0.0e+00;
	v1 =	vimm.s32 $0x0;
	s7 =	simm.s32 $0x0;
	s1 =	smax.u32 s1, $0x1;
	[dreg:$0xc] =	wrdreg s13  }
0x14: {  	v2 =	vimm.s32 $0x1;
	v3 =	vimm.s32 $0x2;
	v4 =	vimm.s32 $0x3;
	s10 =	smul.u32 $0xC8, s11;
	s24 =	sadd.s32 s0, s23;
	[dreg:$0x12] =	wrdreg s1  }
0x15: {  	v5 =	vimm.s32 $0x4;
	v6 =	vimm.s32 $0x5;
	v7 =	vimm.s32 $0x6;
	s6 =	simm.s32 $0x80;
	s25 =	sadd.s32 s2, s23;
	[dreg:$0xd] =	wrdreg s24  }
0x16: {  	v8 =	vimm.s32 $0x7;
	v9 =	vimm.s32 $0x8;
	v10 =	vimm.s32 $0x9;
	s26 =	sadd.s32 s3, s23;
	s31 =	sadd.s32 s4, s23;
	[dreg:$0xe] =	wrdreg s25  }
0x17: {  	v11 =	vimm.s32 $0xA;
	v12 =	vimm.s32 $0xB;
	v13 =	vimm.s32 $0xC;
	s13 =	simm.s32 $0x16580;
	s15 =	simm.s32 $0x5;
	[dreg:$0xf] =	wrdreg s26  }
0x18: {  	v14 =	vimm.s32 $0xD;
	v15 =	vimm.s32 $0xE;
	v16 =	vimm.s32 $0xF;
	[dreg:$0x10] =	wrdreg s31;
	s26 =	simm.s32 $0x2380;
	s25 =	simm.s32 $0x2500  }
.LBB2_1:
0x19: {  	[dreg:$0x13] =	wrdreg s7;
	s11 =	simm.s32 $0x100;
	s1 =	simm.s32 $0x0  }
.LBB2_2:
0x1a: {  	p0 =	sne.s32 s11, $0xFF00;
	[tilespmem:s1+$0x165B0] =	vst v0;
	s12 =	smov.u32 s11;
	s11 =	sadd.s32 $0x100, s11  }
.Ltmp0:
0x1b: {  	[tilespmem:s1+$0x165A0] =	vst v0;
	(pc) =	sbr.rel @p0 .LBB2_2-.Ltmp0, $3  }
0x1c: {  	[tilespmem:s1+$0x16580] =	vst v0  }
0x1d: {  	[tilespmem:s1+$0x16590] =	vst v0;
	_ =	sdelay $0x1  }
0x1e: {  	s1 =	sshra.s32 s12, $0x2  }
0x1f: {  	[tilespmem:s1+$0x165B0] =	vst v0  }
0x20: {  	[tilespmem:s1+$0x165A0] =	vst v0  }
0x21: {  	[tilespmem:s1+$0x16580] =	vst v0  }
0x22: {  	[tilespmem:s1+$0x16590] =	vst v0  }
0x23: {  	[spmem:s14] =	stream.linear.scatter [tilespmem:s13], [sflag:$0x5], $0x4000, $0x38;
	[tilespmem:$0x1E580] =	vst v63  }
0x24: {  	_ =	swait.ge [sflag:s15], $0x4000  }
0x25: {  	[sflag:s15] =	ssyncset.done $0x0  }
0x26: {  	[sflag:s15] =	ssyncadd.s32 $0xFFFFC000  }
0x27: {  	[bflag:$0x0] =	sbarrier.arrive $0xFFFF  }
0x28: {  	s31 =	simm.s32 $0x0;
	s7 =	rddreg [dreg:$0x9]  }
0x29: {  	[tilespmem:s31], [sflag:$0x1] =	stream.linear.gather [hbm4b:s7+s31], $0x280, $0x38;
	[tilespmem:$0x1E580] =	vst v63  }
0x2a: {  	s11 =	simm.s32 $0x780;
	s12 =	rddreg [dreg:$0xa]  }
0x2b: {  	[tilespmem:s11], [sflag:$0x1] =	stream.linear.gather [hbm4b:s12+s31], $0x280, $0x38;
	[tilespmem:$0x1E580] =	vst v63  }
0x2c: {  	s14 =	simm.s32 $0xF00;
	s13 =	rddreg [dreg:$0xb]  }
0x2d: {  	[tilespmem:s14], [sflag:$0x1] =	stream.linear.gather [hbm4b:s13+s31], $0x280, $0x38;
	[tilespmem:$0x1E580] =	vst v63  }
0x2e: {  	s16 =	simm.s32 $0x1680;
	s15 =	rddreg [dreg:$0xc]  }
0x2f: {  	[tilespmem:s16], [sflag:$0x1] =	stream.linear.gather [hbm4b:s15+s31], $0x280, $0x38;
	[tilespmem:$0x1E580] =	vst v63  }
0x30: {  	s18 =	simm.s32 $0x280;
	s17 =	rddreg [dreg:$0xd]  }
0x31: {  	[tilespmem:s18], [sflag:$0x1] =	stream.linear.gather [hbm4b:s17+s31], $0x280, $0x38;
	[tilespmem:$0x1E580] =	vst v63  }
0x32: {  	s20 =	simm.s32 $0xA00;
	s19 =	rddreg [dreg:$0xe]  }
0x33: {  	[tilespmem:s20], [sflag:$0x1] =	stream.linear.gather [hbm4b:s19+s31], $0x280, $0x38;
	[tilespmem:$0x1E580] =	vst v63  }
0x34: {  	s22 =	simm.s32 $0x1180;
	s21 =	rddreg [dreg:$0xf]  }
0x35: {  	[tilespmem:s22], [sflag:$0x1] =	stream.linear.gather [hbm4b:s21+s31], $0x280, $0x38;
	[tilespmem:$0x1E580] =	vst v63  }
0x36: {  	s24 =	simm.s32 $0x1900;
	s23 =	rddreg [dreg:$0x10]  }
0x37: {  	[tilespmem:s24], [sflag:$0x1] =	stream.linear.gather [hbm4b:s23+s31], $0x280, $0x38;
	[tilespmem:$0x1E580] =	vst v63  }
0x38: {  	s31 =	simm.s32 $0x1  }
0x39: {  	_ =	swait.ge [sflag:s31], $0x280  }
0x3a: {  	[sflag:s31] =	ssyncset.done $0x0  }
0x3b: {  	[sflag:s31] =	ssyncadd.s32 $0xFFFFFD80  }
0x3c: {  	_ =	swait.ge [sflag:s31], $0x280  }
0x3d: {  	[sflag:s31] =	ssyncset.done $0x0  }
0x3e: {  	[sflag:s31] =	ssyncadd.s32 $0xFFFFFD80  }
0x3f: {  	_ =	swait.ge [sflag:s31], $0x280  }
0x40: {  	[sflag:s31] =	ssyncset.done $0x0  }
0x41: {  	[sflag:s31] =	ssyncadd.s32 $0xFFFFFD80  }
0x42: {  	_ =	swait.ge [sflag:s31], $0x280  }
0x43: {  	[sflag:s31] =	ssyncset.done $0x0  }
0x44: {  	s1 =	simm.s32 $0x0;
	[sflag:s31] =	ssyncadd.s32 $0xFFFFFD80  }
0x45: {  	v17 =	vld [tilespmem:s1+$0x0];
	_ =	sdelay $0x2  }
0x46: {  	s11 =	simm.s32 $0x40  }
.LBB2_4:
0x47: {  	p0 =	sne.s32 s11, $0x9C0  }
.Ltmp1:
0x48: {  	s12 =	sshra.s32 s11, $0x2;
	s11 =	sadd.s32 $0x40, s11;
	v18 =	vshll.u32 v17, $0x1;
	(pc) =	sbr.rel @p0 .LBB2_4-.Ltmp1, $4  }
0x49: {  	v19 =	vand.u32 $0xFFFFE000, v17;
	v20 =	vshrl.u32 v17, $0xC;
	v18 =	vand.u32 $0x1FFE, v18;
	v17 =	vld [tilespmem:s12+$0x0]  }
0x4a: {  	v18 =	vor.u32 v19, v18;
	v19 =	vand.u32 $0x1, v20  }
0x4b: {  	v18 =	vor.u32 v19, v18  }
0x4c: {  	[tilespmem:s1+$0x2300] =	vst v18;
	s1 =	smov.u32 s12  }
0x4d: {  	_ = 	snop  }
0x4e: {  	v18 =	vshll.u32 v17, $0x1  }
0x4f: {  	v19 =	vand.u32 $0xFFFFE000, v17;
	v17 =	vshrl.u32 v17, $0xC;
	v18 =	vand.u32 $0x1FFE, v18  }
0x50: {  	v17 =	vand.u32 $0x1, v17;
	v18 =	vor.u32 v19, v18  }
0x51: {  	v17 =	vor.u32 v17, v18  }
0x52: {  	s13 =	simm.s32 $0x2300;
	s7 =	simm.s32 $0x2580;
	[tilespmem:s1+$0x2300] =	vst v17  }
0x53: {  	[tilespmem:s7], [sflag:$0x2] =	stream.indirect.gather [hbm4b:s9+s6], $0x40, s13, s6, $0xb8;
	[tilespmem:$0x1E580] =	vst v63  }
0x54: {  	s12 =	simm.s32 $0x0;
	s14 =	simm.s32 $0x1E00  }
0x55: {  	[tilespmem:s14], [sflag:$0x2] =	stream.indirect.gather [hbm4b:s8+s6], $0x1, s12, s6, $0xb8;
	[tilespmem:$0x1E580] =	vst v63  }
0x56: {  	s15 =	simm.s32 $0x4580  }
0x57: {  	[tilespmem:s15], [sflag:$0x2] =	stream.indirect.gather [hbm4b:s9+s6], $0x40, s26, s6, $0xb8;
	[tilespmem:$0x1E580] =	vst v63  }
0x58: {  	s16 =	simm.s32 $0x1E80  }
0x59: {  	[tilespmem:s16], [sflag:$0x2] =	stream.indirect.gather [hbm4b:s8+s6], $0x1, s6, s6, $0xb8;
	[tilespmem:$0x1E580] =	vst v63  }
0x5a: {  	s17 =	simm.s32 $0x6580  }
0x5b: {  	[tilespmem:s17], [sflag:$0x2] =	stream.indirect.gather [hbm4b:s9+s6], $0x40, s30, s6, $0xb8;
	[tilespmem:$0x1E580] =	vst v63  }
0x5c: {  	s18 =	simm.s32 $0x100;
	s19 =	simm.s32 $0x1F00  }
0x5d: {  	[tilespmem:s19], [sflag:$0x2] =	stream.indirect.gather [hbm4b:s8+s6], $0x1, s18, s6, $0xb8;
	[tilespmem:$0x1E580] =	vst v63  }
0x5e: {  	s20 =	simm.s32 $0x8580  }
0x5f: {  	[tilespmem:s20], [sflag:$0x2] =	stream.indirect.gather [hbm4b:s9+s6], $0x40, s28, s6, $0xb8;
	[tilespmem:$0x1E580] =	vst v63  }
0x60: {  	s21 =	simm.s32 $0x180;
	s22 =	simm.s32 $0x1F80  }
0x61: {  	[tilespmem:s22], [sflag:$0x2] =	stream.indirect.gather [hbm4b:s8+s6], $0x1, s21, s6, $0xb8;
	[tilespmem:$0x1E580] =	vst v63  }
0x62: {  	s23 =	simm.s32 $0xA580  }
0x63: {  	[tilespmem:s23], [sflag:$0x2] =	stream.indirect.gather [hbm4b:s9+s6], $0x40, s25, s6, $0xb8;
	[tilespmem:$0x1E580] =	vst v63  }
0x64: {  	s24 =	simm.s32 $0x200;
	s31 =	simm.s32 $0x2000;
	p0 =	por $0x0, $0x0  }
0x65: {  	[tilespmem:s31], [sflag:$0x2] =	stream.indirect.gather [hbm4b:s8+s6], $0x1, s24, s6, $0xb8;
	[tilespmem:$0x1E580] =	vst v63  }
.LBB2_6:
0x66: {  	_ =	swait.ge [sflag:s29], $0x2000  }
0x67: {  	[sflag:s29] =	ssyncset.done $0x0  }
0x68: {  	[sflag:s29] =	ssyncadd.s32 $0xFFFFE000  }
0x69: {  	_ =	swait.ge [sflag:s29], $0x80  }
0x6a: {  	[sflag:s29] =	ssyncset.done $0x0  }
0x6b: {  	[sflag:s29] =	ssyncadd.s32 $0xFFFFFF80  }
0x6c: {  	_ =	swait.ge [sflag:s29], $0x2000  }
0x6d: {  	[sflag:s29] =	ssyncset.done $0x0  }
0x6e: {  	[sflag:s29] =	ssyncadd.s32 $0xFFFFE000  }
0x6f: {  	_ =	swait.ge [sflag:s29], $0x80  }
0x70: {  	[sflag:s29] =	ssyncset.done $0x0  }
0x71: {  	[sflag:s29] =	ssyncadd.s32 $0xFFFFFF80  }
0x72: {  	_ =	swait.ge [sflag:s29], $0x2000  }
0x73: {  	[sflag:s29] =	ssyncset.done $0x0  }
0x74: {  	[sflag:s29] =	ssyncadd.s32 $0xFFFFE000  }
0x75: {  	_ =	swait.ge [sflag:s29], $0x80  }
0x76: {  	[sflag:s29] =	ssyncset.done $0x0  }
0x77: {  	[sflag:s29] =	ssyncadd.s32 $0xFFFFFF80  }
0x78: {  	_ =	swait.ge [sflag:s29], $0x2000  }
0x79: {  	[sflag:s29] =	ssyncset.done $0x0  }
0x7a: {  	[sflag:s29] =	ssyncadd.s32 $0xFFFFE000  }
0x7b: {  	_ =	swait.ge [sflag:s29], $0x80  }
0x7c: {  	[sflag:s29] =	ssyncset.done $0x0  }
0x7d: {  	[sflag:s29] =	ssyncadd.s32 $0xFFFFFF80  }
0x7e: {  	_ =	swait.ge [sflag:s29], $0x2000  }
0x7f: {  	[sflag:s29] =	ssyncset.done $0x0  }
0x80: {  	[sflag:s29] =	ssyncadd.s32 $0xFFFFE000  }
0x81: {  	_ =	swait.ge [sflag:s29], $0x80  }
0x82: {  	p2 =	seq.s32 s12, $0x27;
	[sflag:s29] =	ssyncset.done $0x0  }
0x83: {  	s1 =	simm.s32 @!p2 $0x1;
	[sflag:s29] =	ssyncadd.s32 $0xFFFFFF80  }
0x84: {  	_ =	swait.ge @!p2 [sflag:s1], $0x280  }
0x85: {  	[sflag:s1] =	ssyncset.done @!p2 $0x0  }
0x86: {  	[sflag:s1] =	ssyncadd.s32 @!p2 $0xFFFFFD80  }
0x87: {  	_ =	swait.ge @!p2 [sflag:s1], $0x280  }
0x88: {  	[sflag:s1] =	ssyncset.done @!p2 $0x0  }
0x89: {  	[sflag:s1] =	ssyncadd.s32 @!p2 $0xFFFFFD80  }
0x8a: {  	_ =	swait.ge @!p2 [sflag:s1], $0x280  }
0x8b: {  	[sflag:s1] =	ssyncset.done @!p2 $0x0  }
0x8c: {  	p1 =	seq.s32 @!p2 s12, $0x0;
	[sflag:s1] =	ssyncadd.s32 @!p2 $0xFFFFFD80  }
0x8d: {  	s14 =	sand.u32 $0x1, s12;
	p1 =	por p2, !p1;
	_ =	swait.ge @!p2 [sflag:s1], $0x280  }
0x8e: {  	s11 =	sxor.u32 @p1 $0x1, s14;
	[sflag:s1] =	ssyncset.done @!p2 $0x0  }
0x8f: {  	[sflag:s1] =	ssyncadd.s32 @!p2 $0xFFFFFD80;
	s1 =	sadd.s32 @p1 $0x3, s11  }
0x90: {  	_ =	swait.ge @p1 [sflag:s1], $0x2000  }
0x91: {  	[sflag:s1] =	ssyncset.done @p1 $0x0  }
0x92: {  	[sflag:s1] =	ssyncadd.s32 @p1 $0xFFFFE000  }
0x93: {  	_ =	swait.ge @p1 [sflag:s1], $0x2000  }
0x94: {  	[sflag:s1] =	ssyncset.done @p1 $0x0  }
0x95: {  	[sflag:s1] =	ssyncadd.s32 @p1 $0xFFFFE000  }
0x96: {  	_ =	swait.ge @p1 [sflag:s1], $0x2000  }
0x97: {  	[sflag:s1] =	ssyncset.done @p1 $0x0  }
0x98: {  	p2 =	seq.s32 @p1 s12, $0x27;
	[sflag:s1] =	ssyncadd.s32 @p1 $0xFFFFE000  }
0x99: {  	p2 =	por !p1, !p2;
	_ =	swait.ge @p1 [sflag:s1], $0x2000  }
.Ltmp2:
0x9a: {  	[sflag:s1] =	ssyncset.done @p1 $0x0;
	(pc) =	sbr.rel @!p2 .LBB2_10-.Ltmp2, $4  }
0x9b: {  	[sflag:s1] =	ssyncadd.s32 @p1 $0xFFFFE000  }
0x9c: {  	_ =	swait.ge @p1 [sflag:s1], $0x2000  }
0x9d: {  	[sflag:s1] =	ssyncset.done @p1 $0x0  }
0x9e: {  	s13 =	sadd.s32 $0x1, s12;
	[sflag:s1] =	ssyncadd.s32 @p1 $0xFFFFE000  }
0x9f: {  	s1 =	smul.u32 $0xAB, s13;
	_ =	sdelay $0x1  }
0xa0: {  	s1 =	sshrl.u32 s1, $0x9  }
0xa1: {  	s1 =	sand.u32 $0x7F, s1  }
0xa2: {  	s1 =	smul.u32 $0x3, s1;
	_ =	sdelay $0x1  }
0xa3: {  	s1 =	ssub.s32 s13, s1  }
0xa4: {  	s1 =	sand.u32 $0xFF, s1  }
0xa5: {  	s1 =	smul.u32 $0xA00, s1  }
0xa6: {  	s15 =	simm.s32 $0x0  }
0xa7: {  	s11 =	sand.u32 $0x380, s15;
	s1 =	sshrl.u32 s1, $0x2  }
0xa8: {  	s15 =	sand.u32 $0x70, s15;
	s16 =	sadd.s32 s11, s1  }
0xa9: {  	s16 =	sadd.s32 s15, s16  }
0xaa: {  	v17 =	vld [tilespmem:s16+$0x0];
	_ =	sdelay $0x4  }
0xab: {  	v18 =	vshll.u32 v17, $0x1  }
0xac: {  	s17 =	simm.s32 $0x10;
	v19 =	vand.u32 $0xFFFFE000, v17;
	v20 =	vshrl.u32 v17, $0xC;
	v18 =	vand.u32 $0x1FFE, v18  }
0xad: {  	s18 =	simm.s32 $0x20;
	s16 =	sand.u32 $0x70, s17;
	s17 =	sand.u32 $0x380, s17;
	v17 =	vor.u32 v19, v18;
	v18 =	vand.u32 $0x1, v20  }
.LBB2_8:
0xae: {  	p1 =	sne.s32 s18, $0x270;
	s19 =	sadd.s32 s17, s1;
	v17 =	vor.u32 v18, v17;
	s11 =	sor.u32 s15, s11  }
0xaf: {  	s15 =	smov.u32 s16;
	s19 =	sadd.s32 s16, s19;
	[tilespmem:s11+$0x2300] =	vst v17;
	s11 =	smov.u32 s17  }
0xb0: {  	v17 =	vld [tilespmem:s19+$0x0];
	_ =	sdelay $0x2  }
.Ltmp3:
0xb1: {  	(pc) =	sbr.rel @p1 .LBB2_8-.Ltmp3, $4  }
0xb2: {  	_ = 	snop  }
0xb3: {  	v18 =	vshll.u32 v17, $0x1  }
0xb4: {  	v19 =	vand.u32 $0xFFFFE000, v17;
	v20 =	vshrl.u32 v17, $0xC;
	v18 =	vand.u32 $0x1FFE, v18  }
0xb5: {  	s16 =	sand.u32 $0x70, s18;
	s17 =	sand.u32 $0x380, s18;
	s18 =	sadd.s32 $0x10, s18;
	v17 =	vor.u32 v19, v18;
	v18 =	vand.u32 $0x1, v20  }
0xb6: {  	s18 =	sadd.s32 s17, s1;
	v17 =	vor.u32 v18, v17;
	s11 =	sor.u32 s15, s11  }
0xb7: {  	s20 =	sadd.s32 s16, s18;
	[tilespmem:s11+$0x2300] =	vst v17  }
0xb8: {  	v17 =	vld [tilespmem:s20+$0x0];
	_ =	sdelay $0x4  }
0xb9: {  	s21 =	sand.u32 $0x1, s13;
	v18 =	vshll.u32 v17, $0x1  }
0xba: {  	s22 =	smul.u32 $0x28000, s21;
	v19 =	vand.u32 $0xFFFFE000, v17;
	v17 =	vshrl.u32 v17, $0xC;
	v18 =	vand.u32 $0x1FFE, v18  }
0xbb: {  	s11 =	smul.u32 $0xA00, s21;
	v17 =	vand.u32 $0x1, v17;
	v18 =	vor.u32 v19, v18  }
0xbc: {  	s23 =	sor.u32 s16, s17;
	s15 =	sshrl.u32 s22, $0x2;
	v17 =	vor.u32 v17, v18  }
0xbd: {  	s7 =	simm.s32 $0x2300;
	s11 =	sshrl.u32 s11, $0x2;
	s24 =	sadd.s32 $0x2580, s15;
	[tilespmem:s23+$0x2300] =	vst v17  }
0xbe: {  	[tilespmem:s24], [sflag:$0x2] =	stream.indirect.gather [hbm4b:s9+s6], $0x40, s7, s6, $0xb8;
	[tilespmem:$0x1E580] =	vst v63  }
0xbf: {  	s31 =	sadd.s32 $0x1E00, s11  }
0xc0: {  	[tilespmem:s31], [sflag:$0x2] =	stream.indirect.gather [hbm4b:s8+s6], $0x1, s1, s6, $0xb8;
	[tilespmem:$0x1E580] =	vst v63  }
0xc1: {  	s7 =	sadd.s32 $0x4580, s15  }
0xc2: {  	[tilespmem:s7], [sflag:$0x2] =	stream.indirect.gather [hbm4b:s9+s6], $0x40, s26, s6, $0xb8;
	[tilespmem:$0x1E580] =	vst v63  }
0xc3: {  	s18 =	sadd.s32 $0x80, s1;
	s17 =	sadd.s32 $0x1E80, s11  }
0xc4: {  	[tilespmem:s17], [sflag:$0x2] =	stream.indirect.gather [hbm4b:s8+s6], $0x1, s18, s6, $0xb8;
	[tilespmem:$0x1E580] =	vst v63  }
0xc5: {  	s19 =	sadd.s32 $0x6580, s15  }
0xc6: {  	[tilespmem:s19], [sflag:$0x2] =	stream.indirect.gather [hbm4b:s9+s6], $0x40, s30, s6, $0xb8;
	[tilespmem:$0x1E580] =	vst v63  }
0xc7: {  	s21 =	sadd.s32 $0x100, s1;
	s20 =	sadd.s32 $0x1F00, s11  }
0xc8: {  	[tilespmem:s20], [sflag:$0x2] =	stream.indirect.gather [hbm4b:s8+s6], $0x1, s21, s6, $0xb8;
	[tilespmem:$0x1E580] =	vst v63  }
0xc9: {  	s22 =	sadd.s32 $0x8580, s15  }
0xca: {  	[tilespmem:s22], [sflag:$0x2] =	stream.indirect.gather [hbm4b:s9+s6], $0x40, s28, s6, $0xb8;
	[tilespmem:$0x1E580] =	vst v63  }
0xcb: {  	s23 =	sadd.s32 $0x1F80, s11;
	s24 =	sadd.s32 $0x180, s1  }
0xcc: {  	[tilespmem:s23], [sflag:$0x2] =	stream.indirect.gather [hbm4b:s8+s6], $0x1, s24, s6, $0xb8;
	[tilespmem:$0x1E580] =	vst v63  }
0xcd: {  	s15 =	sadd.s32 $0xA580, s15  }
0xce: {  	[tilespmem:s15], [sflag:$0x2] =	stream.indirect.gather [hbm4b:s9+s6], $0x40, s25, s6, $0xb8;
	[tilespmem:$0x1E580] =	vst v63  }
0xcf: {  	s11 =	sor.u32 $0x2000, s11;
	s31 =	sadd.s32 $0x200, s1  }
0xd0: {  	[tilespmem:s11], [sflag:$0x2] =	stream.indirect.gather [hbm4b:s8+s6], $0x1, s31, s6, $0xb8;
	[tilespmem:$0x1E580] =	vst v63  }
.LBB2_10:
0xd1: {  	s1 =	smul.u32 $0xAB, s12;
	_ =	sdelay $0x1  }
0xd2: {  	s15 =	smul.u32 $0x28000, s14;
	s1 =	sshrl.u32 s1, $0x9  }
0xd3: {  	s11 =	simm.s32 $0x1;
	s21 =	smul.u32 $0xA00, s14;
	s1 =	sand.u32 $0x7F, s1  }
0xd4: {  	s11 =	simm.s32 @!p0 $0x0;
	s1 =	smul.u32 $0x3, s1  }
0xd5: {  	s18 =	simm.s32 $0x0;
	s11 =	smul.u32 $0x28000, s11  }
0xd6: {  	s20 =	sand.u32 $0x380, s18;
	s15 =	sshrl.u32 s15, $0x2;
	s1 =	ssub.s32 s12, s1  }
0xd7: {  	s11 =	sshrl.u32 s11, $0x2;
	s16 =	sand.u32 $0xFF, s1;
	s1 =	sshrl.u32 s21, $0x2  }
0xd8: {  	s17 =	sadd.s32 $0x2780, s11;
	s11 =	smul.u32 $0x280, s16;
	s23 =	sadd.s32 $0x1E00, s1  }
0xd9: {  	s22 =	sand.u32 $0x70, s18;
	s19 =	sadd.s32 $0x2580, s15;
	s31 =	sadd.s32 s20, s23  }
0xda: {  	s18 =	sadd.s32 $0x8580, s15;
	v17 =	vld [tilespmem:s17+$0xFFFFFFF0];
	s24 =	sadd.s32 s11, s20;
	s1 =	sadd.s32 s22, s31  }
0xdb: {  	s21 =	sadd.s32 $0x4580, s15;
	s20 =	sadd.s32 $0x6580, s15;
	s24 =	sor.u32 s22, s24;
	v31 =	vld [tilespmem:s1+$0x0]  }
0xdc: {  	s15 =	sadd.s32 $0xA580, s15;
	s1 =	simm.s32 $0x10;
	s22 =	smov.u32 s17;
	v29 =	vld [tilespmem:s24+$0xF00]  }
.LBB2_11:
0xdd: {  	p1 =	sne.s32 s1, $0x270;
	v18 =	vld [tilespmem:s17+$0x1F0]  }
0xde: {  	v19 =	vld [tilespmem:s17+$0x1D0]  }
0xdf: {  	v24 =	vld [tilespmem:s24+$0x1680]  }
0xe0: {  	v20 =	vld [tilespmem:s17+$0x1B0]  }
0xe1: {  	v21 =	vld [tilespmem:s17+$0x190]  }
0xe2: {  	v22 =	vld [tilespmem:s17+$0x170]  }
0xe3: {  	v23 =	vld [tilespmem:s17+$0x150]  }
0xe4: {  	v26 =	vmul.f32 $7.500000000e-01, v24;
	v24 =	vld [tilespmem:s17+$0xF0]  }
0xe5: {  	v25 =	vld [tilespmem:s17+$0xD0]  }
0xe6: {  	v28 =	vmul.f32 $4.999999890e-03, v26;
	v26 =	vld [tilespmem:s17+$0xB0]  }
0xe7: {  	v27 =	vld [tilespmem:s17+$0x90]  }
0xe8: {  	v32 =	vadd.f32 $2.500000000e-01, v28;
	v28 =	vld [tilespmem:s17+$0x70]  }
0xe9: {  	v30 =	vld [tilespmem:s17+$0x50]  }
0xea: {  	v32 =	vmul.f32 $1.200000050e+00, v32;
	v33 =	vld [tilespmem:s17+$0xFFFFFFD0]  }
0xeb: {  	v34 =	vld [tilespmem:s17+$0xFFFFFFB0]  }
0xec: {  	v32 =	vadd.f32 v32, v29;
	v35 =	vld [tilespmem:s17+$0xFFFFFF90]  }
0xed: {  	v36 =	vld [tilespmem:s17+$0xFFFFFF70]  }
0xee: {  	v37 =	vld [tilespmem:s17+$0xFFFFFF50];
	(erf) = vrcp.f32 v32  }
0xef: {  	v32 =	vld [tilespmem:s17+$0xFFFFFEF0]  }
0xf0: {  	v38 =	vld [tilespmem:s17+$0xFFFFFED0]  }
0xf1: {  	v39 =	vld [tilespmem:s17+$0xFFFFFEB0]  }
0xf2: {  	v40 =	vld [tilespmem:s17+$0xFFFFFE90]  }
0xf3: {  	v41 =	vld [tilespmem:s17+$0xFFFFFE70]  }
0xf4: {  	v29 =	vmul.f32 v31, v29;
	v31 =	vld [tilespmem:s17+$0xFFFFFE50]  }
0xf5: {  	v42 =	vld [tilespmem:s17+$0xFFFFFE30]  }
0xf6: {  	v29 =	vmul.f32 $2.200000050e+00, v29;
	v43 =	vld [tilespmem:s17+$0xFFFFFE10]  }
0xf7: {  	v44 =	vld [tilespmem:s17+$0xFFFFFE00];
	v45 =	vpop (erf)  }
0xf8: {  	v29 =	vmul.f32 v45, v29;
	v45 =	vld [tilespmem:s17+$0xFFFFFE20]  }
0xf9: {  	v46 =	vld [tilespmem:s17+$0xFFFFFE40]  }
0xfa: {  	v47 =	vperm.xlane v29, v1;
	v48 =	vperm.xlane v29, v2;
	v49 =	vld [tilespmem:s17+$0xFFFFFE60]  }
0xfb: {  	v50 =	vperm.xlane v29, v3;
	v52 =	vperm.xlane v29, v4;
	v51 =	vld [tilespmem:s17+$0xFFFFFE80]  }
0xfc: {  	v44 =	vmul.f32 v44, v47;
	v43 =	vmul.f32 v43, v47;
	v53 =	vld [tilespmem:s17+$0xFFFFFEA0]  }
0xfd: {  	v42 =	vmul.f32 v42, v47;
	v45 =	vmul.f32 v45, v47;
	v47 =	vld [tilespmem:s17+$0xFFFFFEC0]  }
0xfe: {  	v31 =	vmul.f32 v31, v48;
	[tilespmem:s17+$0xFFFFFE00] =	vst v44;
	v44 =	vmul.f32 v46, v48;
	v46 =	vld [tilespmem:s17+$0xFFFFFEE0]  }
0xff: {  	v41 =	vmul.f32 v41, v48;
	[tilespmem:s17+$0xFFFFFE10] =	vst v43;
	v43 =	vmul.f32 v49, v48;
	v48 =	vld [tilespmem:s17+$0xFFFFFF30]  }
0x100: {  	v40 =	vmul.f32 v40, v50;
	[tilespmem:s17+$0xFFFFFE20] =	vst v45;
	v45 =	vmul.f32 v51, v50;
	v49 =	vld [tilespmem:s17+$0xFFFFFF10]  }
0x101: {  	v39 =	vmul.f32 v39, v50;
	[tilespmem:s17+$0xFFFFFE30] =	vst v42;
	v42 =	vmul.f32 v53, v50;
	v50 =	vld [tilespmem:s17+$0xFFFFFF00]  }
0x102: {  	v38 =	vmul.f32 v38, v52;
	[tilespmem:s17+$0xFFFFFE40] =	vst v44;
	v44 =	vmul.f32 v47, v52;
	v47 =	vld [tilespmem:s17+$0xFFFFFF20]  }
0x103: {  	v32 =	vmul.f32 v32, v52;
	[tilespmem:s17+$0xFFFFFE50] =	vst v31;
	v31 =	vmul.f32 v46, v52;
	v46 =	vld [tilespmem:s17+$0xFFFFFF40]  }
0x104: {  	v51 =	vperm.xlane v29, v6;
	[tilespmem:s17+$0xFFFFFE60] =	vst v43;
	v43 =	vperm.xlane v29, v5;
	v52 =	vld [tilespmem:s17+$0xFFFFFF60]  }
0x105: {  	v54 =	vperm.xlane v29, v8;
	[tilespmem:s17+$0xFFFFFE70] =	vst v41;
	v41 =	vperm.xlane v29, v7;
	v53 =	vld [tilespmem:s17+$0xFFFFFF80]  }
0x106: {  	[tilespmem:s17+$0xFFFFFE80] =	vst v45;
	v45 =	vmul.f32 v50, v43;
	v49 =	vmul.f32 v49, v43;
	v50 =	vld [tilespmem:s17+$0xFFFFFFA0]  }
0x107: {  	[tilespmem:s17+$0xFFFFFE90] =	vst v40;
	v40 =	vmul.f32 v47, v43;
	v43 =	vmul.f32 v48, v43;
	v47 =	vld [tilespmem:s17+$0xFFFFFFC0]  }
0x108: {  	v37 =	vmul.f32 v37, v51;
	[tilespmem:s17+$0xFFFFFEA0] =	vst v42;
	v42 =	vmul.f32 v46, v51;
	v46 =	vld [tilespmem:s17+$0xFFFFFFE0]  }
0x109: {  	v36 =	vmul.f32 v36, v51;
	[tilespmem:s17+$0xFFFFFEB0] =	vst v39;
	v39 =	vmul.f32 v52, v51;
	v48 =	vld [tilespmem:s17+$0x30]  }
0x10a: {  	v35 =	vmul.f32 v35, v41;
	[tilespmem:s17+$0xFFFFFEC0] =	vst v44;
	v44 =	vmul.f32 v53, v41;
	v51 =	vld [tilespmem:s17+$0x10]  }
0x10b: {  	v34 =	vmul.f32 v34, v41;
	[tilespmem:s17+$0xFFFFFED0] =	vst v38;
	v38 =	vmul.f32 v50, v41;
	v41 =	vld [tilespmem:s17+$0x0]  }
0x10c: {  	v33 =	vmul.f32 v33, v54;
	[tilespmem:s17+$0xFFFFFEE0] =	vst v31;
	v31 =	vmul.f32 v47, v54;
	v47 =	vld [tilespmem:s17+$0x20]  }
0x10d: {  	v17 =	vmul.f32 v17, v54;
	[tilespmem:s17+$0xFFFFFEF0] =	vst v32;
	v32 =	vmul.f32 v46, v54;
	v46 =	vld [tilespmem:s17+$0x40]  }
0x10e: {  	v50 =	vperm.xlane v29, v10;
	[tilespmem:s17+$0xFFFFFF00] =	vst v45;
	v45 =	vperm.xlane v29, v9;
	v52 =	vld [tilespmem:s17+$0x60]  }
0x10f: {  	v54 =	vperm.xlane v29, v12;
	[tilespmem:s17+$0xFFFFFF10] =	vst v49;
	v49 =	vperm.xlane v29, v11;
	v53 =	vld [tilespmem:s17+$0x80]  }
0x110: {  	[tilespmem:s17+$0xFFFFFF20] =	vst v40;
	v40 =	vmul.f32 v41, v45;
	v41 =	vmul.f32 v51, v45;
	v51 =	vld [tilespmem:s17+$0xA0]  }
0x111: {  	[tilespmem:s17+$0xFFFFFF30] =	vst v43;
	v43 =	vmul.f32 v47, v45;
	v45 =	vmul.f32 v48, v45;
	v47 =	vld [tilespmem:s17+$0xC0]  }
0x112: {  	v30 =	vmul.f32 v30, v50;
	[tilespmem:s17+$0xFFFFFF40] =	vst v42;
	v42 =	vmul.f32 v46, v50;
	v46 =	vld [tilespmem:s17+$0xE0]  }
0x113: {  	v28 =	vmul.f32 v28, v50;
	[tilespmem:s17+$0xFFFFFF50] =	vst v37;
	v37 =	vmul.f32 v52, v50;
	v48 =	vld [tilespmem:s17+$0x130]  }
0x114: {  	v27 =	vmul.f32 v27, v49;
	[tilespmem:s17+$0xFFFFFF60] =	vst v39;
	v39 =	vmul.f32 v53, v49;
	v50 =	vld [tilespmem:s17+$0x110]  }
0x115: {  	v26 =	vmul.f32 v26, v49;
	[tilespmem:s17+$0xFFFFFF70] =	vst v36;
	v36 =	vmul.f32 v51, v49;
	v49 =	vld [tilespmem:s17+$0x100]  }
0x116: {  	v25 =	vmul.f32 v25, v54;
	[tilespmem:s17+$0xFFFFFF80] =	vst v44;
	v44 =	vmul.f32 v47, v54;
	v47 =	vld [tilespmem:s17+$0x120]  }
0x117: {  	v24 =	vmul.f32 v24, v54;
	[tilespmem:s17+$0xFFFFFF90] =	vst v35;
	v35 =	vmul.f32 v46, v54;
	v46 =	vld [tilespmem:s17+$0x140]  }
0x118: {  	v51 =	vperm.xlane v29, v14;
	[tilespmem:s17+$0xFFFFFFA0] =	vst v38;
	v38 =	vperm.xlane v29, v13;
	v52 =	vld [tilespmem:s17+$0x160]  }
0x119: {  	[tilespmem:s17+$0xFFFFFFB0] =	vst v34;
	v34 =	vperm.xlane v29, v15;
	v53 =	vld [tilespmem:s17+$0x180];
	v29 =	vperm.xlane v29, v16  }
0x11a: {  	[tilespmem:s17+$0xFFFFFFC0] =	vst v31;
	v31 =	vmul.f32 v49, v38;
	v49 =	vmul.f32 v50, v38;
	v50 =	vld [tilespmem:s17+$0x1A0]  }
0x11b: {  	[tilespmem:s17+$0xFFFFFFD0] =	vst v33;
	v33 =	vmul.f32 v47, v38;
	v38 =	vmul.f32 v48, v38;
	v47 =	vld [tilespmem:s17+$0x1C0]  }
0x11c: {  	v23 =	vmul.f32 v23, v51;
	[tilespmem:s17+$0xFFFFFFE0] =	vst v32;
	v32 =	vmul.f32 v46, v51;
	v46 =	vld [tilespmem:s17+$0x1E0]  }
0x11d: {  	v22 =	vmul.f32 v22, v51;
	[tilespmem:s17+$0xFFFFFFF0] =	vst v17;
	v17 =	vmul.f32 v52, v51  }
0x11e: {  	v21 =	vmul.f32 v21, v34;
	[tilespmem:s17+$0x0] =	vst v40;
	v40 =	vmul.f32 v53, v34  }
0x11f: {  	v20 =	vmul.f32 v20, v34;
	[tilespmem:s17+$0x10] =	vst v41;
	v41 =	vmul.f32 v50, v34  }
0x120: {  	v19 =	vmul.f32 v19, v29;
	[tilespmem:s17+$0x20] =	vst v43;
	v34 =	vmul.f32 v47, v29  }
0x121: {  	v18 =	vmul.f32 v18, v29;
	[tilespmem:s17+$0x30] =	vst v45;
	v43 =	vmul.f32 v46, v29  }
0x122: {  	[tilespmem:s17+$0x40] =	vst v42  }
0x123: {  	[tilespmem:s17+$0x50] =	vst v30  }
0x124: {  	[tilespmem:s17+$0x60] =	vst v37  }
0x125: {  	[tilespmem:s17+$0x70] =	vst v28  }
0x126: {  	[tilespmem:s17+$0x80] =	vst v39  }
0x127: {  	[tilespmem:s17+$0x90] =	vst v27  }
0x128: {  	[tilespmem:s17+$0xA0] =	vst v36  }
0x129: {  	[tilespmem:s17+$0xB0] =	vst v26  }
0x12a: {  	[tilespmem:s17+$0xC0] =	vst v44  }
0x12b: {  	[tilespmem:s17+$0xD0] =	vst v25  }
0x12c: {  	[tilespmem:s17+$0xE0] =	vst v35  }
0x12d: {  	[tilespmem:s17+$0xF0] =	vst v24  }
0x12e: {  	[tilespmem:s17+$0x100] =	vst v31  }
0x12f: {  	[tilespmem:s17+$0x110] =	vst v49  }
0x130: {  	[tilespmem:s17+$0x120] =	vst v33  }
0x131: {  	[tilespmem:s17+$0x130] =	vst v38  }
0x132: {  	[tilespmem:s17+$0x140] =	vst v32  }
0x133: {  	[tilespmem:s17+$0x150] =	vst v23  }
0x134: {  	[tilespmem:s17+$0x160] =	vst v17  }
0x135: {  	[tilespmem:s17+$0x170] =	vst v22  }
0x136: {  	[tilespmem:s17+$0x180] =	vst v40  }
0x137: {  	[tilespmem:s17+$0x190] =	vst v21  }
0x138: {  	[tilespmem:s17+$0x1A0] =	vst v41  }
0x139: {  	[tilespmem:s17+$0x1B0] =	vst v20  }
0x13a: {  	[tilespmem:s17+$0x1C0] =	vst v34  }
.Ltmp4:
0x13b: {  	s31 =	sand.u32 $0x380, s1;
	[tilespmem:s17+$0x1D0] =	vst v19;
	(pc) =	sbr.rel @p1 .LBB2_11-.Ltmp4, $4  }
0x13c: {  	s7 =	sand.u32 $0x70, s1;
	s24 =	sadd.s32 s11, s31;
	s17 =	sadd.s32 $0x400, s17;
	[tilespmem:s22+$0x1E0] =	vst v43  }
0x13d: {  	s31 =	sadd.s32 s31, s23;
	s24 =	sor.u32 s7, s24;
	v17 =	vld [tilespmem:s17+$0xFFFFFFF0];
	[tilespmem:s22+$0x1F0] =	vst v18;
	s22 =	smov.u32 s17  }
0x13e: {  	s7 =	sadd.s32 s7, s31;
	v29 =	vld [tilespmem:s24+$0xF00]  }
0x13f: {  	s1 =	sadd.s32 $0x10, s1;
	v31 =	vld [tilespmem:s7+$0x0]  }
0x140: {  	v18 =	vld [tilespmem:s24+$0x1680];
	_ =	sdelay $0x4  }
0x141: {  	v18 =	vmul.f32 $7.500000000e-01, v18;
	_ =	sdelay $0x1  }
0x142: {  	v18 =	vmul.f32 $4.999999890e-03, v18;
	_ =	sdelay $0x1  }
0x143: {  	v18 =	vadd.f32 $2.500000000e-01, v18;
	_ =	sdelay $0x1  }
0x144: {  	v18 =	vmul.f32 $1.200000050e+00, v18;
	_ =	sdelay $0x1  }
0x145: {  	v18 =	vadd.f32 v18, v29;
	_ =	sdelay $0x1  }
0x146: {  	(erf) = vrcp.f32 v18;
	_ =	sdelay $0x5  }
0x147: {  	v18 =	vmul.f32 v31, v29;
	_ =	sdelay $0x1  }
0x148: {  	v18 =	vmul.f32 $2.200000050e+00, v18  }
0x149: {  	v19 =	vld [tilespmem:s17+$0xFFFFFE00];
	v20 =	vpop (erf)  }
0x14a: {  	v21 =	vld [tilespmem:s17+$0xFFFFFE10];
	v18 =	vmul.f32 v20, v18  }
0x14b: {  	v34 =	vld [tilespmem:s17+$0xFFFFFE20]  }
0x14c: {  	v22 =	vld [tilespmem:s17+$0xFFFFFE30];
	v23 =	vperm.xlane v18, v1  }
0x14d: {  	v24 =	vld [tilespmem:s17+$0xFFFFFE40]  }
0x14e: {  	v25 =	vld [tilespmem:s17+$0xFFFFFE50];
	v19 =	vmul.f32 v19, v23  }
0x14f: {  	v26 =	vld [tilespmem:s17+$0xFFFFFE60];
	v21 =	vmul.f32 v21, v23  }
0x150: {  	v27 =	vld [tilespmem:s17+$0xFFFFFE70];
	v28 =	vperm.xlane v18, v2;
	v20 =	vmul.f32 v34, v23;
	[tilespmem:s17+$0xFFFFFE00] =	vst v19  }
0x151: {  	v41 =	vld [tilespmem:s17+$0xFFFFFEC0];
	v22 =	vmul.f32 v22, v23;
	[tilespmem:s17+$0xFFFFFE10] =	vst v21  }
0x152: {  	v42 =	vld [tilespmem:s17+$0xFFFFFED0];
	v36 =	vmul.f32 v24, v28;
	[tilespmem:s17+$0xFFFFFE20] =	vst v20  }
0x153: {  	v43 =	vld [tilespmem:s17+$0xFFFFFEE0];
	v38 =	vmul.f32 v25, v28;
	[tilespmem:s17+$0xFFFFFE30] =	vst v22  }
0x154: {  	v44 =	vld [tilespmem:s17+$0xFFFFFEF0];
	v45 =	vperm.xlane v18, v4;
	v26 =	vmul.f32 v26, v28;
	[tilespmem:s17+$0xFFFFFE40] =	vst v36  }
0x155: {  	v49 =	vld [tilespmem:s17+$0xFFFFFF20];
	v27 =	vmul.f32 v27, v28;
	[tilespmem:s17+$0xFFFFFE50] =	vst v38  }
0x156: {  	v53 =	vld [tilespmem:s17+$0xFFFFFF40];
	v23 =	vmul.f32 v41, v45;
	[tilespmem:s17+$0xFFFFFE60] =	vst v26  }
0x157: {  	v55 =	vld [tilespmem:s17+$0xFFFFFF60];
	v48 =	vmul.f32 v42, v45;
	[tilespmem:s17+$0xFFFFFE70] =	vst v27  }
0x158: {  	v51 =	vperm.xlane v18, v5;
	v50 =	vmul.f32 v43, v45;
	[tilespmem:s17+$0xFFFFFEC0] =	vst v23  }
0x159: {  	v35 =	vld [tilespmem:s17+$0xFFFFFE90];
	v57 =	vperm.xlane v18, v6;
	v52 =	vmul.f32 v44, v45;
	[tilespmem:s17+$0xFFFFFED0] =	vst v48  }
0x15a: {  	v24 =	vmul.f32 v49, v51;
	v19 =	vld [tilespmem:s17+$0xFFFFFE80];
	[tilespmem:s17+$0xFFFFFEE0] =	vst v50  }
0x15b: {  	v37 =	vld [tilespmem:s17+$0xFFFFFEA0];
	v31 =	vperm.xlane v18, v8;
	v60 =	vmul.f32 v53, v57;
	[tilespmem:s17+$0xFFFFFEF0] =	vst v52  }
0x15c: {  	v39 =	vld [tilespmem:s17+$0xFFFFFEB0];
	v40 =	vperm.xlane v18, v3;
	v25 =	vmul.f32 v55, v57;
	[tilespmem:s17+$0xFFFFFF20] =	vst v24  }
0x15d: {  	v46 =	vld [tilespmem:s17+$0xFFFFFF00];
	v17 =	vmul.f32 v17, v31;
	[tilespmem:s17+$0xFFFFFF40] =	vst v60  }
0x15e: {  	v56 =	vld [tilespmem:s17+$0xFFFFFF70];
	v21 =	vmul.f32 v35, v40;
	[tilespmem:s17+$0xFFFFFF60] =	vst v25  }
0x15f: {  	v61 =	vld [tilespmem:s17+$0xFFFFFFA0];
	[tilespmem:s17+$0xFFFFFFF0] =	vst v17;
	v19 =	vmul.f32 v19, v40  }
0x160: {  	v63 =	vld [tilespmem:s17+$0xFFFFFFC0];
	v20 =	vmul.f32 v37, v40;
	[tilespmem:s17+$0xFFFFFE90] =	vst v21  }
0x161: {  	v30 =	vld [tilespmem:s17+$0xFFFFFFE0];
	[tilespmem:s17+$0xFFFFFE80] =	vst v19;
	v19 =	vmul.f32 v39, v40  }
0x162: {  	v47 =	vld [tilespmem:s17+$0xFFFFFF10];
	v62 =	vperm.xlane v18, v7;
	v22 =	vmul.f32 v46, v51;
	[tilespmem:s17+$0xFFFFFEA0] =	vst v20  }
0x163: {  	v23 =	vmul.f32 v56, v57;
	[tilespmem:s17+$0xFFFFFEB0] =	vst v19;
	v19 =	vld [tilespmem:s17+$0xFFFFFF30]  }
0x164: {  	v54 =	vld [tilespmem:s17+$0xFFFFFF50];
	v24 =	vmul.f32 v61, v62;
	[tilespmem:s17+$0xFFFFFF00] =	vst v22  }
0x165: {  	v58 =	vld [tilespmem:s17+$0xFFFFFF80];
	v26 =	vmul.f32 v63, v31;
	[tilespmem:s17+$0xFFFFFF70] =	vst v23  }
0x166: {  	v34 =	vld [tilespmem:s17+$0x20];
	v25 =	vmul.f32 v30, v31;
	[tilespmem:s17+$0xFFFFFFA0] =	vst v24  }
0x167: {  	v59 =	vld [tilespmem:s17+$0xFFFFFF90];
	v21 =	vmul.f32 v47, v51;
	[tilespmem:s17+$0xFFFFFFC0] =	vst v26  }
0x168: {  	v29 =	vld [tilespmem:s17+$0xFFFFFFD0];
	[tilespmem:s17+$0xFFFFFFE0] =	vst v25;
	v19 =	vmul.f32 v19, v51  }
0x169: {  	v32 =	vld [tilespmem:s17+$0x0];
	v35 =	vperm.xlane v18, v9;
	v20 =	vmul.f32 v54, v57;
	[tilespmem:s17+$0xFFFFFF10] =	vst v21  }
0x16a: {  	v22 =	vmul.f32 v58, v62;
	[tilespmem:s17+$0xFFFFFF30] =	vst v19;
	v19 =	vld [tilespmem:s17+$0xFFFFFFB0]  }
0x16b: {  	v33 =	vld [tilespmem:s17+$0x10];
	v24 =	vmul.f32 v34, v35;
	[tilespmem:s17+$0xFFFFFF50] =	vst v20  }
0x16c: {  	v42 =	vld [tilespmem:s17+$0xA0];
	v21 =	vmul.f32 v59, v62;
	[tilespmem:s17+$0xFFFFFF80] =	vst v22  }
0x16d: {  	v41 =	vld [tilespmem:s17+$0x90];
	v20 =	vmul.f32 v29, v31;
	[tilespmem:s17+$0x20] =	vst v24  }
0x16e: {  	v36 =	vld [tilespmem:s17+$0x40];
	v22 =	vmul.f32 v32, v35;
	[tilespmem:s17+$0xFFFFFF90] =	vst v21  }
0x16f: {  	v43 =	vperm.xlane v18, v11;
	v37 =	vld [tilespmem:s17+$0x50];
	[tilespmem:s17+$0xFFFFFFD0] =	vst v20;
	v19 =	vmul.f32 v19, v62  }
0x170: {  	v38 =	vld [tilespmem:s17+$0x60];
	v21 =	vmul.f32 v33, v35;
	[tilespmem:s17+$0x0] =	vst v22  }
0x171: {  	v24 =	vmul.f32 v42, v43;
	v39 =	vperm.xlane v18, v10;
	[tilespmem:s17+$0xFFFFFFB0] =	vst v19;
	v19 =	vld [tilespmem:s17+$0x30]  }
0x172: {  	v17 =	vld [tilespmem:s17+$0x70];
	[tilespmem:s17+$0x10] =	vst v21;
	v21 =	vmul.f32 v41, v43  }
0x173: {  	v44 =	vld [tilespmem:s17+$0xC0];
	[tilespmem:s17+$0xA0] =	vst v24;
	v23 =	vmul.f32 v36, v39  }
0x174: {  	v45 =	vld [tilespmem:s17+$0xD0];
	v20 =	vmul.f32 v37, v39;
	[tilespmem:s17+$0x90] =	vst v21  }
0x175: {  	v46 =	vld [tilespmem:s17+$0xE0];
	v25 =	vmul.f32 v38, v39;
	[tilespmem:s17+$0x40] =	vst v23  }
0x176: {  	v47 =	vperm.xlane v18, v12;
	v40 =	vld [tilespmem:s17+$0x80];
	[tilespmem:s17+$0x50] =	vst v20;
	v19 =	vmul.f32 v19, v35  }
0x177: {  	v52 =	vld [tilespmem:s17+$0x140];
	v17 =	vmul.f32 v17, v39;
	[tilespmem:s17+$0x60] =	vst v25  }
0x178: {  	v23 =	vmul.f32 v44, v47;
	[tilespmem:s17+$0x30] =	vst v19;
	v19 =	vld [tilespmem:s17+$0xB0]  }
0x179: {  	[tilespmem:s17+$0x70] =	vst v17;
	v17 =	vld [tilespmem:s17+$0xF0];
	v20 =	vmul.f32 v45, v47  }
0x17a: {  	v53 =	vld [tilespmem:s17+$0x150];
	v55 =	vperm.xlane v18, v14;
	v25 =	vmul.f32 v46, v47;
	[tilespmem:s17+$0xC0] =	vst v23  }
0x17b: {  	v54 =	vld [tilespmem:s17+$0x160];
	v22 =	vmul.f32 v40, v43;
	[tilespmem:s17+$0xD0] =	vst v20  }
0x17c: {  	v48 =	vld [tilespmem:s17+$0x100];
	[tilespmem:s17+$0xE0] =	vst v25;
	v23 =	vmul.f32 v52, v55  }
0x17d: {  	v49 =	vld [tilespmem:s17+$0x110];
	[tilespmem:s17+$0x80] =	vst v22;
	v19 =	vmul.f32 v19, v43  }
0x17e: {  	v50 =	vld [tilespmem:s17+$0x120];
	[tilespmem:s17+$0x140] =	vst v23;
	v17 =	vmul.f32 v17, v47  }
0x17f: {  	v20 =	vmul.f32 v53, v55;
	v51 =	vperm.xlane v18, v13;
	[tilespmem:s17+$0xB0] =	vst v19;
	v19 =	vld [tilespmem:s17+$0x130]  }
0x180: {  	v25 =	vmul.f32 v54, v55;
	[tilespmem:s17+$0xF0] =	vst v17;
	v17 =	vld [tilespmem:s17+$0x170]  }
0x181: {  	v60 =	vld [tilespmem:s17+$0x1C0];
	[tilespmem:s17+$0x150] =	vst v20;
	v22 =	vmul.f32 v48, v51  }
0x182: {  	v61 =	vld [tilespmem:s17+$0x1D0];
	[tilespmem:s17+$0x160] =	vst v25;
	v21 =	vmul.f32 v49, v51  }
0x183: {  	v56 =	vld [tilespmem:s17+$0x180];
	v59 =	vperm.xlane v18, v15;
	v24 =	vmul.f32 v50, v51;
	[tilespmem:s17+$0x100] =	vst v22  }
0x184: {  	v57 =	vld [tilespmem:s17+$0x190];
	v18 =	vperm.xlane v18, v16;
	[tilespmem:s17+$0x110] =	vst v21;
	v19 =	vmul.f32 v19, v51  }
0x185: {  	v58 =	vld [tilespmem:s17+$0x1A0];
	[tilespmem:s17+$0x120] =	vst v24;
	v17 =	vmul.f32 v17, v55  }
0x186: {  	v63 =	vmul.f32 v60, v18;
	[tilespmem:s17+$0x130] =	vst v19;
	v19 =	vld [tilespmem:s17+$0x1B0]  }
0x187: {  	v20 =	vmul.f32 v61, v18;
	[tilespmem:s17+$0x170] =	vst v17;
	v17 =	vld [tilespmem:s17+$0x1F0]  }
0x188: {  	v22 =	vmul.f32 v56, v59;
	[tilespmem:s17+$0x1C0] =	vst v63;
	v62 =	vld [tilespmem:s17+$0x1E0]  }
0x189: {  	v21 =	vmul.f32 v57, v59;
	[tilespmem:s17+$0x1D0] =	vst v20  }
0x18a: {  	v24 =	vmul.f32 v58, v59;
	[tilespmem:s17+$0x180] =	vst v22  }
0x18b: {  	[tilespmem:s17+$0x190] =	vst v21;
	v19 =	vmul.f32 v19, v59  }
0x18c: {  	s1 =	smul.u32 $0xA00, s16;
	[tilespmem:s17+$0x1A0] =	vst v24;
	v17 =	vmul.f32 v17, v18  }
0x18d: {  	[tilespmem:s17+$0x1B0] =	vst v19;
	v19 =	vmul.f32 v62, v18  }
0x18e: {  	s1 =	sshrl.u32 s1, $0x2;
	[tilespmem:s22+$0x1F0] =	vst v17  }
0x18f: {  	s11 =	sadd.s32 $0x3, s14;
	p1 =	sgt.u32 s12, $0x25;
	s7 =	sadd.s32 $0x780, s1;
	[tilespmem:s22+$0x1E0] =	vst v19  }
0x190: {  	[spmem:s5] =	stream.indirect.scatter.add.f32 [tilespmem:s19], [sflag:s11], $0x40, s7, s6, $0xb8;
	[tilespmem:$0x1E580] =	vst v63  }
0x191: {  	s7 =	sadd.s32 @!p1 $0x2, s12  }
0x192: {  	s23 =	sadd.s32 $0x800, s1;
	s14 =	smul.u32 @!p1 $0xAB, s7  }
0x193: {  	[spmem:s5] =	stream.indirect.scatter.add.f32 [tilespmem:s21], [sflag:s11], $0x40, s23, s6, $0xb8;
	[tilespmem:$0x1E580] =	vst v63  }
0x194: {  	s24 =	sadd.s32 $0x880, s1;
	s12 =	sshrl.u32 @!p1 s14, $0x9  }
0x195: {  	[spmem:s5] =	stream.indirect.scatter.add.f32 [tilespmem:s20], [sflag:s11], $0x40, s24, s6, $0xb8;
	[tilespmem:$0x1E580] =	vst v63  }
0x196: {  	s31 =	sadd.s32 $0x900, s1;
	s14 =	smul.u32 @!p1 $0x5, s7;
	s12 =	sand.u32 @!p1 $0x7F, s12  }
0x197: {  	[spmem:s5] =	stream.indirect.scatter.add.f32 [tilespmem:s18], [sflag:s11], $0x40, s31, s6, $0xb8;
	[tilespmem:$0x1E580] =	vst v63  }
0x198: {  	s1 =	sadd.s32 $0x980, s1;
	s12 =	smul.u32 @!p1 $0x3, s12  }
0x199: {  	[spmem:s5] =	stream.indirect.scatter.add.f32 [tilespmem:s15], [sflag:s11], $0x40, s1, s6, $0xb8;
	[tilespmem:$0x1E580] =	vst v63  }
0x19a: {  	s1 =	ssub.s32 @!p1 s7, s12;
	s7 =	sadd.s32 @!p1 s10, s14  }
0x19b: {  	s1 =	sand.u32 @!p1 $0xFF, s1;
	s7 =	sshll.u32 @!p1 s7, $0x4  }
0x19c: {  	s1 =	smul.u32 @!p1 $0x280, s1;
	s7 =	sand.u32 @!p1 $0x1FFFFFF0, s7  }
0x19d: {  	s12 =	simm.s32 @!p1 $0x0;
	s11 =	sadd.s32 @!p1 s0, s7  }
0x19e: {  	[tilespmem:s1], [sflag:$0x1] =	stream.linear.gather @!p1 [hbm4b:s11+s12], $0x280, $0x38;
	[tilespmem:$0x1E580] =	vst v63  }
0x19f: {  	s14 =	sadd.s32 @!p1 s2, s7;
	s11 =	sadd.s32 @!p1 $0x780, s1  }
0x1a0: {  	[tilespmem:s11], [sflag:$0x1] =	stream.linear.gather @!p1 [hbm4b:s14+s12], $0x280, $0x38;
	[tilespmem:$0x1E580] =	vst v63  }
0x1a1: {  	s11 =	sadd.s32 @!p1 $0xF00, s1;
	s14 =	sadd.s32 @!p1 s3, s7  }
0x1a2: {  	[tilespmem:s11], [sflag:$0x1] =	stream.linear.gather @!p1 [hbm4b:s14+s12], $0x280, $0x38;
	[tilespmem:$0x1E580] =	vst v63  }
0x1a3: {  	s1 =	sadd.s32 @!p1 $0x1680, s1;
	s7 =	sadd.s32 @!p1 s4, s7  }
0x1a4: {  	[tilespmem:s1], [sflag:$0x1] =	stream.linear.gather @!p1 [hbm4b:s7+s12], $0x280, $0x38;
	[tilespmem:$0x1E580] =	vst v63  }
0x1a5: {  	p1 =	sne.s32 s13, $0x28  }
.Ltmp5:
0x1a6: {  	_ = 	snop;
	(pc) =	sbr.rel @p1 .LBB2_6-.Ltmp5, $2  }
0x1a7: {  	_ =	sdelay $0x2  }
0x1a8: {  	p0 =	por !p0, !p0;
	s12 =	smov.u32 s13  }
0x1a9: {  	s1 =	simm.s32 $0x4  }
0x1aa: {  	_ =	swait.ge [sflag:s1], $0x2000  }
0x1ab: {  	[sflag:s1] =	ssyncset.done $0x0  }
0x1ac: {  	[sflag:s1] =	ssyncadd.s32 $0xFFFFE000  }
0x1ad: {  	_ =	swait.ge [sflag:s1], $0x2000  }
0x1ae: {  	[sflag:s1] =	ssyncset.done $0x0  }
0x1af: {  	[sflag:s1] =	ssyncadd.s32 $0xFFFFE000  }
0x1b0: {  	_ =	swait.ge [sflag:s1], $0x2000  }
0x1b1: {  	[sflag:s1] =	ssyncset.done $0x0  }
0x1b2: {  	[sflag:s1] =	ssyncadd.s32 $0xFFFFE000  }
0x1b3: {  	_ =	swait.ge [sflag:s1], $0x2000  }
0x1b4: {  	[sflag:s1] =	ssyncset.done $0x0  }
0x1b5: {  	[sflag:s1] =	ssyncadd.s32 $0xFFFFE000  }
0x1b6: {  	_ =	swait.ge [sflag:s1], $0x2000  }
0x1b7: {  	[sflag:s1] =	ssyncset.done $0x0  }
0x1b8: {  	[sflag:s1] =	ssyncadd.s32 $0xFFFFE000  }
0x1b9: {  	[bflag:$0x0] =	sbarrier.arrive $0xFFFF  }
0x1ba: {  	s13 =	simm.s32 $0x16580;
	s15 =	simm.s32 $0x5;
	s14 =	rddreg [dreg:$0x8]  }
0x1bb: {  	[tilespmem:s13], [sflag:$0x5] =	stream.linear.gather [spmem:s14], $0x4000, $0x38;
	[tilespmem:$0x1E580] =	vst v63  }
0x1bc: {  	_ =	swait.ge [sflag:s15], $0x4000  }
0x1bd: {  	[sflag:s15] =	ssyncset.done $0x0  }
0x1be: {  	s23 =	simm.s32 $0x0;
	s7 =	rddreg [dreg:$0x11];
	[sflag:s15] =	ssyncadd.s32 $0xFFFFC000  }
0x1bf: {  	[hbm4b:s7+s23] =	stream.linear.scatter [tilespmem:s13], [sflag:$0x5], $0x4000, $0x38;
	[tilespmem:$0x1E580] =	vst v63  }
0x1c0: {  	_ =	swait.ge [sflag:s15], $0x4000  }
0x1c1: {  	s24 =	rddreg [dreg:$0x13]  }
0x1c2: {  	s31 =	rddreg [dreg:$0x12];
	s7 =	sadd.s32 $0x1, s24  }
0x1c3: {  	p0 =	sne.s32 s7, s31  }
.Ltmp6:
0x1c4: {  	_ = 	snop;
	(pc) =	sbr.rel @p0 .LBB2_1-.Ltmp6, $3  }
0x1c5: {  	_ =	sdelay $0x1  }
0x1c6: {  	[sflag:s15] =	ssyncset.done $0x0  }
0x1c7: {  	[sflag:s15] =	ssyncadd.s32 $0xFFFFC000  }
0x1c8: {  	_ =	sfence.sel $0x180000  }
0x1c9: {  	[bflag:$0x0] =	sbarrier.arrive $0xFFFF  }
0x1ca: {  	_ =	strace $0x90000047  }
0x1cb: {  	s0 =	stileid.u32;
	[bflag:$0x2] =	sbarrier.arrive $0xFFFF  }
0x1cc: {  	p0 =	sne.s32 s0, $0x0;
	s0 =	rddreg [dreg:$0x7]  }
0x1cd: {  	s0 =	sadd.s32 @!p0 $0x100000, s0  }
0x1ce: {  	[sflag:s0] =	ssyncadd.tile.s32 @!p0 $0x1;
	_ =	shalt  }
.Lfunc_end2:
_tile_overlayer_lowered:
.L_overlay_start_2:
0x1cf: {  	(tag) =	ssettag $0x2  }
0x1d0: {  	s0 =	rddreg [dreg:$0x0];
	s2 =	stileid.u32  }
0x1d1: {  	s1 =	rddreg [dreg:$0x1];
	p0 =	sne.s32 s2, $0x0  }
0x1d2: {  	s3 =	rddreg [dreg:$0x2];
	[bflag:$0x3] =	sbarrier.arrive $0xFFFF;
	s2 =	simm.s32 @!p0 $0x1C05  }
0x1d3: {  	[timem:s3], [sflag:s2] =	dma.local @!p0 [hbm:s0], s1  }
0x1d4: {  	s0 =	simm.s32 @!p0 $0x5  }
0x1d5: {  	_ =	swait.ge @!p0 [sflag:s0], s1  }
0x1d6: {  	s1 =	ssub.s32 @!p0 $0x0, s1;
	[sflag:s0] =	ssyncset.done @!p0 $0x0  }
0x1d7: {  	[sflag:s0] =	ssyncadd.s32 @!p0 s1  }
0x1d8: {  	[bflag:$0x3] =	sbarrier.arrive $0xFFFF  }
0x1d9: {  	_ =	shalt  }

</sc_bundles>
